<compile_context>
chip_gen: v7x
topology: tpu7x:2x2x1
jax: 0.10.2.dev20260603
libtpu: 0.0.44.dev20260713+nightly
codegen_flags: <defaults>
</compile_context>

<pallas_src>
import functools

import jax
import jax.numpy as jnp
from jax import lax
from jax.experimental import pallas as pl
from jax.experimental.pallas import tpu as pltpu
from jax.experimental.pallas import tpu_sc as plsc

_NC = 2
_NS = 16
_NW = _NC * _NS

_BN_EPS = 1e-5



def _fps_body(npoint, x_ref, o_ref):
    x = x_ref[...]
    xx, yy, zz = x[:, 0], x[:, 1], x[:, 2]
    f, ns, nl = xx.shape
    flat = (lax.broadcasted_iota(jnp.int32, (f, ns, nl), 1) * nl
            + lax.broadcasted_iota(jnp.int32, (f, ns, nl), 2))
    big = jnp.int32(2 ** 30)

    col = lax.broadcasted_iota(jnp.int32, (1, 1, npoint), 2)
    row = lax.broadcasted_iota(jnp.int32, (1, 3, 1), 1)

    def step(i, carry):
        far, dist, acc = carry
        selm = flat == far
        cx = jnp.sum(jnp.where(selm, xx, 0.0), axis=(1, 2), keepdims=True)
        cy = jnp.sum(jnp.where(selm, yy, 0.0), axis=(1, 2), keepdims=True)
        cz = jnp.sum(jnp.where(selm, zz, 0.0), axis=(1, 2), keepdims=True)
        d = ((xx - cx) ** 2 + (yy - cy) ** 2) + (zz - cz) ** 2
        dist = jnp.minimum(dist, d)
        m = jnp.max(dist, axis=(1, 2), keepdims=True)
        far2 = jnp.min(jnp.where(dist == m, flat, big), axis=(1, 2), keepdims=True)
        cb = jnp.where(row == 0, cx, jnp.where(row == 1, cy, cz))
        acc = jnp.where(col == i, cb, acc)
        return far2, dist, acc

    init = (jnp.zeros((f, 1, 1), jnp.int32),
            jnp.full((f, ns, nl), 1e10, jnp.float32),
            jnp.zeros((f, 3, npoint), jnp.float32))
    _, _, acc = lax.fori_loop(0, npoint, step, init)
    o_ref[...] = acc


def _fps(xc, npoint):
    f, _, ns, nl = xc.shape
    return pl.pallas_call(
        functools.partial(_fps_body, npoint),
        out_shape=jax.ShapeDtypeStruct((f, 3, npoint), jnp.float32),
    )(xc)



def _stats_update(acc, s_ref, h, pid):
    @pl.when(pid == 0)
    def _():
        acc[...] = jnp.zeros_like(acc)

    acc[0:1, :] += jnp.sum(h, axis=0, keepdims=True)
    acc[1:2, :] += jnp.sum(h * h, axis=0, keepdims=True)
    s_ref[...] = acc[...]


def _affine(s, g, bt, rcount):
    mean = s[0:1, :] / rcount
    var = s[1:2, :] / rcount - mean * mean
    a = g * lax.rsqrt(var + _BN_EPS)
    return a, bt - mean * a


def _mmp_body(x_ref, w_ref, b_ref, h_ref, s_ref, acc):
    h = lax.dot_general(x_ref[...], w_ref[...], (((0,), (0,)), ((), ())),
                        preferred_element_type=jnp.float32) + b_ref[...]
    h_ref[...] = h
    _stats_update(acc, s_ref, h, pl.program_id(0))


def _mmp(xp, w, b, rb):
    c, r = xp.shape
    d = w.shape[1]
    return pl.pallas_call(
        _mmp_body,
        grid=(r // rb,),
        in_specs=[
            pl.BlockSpec((c, rb), lambda i: (0, i)),
            pl.BlockSpec((c, d), lambda i: (0, 0)),
            pl.BlockSpec((1, d), lambda i: (0, 0)),
        ],
        out_specs=[
            pl.BlockSpec((rb, d), lambda i: (i, 0)),
            pl.BlockSpec((2, d), lambda i: (0, 0)),
        ],
        out_shape=[jax.ShapeDtypeStruct((r, d), jnp.float32),
                   jax.ShapeDtypeStruct((2, d), jnp.float32)],
        scratch_shapes=[pltpu.VMEM((2, d), jnp.float32)],
    )(xp, w, b.reshape(1, d))


def _mmd_body(xp_ref, xr_ref, wa_ref, wb_ref, b_ref, h_ref, s_ref, acc):
    h = (lax.dot_general(xp_ref[...], wa_ref[...], (((0,), (0,)), ((), ())),
                         preferred_element_type=jnp.float32)
         + jnp.dot(xr_ref[...], wb_ref[...], preferred_element_type=jnp.float32)
         + b_ref[...])
    h_ref[...] = h
    _stats_update(acc, s_ref, h, pl.program_id(0))


def _mmd(xp, xr, w, b, rb):
    cp, r = xp.shape
    cr = xr.shape[1]
    d = w.shape[1]
    return pl.pallas_call(
        _mmd_body,
        grid=(r // rb,),
        in_specs=[
            pl.BlockSpec((cp, rb), lambda i: (0, i)),
            pl.BlockSpec((rb, cr), lambda i: (i, 0)),
            pl.BlockSpec((cp, d), lambda i: (0, 0)),
            pl.BlockSpec((cr, d), lambda i: (0, 0)),
            pl.BlockSpec((1, d), lambda i: (0, 0)),
        ],
        out_specs=[
            pl.BlockSpec((rb, d), lambda i: (i, 0)),
            pl.BlockSpec((2, d), lambda i: (0, 0)),
        ],
        out_shape=[jax.ShapeDtypeStruct((r, d), jnp.float32),
                   jax.ShapeDtypeStruct((2, d), jnp.float32)],
        scratch_shapes=[pltpu.VMEM((2, d), jnp.float32)],
    )(xp, xr, w[:cp], w[cp:], b.reshape(1, d))


def _mmr_body(rcount, x_ref, sin_ref, g_ref, bt_ref, w_ref, b_ref,
              h_ref, s_ref, acc):
    a, c = _affine(sin_ref[...], g_ref[...], bt_ref[...], rcount)
    x = jnp.maximum(x_ref[...] * a + c, 0.0)
    h = jnp.dot(x, w_ref[...], preferred_element_type=jnp.float32) + b_ref[...]
    h_ref[...] = h
    _stats_update(acc, s_ref, h, pl.program_id(0))


def _mmr(x, sin, g, bt, w, b, rb):
    r, cin = x.shape
    d = w.shape[1]
    return pl.pallas_call(
        functools.partial(_mmr_body, float(r)),
        grid=(r // rb,),
        in_specs=[
            pl.BlockSpec((rb, cin), lambda i: (i, 0)),
            pl.BlockSpec((2, cin), lambda i: (0, 0)),
            pl.BlockSpec((1, cin), lambda i: (0, 0)),
            pl.BlockSpec((1, cin), lambda i: (0, 0)),
            pl.BlockSpec((cin, d), lambda i: (0, 0)),
            pl.BlockSpec((1, d), lambda i: (0, 0)),
        ],
        out_specs=[
            pl.BlockSpec((rb, d), lambda i: (i, 0)),
            pl.BlockSpec((2, d), lambda i: (0, 0)),
        ],
        out_shape=[jax.ShapeDtypeStruct((r, d), jnp.float32),
                   jax.ShapeDtypeStruct((2, d), jnp.float32)],
        scratch_shapes=[pltpu.VMEM((2, d), jnp.float32)],
    )(x, sin, g.reshape(1, cin), bt.reshape(1, cin), w, b.reshape(1, d))


def _pool_body(rcount, k, x_ref, sin_ref, g_ref, bt_ref, o_ref):
    a, c = _affine(sin_ref[...], g_ref[...], bt_ref[...], rcount)
    h = jnp.maximum(x_ref[...] * a + c, 0.0)
    rb, d = h.shape
    o_ref[...] = jnp.max(h.reshape(rb // k, k, d), axis=1)


def _pool(x, sin, g, bt, k, rb):
    r, d = x.shape
    return pl.pallas_call(
        functools.partial(_pool_body, float(r), k),
        grid=(r // rb,),
        in_specs=[
            pl.BlockSpec((rb, d), lambda i: (i, 0)),
            pl.BlockSpec((2, d), lambda i: (0, 0)),
            pl.BlockSpec((1, d), lambda i: (0, 0)),
            pl.BlockSpec((1, d), lambda i: (0, 0)),
        ],
        out_specs=pl.BlockSpec((rb // k, d), lambda i: (i, 0)),
        out_shape=jax.ShapeDtypeStruct((r // k, d), jnp.float32),
    )(x, sin, g.reshape(1, d), bt.reshape(1, d))



def _bn_relu_full(h, g, bt):
    mean = jnp.mean(h, axis=0, keepdims=True)
    var = jnp.mean(h * h, axis=0, keepdims=True) - mean * mean
    a = g * lax.rsqrt(var + _BN_EPS)
    return jnp.maximum(h * a + (bt - mean * a), 0.0)


def _sa3_body(nf, xp_ref, xr_ref, w1a_ref, w1b_ref, b1_ref, g1_ref, t1_ref,
              w2_ref, b2_ref, g2_ref, t2_ref, w3_ref, b3_ref, g3_ref, t3_ref,
              o_ref):
    h = (lax.dot_general(xp_ref[...], w1a_ref[...], (((0,), (0,)), ((), ())),
                         preferred_element_type=jnp.float32)
         + jnp.dot(xr_ref[...], w1b_ref[...], preferred_element_type=jnp.float32)
         + b1_ref[...])
    h = _bn_relu_full(h, g1_ref[...], t1_ref[...])
    h = jnp.dot(h, w2_ref[...], preferred_element_type=jnp.float32) + b2_ref[...]
    h = _bn_relu_full(h, g2_ref[...], t2_ref[...])
    h = jnp.dot(h, w3_ref[...], preferred_element_type=jnp.float32) + b3_ref[...]
    h = _bn_relu_full(h, g3_ref[...], t3_ref[...])
    r, d = h.shape
    o_ref[...] = jnp.max(h.reshape(nf, r // nf, d), axis=1)


def _sa3(xp, xr, params, nf):
    (w1, b1, g1, t1), (w2, b2, g2, t2), (w3, b3, g3, t3) = params
    r = xr.shape[0]
    d = w3.shape[1]
    args = [xp, xr, w1[:3], w1[3:], b1.reshape(1, -1), g1.reshape(1, -1),
            t1.reshape(1, -1), w2, b2.reshape(1, -1), g2.reshape(1, -1),
            t2.reshape(1, -1), w3, b3.reshape(1, -1), g3.reshape(1, -1),
            t3.reshape(1, -1)]
    return pl.pallas_call(
        functools.partial(_sa3_body, nf),
        out_shape=jax.ShapeDtypeStruct((nf, d), jnp.float32),
    )(*args)



def _mesh():
    return plsc.VectorSubcoreMesh(core_axis_name="c", subcore_axis_name="s")


def _rnd16(v):
    b = plsc.bitcast(v, jnp.uint32)
    b = (b + jnp.uint32(0x7FFF) + ((b >> jnp.uint32(16)) & jnp.uint32(1))) & jnp.uint32(0xFFFF0000)
    return plsc.bitcast(b, jnp.float32)


def _ball1(ptsT, cent):
    f, _, n = ptsT.shape
    s = cent.shape[2]
    k = 32
    r2 = 0.2 ** 2
    wpf = _NW // f
    cpw = s // wpf
    nblk = n // 16

    @functools.partial(
        pl.kernel, mesh=_mesh(),
        compiler_params=pltpu.CompilerParams(needs_layout_passes=False),
        out_type=jax.ShapeDtypeStruct((f * 4 * s * k,), jnp.float32),
        scratch_types=[pltpu.VMEM((n,), jnp.float32)] * 8
                      + [pltpu.VMEM((max(cpw, 128),), jnp.float32)] * 3
                      + [pltpu.VMEM((cpw * k,), jnp.float32)] * 4
                      + [pltpu.VMEM((128,), jnp.int32)],
    )
    def run(pts_h, cent_h, g_h, px, py, pz, pt, bx, by, bz, nd_s,
            cx, cy, cz, ob0, ob1, ob2, ob3, ib):
        wid = lax.axis_index("s") * _NC + lax.axis_index("c")
        fr = wid // wpf
        c0 = (wid % wpf) * cpw
        pltpu.sync_copy(pts_h.at[pl.ds((fr * 4 + 0) * n, n)], px)
        pltpu.sync_copy(pts_h.at[pl.ds((fr * 4 + 1) * n, n)], py)
        pltpu.sync_copy(pts_h.at[pl.ds((fr * 4 + 2) * n, n)], pz)
        pltpu.sync_copy(pts_h.at[pl.ds((fr * 4 + 3) * n, n)], pt)
        pltpu.sync_copy(cent_h.at[pl.ds((fr * 3 + 0) * s + c0, cpw)], cx.at[pl.ds(0, cpw)])
        pltpu.sync_copy(cent_h.at[pl.ds((fr * 3 + 1) * s + c0, cpw)], cy.at[pl.ds(0, cpw)])
        pltpu.sync_copy(cent_h.at[pl.ds((fr * 3 + 2) * s + c0, cpw)], cz.at[pl.ds(0, cpw)])
        iota = lax.iota(jnp.int32, 16)
        zeros16 = jnp.zeros((16,), jnp.int32)

        def pre(jj, _):
            sl = pl.ds(jj * 16, 16)
            xv, yv, zv = px[sl], py[sl], pz[sl]
            bx[sl] = _rnd16(xv)
            by[sl] = _rnd16(yv)
            bz[sl] = _rnd16(zv)
            nd_s[sl] = (xv * xv + yv * yv) + zv * zv
            return 0

        lax.fori_loop(0, nblk, pre, 0)

        def per_cent(ci, _):
            cis = zeros16 + ci
            cxs = plsc.load_gather(cx, [cis])
            cys = plsc.load_gather(cy, [cis])
            czs = plsc.load_gather(cz, [cis])
            ns = (cxs * cxs + cys * cys) + czs * czs
            cxb = _rnd16(cxs)
            cyb = _rnd16(cys)
            czb = _rnd16(czs)

            def cond(st):
                j, cntv = st
                return jnp.logical_and(jnp.any(cntv < k), j < nblk // 4)

            def bodyw(st):
                j, cntv = st
                off = cntv
                for b in range(4):
                    base = j * 64 + b * 16
                    sl = pl.ds(base, 16)
                    pidx = base + iota
                    dot = (bx[sl] * cxb + by[sl] * cyb) + bz[sl] * czb
                    d = (ns + nd_s[sl]) - 2.0 * dot
                    mask = d <= r2
                    mi = mask.astype(jnp.int32)
                    inc = plsc.cumsum(mi)
                    plsc.store_scatter(ib, [off + (inc - mi)], pidx, mask=mask)
                    off = off + plsc.all_reduce_population_count(mask)
                return j + 1, off

            _, cnt = lax.while_loop(
                cond, bodyw, (jnp.int32(0), jnp.zeros((16,), jnp.int32)))
            first = plsc.load_gather(ib, [jnp.where(cnt < 0, iota, zeros16)])
            for h in range(k // 16):
                pos = h * 16 + iota
                iv = plsc.load_gather(ib, [pos])
                sel = jnp.where(pos >= cnt, first, iv)
                opos = ci * k + pos
                plsc.store_scatter(ob0, [opos], plsc.load_gather(px, [sel]) - cxs)
                plsc.store_scatter(ob1, [opos], plsc.load_gather(py, [sel]) - cys)
                plsc.store_scatter(ob2, [opos], plsc.load_gather(pz, [sel]) - czs)
                plsc.store_scatter(ob3, [opos], plsc.load_gather(pt, [sel]))
            return 0

        lax.fori_loop(0, cpw, per_cent, 0)
        sk = s * k
        pltpu.sync_copy(ob0, g_h.at[pl.ds((fr * 4 + 0) * sk + c0 * k, cpw * k)])
        pltpu.sync_copy(ob1, g_h.at[pl.ds((fr * 4 + 1) * sk + c0 * k, cpw * k)])
        pltpu.sync_copy(ob2, g_h.at[pl.ds((fr * 4 + 2) * sk + c0 * k, cpw * k)])
        pltpu.sync_copy(ob3, g_h.at[pl.ds((fr * 4 + 3) * sk + c0 * k, cpw * k)])

    return run(ptsT.reshape(-1), cent.reshape(-1)).reshape(f, 4, s * k)


def _ball2(xyzT, cent):
    f, _, n = xyzT.shape
    s = cent.shape[2]
    k = 64
    r2 = 0.4 ** 2
    wpf = _NW // f
    cpw = s // wpf
    nblk = n // 16

    @functools.partial(
        pl.kernel, mesh=_mesh(),
        compiler_params=pltpu.CompilerParams(needs_layout_passes=False),
        out_type=[jax.ShapeDtypeStruct((f * 3 * s * k,), jnp.float32),
                  jax.ShapeDtypeStruct((f * s * k,), jnp.int32)],
        scratch_types=[pltpu.VMEM((n,), jnp.float32)] * 7
                      + [pltpu.VMEM((max(cpw, 128),), jnp.float32)] * 3
                      + [pltpu.VMEM((cpw * k,), jnp.float32)] * 3
                      + [pltpu.VMEM((cpw * k,), jnp.int32),
                         pltpu.VMEM((128,), jnp.int32)],
    )
    def run(pts_h, cent_h, g_h, ix_h, px, py, pz, bx, by, bz, nd_s,
            cx, cy, cz, ob0, ob1, ob2, obi, ib):
        wid = lax.axis_index("s") * _NC + lax.axis_index("c")
        fr = wid // wpf
        c0 = (wid % wpf) * cpw
        pltpu.sync_copy(pts_h.at[pl.ds((fr * 3 + 0) * n, n)], px)
        pltpu.sync_copy(pts_h.at[pl.ds((fr * 3 + 1) * n, n)], py)
        pltpu.sync_copy(pts_h.at[pl.ds((fr * 3 + 2) * n, n)], pz)
        pltpu.sync_copy(cent_h.at[pl.ds((fr * 3 + 0) * s + c0, cpw)], cx.at[pl.ds(0, cpw)])
        pltpu.sync_copy(cent_h.at[pl.ds((fr * 3 + 1) * s + c0, cpw)], cy.at[pl.ds(0, cpw)])
        pltpu.sync_copy(cent_h.at[pl.ds((fr * 3 + 2) * s + c0, cpw)], cz.at[pl.ds(0, cpw)])
        iota = lax.iota(jnp.int32, 16)
        zeros16 = jnp.zeros((16,), jnp.int32)

        def pre(jj, _):
            sl = pl.ds(jj * 16, 16)
            xv, yv, zv = px[sl], py[sl], pz[sl]
            bx[sl] = _rnd16(xv)
            by[sl] = _rnd16(yv)
            bz[sl] = _rnd16(zv)
            nd_s[sl] = (xv * xv + yv * yv) + zv * zv
            return 0

        lax.fori_loop(0, nblk, pre, 0)

        def per_cent(ci, _):
            cis = zeros16 + ci
            cxs = plsc.load_gather(cx, [cis])
            cys = plsc.load_gather(cy, [cis])
            czs = plsc.load_gather(cz, [cis])
            ns = (cxs * cxs + cys * cys) + czs * czs
            cxb = _rnd16(cxs)
            cyb = _rnd16(cys)
            czb = _rnd16(czs)

            def cond(st):
                j, cntv = st
                return jnp.logical_and(jnp.any(cntv < k), j < nblk // 4)

            def bodyw(st):
                j, cntv = st
                off = cntv
                for b in range(4):
                    base = j * 64 + b * 16
                    sl = pl.ds(base, 16)
                    pidx = base + iota
                    dot = (bx[sl] * cxb + by[sl] * cyb) + bz[sl] * czb
                    d = (ns + nd_s[sl]) - 2.0 * dot
                    mask = d <= r2
                    mi = mask.astype(jnp.int32)
                    inc = plsc.cumsum(mi)
                    plsc.store_scatter(ib, [off + (inc - mi)], pidx, mask=mask)
                    off = off + plsc.all_reduce_population_count(mask)
                return j + 1, off

            _, cnt = lax.while_loop(
                cond, bodyw, (jnp.int32(0), jnp.zeros((16,), jnp.int32)))
            first = plsc.load_gather(ib, [jnp.where(cnt < 0, iota, zeros16)])
            for h in range(k // 16):
                pos = h * 16 + iota
                iv = plsc.load_gather(ib, [pos])
                sel = jnp.where(pos >= cnt, first, iv)
                opos = ci * k + pos
                plsc.store_scatter(ob0, [opos], plsc.load_gather(px, [sel]) - cxs)
                plsc.store_scatter(ob1, [opos], plsc.load_gather(py, [sel]) - cys)
                plsc.store_scatter(ob2, [opos], plsc.load_gather(pz, [sel]) - czs)
                plsc.store_scatter(obi, [opos], sel + fr * n)
            return 0

        lax.fori_loop(0, cpw, per_cent, 0)
        sk = s * k
        pltpu.sync_copy(ob0, g_h.at[pl.ds((fr * 3 + 0) * sk + c0 * k, cpw * k)])
        pltpu.sync_copy(ob1, g_h.at[pl.ds((fr * 3 + 1) * sk + c0 * k, cpw * k)])
        pltpu.sync_copy(ob2, g_h.at[pl.ds((fr * 3 + 2) * sk + c0 * k, cpw * k)])
        pltpu.sync_copy(obi, ix_h.at[pl.ds(wid * cpw * k, cpw * k)])

    g_out, ix_out = run(xyzT.reshape(-1), cent.reshape(-1))
    return g_out.reshape(f, 3, s * k), ix_out


def _gatherk(table, idx):
    v, d = table.shape
    b = idx.shape[0]
    bpw = b // _NW
    chunk = 128
    nch = bpw // chunk

    @functools.partial(
        pl.kernel, mesh=_mesh(),
        compiler_params=pltpu.CompilerParams(needs_layout_passes=False),
        out_type=jax.ShapeDtypeStruct((b, d), jnp.float32),
        scratch_types=[pltpu.VMEM((chunk,), jnp.int32),
                       pltpu.VMEM((chunk, d), jnp.float32),
                       pltpu.SemaphoreType.DMA],
    )
    def run(tbl_h, idx_h, out_h, idx_v, rows_v, sem):
        wid = lax.axis_index("s") * _NC + lax.axis_index("c")
        base = wid * bpw

        def body(i, _):
            off = base + i * chunk
            pltpu.sync_copy(idx_h.at[pl.ds(off, chunk)], idx_v)
            pltpu.async_copy(tbl_h.at[idx_v], rows_v, sem).wait()
            pltpu.sync_copy(rows_v, out_h.at[pl.ds(off, chunk)])
            return 0

        lax.fori_loop(0, nch, body, 0)

    return run(table, idx)



def kernel(xyz_time, params):
    b, t, n, _ = xyz_time.shape
    f = b * t
    xt = xyz_time.reshape(f, n, 4)
    ptsT = jnp.transpose(xt, (0, 2, 1))
    xyzT = ptsT[:, :3]

    s1, k1 = 512, 32
    nx1 = _fps(xyzT.reshape(f, 3, 8, n // 8), s1)
    g1 = _ball1(ptsT, nx1)
    x1p = jnp.transpose(g1, (1, 0, 2)).reshape(4, f * s1 * k1)
    (w1, b1, g1p, t1p), (w2, b2, g2p, t2p), (w3, b3, g3p, t3p) = params['sa1']
    h1, st1 = _mmp(x1p, w1, b1, rb=8192)
    h2, st2 = _mmr(h1, st1, g1p, t1p, w2, b2, rb=8192)
    h3, st3 = _mmr(h2, st2, g2p, t2p, w3, b3, rb=8192)
    l1 = _pool(h3, st3, g3p, t3p, k=k1, rb=8192)

    s2, k2 = 128, 64
    nx2 = _fps(nx1.reshape(f, 3, 8, s1 // 8), s2)
    g2, idxg = _ball2(nx1, nx2)
    feats = _gatherk(l1, idxg)
    x2p = jnp.transpose(g2, (1, 0, 2)).reshape(3, f * s2 * k2)
    (w1, b1, g1p, t1p), (w2, b2, g2p, t2p), (w3, b3, g3p, t3p) = params['sa2']
    h1, st1 = _mmd(x2p, feats, w1, b1, rb=8192)
    h2, st2 = _mmr(h1, st1, g1p, t1p, w2, b2, rb=8192)
    h3, st3 = _mmr(h2, st2, g2p, t2p, w3, b3, rb=8192)
    l2 = _pool(h3, st3, g3p, t3p, k=k2, rb=8192)

    x3p = jnp.transpose(nx2, (1, 0, 2)).reshape(3, f * s2)
    out = _sa3(x3p, l2, params['sa3'], nf=f)
    return out.reshape(b, t, -1)

# --- scband reference (transcript-rebuilt; emitter-appended) ---
"""Pipeline reference for scband-temporal-point-net-33234456936971 (READ-ONLY COPY).

The authoritative reference and input builder live on the scoring server;
editing this copy changes nothing except your own understanding.
"""

import jax, jax.numpy as jnp
import numpy as np


def square_distance(src, dst):
    return (jnp.sum(src ** 2, axis=-1)[:, :, None]
            + jnp.sum(dst ** 2, axis=-1)[:, None, :]
            - 2.0 * jnp.einsum('bnc,bmc->bnm', src, dst))


def index_points(points, idx):
    B = points.shape[0]
    batch = jnp.arange(B).reshape((B,) + (1,) * (idx.ndim - 1))
    return points[batch, idx]


def farthest_point_sample(xyz, npoint):
    B, N, _ = xyz.shape
    distance0 = jnp.full((B, N), 1e10, dtype=xyz.dtype)
    farthest0 = jnp.zeros((B,), dtype=jnp.int32)

    def step(state, _):
        distance, farthest = state
        centroid = index_points(xyz, farthest[:, None])  # [B,1,3]
        dist = jnp.sum((xyz - centroid) ** 2, axis=-1)
        distance = jnp.minimum(distance, dist)
        new_far = jnp.argmax(distance, axis=-1).astype(jnp.int32)
        return (distance, new_far), farthest

    _, centroids = jax.lax.scan(step, (distance0, farthest0), None, length=npoint)
    return centroids.T  # [B, npoint]


def query_ball_point(radius, nsample, xyz, new_xyz):
    B, N, _ = xyz.shape
    S = new_xyz.shape[1]
    sqrdists = square_distance(new_xyz, xyz)  # [B,S,N]
    group_idx = jnp.broadcast_to(jnp.arange(N, dtype=jnp.int32), (B, S, N))
    group_idx = jnp.where(sqrdists > radius ** 2, N, group_idx)
    group_idx = jnp.sort(group_idx, axis=-1)[:, :, :nsample]
    group_first = group_idx[:, :, :1]
    group_idx = jnp.where(group_idx == N, jnp.broadcast_to(group_first, group_idx.shape), group_idx)
    return group_idx


def sa_layer(params, xyz, points, npoint, radius, nsample, group_all):
    B = xyz.shape[0]
    if group_all:
        new_xyz = jnp.zeros((B, 1, 3), dtype=xyz.dtype)
        grouped_xyz = xyz[:, None, :, :]
        if points is not None:
            new_points = jnp.concatenate([grouped_xyz, points[:, None, :, :]], axis=-1)
        else:
            new_points = grouped_xyz
    else:
        fps_idx = jax.lax.stop_gradient(farthest_point_sample(xyz, npoint))
        new_xyz = index_points(xyz, fps_idx)
        idx = query_ball_point(radius, nsample, xyz, new_xyz)
        grouped_xyz = index_points(xyz, idx)  # [B,S,K,3]
        grouped_norm = grouped_xyz - new_xyz[:, :, None, :]
        if points is not None:
            grouped_points = index_points(points, idx)
            new_points = jnp.concatenate([grouped_norm, grouped_points], axis=-1)
        else:
            new_points = grouped_norm
    h = new_points  # [B,S,K,C]
    for (W, b, gamma, beta) in params:
        h = jnp.einsum('bskc,cd->bskd', h, W) + b  # 1x1 Conv2d
        mean = jnp.mean(h, axis=(0, 1, 2), keepdims=True)  # BatchNorm2d, train-mode batch stats
        var = jnp.var(h, axis=(0, 1, 2), keepdims=True)
        h = gamma * (h - mean) / jnp.sqrt(var + 1e-5) + beta
        h = jax.nn.relu(h)
    return new_xyz, jnp.max(h, axis=2)


def temporal_pointnet(xyz_time, params):
    B, T, N, _ = xyz_time.shape
    xt = xyz_time.reshape(B * T, N, 4)
    xyz = xt[:, :, :3]
    time = xt[:, :, 3:]
    l1_xyz, l1_points = sa_layer(params['sa1'], xyz, time, 512, 0.2, 32, False)
    l2_xyz, l2_points = sa_layer(params['sa2'], l1_xyz, l1_points, 128, 0.4, 64, False)
    _, l3_points = sa_layer(params['sa3'], l2_xyz, l2_points, None, None, None, True)
    return l3_points.reshape(B, T, -1)


def setup_inputs(seed: int = 0) -> dict:
    key = jax.random.key(seed)
    k_x, k_p = jax.random.split(key)
    xyz_time = jax.random.uniform(k_x, (2, 2, 4096, 4), dtype=jnp.float32)

    def make_sa(k, in_ch, mlps):
        ps = []
        last = in_ch
        for i, out in enumerate(mlps):
            kk = jax.random.fold_in(k, i)
            W = jax.random.normal(kk, (last, out), dtype=jnp.float32) * (1.0 / np.sqrt(last))
            ps.append((W,
                       jnp.zeros((out,), jnp.float32),
                       jnp.ones((out,), jnp.float32),
                       jnp.zeros((out,), jnp.float32)))
            last = out
        return ps

    params = {
        'sa1': make_sa(jax.random.fold_in(k_p, 1), 4, [64, 64, 128]),
        'sa2': make_sa(jax.random.fold_in(k_p, 2), 131, [128, 128, 256]),
        'sa3': make_sa(jax.random.fold_in(k_p, 3), 259, [256, 512, 1024]),
    }
    return {'xyz_time': xyz_time, 'params': params}


def reference(xyz_time, params):
    return temporal_pointnet(xyz_time, params)

if __name__ == "__main__":
    import jax
    _d = setup_inputs()
    print(jax.jit(kernel)(*tuple(_d.values())))

</pallas_src>

<mosaic_0001>
#map = affine_map<(d0, d1) -> (0)>
module attributes {stable_mosaic.version = 14 : i64} {
  func.func @run(%arg0: i32, %arg1: i32, %arg2: memref<65536xf32, #tpu.memory_space<hbm>>, %arg3: memref<6144xf32, #tpu.memory_space<hbm>>, %arg4: memref<262144xf32, #tpu.memory_space<hbm>>, %arg5: memref<4096xf32, #tpu.memory_space<vmem>>, %arg6: memref<4096xf32, #tpu.memory_space<vmem>>, %arg7: memref<4096xf32, #tpu.memory_space<vmem>>, %arg8: memref<4096xf32, #tpu.memory_space<vmem>>, %arg9: memref<4096xf32, #tpu.memory_space<vmem>>, %arg10: memref<4096xf32, #tpu.memory_space<vmem>>, %arg11: memref<4096xf32, #tpu.memory_space<vmem>>, %arg12: memref<4096xf32, #tpu.memory_space<vmem>>, %arg13: memref<128xf32, #tpu.memory_space<vmem>>, %arg14: memref<128xf32, #tpu.memory_space<vmem>>, %arg15: memref<128xf32, #tpu.memory_space<vmem>>, %arg16: memref<2048xf32, #tpu.memory_space<vmem>>, %arg17: memref<2048xf32, #tpu.memory_space<vmem>>, %arg18: memref<2048xf32, #tpu.memory_space<vmem>>, %arg19: memref<2048xf32, #tpu.memory_space<vmem>>, %arg20: memref<128xi32, #tpu.memory_space<vmem>>) attributes {dimension_semantics = [#tpu.dimension_semantics<core_parallel>, #tpu.dimension_semantics<subcore_parallel>], iteration_bounds = array<i64: 2, 16>, scalar_prefetch = 0 : i64, scratch_operands = 16 : i64, tpu.core_type = #tpu.core_type<sc_vector_subcore>, window_params = [{transform_indices = #map}, {transform_indices = #map}, {transform_indices = #map}]} {
    %mul3A = arith.constant 2 : i32
    %mul3A_0 = arith.muli %arg1, %mul3A : i32
    %add3A = arith.addi %mul3A_0, %arg0 : i32
    %jit3A = arith.constant 8 : i32
    %div3A = arith.divsi %add3A, %jit3A : i32
    %sign3A = arith.constant 0 : i32
    %sign3A_1 = arith.cmpi sgt, %add3A, %sign3A : i32
    %sign3A_2 = arith.extui %sign3A_1 : i1 to i32
    %sign3A_3 = arith.constant 0 : i32
    %sign3A_4 = arith.cmpi slt, %add3A, %sign3A_3 : i32
    %sign3A_5 = arith.extui %sign3A_4 : i1 to i32
    %sign3A_6 = arith.subi %sign3A_2, %sign3A_5 : i32
    %sign3A_7 = arith.constant 0 : i32
    %sign3A_8 = arith.cmpi sgt, %jit3A, %sign3A_7 : i32
    %sign3A_9 = arith.extui %sign3A_8 : i1 to i32
    %sign3A_10 = arith.constant 0 : i32
    %sign3A_11 = arith.cmpi slt, %jit3A, %sign3A_10 : i32
    %sign3A_12 = arith.extui %sign3A_11 : i1 to i32
    %sign3A_13 = arith.subi %sign3A_9, %sign3A_12 : i32
    %ne3A = arith.cmpi ne, %sign3A_6, %sign3A_13 : i32
    %rem3A = arith.remsi %add3A, %jit3A : i32
    %ne3A_14 = arith.constant 0 : i32
    %ne3A_15 = arith.cmpi ne, %rem3A, %ne3A_14 : i32
    %and3A = arith.andi %ne3A, %ne3A_15 : i1
    %sub3A = arith.constant 1 : i32
    %sub3A_16 = arith.subi %div3A, %sub3A : i32
    %select_n3A = arith.select %and3A, %sub3A_16, %div3A : i32
    %jit3A_17 = arith.constant 8 : i32
    %eq3A = arith.constant 0 : i32
    %eq3A_18 = arith.cmpi eq, %jit3A_17, %eq3A : i32
    %jit3A_19 = arith.constant 1 : i32
    %select_n3A_20 = arith.select %eq3A_18, %jit3A_19, %jit3A_17 : i32
    %rem3A_21 = arith.remsi %add3A, %select_n3A_20 : i32
    %ne3A_22 = arith.constant 0 : i32
    %ne3A_23 = arith.cmpi ne, %rem3A_21, %ne3A_22 : i32
    %lt3A = arith.constant 0 : i32
    %lt3A_24 = arith.cmpi slt, %rem3A_21, %lt3A : i32
    %lt3A_25 = arith.constant 0 : i32
    %lt3A_26 = arith.cmpi slt, %select_n3A_20, %lt3A_25 : i32
    %ne3A_27 = arith.xori %lt3A_24, %lt3A_26 : i1
    %and3A_28 = arith.andi %ne3A_27, %ne3A_23 : i1
    %add3A_29 = arith.addi %rem3A_21, %select_n3A_20 : i32
    %select_n3A_30 = arith.select %and3A_28, %add3A_29, %rem3A_21 : i32
    %mul3A_31 = arith.constant 64 : i32
    %mul3A_32 = arith.muli %select_n3A_30, %mul3A_31 : i32
    %mul3A_33 = arith.constant 4 : i32
    %mul3A_34 = arith.muli %select_n3A, %mul3A_33 : i32
    %add3A_35 = arith.constant 0 : i32
    %add3A_36 = arith.addi %mul3A_34, %add3A_35 : i32
    %mul3A_37 = arith.constant 4096 : i32
    %mul3A_38 = arith.muli %add3A_36, %mul3A_37 : i32
    "tpu.region"() ({
      %run_scoped3A = tpu.sem_alloc : memref<!tpu.dma_semaphore, #tpu.memory_space<semaphore_mem>>
      %dma_start3A = tpu.memref_slice %arg2[%mul3A_38] : memref<65536xf32, #tpu.memory_space<hbm>> -> memref<4096xf32, #tpu.memory_space<hbm>>
      %dma_start3A_128 = tpu.memref_slice %arg2[%mul3A_38] : memref<65536xf32, #tpu.memory_space<hbm>> -> memref<4096xf32, #tpu.memory_space<hbm>>
      tpu.enqueue_dma source(%dma_start3A_128 : memref<4096xf32, #tpu.memory_space<hbm>>) target(%arg5 : memref<4096xf32, #tpu.memory_space<vmem>>) target_semaphore(%run_scoped3A : memref<!tpu.dma_semaphore, #tpu.memory_space<semaphore_mem>>)
      %dma_wait3A = tpu.memref_slice %arg2[%mul3A_38] : memref<65536xf32, #tpu.memory_space<hbm>> -> memref<4096xf32, #tpu.memory_space<hbm>>
      %dma_wait3A_129 = tpu.memref_slice %arg2[%mul3A_38] : memref<65536xf32, #tpu.memory_space<hbm>> -> memref<4096xf32, #tpu.memory_space<hbm>>
      tpu.wait_dma2 semaphore(%run_scoped3A : memref<!tpu.dma_semaphore, #tpu.memory_space<semaphore_mem>>) src(%dma_wait3A_129 : memref<4096xf32, #tpu.memory_space<hbm>>) dst(%arg5 : memref<4096xf32, #tpu.memory_space<vmem>>)
      tpu.yield
    }) : () -> ()
    %mul3A_39 = arith.constant 4 : i32
    %mul3A_40 = arith.muli %select_n3A, %mul3A_39 : i32
    %add3A_41 = arith.constant 1 : i32
    %add3A_42 = arith.addi %mul3A_40, %add3A_41 : i32
    %mul3A_43 = arith.constant 4096 : i32
    %mul3A_44 = arith.muli %add3A_42, %mul3A_43 : i32
    "tpu.region"() ({
      %run_scoped3A = tpu.sem_alloc : memref<!tpu.dma_semaphore, #tpu.memory_space<semaphore_mem>>
      %dma_start3A = tpu.memref_slice %arg2[%mul3A_44] : memref<65536xf32, #tpu.memory_space<hbm>> -> memref<4096xf32, #tpu.memory_space<hbm>>
      %dma_start3A_128 = tpu.memref_slice %arg2[%mul3A_44] : memref<65536xf32, #tpu.memory_space<hbm>> -> memref<4096xf32, #tpu.memory_space<hbm>>
      tpu.enqueue_dma source(%dma_start3A_128 : memref<4096xf32, #tpu.memory_space<hbm>>) target(%arg6 : memref<4096xf32, #tpu.memory_space<vmem>>) target_semaphore(%run_scoped3A : memref<!tpu.dma_semaphore, #tpu.memory_space<semaphore_mem>>)
      %dma_wait3A = tpu.memref_slice %arg2[%mul3A_44] : memref<65536xf32, #tpu.memory_space<hbm>> -> memref<4096xf32, #tpu.memory_space<hbm>>
      %dma_wait3A_129 = tpu.memref_slice %arg2[%mul3A_44] : memref<65536xf32, #tpu.memory_space<hbm>> -> memref<4096xf32, #tpu.memory_space<hbm>>
      tpu.wait_dma2 semaphore(%run_scoped3A : memref<!tpu.dma_semaphore, #tpu.memory_space<semaphore_mem>>) src(%dma_wait3A_129 : memref<4096xf32, #tpu.memory_space<hbm>>) dst(%arg6 : memref<4096xf32, #tpu.memory_space<vmem>>)
      tpu.yield
    }) : () -> ()
    %mul3A_45 = arith.constant 4 : i32
    %mul3A_46 = arith.muli %select_n3A, %mul3A_45 : i32
    %add3A_47 = arith.constant 2 : i32
    %add3A_48 = arith.addi %mul3A_46, %add3A_47 : i32
    %mul3A_49 = arith.constant 4096 : i32
    %mul3A_50 = arith.muli %add3A_48, %mul3A_49 : i32
    "tpu.region"() ({
      %run_scoped3A = tpu.sem_alloc : memref<!tpu.dma_semaphore, #tpu.memory_space<semaphore_mem>>
      %dma_start3A = tpu.memref_slice %arg2[%mul3A_50] : memref<65536xf32, #tpu.memory_space<hbm>> -> memref<4096xf32, #tpu.memory_space<hbm>>
      %dma_start3A_128 = tpu.memref_slice %arg2[%mul3A_50] : memref<65536xf32, #tpu.memory_space<hbm>> -> memref<4096xf32, #tpu.memory_space<hbm>>
      tpu.enqueue_dma source(%dma_start3A_128 : memref<4096xf32, #tpu.memory_space<hbm>>) target(%arg7 : memref<4096xf32, #tpu.memory_space<vmem>>) target_semaphore(%run_scoped3A : memref<!tpu.dma_semaphore, #tpu.memory_space<semaphore_mem>>)
      %dma_wait3A = tpu.memref_slice %arg2[%mul3A_50] : memref<65536xf32, #tpu.memory_space<hbm>> -> memref<4096xf32, #tpu.memory_space<hbm>>
      %dma_wait3A_129 = tpu.memref_slice %arg2[%mul3A_50] : memref<65536xf32, #tpu.memory_space<hbm>> -> memref<4096xf32, #tpu.memory_space<hbm>>
      tpu.wait_dma2 semaphore(%run_scoped3A : memref<!tpu.dma_semaphore, #tpu.memory_space<semaphore_mem>>) src(%dma_wait3A_129 : memref<4096xf32, #tpu.memory_space<hbm>>) dst(%arg7 : memref<4096xf32, #tpu.memory_space<vmem>>)
      tpu.yield
    }) : () -> ()
    %mul3A_51 = arith.constant 4 : i32
    %mul3A_52 = arith.muli %select_n3A, %mul3A_51 : i32
    %add3A_53 = arith.constant 3 : i32
    %add3A_54 = arith.addi %mul3A_52, %add3A_53 : i32
    %mul3A_55 = arith.constant 4096 : i32
    %mul3A_56 = arith.muli %add3A_54, %mul3A_55 : i32
    "tpu.region"() ({
      %run_scoped3A = tpu.sem_alloc : memref<!tpu.dma_semaphore, #tpu.memory_space<semaphore_mem>>
      %dma_start3A = tpu.memref_slice %arg2[%mul3A_56] : memref<65536xf32, #tpu.memory_space<hbm>> -> memref<4096xf32, #tpu.memory_space<hbm>>
      %dma_start3A_128 = tpu.memref_slice %arg2[%mul3A_56] : memref<65536xf32, #tpu.memory_space<hbm>> -> memref<4096xf32, #tpu.memory_space<hbm>>
      tpu.enqueue_dma source(%dma_start3A_128 : memref<4096xf32, #tpu.memory_space<hbm>>) target(%arg8 : memref<4096xf32, #tpu.memory_space<vmem>>) target_semaphore(%run_scoped3A : memref<!tpu.dma_semaphore, #tpu.memory_space<semaphore_mem>>)
      %dma_wait3A = tpu.memref_slice %arg2[%mul3A_56] : memref<65536xf32, #tpu.memory_space<hbm>> -> memref<4096xf32, #tpu.memory_space<hbm>>
      %dma_wait3A_129 = tpu.memref_slice %arg2[%mul3A_56] : memref<65536xf32, #tpu.memory_space<hbm>> -> memref<4096xf32, #tpu.memory_space<hbm>>
      tpu.wait_dma2 semaphore(%run_scoped3A : memref<!tpu.dma_semaphore, #tpu.memory_space<semaphore_mem>>) src(%dma_wait3A_129 : memref<4096xf32, #tpu.memory_space<hbm>>) dst(%arg8 : memref<4096xf32, #tpu.memory_space<vmem>>)
      tpu.yield
    }) : () -> ()
    %mul3A_57 = arith.constant 3 : i32
    %mul3A_58 = arith.muli %select_n3A, %mul3A_57 : i32
    %add3A_59 = arith.constant 0 : i32
    %add3A_60 = arith.addi %mul3A_58, %add3A_59 : i32
    %mul3A_61 = arith.constant 512 : i32
    %mul3A_62 = arith.muli %add3A_60, %mul3A_61 : i32
    %add3A_63 = arith.addi %mul3A_62, %mul3A_32 : i32
    "tpu.region"() ({
      %run_scoped3A = tpu.sem_alloc : memref<!tpu.dma_semaphore, #tpu.memory_space<semaphore_mem>>
      %dma_start3A = arith.constant 0 : i32
      %dma_start3A_128 = tpu.memref_slice %arg13[%dma_start3A] : memref<128xf32, #tpu.memory_space<vmem>> -> memref<64xf32, #tpu.memory_space<vmem>>
      %dma_start3A_129 = tpu.memref_slice %arg3[%add3A_63] : memref<6144xf32, #tpu.memory_space<hbm>> -> memref<64xf32, #tpu.memory_space<hbm>>
      %dma_start3A_130 = arith.constant 0 : i32
      %dma_start3A_131 = tpu.memref_slice %arg13[%dma_start3A_130] : memref<128xf32, #tpu.memory_space<vmem>> -> memref<64xf32, #tpu.memory_space<vmem>>
      %dma_start3A_132 = tpu.memref_slice %arg3[%add3A_63] : memref<6144xf32, #tpu.memory_space<hbm>> -> memref<64xf32, #tpu.memory_space<hbm>>
      tpu.enqueue_dma source(%dma_start3A_132 : memref<64xf32, #tpu.memory_space<hbm>>) target(%dma_start3A_131 : memref<64xf32, #tpu.memory_space<vmem>>) target_semaphore(%run_scoped3A : memref<!tpu.dma_semaphore, #tpu.memory_space<semaphore_mem>>)
      %dma_wait3A = arith.constant 0 : i32
      %dma_wait3A_133 = tpu.memref_slice %arg13[%dma_wait3A] : memref<128xf32, #tpu.memory_space<vmem>> -> memref<64xf32, #tpu.memory_space<vmem>>
      %dma_wait3A_134 = tpu.memref_slice %arg3[%add3A_63] : memref<6144xf32, #tpu.memory_space<hbm>> -> memref<64xf32, #tpu.memory_space<hbm>>
      %dma_wait3A_135 = arith.constant 0 : i32
      %dma_wait3A_136 = tpu.memref_slice %arg13[%dma_wait3A_135] : memref<128xf32, #tpu.memory_space<vmem>> -> memref<64xf32, #tpu.memory_space<vmem>>
      %dma_wait3A_137 = tpu.memref_slice %arg3[%add3A_63] : memref<6144xf32, #tpu.memory_space<hbm>> -> memref<64xf32, #tpu.memory_space<hbm>>
      tpu.wait_dma2 semaphore(%run_scoped3A : memref<!tpu.dma_semaphore, #tpu.memory_space<semaphore_mem>>) src(%dma_wait3A_137 : memref<64xf32, #tpu.memory_space<hbm>>) dst(%dma_wait3A_136 : memref<64xf32, #tpu.memory_space<vmem>>)
      tpu.yield
    }) : () -> ()
    %mul3A_64 = arith.constant 3 : i32
    %mul3A_65 = arith.muli %select_n3A, %mul3A_64 : i32
    %add3A_66 = arith.constant 1 : i32
    %add3A_67 = arith.addi %mul3A_65, %add3A_66 : i32
    %mul3A_68 = arith.constant 512 : i32
    %mul3A_69 = arith.muli %add3A_67, %mul3A_68 : i32
    %add3A_70 = arith.addi %mul3A_69, %mul3A_32 : i32
    "tpu.region"() ({
      %run_scoped3A = tpu.sem_alloc : memref<!tpu.dma_semaphore, #tpu.memory_space<semaphore_mem>>
      %dma_start3A = arith.constant 0 : i32
      %dma_start3A_128 = tpu.memref_slice %arg14[%dma_start3A] : memref<128xf32, #tpu.memory_space<vmem>> -> memref<64xf32, #tpu.memory_space<vmem>>
      %dma_start3A_129 = tpu.memref_slice %arg3[%add3A_70] : memref<6144xf32, #tpu.memory_space<hbm>> -> memref<64xf32, #tpu.memory_space<hbm>>
      %dma_start3A_130 = arith.constant 0 : i32
      %dma_start3A_131 = tpu.memref_slice %arg14[%dma_start3A_130] : memref<128xf32, #tpu.memory_space<vmem>> -> memref<64xf32, #tpu.memory_space<vmem>>
      %dma_start3A_132 = tpu.memref_slice %arg3[%add3A_70] : memref<6144xf32, #tpu.memory_space<hbm>> -> memref<64xf32, #tpu.memory_space<hbm>>
      tpu.enqueue_dma source(%dma_start3A_132 : memref<64xf32, #tpu.memory_space<hbm>>) target(%dma_start3A_131 : memref<64xf32, #tpu.memory_space<vmem>>) target_semaphore(%run_scoped3A : memref<!tpu.dma_semaphore, #tpu.memory_space<semaphore_mem>>)
      %dma_wait3A = arith.constant 0 : i32
      %dma_wait3A_133 = tpu.memref_slice %arg14[%dma_wait3A] : memref<128xf32, #tpu.memory_space<vmem>> -> memref<64xf32, #tpu.memory_space<vmem>>
      %dma_wait3A_134 = tpu.memref_slice %arg3[%add3A_70] : memref<6144xf32, #tpu.memory_space<hbm>> -> memref<64xf32, #tpu.memory_space<hbm>>
      %dma_wait3A_135 = arith.constant 0 : i32
      %dma_wait3A_136 = tpu.memref_slice %arg14[%dma_wait3A_135] : memref<128xf32, #tpu.memory_space<vmem>> -> memref<64xf32, #tpu.memory_space<vmem>>
      %dma_wait3A_137 = tpu.memref_slice %arg3[%add3A_70] : memref<6144xf32, #tpu.memory_space<hbm>> -> memref<64xf32, #tpu.memory_space<hbm>>
      tpu.wait_dma2 semaphore(%run_scoped3A : memref<!tpu.dma_semaphore, #tpu.memory_space<semaphore_mem>>) src(%dma_wait3A_137 : memref<64xf32, #tpu.memory_space<hbm>>) dst(%dma_wait3A_136 : memref<64xf32, #tpu.memory_space<vmem>>)
      tpu.yield
    }) : () -> ()
    %mul3A_71 = arith.constant 3 : i32
    %mul3A_72 = arith.muli %select_n3A, %mul3A_71 : i32
    %add3A_73 = arith.constant 2 : i32
    %add3A_74 = arith.addi %mul3A_72, %add3A_73 : i32
    %mul3A_75 = arith.constant 512 : i32
    %mul3A_76 = arith.muli %add3A_74, %mul3A_75 : i32
    %add3A_77 = arith.addi %mul3A_76, %mul3A_32 : i32
    "tpu.region"() ({
      %run_scoped3A = tpu.sem_alloc : memref<!tpu.dma_semaphore, #tpu.memory_space<semaphore_mem>>
      %dma_start3A = arith.constant 0 : i32
      %dma_start3A_128 = tpu.memref_slice %arg15[%dma_start3A] : memref<128xf32, #tpu.memory_space<vmem>> -> memref<64xf32, #tpu.memory_space<vmem>>
      %dma_start3A_129 = tpu.memref_slice %arg3[%add3A_77] : memref<6144xf32, #tpu.memory_space<hbm>> -> memref<64xf32, #tpu.memory_space<hbm>>
      %dma_start3A_130 = arith.constant 0 : i32
      %dma_start3A_131 = tpu.memref_slice %arg15[%dma_start3A_130] : memref<128xf32, #tpu.memory_space<vmem>> -> memref<64xf32, #tpu.memory_space<vmem>>
      %dma_start3A_132 = tpu.memref_slice %arg3[%add3A_77] : memref<6144xf32, #tpu.memory_space<hbm>> -> memref<64xf32, #tpu.memory_space<hbm>>
      tpu.enqueue_dma source(%dma_start3A_132 : memref<64xf32, #tpu.memory_space<hbm>>) target(%dma_start3A_131 : memref<64xf32, #tpu.memory_space<vmem>>) target_semaphore(%run_scoped3A : memref<!tpu.dma_semaphore, #tpu.memory_space<semaphore_mem>>)
      %dma_wait3A = arith.constant 0 : i32
      %dma_wait3A_133 = tpu.memref_slice %arg15[%dma_wait3A] : memref<128xf32, #tpu.memory_space<vmem>> -> memref<64xf32, #tpu.memory_space<vmem>>
      %dma_wait3A_134 = tpu.memref_slice %arg3[%add3A_77] : memref<6144xf32, #tpu.memory_space<hbm>> -> memref<64xf32, #tpu.memory_space<hbm>>
      %dma_wait3A_135 = arith.constant 0 : i32
      %dma_wait3A_136 = tpu.memref_slice %arg15[%dma_wait3A_135] : memref<128xf32, #tpu.memory_space<vmem>> -> memref<64xf32, #tpu.memory_space<vmem>>
      %dma_wait3A_137 = tpu.memref_slice %arg3[%add3A_77] : memref<6144xf32, #tpu.memory_space<hbm>> -> memref<64xf32, #tpu.memory_space<hbm>>
      tpu.wait_dma2 semaphore(%run_scoped3A : memref<!tpu.dma_semaphore, #tpu.memory_space<semaphore_mem>>) src(%dma_wait3A_137 : memref<64xf32, #tpu.memory_space<hbm>>) dst(%dma_wait3A_136 : memref<64xf32, #tpu.memory_space<vmem>>)
      tpu.yield
    }) : () -> ()
    %iota3A = tpu.iota {dimensions = array<i32: 0>} : vector<16xi32>
    %broadcast_in_dim3A = arith.constant 0 : i32
    %broadcast_in_dim3A_78 = vector.broadcast %broadcast_in_dim3A : i32 to vector<16xi32>
    %scan3A = arith.constant 0 : i32
    %scan3A_79 = arith.constant 0 : i32
    %scan3A_80 = arith.constant 256 : i32
    %scan3A_81 = arith.addi %scan3A_79, %scan3A_80 : i32
    %scan3A_82 = arith.constant 1 : i32
    %scan3A_83 = scf.for %scan3A_128 = %scan3A_79 to %scan3A_81 step %scan3A_82 iter_args(%scan3A_129 = %scan3A) -> (i32)  : i32 {
      %mul3A_130 = arith.constant 16 : i32
      %mul3A_131 = arith.muli %scan3A_128, %mul3A_130 : i32
      %get3A = arith.index_cast %mul3A_131 : i32 to index
      %get3A_132 = tpu.vector_load %arg5[%get3A] {strides = array<i32>} : memref<4096xf32, #tpu.memory_space<vmem>>, vector<16xf32>,
      %get3A_133 = arith.index_cast %mul3A_131 : i32 to index
      %get3A_134 = tpu.vector_load %arg6[%get3A_133] {strides = array<i32>} : memref<4096xf32, #tpu.memory_space<vmem>>, vector<16xf32>,
      %get3A_135 = arith.index_cast %mul3A_131 : i32 to index
      %get3A_136 = tpu.vector_load %arg7[%get3A_135] {strides = array<i32>} : memref<4096xf32, #tpu.memory_space<vmem>>, vector<16xf32>,
      %bitcast3A = vector.bitcast %get3A_132 : vector<16xf32> to vector<16xi32>
      %add3A_137 = arith.constant 32767 : i32
      %add3A_138 = vector.broadcast %add3A_137 : i32 to vector<16xi32>
      %add3A_139 = arith.addi %bitcast3A, %add3A_138 : vector<16xi32>
      %shift_right_logical3A = arith.constant 16 : i32
      %shift_right_logical3A_140 = vector.broadcast %shift_right_logical3A : i32 to vector<16xi32>
      %shift_right_logical3A_141 = arith.shrui %bitcast3A, %shift_right_logical3A_140 : vector<16xi32>
      %and3A_142 = arith.constant 1 : i32
      %and3A_143 = vector.broadcast %and3A_142 : i32 to vector<16xi32>
      %and3A_144 = arith.andi %shift_right_logical3A_141, %and3A_143 : vector<16xi32>
      %add3A_145 = arith.addi %add3A_139, %and3A_144 : vector<16xi32>
      %and3A_146 = arith.constant -65536 : i32
      %and3A_147 = vector.broadcast %and3A_146 : i32 to vector<16xi32>
      %and3A_148 = arith.andi %add3A_145, %and3A_147 : vector<16xi32>
      %bitcast3A_149 = vector.bitcast %and3A_148 : vector<16xi32> to vector<16xf32>
      %swap3A = arith.index_cast %mul3A_131 : i32 to index
      %swap3A_150 = tpu.vector_load %arg9[%swap3A] {strides = array<i32>} : memref<4096xf32, #tpu.memory_space<vmem>>, vector<16xf32>,
      tpu.vector_store %arg9[%swap3A], %bitcast3A_149 {strides = array<i32>} : memref<4096xf32, #tpu.memory_space<vmem>>, vector<16xf32>,
      %bitcast3A_151 = vector.bitcast %get3A_134 : vector<16xf32> to vector<16xi32>
      %add3A_152 = arith.constant 32767 : i32
      %add3A_153 = vector.broadcast %add3A_152 : i32 to vector<16xi32>
      %add3A_154 = arith.addi %bitcast3A_151, %add3A_153 : vector<16xi32>
      %shift_right_logical3A_155 = arith.constant 16 : i32
      %shift_right_logical3A_156 = vector.broadcast %shift_right_logical3A_155 : i32 to vector<16xi32>
      %shift_right_logical3A_157 = arith.shrui %bitcast3A_151, %shift_right_logical3A_156 : vector<16xi32>
      %and3A_158 = arith.constant 1 : i32
      %and3A_159 = vector.broadcast %and3A_158 : i32 to vector<16xi32>
      %and3A_160 = arith.andi %shift_right_logical3A_157, %and3A_159 : vector<16xi32>
      %add3A_161 = arith.addi %add3A_154, %and3A_160 : vector<16xi32>
      %and3A_162 = arith.constant -65536 : i32
      %and3A_163 = vector.broadcast %and3A_162 : i32 to vector<16xi32>
      %and3A_164 = arith.andi %add3A_161, %and3A_163 : vector<16xi32>
      %bitcast3A_165 = vector.bitcast %and3A_164 : vector<16xi32> to vector<16xf32>
      %swap3A_166 = arith.index_cast %mul3A_131 : i32 to index
      %swap3A_167 = tpu.vector_load %arg10[%swap3A_166] {strides = array<i32>} : memref<4096xf32, #tpu.memory_space<vmem>>, vector<16xf32>,
      tpu.vector_store %arg10[%swap3A_166], %bitcast3A_165 {strides = array<i32>} : memref<4096xf32, #tpu.memory_space<vmem>>, vector<16xf32>,
      %bitcast3A_168 = vector.bitcast %get3A_136 : vector<16xf32> to vector<16xi32>
      %add3A_169 = arith.constant 32767 : i32
      %add3A_170 = vector.broadcast %add3A_169 : i32 to vector<16xi32>
      %add3A_171 = arith.addi %bitcast3A_168, %add3A_170 : vector<16xi32>
      %shift_right_logical3A_172 = arith.constant 16 : i32
      %shift_right_logical3A_173 = vector.broadcast %shift_right_logical3A_172 : i32 to vector<16xi32>
      %shift_right_logical3A_174 = arith.shrui %bitcast3A_168, %shift_right_logical3A_173 : vector<16xi32>
      %and3A_175 = arith.constant 1 : i32
      %and3A_176 = vector.broadcast %and3A_175 : i32 to vector<16xi32>
      %and3A_177 = arith.andi %shift_right_logical3A_174, %and3A_176 : vector<16xi32>
      %add3A_178 = arith.addi %add3A_171, %and3A_177 : vector<16xi32>
      %and3A_179 = arith.constant -65536 : i32
      %and3A_180 = vector.broadcast %and3A_179 : i32 to vector<16xi32>
      %and3A_181 = arith.andi %add3A_178, %and3A_180 : vector<16xi32>
      %bitcast3A_182 = vector.bitcast %and3A_181 : vector<16xi32> to vector<16xf32>
      %swap3A_183 = arith.index_cast %mul3A_131 : i32 to index
      %swap3A_184 = tpu.vector_load %arg11[%swap3A_183] {strides = array<i32>} : memref<4096xf32, #tpu.memory_space<vmem>>, vector<16xf32>,
      tpu.vector_store %arg11[%swap3A_183], %bitcast3A_182 {strides = array<i32>} : memref<4096xf32, #tpu.memory_space<vmem>>, vector<16xf32>,
      %mul3A_185 = arith.mulf %get3A_132, %get3A_132 : vector<16xf32>
      %mul3A_186 = arith.mulf %get3A_134, %get3A_134 : vector<16xf32>
      %add3A_187 = arith.addf %mul3A_185, %mul3A_186 : vector<16xf32>
      %mul3A_188 = arith.mulf %get3A_136, %get3A_136 : vector<16xf32>
      %add3A_189 = arith.addf %add3A_187, %mul3A_188 : vector<16xf32>
      %swap3A_190 = arith.index_cast %mul3A_131 : i32 to index
      %swap3A_191 = tpu.vector_load %arg12[%swap3A_190] {strides = array<i32>} : memref<4096xf32, #tpu.memory_space<vmem>>, vector<16xf32>,
      tpu.vector_store %arg12[%swap3A_190], %add3A_189 {strides = array<i32>} : memref<4096xf32, #tpu.memory_space<vmem>>, vector<16xf32>,
      %scan3A_192 = arith.constant 0 : i32
      scf.yield %scan3A_192 : i32
    }
    %scan3A_84 = arith.constant 256 : i32
    %scan3A_85 = arith.constant 0 : i32
    %scan3A_86 = arith.constant 0 : i32
    %scan3A_87 = arith.constant 64 : i32
    %scan3A_88 = arith.addi %scan3A_86, %scan3A_87 : i32
    %scan3A_89 = arith.constant 1 : i32
    %scan3A_90 = scf.for %scan3A_128 = %scan3A_86 to %scan3A_88 step %scan3A_89 iter_args(%scan3A_129 = %scan3A_85) -> (i32)  : i32 {
      %add3A_130 = vector.broadcast %scan3A_128 : i32 to vector<16xi32>
      %add3A_131 = arith.addi %broadcast_in_dim3A_78, %add3A_130 : vector<16xi32>
      %gather3A = tpu.vector_load_idx %arg13[%add3A_131] : memref<128xf32, #tpu.memory_space<vmem>>[vector<16xi32>], vector<16xf32>,
      %gather3A_132 = tpu.vector_load_idx %arg14[%add3A_131] : memref<128xf32, #tpu.memory_space<vmem>>[vector<16xi32>], vector<16xf32>,
      %gather3A_133 = tpu.vector_load_idx %arg15[%add3A_131] : memref<128xf32, #tpu.memory_space<vmem>>[vector<16xi32>], vector<16xf32>,
      %mul3A_134 = arith.mulf %gather3A, %gather3A : vector<16xf32>
      %mul3A_135 = arith.mulf %gather3A_132, %gather3A_132 : vector<16xf32>
      %add3A_136 = arith.addf %mul3A_134, %mul3A_135 : vector<16xf32>
      %mul3A_137 = arith.mulf %gather3A_133, %gather3A_133 : vector<16xf32>
      %add3A_138 = arith.addf %add3A_136, %mul3A_137 : vector<16xf32>
      %bitcast3A = vector.bitcast %gather3A : vector<16xf32> to vector<16xi32>
      %add3A_139 = arith.constant 32767 : i32
      %add3A_140 = vector.broadcast %add3A_139 : i32 to vector<16xi32>
      %add3A_141 = arith.addi %bitcast3A, %add3A_140 : vector<16xi32>
      %shift_right_logical3A = arith.constant 16 : i32
      %shift_right_logical3A_142 = vector.broadcast %shift_right_logical3A : i32 to vector<16xi32>
      %shift_right_logical3A_143 = arith.shrui %bitcast3A, %shift_right_logical3A_142 : vector<16xi32>
      %and3A_144 = arith.constant 1 : i32
      %and3A_145 = vector.broadcast %and3A_144 : i32 to vector<16xi32>
      %and3A_146 = arith.andi %shift_right_logical3A_143, %and3A_145 : vector<16xi32>
      %add3A_147 = arith.addi %add3A_141, %and3A_146 : vector<16xi32>
      %and3A_148 = arith.constant -65536 : i32
      %and3A_149 = vector.broadcast %and3A_148 : i32 to vector<16xi32>
      %and3A_150 = arith.andi %add3A_147, %and3A_149 : vector<16xi32>
      %bitcast3A_151 = vector.bitcast %and3A_150 : vector<16xi32> to vector<16xf32>
      %bitcast3A_152 = vector.bitcast %gather3A_132 : vector<16xf32> to vector<16xi32>
      %add3A_153 = arith.constant 32767 : i32
      %add3A_154 = vector.broadcast %add3A_153 : i32 to vector<16xi32>
      %add3A_155 = arith.addi %bitcast3A_152, %add3A_154 : vector<16xi32>
      %shift_right_logical3A_156 = arith.constant 16 : i32
      %shift_right_logical3A_157 = vector.broadcast %shift_right_logical3A_156 : i32 to vector<16xi32>
      %shift_right_logical3A_158 = arith.shrui %bitcast3A_152, %shift_right_logical3A_157 : vector<16xi32>
      %and3A_159 = arith.constant 1 : i32
      %and3A_160 = vector.broadcast %and3A_159 : i32 to vector<16xi32>
      %and3A_161 = arith.andi %shift_right_logical3A_158, %and3A_160 : vector<16xi32>
      %add3A_162 = arith.addi %add3A_155, %and3A_161 : vector<16xi32>
      %and3A_163 = arith.constant -65536 : i32
      %and3A_164 = vector.broadcast %and3A_163 : i32 to vector<16xi32>
      %and3A_165 = arith.andi %add3A_162, %and3A_164 : vector<16xi32>
      %bitcast3A_166 = vector.bitcast %and3A_165 : vector<16xi32> to vector<16xf32>
      %bitcast3A_167 = vector.bitcast %gather3A_133 : vector<16xf32> to vector<16xi32>
      %add3A_168 = arith.constant 32767 : i32
      %add3A_169 = vector.broadcast %add3A_168 : i32 to vector<16xi32>
      %add3A_170 = arith.addi %bitcast3A_167, %add3A_169 : vector<16xi32>
      %shift_right_logical3A_171 = arith.constant 16 : i32
      %shift_right_logical3A_172 = vector.broadcast %shift_right_logical3A_171 : i32 to vector<16xi32>
      %shift_right_logical3A_173 = arith.shrui %bitcast3A_167, %shift_right_logical3A_172 : vector<16xi32>
      %and3A_174 = arith.constant 1 : i32
      %and3A_175 = vector.broadcast %and3A_174 : i32 to vector<16xi32>
      %and3A_176 = arith.andi %shift_right_logical3A_173, %and3A_175 : vector<16xi32>
      %add3A_177 = arith.addi %add3A_170, %and3A_176 : vector<16xi32>
      %and3A_178 = arith.constant -65536 : i32
      %and3A_179 = vector.broadcast %and3A_178 : i32 to vector<16xi32>
      %and3A_180 = arith.andi %add3A_177, %and3A_179 : vector<16xi32>
      %bitcast3A_181 = vector.bitcast %and3A_180 : vector<16xi32> to vector<16xf32>
      %broadcast_in_dim3A_182 = arith.constant 0 : i32
      %broadcast_in_dim3A_183 = vector.broadcast %broadcast_in_dim3A_182 : i32 to vector<16xi32>
      %while3A = arith.constant 0 : i32
      %while3A_184:2 = scf.while (%while3A_224 = %while3A, %while3A_225 = %broadcast_in_dim3A_183) : (i32, vector<16xi32>) -> (i32, vector<16xi32>) {
        %lt3A_226 = arith.constant 32 : i32
        %lt3A_227 = vector.broadcast %lt3A_226 : i32 to vector<16xi32>
        %lt3A_228 = arith.cmpi slt, %while3A_225, %lt3A_227 : vector<16xi32>
        %reduce_or3A = arith.constant 1.000000e+00 : f32
        %reduce_or3A_229 = arith.constant 0.000000e+00 : f32
        %reduce_or3A_230 = vector.broadcast %reduce_or3A : f32 to vector<16xf32>
        %reduce_or3A_231 = vector.broadcast %reduce_or3A_229 : f32 to vector<16xf32>
        %reduce_or3A_232 = arith.select %lt3A_228, %reduce_or3A_230, %reduce_or3A_231 : vector<16xi1>, vector<16xf32>
        %reduce_or3A_233 = arith.constant true
        %reduce_or3A_234 = vector.broadcast %reduce_or3A_233 : i1 to vector<16xi1>
        %reduce_or3A_235 = tpu.scan <max>, %reduce_or3A_232 masked %reduce_or3A_234 : vector<16xf32>, vector<16xi1> -> vector<16xf32>
        %reduce_or3A_236 = vector.extract %reduce_or3A_235[15] : f32 from vector<16xf32>
        %reduce_or3A_237 = arith.constant 0.000000e+00 : f32
        %reduce_or3A_238 = arith.cmpf ogt, %reduce_or3A_236, %reduce_or3A_237 : f32
        %lt3A_239 = arith.constant 64 : i32
        %lt3A_240 = arith.cmpi slt, %while3A_224, %lt3A_239 : i32
        %and3A_241 = arith.andi %reduce_or3A_238, %lt3A_240 : i1
        scf.condition(%and3A_241) %while3A_224, %while3A_225 : i32, vector<16xi32>
      } do {
      ^bb0(%while3A_224: i32, %while3A_225: vector<16xi32>):
        %mul3A_226 = arith.constant 64 : i32
        %mul3A_227 = arith.muli %while3A_224, %mul3A_226 : i32
        %add3A_228 = arith.constant 0 : i32
        %add3A_229 = arith.addi %mul3A_227, %add3A_228 : i32
        %add3A_230 = vector.broadcast %add3A_229 : i32 to vector<16xi32>
        %add3A_231 = arith.addi %add3A_230, %iota3A : vector<16xi32>
        %get3A = arith.index_cast %add3A_229 : i32 to index
        %get3A_232 = tpu.vector_load %arg9[%get3A] {strides = array<i32>} : memref<4096xf32, #tpu.memory_space<vmem>>, vector<16xf32>,
        %mul3A_233 = arith.mulf %get3A_232, %bitcast3A_151 : vector<16xf32>
        %get3A_234 = arith.index_cast %add3A_229 : i32 to index
        %get3A_235 = tpu.vector_load %arg10[%get3A_234] {strides = array<i32>} : memref<4096xf32, #tpu.memory_space<vmem>>, vector<16xf32>,
        %mul3A_236 = arith.mulf %get3A_235, %bitcast3A_166 : vector<16xf32>
        %add3A_237 = arith.addf %mul3A_233, %mul3A_236 : vector<16xf32>
        %get3A_238 = arith.index_cast %add3A_229 : i32 to index
        %get3A_239 = tpu.vector_load %arg11[%get3A_238] {strides = array<i32>} : memref<4096xf32, #tpu.memory_space<vmem>>, vector<16xf32>,
        %mul3A_240 = arith.mulf %get3A_239, %bitcast3A_181 : vector<16xf32>
        %add3A_241 = arith.addf %add3A_237, %mul3A_240 : vector<16xf32>
        %get3A_242 = arith.index_cast %add3A_229 : i32 to index
        %get3A_243 = tpu.vector_load %arg12[%get3A_242] {strides = array<i32>} : memref<4096xf32, #tpu.memory_space<vmem>>, vector<16xf32>,
        %add3A_244 = arith.addf %add3A_138, %get3A_243 : vector<16xf32>
        %mul3A_245 = arith.constant 2.000000e+00 : f32
        %mul3A_246 = vector.broadcast %mul3A_245 : f32 to vector<16xf32>
        %mul3A_247 = arith.mulf %mul3A_246, %add3A_241 : vector<16xf32>
        %sub3A_248 = arith.subf %add3A_244, %mul3A_247 : vector<16xf32>
        %le3A = arith.constant 4.000000e-02 : f32
        %le3A_249 = vector.broadcast %le3A : f32 to vector<16xf32>
        %le3A_250 = arith.cmpf ole, %sub3A_248, %le3A_249 : vector<16xf32>
        %convert_element_type3A = arith.extui %le3A_250 : vector<16xi1> to vector<16xi32>
        %broadcast_in_dim3A_251 = arith.constant true
        %broadcast_in_dim3A_252 = vector.broadcast %broadcast_in_dim3A_251 : i1 to vector<16xi1>
        %masked_cumsum3A = tpu.scan <sum>, %convert_element_type3A masked %broadcast_in_dim3A_252 : vector<16xi32>, vector<16xi1> -> vector<16xi32>
        %sub3A_253 = arith.subi %masked_cumsum3A, %convert_element_type3A : vector<16xi32>
        %add3A_254 = arith.addi %while3A_225, %sub3A_253 : vector<16xi32>
        tpu.vector_store_idx %arg20[%add3A_254], %add3A_231 masked %le3A_250 : memref<128xi32, #tpu.memory_space<vmem>>[vector<16xi32>], vector<16xi32>, vector<16xi1>
        %all_reduce_population_count3A = tpu.all_reduce %le3A_250 {dim = 0 : i64, kind = #tpu.reduction_kind<sum>} : vector<16xi1> -> vector<16xi32>
        %add3A_255 = arith.addi %while3A_225, %all_reduce_population_count3A : vector<16xi32>
        %mul3A_256 = arith.constant 64 : i32
        %mul3A_257 = arith.muli %while3A_224, %mul3A_256 : i32
        %add3A_258 = arith.constant 16 : i32
        %add3A_259 = arith.addi %mul3A_257, %add3A_258 : i32
        %add3A_260 = vector.broadcast %add3A_259 : i32 to vector<16xi32>
        %add3A_261 = arith.addi %add3A_260, %iota3A : vector<16xi32>
        %get3A_262 = arith.index_cast %add3A_259 : i32 to index
        %get3A_263 = tpu.vector_load %arg9[%get3A_262] {strides = array<i32>} : memref<4096xf32, #tpu.memory_space<vmem>>, vector<16xf32>,
        %mul3A_264 = arith.mulf %get3A_263, %bitcast3A_151 : vector<16xf32>
        %get3A_265 = arith.index_cast %add3A_259 : i32 to index
        %get3A_266 = tpu.vector_load %arg10[%get3A_265] {strides = array<i32>} : memref<4096xf32, #tpu.memory_space<vmem>>, vector<16xf32>,
        %mul3A_267 = arith.mulf %get3A_266, %bitcast3A_166 : vector<16xf32>
        %add3A_268 = arith.addf %mul3A_264, %mul3A_267 : vector<16xf32>
        %get3A_269 = arith.index_cast %add3A_259 : i32 to index
        %get3A_270 = tpu.vector_load %arg11[%get3A_269] {strides = array<i32>} : memref<4096xf32, #tpu.memory_space<vmem>>, vector<16xf32>,
        %mul3A_271 = arith.mulf %get3A_270, %bitcast3A_181 : vector<16xf32>
        %add3A_272 = arith.addf %add3A_268, %mul3A_271 : vector<16xf32>
        %get3A_273 = arith.index_cast %add3A_259 : i32 to index
        %get3A_274 = tpu.vector_load %arg12[%get3A_273] {strides = array<i32>} : memref<4096xf32, #tpu.memory_space<vmem>>, vector<16xf32>,
        %add3A_275 = arith.addf %add3A_138, %get3A_274 : vector<16xf32>
        %mul3A_276 = arith.constant 2.000000e+00 : f32
        %mul3A_277 = vector.broadcast %mul3A_276 : f32 to vector<16xf32>
        %mul3A_278 = arith.mulf %mul3A_277, %add3A_272 : vector<16xf32>
        %sub3A_279 = arith.subf %add3A_275, %mul3A_278 : vector<16xf32>
        %le3A_280 = arith.constant 4.000000e-02 : f32
        %le3A_281 = vector.broadcast %le3A_280 : f32 to vector<16xf32>
        %le3A_282 = arith.cmpf ole, %sub3A_279, %le3A_281 : vector<16xf32>
        %convert_element_type3A_283 = arith.extui %le3A_282 : vector<16xi1> to vector<16xi32>
        %broadcast_in_dim3A_284 = arith.constant true
        %broadcast_in_dim3A_285 = vector.broadcast %broadcast_in_dim3A_284 : i1 to vector<16xi1>
        %masked_cumsum3A_286 = tpu.scan <sum>, %convert_element_type3A_283 masked %broadcast_in_dim3A_285 : vector<16xi32>, vector<16xi1> -> vector<16xi32>
        %sub3A_287 = arith.subi %masked_cumsum3A_286, %convert_element_type3A_283 : vector<16xi32>
        %add3A_288 = arith.addi %add3A_255, %sub3A_287 : vector<16xi32>
        tpu.vector_store_idx %arg20[%add3A_288], %add3A_261 masked %le3A_282 : memref<128xi32, #tpu.memory_space<vmem>>[vector<16xi32>], vector<16xi32>, vector<16xi1>
        %all_reduce_population_count3A_289 = tpu.all_reduce %le3A_282 {dim = 0 : i64, kind = #tpu.reduction_kind<sum>} : vector<16xi1> -> vector<16xi32>
        %add3A_290 = arith.addi %add3A_255, %all_reduce_population_count3A_289 : vector<16xi32>
        %mul3A_291 = arith.constant 64 : i32
        %mul3A_292 = arith.muli %while3A_224, %mul3A_291 : i32
        %add3A_293 = arith.constant 32 : i32
        %add3A_294 = arith.addi %mul3A_292, %add3A_293 : i32
        %add3A_295 = vector.broadcast %add3A_294 : i32 to vector<16xi32>
        %add3A_296 = arith.addi %add3A_295, %iota3A : vector<16xi32>
        %get3A_297 = arith.index_cast %add3A_294 : i32 to index
        %get3A_298 = tpu.vector_load %arg9[%get3A_297] {strides = array<i32>} : memref<4096xf32, #tpu.memory_space<vmem>>, vector<16xf32>,
        %mul3A_299 = arith.mulf %get3A_298, %bitcast3A_151 : vector<16xf32>
        %get3A_300 = arith.index_cast %add3A_294 : i32 to index
        %get3A_301 = tpu.vector_load %arg10[%get3A_300] {strides = array<i32>} : memref<4096xf32, #tpu.memory_space<vmem>>, vector<16xf32>,
        %mul3A_302 = arith.mulf %get3A_301, %bitcast3A_166 : vector<16xf32>
        %add3A_303 = arith.addf %mul3A_299, %mul3A_302 : vector<16xf32>
        %get3A_304 = arith.index_cast %add3A_294 : i32 to index
        %get3A_305 = tpu.vector_load %arg11[%get3A_304] {strides = array<i32>} : memref<4096xf32, #tpu.memory_space<vmem>>, vector<16xf32>,
        %mul3A_306 = arith.mulf %get3A_305, %bitcast3A_181 : vector<16xf32>
        %add3A_307 = arith.addf %add3A_303, %mul3A_306 : vector<16xf32>
        %get3A_308 = arith.index_cast %add3A_294 : i32 to index
        %get3A_309 = tpu.vector_load %arg12[%get3A_308] {strides = array<i32>} : memref<4096xf32, #tpu.memory_space<vmem>>, vector<16xf32>,
        %add3A_310 = arith.addf %add3A_138, %get3A_309 : vector<16xf32>
        %mul3A_311 = arith.constant 2.000000e+00 : f32
        %mul3A_312 = vector.broadcast %mul3A_311 : f32 to vector<16xf32>
        %mul3A_313 = arith.mulf %mul3A_312, %add3A_307 : vector<16xf32>
        %sub3A_314 = arith.subf %add3A_310, %mul3A_313 : vector<16xf32>
        %le3A_315 = arith.constant 4.000000e-02 : f32
        %le3A_316 = vector.broadcast %le3A_315 : f32 to vector<16xf32>
        %le3A_317 = arith.cmpf ole, %sub3A_314, %le3A_316 : vector<16xf32>
        %convert_element_type3A_318 = arith.extui %le3A_317 : vector<16xi1> to vector<16xi32>
        %broadcast_in_dim3A_319 = arith.constant true
        %broadcast_in_dim3A_320 = vector.broadcast %broadcast_in_dim3A_319 : i1 to vector<16xi1>
        %masked_cumsum3A_321 = tpu.scan <sum>, %convert_element_type3A_318 masked %broadcast_in_dim3A_320 : vector<16xi32>, vector<16xi1> -> vector<16xi32>
        %sub3A_322 = arith.subi %masked_cumsum3A_321, %convert_element_type3A_318 : vector<16xi32>
        %add3A_323 = arith.addi %add3A_290, %sub3A_322 : vector<16xi32>
        tpu.vector_store_idx %arg20[%add3A_323], %add3A_296 masked %le3A_317 : memref<128xi32, #tpu.memory_space<vmem>>[vector<16xi32>], vector<16xi32>, vector<16xi1>
        %all_reduce_population_count3A_324 = tpu.all_reduce %le3A_317 {dim = 0 : i64, kind = #tpu.reduction_kind<sum>} : vector<16xi1> -> vector<16xi32>
        %add3A_325 = arith.addi %add3A_290, %all_reduce_population_count3A_324 : vector<16xi32>
        %mul3A_326 = arith.constant 64 : i32
        %mul3A_327 = arith.muli %while3A_224, %mul3A_326 : i32
        %add3A_328 = arith.constant 48 : i32
        %add3A_329 = arith.addi %mul3A_327, %add3A_328 : i32
        %add3A_330 = vector.broadcast %add3A_329 : i32 to vector<16xi32>
        %add3A_331 = arith.addi %add3A_330, %iota3A : vector<16xi32>
        %get3A_332 = arith.index_cast %add3A_329 : i32 to index
        %get3A_333 = tpu.vector_load %arg9[%get3A_332] {strides = array<i32>} : memref<4096xf32, #tpu.memory_space<vmem>>, vector<16xf32>,
        %mul3A_334 = arith.mulf %get3A_333, %bitcast3A_151 : vector<16xf32>
        %get3A_335 = arith.index_cast %add3A_329 : i32 to index
        %get3A_336 = tpu.vector_load %arg10[%get3A_335] {strides = array<i32>} : memref<4096xf32, #tpu.memory_space<vmem>>, vector<16xf32>,
        %mul3A_337 = arith.mulf %get3A_336, %bitcast3A_166 : vector<16xf32>
        %add3A_338 = arith.addf %mul3A_334, %mul3A_337 : vector<16xf32>
        %get3A_339 = arith.index_cast %add3A_329 : i32 to index
        %get3A_340 = tpu.vector_load %arg11[%get3A_339] {strides = array<i32>} : memref<4096xf32, #tpu.memory_space<vmem>>, vector<16xf32>,
        %mul3A_341 = arith.mulf %get3A_340, %bitcast3A_181 : vector<16xf32>
        %add3A_342 = arith.addf %add3A_338, %mul3A_341 : vector<16xf32>
        %get3A_343 = arith.index_cast %add3A_329 : i32 to index
        %get3A_344 = tpu.vector_load %arg12[%get3A_343] {strides = array<i32>} : memref<4096xf32, #tpu.memory_space<vmem>>, vector<16xf32>,
        %add3A_345 = arith.addf %add3A_138, %get3A_344 : vector<16xf32>
        %mul3A_346 = arith.constant 2.000000e+00 : f32
        %mul3A_347 = vector.broadcast %mul3A_346 : f32 to vector<16xf32>
        %mul3A_348 = arith.mulf %mul3A_347, %add3A_342 : vector<16xf32>
        %sub3A_349 = arith.subf %add3A_345, %mul3A_348 : vector<16xf32>
        %le3A_350 = arith.constant 4.000000e-02 : f32
        %le3A_351 = vector.broadcast %le3A_350 : f32 to vector<16xf32>
        %le3A_352 = arith.cmpf ole, %sub3A_349, %le3A_351 : vector<16xf32>
        %convert_element_type3A_353 = arith.extui %le3A_352 : vector<16xi1> to vector<16xi32>
        %broadcast_in_dim3A_354 = arith.constant true
        %broadcast_in_dim3A_355 = vector.broadcast %broadcast_in_dim3A_354 : i1 to vector<16xi1>
        %masked_cumsum3A_356 = tpu.scan <sum>, %convert_element_type3A_353 masked %broadcast_in_dim3A_355 : vector<16xi32>, vector<16xi1> -> vector<16xi32>
        %sub3A_357 = arith.subi %masked_cumsum3A_356, %convert_element_type3A_353 : vector<16xi32>
        %add3A_358 = arith.addi %add3A_325, %sub3A_357 : vector<16xi32>
        tpu.vector_store_idx %arg20[%add3A_358], %add3A_331 masked %le3A_352 : memref<128xi32, #tpu.memory_space<vmem>>[vector<16xi32>], vector<16xi32>, vector<16xi1>
        %all_reduce_population_count3A_359 = tpu.all_reduce %le3A_352 {dim = 0 : i64, kind = #tpu.reduction_kind<sum>} : vector<16xi1> -> vector<16xi32>
        %add3A_360 = arith.addi %add3A_325, %all_reduce_population_count3A_359 : vector<16xi32>
        %add3A_361 = arith.constant 1 : i32
        %add3A_362 = arith.addi %while3A_224, %add3A_361 : i32
        scf.yield %add3A_362, %add3A_360 : i32, vector<16xi32>
      }
      %lt3A_185 = arith.constant 0 : i32
      %lt3A_186 = vector.broadcast %lt3A_185 : i32 to vector<16xi32>
      %lt3A_187 = arith.cmpi slt, %while3A_184#1, %lt3A_186 : vector<16xi32>
      %select_n3A_188 = arith.select %lt3A_187, %iota3A, %broadcast_in_dim3A_78 : vector<16xi1>, vector<16xi32>
      %gather3A_189 = tpu.vector_load_idx %arg20[%select_n3A_188] : memref<128xi32, #tpu.memory_space<vmem>>[vector<16xi32>], vector<16xi32>,
      %add3A_190 = arith.constant 0 : i32
      %add3A_191 = vector.broadcast %add3A_190 : i32 to vector<16xi32>
      %add3A_192 = arith.addi %add3A_191, %iota3A : vector<16xi32>
      %gather3A_193 = tpu.vector_load_idx %arg20[%add3A_192] : memref<128xi32, #tpu.memory_space<vmem>>[vector<16xi32>], vector<16xi32>,
      %ge3A = arith.cmpi sge, %add3A_192, %while3A_184#1 : vector<16xi32>
      %select_n3A_194 = arith.select %ge3A, %gather3A_189, %gather3A_193 : vector<16xi1>, vector<16xi32>
      %mul3A_195 = arith.constant 32 : i32
      %mul3A_196 = arith.muli %scan3A_128, %mul3A_195 : i32
      %add3A_197 = vector.broadcast %mul3A_196 : i32 to vector<16xi32>
      %add3A_198 = arith.addi %add3A_197, %add3A_192 : vector<16xi32>
      %gather3A_199 = tpu.vector_load_idx %arg5[%select_n3A_194] : memref<4096xf32, #tpu.memory_space<vmem>>[vector<16xi32>], vector<16xf32>,
      %sub3A_200 = arith.subf %gather3A_199, %gather3A : vector<16xf32>
      tpu.vector_store_idx %arg16[%add3A_198], %sub3A_200 : memref<2048xf32, #tpu.memory_space<vmem>>[vector<16xi32>], vector<16xf32>,
      %gather3A_201 = tpu.vector_load_idx %arg6[%select_n3A_194] : memref<4096xf32, #tpu.memory_space<vmem>>[vector<16xi32>], vector<16xf32>,
      %sub3A_202 = arith.subf %gather3A_201, %gather3A_132 : vector<16xf32>
      tpu.vector_store_idx %arg17[%add3A_198], %sub3A_202 : memref<2048xf32, #tpu.memory_space<vmem>>[vector<16xi32>], vector<16xf32>,
      %gather3A_203 = tpu.vector_load_idx %arg7[%select_n3A_194] : memref<4096xf32, #tpu.memory_space<vmem>>[vector<16xi32>], vector<16xf32>,
      %sub3A_204 = arith.subf %gather3A_203, %gather3A_133 : vector<16xf32>
      tpu.vector_store_idx %arg18[%add3A_198], %sub3A_204 : memref<2048xf32, #tpu.memory_space<vmem>>[vector<16xi32>], vector<16xf32>,
      %gather3A_205 = tpu.vector_load_idx %arg8[%select_n3A_194] : memref<4096xf32, #tpu.memory_space<vmem>>[vector<16xi32>], vector<16xf32>,
      tpu.vector_store_idx %arg19[%add3A_198], %gather3A_205 : memref<2048xf32, #tpu.memory_space<vmem>>[vector<16xi32>], vector<16xf32>,
      %add3A_206 = arith.constant 16 : i32
      %add3A_207 = vector.broadcast %add3A_206 : i32 to vector<16xi32>
      %add3A_208 = arith.addi %add3A_207, %iota3A : vector<16xi32>
      %gather3A_209 = tpu.vector_load_idx %arg20[%add3A_208] : memref<128xi32, #tpu.memory_space<vmem>>[vector<16xi32>], vector<16xi32>,
      %ge3A_210 = arith.cmpi sge, %add3A_208, %while3A_184#1 : vector<16xi32>
      %select_n3A_211 = arith.select %ge3A_210, %gather3A_189, %gather3A_209 : vector<16xi1>, vector<16xi32>
      %mul3A_212 = arith.constant 32 : i32
      %mul3A_213 = arith.muli %scan3A_128, %mul3A_212 : i32
      %add3A_214 = vector.broadcast %mul3A_213 : i32 to vector<16xi32>
      %add3A_215 = arith.addi %add3A_214, %add3A_208 : vector<16xi32>
      %gather3A_216 = tpu.vector_load_idx %arg5[%select_n3A_211] : memref<4096xf32, #tpu.memory_space<vmem>>[vector<16xi32>], vector<16xf32>,
      %sub3A_217 = arith.subf %gather3A_216, %gather3A : vector<16xf32>
      tpu.vector_store_idx %arg16[%add3A_215], %sub3A_217 : memref<2048xf32, #tpu.memory_space<vmem>>[vector<16xi32>], vector<16xf32>,
      %gather3A_218 = tpu.vector_load_idx %arg6[%select_n3A_211] : memref<4096xf32, #tpu.memory_space<vmem>>[vector<16xi32>], vector<16xf32>,
      %sub3A_219 = arith.subf %gather3A_218, %gather3A_132 : vector<16xf32>
      tpu.vector_store_idx %arg17[%add3A_215], %sub3A_219 : memref<2048xf32, #tpu.memory_space<vmem>>[vector<16xi32>], vector<16xf32>,
      %gather3A_220 = tpu.vector_load_idx %arg7[%select_n3A_211] : memref<4096xf32, #tpu.memory_space<vmem>>[vector<16xi32>], vector<16xf32>,
      %sub3A_221 = arith.subf %gather3A_220, %gather3A_133 : vector<16xf32>
      tpu.vector_store_idx %arg18[%add3A_215], %sub3A_221 : memref<2048xf32, #tpu.memory_space<vmem>>[vector<16xi32>], vector<16xf32>,
      %gather3A_222 = tpu.vector_load_idx %arg8[%select_n3A_211] : memref<4096xf32, #tpu.memory_space<vmem>>[vector<16xi32>], vector<16xf32>,
      tpu.vector_store_idx %arg19[%add3A_215], %gather3A_222 : memref<2048xf32, #tpu.memory_space<vmem>>[vector<16xi32>], vector<16xf32>,
      %scan3A_223 = arith.constant 0 : i32
      scf.yield %scan3A_223 : i32
    }
    %scan3A_91 = arith.constant 64 : i32
    %mul3A_92 = arith.constant 4 : i32
    %mul3A_93 = arith.muli %select_n3A, %mul3A_92 : i32
    %add3A_94 = arith.constant 0 : i32
    %add3A_95 = arith.addi %mul3A_93, %add3A_94 : i32
    %mul3A_96 = arith.constant 16384 : i32
    %mul3A_97 = arith.muli %add3A_95, %mul3A_96 : i32
    %mul3A_98 = arith.constant 32 : i32
    %mul3A_99 = arith.muli %mul3A_32, %mul3A_98 : i32
    %add3A_100 = arith.addi %mul3A_97, %mul3A_99 : i32
    "tpu.region"() ({
      %run_scoped3A = tpu.sem_alloc : memref<!tpu.dma_semaphore, #tpu.memory_space<semaphore_mem>>
      %dma_start3A = tpu.memref_slice %arg4[%add3A_100] : memref<262144xf32, #tpu.memory_space<hbm>> -> memref<2048xf32, #tpu.memory_space<hbm>>
      %dma_start3A_128 = tpu.memref_slice %arg4[%add3A_100] : memref<262144xf32, #tpu.memory_space<hbm>> -> memref<2048xf32, #tpu.memory_space<hbm>>
      tpu.enqueue_dma source(%arg16 : memref<2048xf32, #tpu.memory_space<vmem>>) target(%dma_start3A_128 : memref<2048xf32, #tpu.memory_space<hbm>>) target_semaphore(%run_scoped3A : memref<!tpu.dma_semaphore, #tpu.memory_space<semaphore_mem>>)
      %dma_wait3A = tpu.memref_slice %arg4[%add3A_100] : memref<262144xf32, #tpu.memory_space<hbm>> -> memref<2048xf32, #tpu.memory_space<hbm>>
      %dma_wait3A_129 = tpu.memref_slice %arg4[%add3A_100] : memref<262144xf32, #tpu.memory_space<hbm>> -> memref<2048xf32, #tpu.memory_space<hbm>>
      tpu.wait_dma2 semaphore(%run_scoped3A : memref<!tpu.dma_semaphore, #tpu.memory_space<semaphore_mem>>) src(%arg16 : memref<2048xf32, #tpu.memory_space<vmem>>) dst(%dma_wait3A_129 : memref<2048xf32, #tpu.memory_space<hbm>>)
      tpu.yield
    }) : () -> ()
    %mul3A_101 = arith.constant 4 : i32
    %mul3A_102 = arith.muli %select_n3A, %mul3A_101 : i32
    %add3A_103 = arith.constant 1 : i32
    %add3A_104 = arith.addi %mul3A_102, %add3A_103 : i32
    %mul3A_105 = arith.constant 16384 : i32
    %mul3A_106 = arith.muli %add3A_104, %mul3A_105 : i32
    %mul3A_107 = arith.constant 32 : i32
    %mul3A_108 = arith.muli %mul3A_32, %mul3A_107 : i32
    %add3A_109 = arith.addi %mul3A_106, %mul3A_108 : i32
    "tpu.region"() ({
      %run_scoped3A = tpu.sem_alloc : memref<!tpu.dma_semaphore, #tpu.memory_space<semaphore_mem>>
      %dma_start3A = tpu.memref_slice %arg4[%add3A_109] : memref<262144xf32, #tpu.memory_space<hbm>> -> memref<2048xf32, #tpu.memory_space<hbm>>
      %dma_start3A_128 = tpu.memref_slice %arg4[%add3A_109] : memref<262144xf32, #tpu.memory_space<hbm>> -> memref<2048xf32, #tpu.memory_space<hbm>>
      tpu.enqueue_dma source(%arg17 : memref<2048xf32, #tpu.memory_space<vmem>>) target(%dma_start3A_128 : memref<2048xf32, #tpu.memory_space<hbm>>) target_semaphore(%run_scoped3A : memref<!tpu.dma_semaphore, #tpu.memory_space<semaphore_mem>>)
      %dma_wait3A = tpu.memref_slice %arg4[%add3A_109] : memref<262144xf32, #tpu.memory_space<hbm>> -> memref<2048xf32, #tpu.memory_space<hbm>>
      %dma_wait3A_129 = tpu.memref_slice %arg4[%add3A_109] : memref<262144xf32, #tpu.memory_space<hbm>> -> memref<2048xf32, #tpu.memory_space<hbm>>
      tpu.wait_dma2 semaphore(%run_scoped3A : memref<!tpu.dma_semaphore, #tpu.memory_space<semaphore_mem>>) src(%arg17 : memref<2048xf32, #tpu.memory_space<vmem>>) dst(%dma_wait3A_129 : memref<2048xf32, #tpu.memory_space<hbm>>)
      tpu.yield
    }) : () -> ()
    %mul3A_110 = arith.constant 4 : i32
    %mul3A_111 = arith.muli %select_n3A, %mul3A_110 : i32
    %add3A_112 = arith.constant 2 : i32
    %add3A_113 = arith.addi %mul3A_111, %add3A_112 : i32
    %mul3A_114 = arith.constant 16384 : i32
    %mul3A_115 = arith.muli %add3A_113, %mul3A_114 : i32
    %mul3A_116 = arith.constant 32 : i32
    %mul3A_117 = arith.muli %mul3A_32, %mul3A_116 : i32
    %add3A_118 = arith.addi %mul3A_115, %mul3A_117 : i32
    "tpu.region"() ({
      %run_scoped3A = tpu.sem_alloc : memref<!tpu.dma_semaphore, #tpu.memory_space<semaphore_mem>>
      %dma_start3A = tpu.memref_slice %arg4[%add3A_118] : memref<262144xf32, #tpu.memory_space<hbm>> -> memref<2048xf32, #tpu.memory_space<hbm>>
      %dma_start3A_128 = tpu.memref_slice %arg4[%add3A_118] : memref<262144xf32, #tpu.memory_space<hbm>> -> memref<2048xf32, #tpu.memory_space<hbm>>
      tpu.enqueue_dma source(%arg18 : memref<2048xf32, #tpu.memory_space<vmem>>) target(%dma_start3A_128 : memref<2048xf32, #tpu.memory_space<hbm>>) target_semaphore(%run_scoped3A : memref<!tpu.dma_semaphore, #tpu.memory_space<semaphore_mem>>)
      %dma_wait3A = tpu.memref_slice %arg4[%add3A_118] : memref<262144xf32, #tpu.memory_space<hbm>> -> memref<2048xf32, #tpu.memory_space<hbm>>
      %dma_wait3A_129 = tpu.memref_slice %arg4[%add3A_118] : memref<262144xf32, #tpu.memory_space<hbm>> -> memref<2048xf32, #tpu.memory_space<hbm>>
      tpu.wait_dma2 semaphore(%run_scoped3A : memref<!tpu.dma_semaphore, #tpu.memory_space<semaphore_mem>>) src(%arg18 : memref<2048xf32, #tpu.memory_space<vmem>>) dst(%dma_wait3A_129 : memref<2048xf32, #tpu.memory_space<hbm>>)
      tpu.yield
    }) : () -> ()
    %mul3A_119 = arith.constant 4 : i32
    %mul3A_120 = arith.muli %select_n3A, %mul3A_119 : i32
    %add3A_121 = arith.constant 3 : i32
    %add3A_122 = arith.addi %mul3A_120, %add3A_121 : i32
    %mul3A_123 = arith.constant 16384 : i32
    %mul3A_124 = arith.muli %add3A_122, %mul3A_123 : i32
    %mul3A_125 = arith.constant 32 : i32
    %mul3A_126 = arith.muli %mul3A_32, %mul3A_125 : i32
    %add3A_127 = arith.addi %mul3A_124, %mul3A_126 : i32
    "tpu.region"() ({
      %run_scoped3A = tpu.sem_alloc : memref<!tpu.dma_semaphore, #tpu.memory_space<semaphore_mem>>
      %dma_start3A = tpu.memref_slice %arg4[%add3A_127] : memref<262144xf32, #tpu.memory_space<hbm>> -> memref<2048xf32, #tpu.memory_space<hbm>>
      %dma_start3A_128 = tpu.memref_slice %arg4[%add3A_127] : memref<262144xf32, #tpu.memory_space<hbm>> -> memref<2048xf32, #tpu.memory_space<hbm>>
      tpu.enqueue_dma source(%arg19 : memref<2048xf32, #tpu.memory_space<vmem>>) target(%dma_start3A_128 : memref<2048xf32, #tpu.memory_space<hbm>>) target_semaphore(%run_scoped3A : memref<!tpu.dma_semaphore, #tpu.memory_space<semaphore_mem>>)
      %dma_wait3A = tpu.memref_slice %arg4[%add3A_127] : memref<262144xf32, #tpu.memory_space<hbm>> -> memref<2048xf32, #tpu.memory_space<hbm>>
      %dma_wait3A_129 = tpu.memref_slice %arg4[%add3A_127] : memref<262144xf32, #tpu.memory_space<hbm>> -> memref<2048xf32, #tpu.memory_space<hbm>>
      tpu.wait_dma2 semaphore(%run_scoped3A : memref<!tpu.dma_semaphore, #tpu.memory_space<semaphore_mem>>) src(%arg19 : memref<2048xf32, #tpu.memory_space<vmem>>) dst(%dma_wait3A_129 : memref<2048xf32, #tpu.memory_space<hbm>>)
      tpu.yield
    }) : () -> ()
    return
  }
}

#map = affine_map<(d0, d1) -> (0, 0)>
#map1 = affine_map<(d0, d1) -> (0)>
module attributes {stable_mosaic.version = 14 : i64} {
  func.func @run(%arg0: i32, %arg1: i32, %arg2: memref<2048x128xf32, #tpu.memory_space<hbm>>, %arg3: memref<32768xi32, #tpu.memory_space<hbm>>, %arg4: memref<32768x128xf32, #tpu.memory_space<hbm>>, %arg5: memref<128xi32, #tpu.memory_space<vmem>>, %arg6: memref<128x128xf32, #tpu.memory_space<vmem>>, %arg7: memref<!tpu.dma_semaphore, #tpu.memory_space<semaphore_mem>>) attributes {dimension_semantics = [#tpu.dimension_semantics<core_parallel>, #tpu.dimension_semantics<subcore_parallel>], iteration_bounds = array<i64: 2, 16>, scalar_prefetch = 0 : i64, scratch_operands = 3 : i64, tpu.core_type = #tpu.core_type<sc_vector_subcore>, window_params = [{transform_indices = #map}, {transform_indices = #map1}, {transform_indices = #map}]} {
    %mul3A = arith.constant 2 : i32
    %mul3A_0 = arith.muli %arg1, %mul3A : i32
    %add3A = arith.addi %mul3A_0, %arg0 : i32
    %mul3A_1 = arith.constant 1024 : i32
    %mul3A_2 = arith.muli %add3A, %mul3A_1 : i32
    %scan3A = arith.constant 0 : i32
    %scan3A_3 = arith.constant 0 : i32
    %scan3A_4 = arith.constant 8 : i32
    %scan3A_5 = arith.addi %scan3A_3, %scan3A_4 : i32
    %scan3A_6 = arith.constant 1 : i32
    %scan3A_7 = scf.for %scan3A_9 = %scan3A_3 to %scan3A_5 step %scan3A_6 iter_args(%scan3A_10 = %scan3A) -> (i32)  : i32 {
      %mul3A_11 = arith.constant 128 : i32
      %mul3A_12 = arith.muli %scan3A_9, %mul3A_11 : i32
      %add3A_13 = arith.addi %mul3A_2, %mul3A_12 : i32
      "tpu.region"() ({
        %run_scoped3A = tpu.sem_alloc : memref<!tpu.dma_semaphore, #tpu.memory_space<semaphore_mem>>
        %dma_start3A_19 = tpu.memref_slice %arg3[%add3A_13] : memref<32768xi32, #tpu.memory_space<hbm>> -> memref<128xi32, #tpu.memory_space<hbm>>
        %dma_start3A_20 = tpu.memref_slice %arg3[%add3A_13] : memref<32768xi32, #tpu.memory_space<hbm>> -> memref<128xi32, #tpu.memory_space<hbm>>
        tpu.enqueue_dma source(%dma_start3A_20 : memref<128xi32, #tpu.memory_space<hbm>>) target(%arg5 : memref<128xi32, #tpu.memory_space<vmem>>) target_semaphore(%run_scoped3A : memref<!tpu.dma_semaphore, #tpu.memory_space<semaphore_mem>>)
        %dma_wait3A_21 = tpu.memref_slice %arg3[%add3A_13] : memref<32768xi32, #tpu.memory_space<hbm>> -> memref<128xi32, #tpu.memory_space<hbm>>
        %dma_wait3A_22 = tpu.memref_slice %arg3[%add3A_13] : memref<32768xi32, #tpu.memory_space<hbm>> -> memref<128xi32, #tpu.memory_space<hbm>>
        tpu.wait_dma2 semaphore(%run_scoped3A : memref<!tpu.dma_semaphore, #tpu.memory_space<semaphore_mem>>) src(%dma_wait3A_22 : memref<128xi32, #tpu.memory_space<hbm>>) dst(%arg5 : memref<128xi32, #tpu.memory_space<vmem>>)
        tpu.yield
      }) : () -> ()
      %dma_start3A = arith.constant 0 : i32
      %dma_start3A_14 = arith.constant 0 : i32
      %dma_start3A_15 = tpu.memref_slice %arg2[%dma_start3A, %dma_start3A_14] : memref<2048x128xf32, #tpu.memory_space<hbm>> -> memref<2048x128xf32, #tpu.memory_space<hbm>>
      tpu.enqueue_indirect_dma source(%dma_start3A_15 : memref<2048x128xf32, #tpu.memory_space<hbm>>) target(%arg6 : memref<128x128xf32, #tpu.memory_space<vmem>>) offsets(%arg5 : memref<128xi32, #tpu.memory_space<vmem>>) semaphore(%arg7 : memref<!tpu.dma_semaphore, #tpu.memory_space<semaphore_mem>>)
      %dma_wait3A = arith.constant 0 : i32
      %dma_wait3A_16 = arith.constant 0 : i32
      %dma_wait3A_17 = tpu.memref_slice %arg2[%dma_wait3A, %dma_wait3A_16] : memref<2048x128xf32, #tpu.memory_space<hbm>> -> memref<2048x128xf32, #tpu.memory_space<hbm>>
      tpu.wait_indirect_dma semaphore(%arg7 : memref<!tpu.dma_semaphore, #tpu.memory_space<semaphore_mem>>) src(%dma_wait3A_17 : memref<2048x128xf32, #tpu.memory_space<hbm>>) dst(%arg6 : memref<128x128xf32, #tpu.memory_space<vmem>>)
      "tpu.region"() ({
        %run_scoped3A = tpu.sem_alloc : memref<!tpu.dma_semaphore, #tpu.memory_space<semaphore_mem>>
        %dma_start3A_19 = arith.constant 0 : i32
        %dma_start3A_20 = tpu.memref_slice %arg4[%add3A_13, %dma_start3A_19] : memref<32768x128xf32, #tpu.memory_space<hbm>> -> memref<128x128xf32, #tpu.memory_space<hbm>>
        %dma_start3A_21 = arith.constant 0 : i32
        %dma_start3A_22 = tpu.memref_slice %arg4[%add3A_13, %dma_start3A_21] : memref<32768x128xf32, #tpu.memory_space<hbm>> -> memref<128x128xf32, #tpu.memory_space<hbm>>
        tpu.enqueue_dma source(%arg6 : memref<128x128xf32, #tpu.memory_space<vmem>>) target(%dma_start3A_22 : memref<128x128xf32, #tpu.memory_space<hbm>>) target_semaphore(%run_scoped3A : memref<!tpu.dma_semaphore, #tpu.memory_space<semaphore_mem>>)
        %dma_wait3A_23 = arith.constant 0 : i32
        %dma_wait3A_24 = tpu.memref_slice %arg4[%add3A_13, %dma_wait3A_23] : memref<32768x128xf32, #tpu.memory_space<hbm>> -> memref<128x128xf32, #tpu.memory_space<hbm>>
        %dma_wait3A_25 = arith.constant 0 : i32
        %dma_wait3A_26 = tpu.memref_slice %arg4[%add3A_13, %dma_wait3A_25] : memref<32768x128xf32, #tpu.memory_space<hbm>> -> memref<128x128xf32, #tpu.memory_space<hbm>>
        tpu.wait_dma2 semaphore(%run_scoped3A : memref<!tpu.dma_semaphore, #tpu.memory_space<semaphore_mem>>) src(%arg6 : memref<128x128xf32, #tpu.memory_space<vmem>>) dst(%dma_wait3A_26 : memref<128x128xf32, #tpu.memory_space<hbm>>)
        tpu.yield
      }) : () -> ()
      %scan3A_18 = arith.constant 0 : i32
      scf.yield %scan3A_18 : i32
    }
    %scan3A_8 = arith.constant 8 : i32
    return
  }
}

#map = affine_map<(d0, d1) -> (0)>
module attributes {stable_mosaic.version = 14 : i64} {
  func.func @run(%arg0: i32, %arg1: i32, %arg2: memref<6144xf32, #tpu.memory_space<hbm>>, %arg3: memref<1536xf32, #tpu.memory_space<hbm>>, %arg4: memref<98304xf32, #tpu.memory_space<hbm>>, %arg5: memref<32768xi32, #tpu.memory_space<hbm>>, %arg6: memref<512xf32, #tpu.memory_space<vmem>>, %arg7: memref<512xf32, #tpu.memory_space<vmem>>, %arg8: memref<512xf32, #tpu.memory_space<vmem>>, %arg9: memref<512xf32, #tpu.memory_space<vmem>>, %arg10: memref<512xf32, #tpu.memory_space<vmem>>, %arg11: memref<512xf32, #tpu.memory_space<vmem>>, %arg12: memref<512xf32, #tpu.memory_space<vmem>>, %arg13: memref<128xf32, #tpu.memory_space<vmem>>, %arg14: memref<128xf32, #tpu.memory_space<vmem>>, %arg15: memref<128xf32, #tpu.memory_space<vmem>>, %arg16: memref<1024xf32, #tpu.memory_space<vmem>>, %arg17: memref<1024xf32, #tpu.memory_space<vmem>>, %arg18: memref<1024xf32, #tpu.memory_space<vmem>>, %arg19: memref<1024xi32, #tpu.memory_space<vmem>>, %arg20: memref<128xi32, #tpu.memory_space<vmem>>) attributes {dimension_semantics = [#tpu.dimension_semantics<core_parallel>, #tpu.dimension_semantics<subcore_parallel>], iteration_bounds = array<i64: 2, 16>, scalar_prefetch = 0 : i64, scratch_operands = 15 : i64, tpu.core_type = #tpu.core_type<sc_vector_subcore>, window_params = [{transform_indices = #map}, {transform_indices = #map}, {transform_indices = #map}, {transform_indices = #map}]} {
    %mul3A = arith.constant 2 : i32
    %mul3A_0 = arith.muli %arg1, %mul3A : i32
    %add3A = arith.addi %mul3A_0, %arg0 : i32
    %jit3A = arith.constant 8 : i32
    %div3A = arith.divsi %add3A, %jit3A : i32
    %sign3A = arith.constant 0 : i32
    %sign3A_1 = arith.cmpi sgt, %add3A, %sign3A : i32
    %sign3A_2 = arith.extui %sign3A_1 : i1 to i32
    %sign3A_3 = arith.constant 0 : i32
    %sign3A_4 = arith.cmpi slt, %add3A, %sign3A_3 : i32
    %sign3A_5 = arith.extui %sign3A_4 : i1 to i32
    %sign3A_6 = arith.subi %sign3A_2, %sign3A_5 : i32
    %sign3A_7 = arith.constant 0 : i32
    %sign3A_8 = arith.cmpi sgt, %jit3A, %sign3A_7 : i32
    %sign3A_9 = arith.extui %sign3A_8 : i1 to i32
    %sign3A_10 = arith.constant 0 : i32
    %sign3A_11 = arith.cmpi slt, %jit3A, %sign3A_10 : i32
    %sign3A_12 = arith.extui %sign3A_11 : i1 to i32
    %sign3A_13 = arith.subi %sign3A_9, %sign3A_12 : i32
    %ne3A = arith.cmpi ne, %sign3A_6, %sign3A_13 : i32
    %rem3A = arith.remsi %add3A, %jit3A : i32
    %ne3A_14 = arith.constant 0 : i32
    %ne3A_15 = arith.cmpi ne, %rem3A, %ne3A_14 : i32
    %and3A = arith.andi %ne3A, %ne3A_15 : i1
    %sub3A = arith.constant 1 : i32
    %sub3A_16 = arith.subi %div3A, %sub3A : i32
    %select_n3A = arith.select %and3A, %sub3A_16, %div3A : i32
    %jit3A_17 = arith.constant 8 : i32
    %eq3A = arith.constant 0 : i32
    %eq3A_18 = arith.cmpi eq, %jit3A_17, %eq3A : i32
    %jit3A_19 = arith.constant 1 : i32
    %select_n3A_20 = arith.select %eq3A_18, %jit3A_19, %jit3A_17 : i32
    %rem3A_21 = arith.remsi %add3A, %select_n3A_20 : i32
    %ne3A_22 = arith.constant 0 : i32
    %ne3A_23 = arith.cmpi ne, %rem3A_21, %ne3A_22 : i32
    %lt3A = arith.constant 0 : i32
    %lt3A_24 = arith.cmpi slt, %rem3A_21, %lt3A : i32
    %lt3A_25 = arith.constant 0 : i32
    %lt3A_26 = arith.cmpi slt, %select_n3A_20, %lt3A_25 : i32
    %ne3A_27 = arith.xori %lt3A_24, %lt3A_26 : i1
    %and3A_28 = arith.andi %ne3A_27, %ne3A_23 : i1
    %add3A_29 = arith.addi %rem3A_21, %select_n3A_20 : i32
    %select_n3A_30 = arith.select %and3A_28, %add3A_29, %rem3A_21 : i32
    %mul3A_31 = arith.constant 16 : i32
    %mul3A_32 = arith.muli %select_n3A_30, %mul3A_31 : i32
    %mul3A_33 = arith.constant 3 : i32
    %mul3A_34 = arith.muli %select_n3A, %mul3A_33 : i32
    %add3A_35 = arith.constant 0 : i32
    %add3A_36 = arith.addi %mul3A_34, %add3A_35 : i32
    %mul3A_37 = arith.constant 512 : i32
    %mul3A_38 = arith.muli %add3A_36, %mul3A_37 : i32
    "tpu.region"() ({
      %run_scoped3A = tpu.sem_alloc : memref<!tpu.dma_semaphore, #tpu.memory_space<semaphore_mem>>
      %dma_start3A = tpu.memref_slice %arg2[%mul3A_38] : memref<6144xf32, #tpu.memory_space<hbm>> -> memref<512xf32, #tpu.memory_space<hbm>>
      %dma_start3A_117 = tpu.memref_slice %arg2[%mul3A_38] : memref<6144xf32, #tpu.memory_space<hbm>> -> memref<512xf32, #tpu.memory_space<hbm>>
      tpu.enqueue_dma source(%dma_start3A_117 : memref<512xf32, #tpu.memory_space<hbm>>) target(%arg6 : memref<512xf32, #tpu.memory_space<vmem>>) target_semaphore(%run_scoped3A : memref<!tpu.dma_semaphore, #tpu.memory_space<semaphore_mem>>)
      %dma_wait3A = tpu.memref_slice %arg2[%mul3A_38] : memref<6144xf32, #tpu.memory_space<hbm>> -> memref<512xf32, #tpu.memory_space<hbm>>
      %dma_wait3A_118 = tpu.memref_slice %arg2[%mul3A_38] : memref<6144xf32, #tpu.memory_space<hbm>> -> memref<512xf32, #tpu.memory_space<hbm>>
      tpu.wait_dma2 semaphore(%run_scoped3A : memref<!tpu.dma_semaphore, #tpu.memory_space<semaphore_mem>>) src(%dma_wait3A_118 : memref<512xf32, #tpu.memory_space<hbm>>) dst(%arg6 : memref<512xf32, #tpu.memory_space<vmem>>)
      tpu.yield
    }) : () -> ()
    %mul3A_39 = arith.constant 3 : i32
    %mul3A_40 = arith.muli %select_n3A, %mul3A_39 : i32
    %add3A_41 = arith.constant 1 : i32
    %add3A_42 = arith.addi %mul3A_40, %add3A_41 : i32
    %mul3A_43 = arith.constant 512 : i32
    %mul3A_44 = arith.muli %add3A_42, %mul3A_43 : i32
    "tpu.region"() ({
      %run_scoped3A = tpu.sem_alloc : memref<!tpu.dma_semaphore, #tpu.memory_space<semaphore_mem>>
      %dma_start3A = tpu.memref_slice %arg2[%mul3A_44] : memref<6144xf32, #tpu.memory_space<hbm>> -> memref<512xf32, #tpu.memory_space<hbm>>
      %dma_start3A_117 = tpu.memref_slice %arg2[%mul3A_44] : memref<6144xf32, #tpu.memory_space<hbm>> -> memref<512xf32, #tpu.memory_space<hbm>>
      tpu.enqueue_dma source(%dma_start3A_117 : memref<512xf32, #tpu.memory_space<hbm>>) target(%arg7 : memref<512xf32, #tpu.memory_space<vmem>>) target_semaphore(%run_scoped3A : memref<!tpu.dma_semaphore, #tpu.memory_space<semaphore_mem>>)
      %dma_wait3A = tpu.memref_slice %arg2[%mul3A_44] : memref<6144xf32, #tpu.memory_space<hbm>> -> memref<512xf32, #tpu.memory_space<hbm>>
      %dma_wait3A_118 = tpu.memref_slice %arg2[%mul3A_44] : memref<6144xf32, #tpu.memory_space<hbm>> -> memref<512xf32, #tpu.memory_space<hbm>>
      tpu.wait_dma2 semaphore(%run_scoped3A : memref<!tpu.dma_semaphore, #tpu.memory_space<semaphore_mem>>) src(%dma_wait3A_118 : memref<512xf32, #tpu.memory_space<hbm>>) dst(%arg7 : memref<512xf32, #tpu.memory_space<vmem>>)
      tpu.yield
    }) : () -> ()
    %mul3A_45 = arith.constant 3 : i32
    %mul3A_46 = arith.muli %select_n3A, %mul3A_45 : i32
    %add3A_47 = arith.constant 2 : i32
    %add3A_48 = arith.addi %mul3A_46, %add3A_47 : i32
    %mul3A_49 = arith.constant 512 : i32
    %mul3A_50 = arith.muli %add3A_48, %mul3A_49 : i32
    "tpu.region"() ({
      %run_scoped3A = tpu.sem_alloc : memref<!tpu.dma_semaphore, #tpu.memory_space<semaphore_mem>>
      %dma_start3A = tpu.memref_slice %arg2[%mul3A_50] : memref<6144xf32, #tpu.memory_space<hbm>> -> memref<512xf32, #tpu.memory_space<hbm>>
      %dma_start3A_117 = tpu.memref_slice %arg2[%mul3A_50] : memref<6144xf32, #tpu.memory_space<hbm>> -> memref<512xf32, #tpu.memory_space<hbm>>
      tpu.enqueue_dma source(%dma_start3A_117 : memref<512xf32, #tpu.memory_space<hbm>>) target(%arg8 : memref<512xf32, #tpu.memory_space<vmem>>) target_semaphore(%run_scoped3A : memref<!tpu.dma_semaphore, #tpu.memory_space<semaphore_mem>>)
      %dma_wait3A = tpu.memref_slice %arg2[%mul3A_50] : memref<6144xf32, #tpu.memory_space<hbm>> -> memref<512xf32, #tpu.memory_space<hbm>>
      %dma_wait3A_118 = tpu.memref_slice %arg2[%mul3A_50] : memref<6144xf32, #tpu.memory_space<hbm>> -> memref<512xf32, #tpu.memory_space<hbm>>
      tpu.wait_dma2 semaphore(%run_scoped3A : memref<!tpu.dma_semaphore, #tpu.memory_space<semaphore_mem>>) src(%dma_wait3A_118 : memref<512xf32, #tpu.memory_space<hbm>>) dst(%arg8 : memref<512xf32, #tpu.memory_space<vmem>>)
      tpu.yield
    }) : () -> ()
    %mul3A_51 = arith.constant 3 : i32
    %mul3A_52 = arith.muli %select_n3A, %mul3A_51 : i32
    %add3A_53 = arith.constant 0 : i32
    %add3A_54 = arith.addi %mul3A_52, %add3A_53 : i32
    %mul3A_55 = arith.constant 128 : i32
    %mul3A_56 = arith.muli %add3A_54, %mul3A_55 : i32
    %add3A_57 = arith.addi %mul3A_56, %mul3A_32 : i32
    "tpu.region"() ({
      %run_scoped3A = tpu.sem_alloc : memref<!tpu.dma_semaphore, #tpu.memory_space<semaphore_mem>>
      %dma_start3A = arith.constant 0 : i32
      %dma_start3A_117 = tpu.memref_slice %arg13[%dma_start3A] : memref<128xf32, #tpu.memory_space<vmem>> -> memref<16xf32, #tpu.memory_space<vmem>>
      %dma_start3A_118 = tpu.memref_slice %arg3[%add3A_57] : memref<1536xf32, #tpu.memory_space<hbm>> -> memref<16xf32, #tpu.memory_space<hbm>>
      %dma_start3A_119 = arith.constant 0 : i32
      %dma_start3A_120 = tpu.memref_slice %arg13[%dma_start3A_119] : memref<128xf32, #tpu.memory_space<vmem>> -> memref<16xf32, #tpu.memory_space<vmem>>
      %dma_start3A_121 = tpu.memref_slice %arg3[%add3A_57] : memref<1536xf32, #tpu.memory_space<hbm>> -> memref<16xf32, #tpu.memory_space<hbm>>
      tpu.enqueue_dma source(%dma_start3A_121 : memref<16xf32, #tpu.memory_space<hbm>>) target(%dma_start3A_120 : memref<16xf32, #tpu.memory_space<vmem>>) target_semaphore(%run_scoped3A : memref<!tpu.dma_semaphore, #tpu.memory_space<semaphore_mem>>)
      %dma_wait3A = arith.constant 0 : i32
      %dma_wait3A_122 = tpu.memref_slice %arg13[%dma_wait3A] : memref<128xf32, #tpu.memory_space<vmem>> -> memref<16xf32, #tpu.memory_space<vmem>>
      %dma_wait3A_123 = tpu.memref_slice %arg3[%add3A_57] : memref<1536xf32, #tpu.memory_space<hbm>> -> memref<16xf32, #tpu.memory_space<hbm>>
      %dma_wait3A_124 = arith.constant 0 : i32
      %dma_wait3A_125 = tpu.memref_slice %arg13[%dma_wait3A_124] : memref<128xf32, #tpu.memory_space<vmem>> -> memref<16xf32, #tpu.memory_space<vmem>>
      %dma_wait3A_126 = tpu.memref_slice %arg3[%add3A_57] : memref<1536xf32, #tpu.memory_space<hbm>> -> memref<16xf32, #tpu.memory_space<hbm>>
      tpu.wait_dma2 semaphore(%run_scoped3A : memref<!tpu.dma_semaphore, #tpu.memory_space<semaphore_mem>>) src(%dma_wait3A_126 : memref<16xf32, #tpu.memory_space<hbm>>) dst(%dma_wait3A_125 : memref<16xf32, #tpu.memory_space<vmem>>)
      tpu.yield
    }) : () -> ()
    %mul3A_58 = arith.constant 3 : i32
    %mul3A_59 = arith.muli %select_n3A, %mul3A_58 : i32
    %add3A_60 = arith.constant 1 : i32
    %add3A_61 = arith.addi %mul3A_59, %add3A_60 : i32
    %mul3A_62 = arith.constant 128 : i32
    %mul3A_63 = arith.muli %add3A_61, %mul3A_62 : i32
    %add3A_64 = arith.addi %mul3A_63, %mul3A_32 : i32
    "tpu.region"() ({
      %run_scoped3A = tpu.sem_alloc : memref<!tpu.dma_semaphore, #tpu.memory_space<semaphore_mem>>
      %dma_start3A = arith.constant 0 : i32
      %dma_start3A_117 = tpu.memref_slice %arg14[%dma_start3A] : memref<128xf32, #tpu.memory_space<vmem>> -> memref<16xf32, #tpu.memory_space<vmem>>
      %dma_start3A_118 = tpu.memref_slice %arg3[%add3A_64] : memref<1536xf32, #tpu.memory_space<hbm>> -> memref<16xf32, #tpu.memory_space<hbm>>
      %dma_start3A_119 = arith.constant 0 : i32
      %dma_start3A_120 = tpu.memref_slice %arg14[%dma_start3A_119] : memref<128xf32, #tpu.memory_space<vmem>> -> memref<16xf32, #tpu.memory_space<vmem>>
      %dma_start3A_121 = tpu.memref_slice %arg3[%add3A_64] : memref<1536xf32, #tpu.memory_space<hbm>> -> memref<16xf32, #tpu.memory_space<hbm>>
      tpu.enqueue_dma source(%dma_start3A_121 : memref<16xf32, #tpu.memory_space<hbm>>) target(%dma_start3A_120 : memref<16xf32, #tpu.memory_space<vmem>>) target_semaphore(%run_scoped3A : memref<!tpu.dma_semaphore, #tpu.memory_space<semaphore_mem>>)
      %dma_wait3A = arith.constant 0 : i32
      %dma_wait3A_122 = tpu.memref_slice %arg14[%dma_wait3A] : memref<128xf32, #tpu.memory_space<vmem>> -> memref<16xf32, #tpu.memory_space<vmem>>
      %dma_wait3A_123 = tpu.memref_slice %arg3[%add3A_64] : memref<1536xf32, #tpu.memory_space<hbm>> -> memref<16xf32, #tpu.memory_space<hbm>>
      %dma_wait3A_124 = arith.constant 0 : i32
      %dma_wait3A_125 = tpu.memref_slice %arg14[%dma_wait3A_124] : memref<128xf32, #tpu.memory_space<vmem>> -> memref<16xf32, #tpu.memory_space<vmem>>
      %dma_wait3A_126 = tpu.memref_slice %arg3[%add3A_64] : memref<1536xf32, #tpu.memory_space<hbm>> -> memref<16xf32, #tpu.memory_space<hbm>>
      tpu.wait_dma2 semaphore(%run_scoped3A : memref<!tpu.dma_semaphore, #tpu.memory_space<semaphore_mem>>) src(%dma_wait3A_126 : memref<16xf32, #tpu.memory_space<hbm>>) dst(%dma_wait3A_125 : memref<16xf32, #tpu.memory_space<vmem>>)
      tpu.yield
    }) : () -> ()
    %mul3A_65 = arith.constant 3 : i32
    %mul3A_66 = arith.muli %select_n3A, %mul3A_65 : i32
    %add3A_67 = arith.constant 2 : i32
    %add3A_68 = arith.addi %mul3A_66, %add3A_67 : i32
    %mul3A_69 = arith.constant 128 : i32
    %mul3A_70 = arith.muli %add3A_68, %mul3A_69 : i32
    %add3A_71 = arith.addi %mul3A_70, %mul3A_32 : i32
    "tpu.region"() ({
      %run_scoped3A = tpu.sem_alloc : memref<!tpu.dma_semaphore, #tpu.memory_space<semaphore_mem>>
      %dma_start3A = arith.constant 0 : i32
      %dma_start3A_117 = tpu.memref_slice %arg15[%dma_start3A] : memref<128xf32, #tpu.memory_space<vmem>> -> memref<16xf32, #tpu.memory_space<vmem>>
      %dma_start3A_118 = tpu.memref_slice %arg3[%add3A_71] : memref<1536xf32, #tpu.memory_space<hbm>> -> memref<16xf32, #tpu.memory_space<hbm>>
      %dma_start3A_119 = arith.constant 0 : i32
      %dma_start3A_120 = tpu.memref_slice %arg15[%dma_start3A_119] : memref<128xf32, #tpu.memory_space<vmem>> -> memref<16xf32, #tpu.memory_space<vmem>>
      %dma_start3A_121 = tpu.memref_slice %arg3[%add3A_71] : memref<1536xf32, #tpu.memory_space<hbm>> -> memref<16xf32, #tpu.memory_space<hbm>>
      tpu.enqueue_dma source(%dma_start3A_121 : memref<16xf32, #tpu.memory_space<hbm>>) target(%dma_start3A_120 : memref<16xf32, #tpu.memory_space<vmem>>) target_semaphore(%run_scoped3A : memref<!tpu.dma_semaphore, #tpu.memory_space<semaphore_mem>>)
      %dma_wait3A = arith.constant 0 : i32
      %dma_wait3A_122 = tpu.memref_slice %arg15[%dma_wait3A] : memref<128xf32, #tpu.memory_space<vmem>> -> memref<16xf32, #tpu.memory_space<vmem>>
      %dma_wait3A_123 = tpu.memref_slice %arg3[%add3A_71] : memref<1536xf32, #tpu.memory_space<hbm>> -> memref<16xf32, #tpu.memory_space<hbm>>
      %dma_wait3A_124 = arith.constant 0 : i32
      %dma_wait3A_125 = tpu.memref_slice %arg15[%dma_wait3A_124] : memref<128xf32, #tpu.memory_space<vmem>> -> memref<16xf32, #tpu.memory_space<vmem>>
      %dma_wait3A_126 = tpu.memref_slice %arg3[%add3A_71] : memref<1536xf32, #tpu.memory_space<hbm>> -> memref<16xf32, #tpu.memory_space<hbm>>
      tpu.wait_dma2 semaphore(%run_scoped3A : memref<!tpu.dma_semaphore, #tpu.memory_space<semaphore_mem>>) src(%dma_wait3A_126 : memref<16xf32, #tpu.memory_space<hbm>>) dst(%dma_wait3A_125 : memref<16xf32, #tpu.memory_space<vmem>>)
      tpu.yield
    }) : () -> ()
    %iota3A = tpu.iota {dimensions = array<i32: 0>} : vector<16xi32>
    %broadcast_in_dim3A = arith.constant 0 : i32
    %broadcast_in_dim3A_72 = vector.broadcast %broadcast_in_dim3A : i32 to vector<16xi32>
    %scan3A = arith.constant 0 : i32
    %scan3A_73 = arith.constant 0 : i32
    %scan3A_74 = arith.constant 32 : i32
    %scan3A_75 = arith.addi %scan3A_73, %scan3A_74 : i32
    %scan3A_76 = arith.constant 1 : i32
    %scan3A_77 = scf.for %scan3A_117 = %scan3A_73 to %scan3A_75 step %scan3A_76 iter_args(%scan3A_118 = %scan3A) -> (i32)  : i32 {
      %mul3A_119 = arith.constant 16 : i32
      %mul3A_120 = arith.muli %scan3A_117, %mul3A_119 : i32
      %get3A = arith.index_cast %mul3A_120 : i32 to index
      %get3A_121 = tpu.vector_load %arg6[%get3A] {strides = array<i32>} : memref<512xf32, #tpu.memory_space<vmem>>, vector<16xf32>,
      %get3A_122 = arith.index_cast %mul3A_120 : i32 to index
      %get3A_123 = tpu.vector_load %arg7[%get3A_122] {strides = array<i32>} : memref<512xf32, #tpu.memory_space<vmem>>, vector<16xf32>,
      %get3A_124 = arith.index_cast %mul3A_120 : i32 to index
      %get3A_125 = tpu.vector_load %arg8[%get3A_124] {strides = array<i32>} : memref<512xf32, #tpu.memory_space<vmem>>, vector<16xf32>,
      %bitcast3A = vector.bitcast %get3A_121 : vector<16xf32> to vector<16xi32>
      %add3A_126 = arith.constant 32767 : i32
      %add3A_127 = vector.broadcast %add3A_126 : i32 to vector<16xi32>
      %add3A_128 = arith.addi %bitcast3A, %add3A_127 : vector<16xi32>
      %shift_right_logical3A = arith.constant 16 : i32
      %shift_right_logical3A_129 = vector.broadcast %shift_right_logical3A : i32 to vector<16xi32>
      %shift_right_logical3A_130 = arith.shrui %bitcast3A, %shift_right_logical3A_129 : vector<16xi32>
      %and3A_131 = arith.constant 1 : i32
      %and3A_132 = vector.broadcast %and3A_131 : i32 to vector<16xi32>
      %and3A_133 = arith.andi %shift_right_logical3A_130, %and3A_132 : vector<16xi32>
      %add3A_134 = arith.addi %add3A_128, %and3A_133 : vector<16xi32>
      %and3A_135 = arith.constant -65536 : i32
      %and3A_136 = vector.broadcast %and3A_135 : i32 to vector<16xi32>
      %and3A_137 = arith.andi %add3A_134, %and3A_136 : vector<16xi32>
      %bitcast3A_138 = vector.bitcast %and3A_137 : vector<16xi32> to vector<16xf32>
      %swap3A = arith.index_cast %mul3A_120 : i32 to index
      %swap3A_139 = tpu.vector_load %arg9[%swap3A] {strides = array<i32>} : memref<512xf32, #tpu.memory_space<vmem>>, vector<16xf32>,
      tpu.vector_store %arg9[%swap3A], %bitcast3A_138 {strides = array<i32>} : memref<512xf32, #tpu.memory_space<vmem>>, vector<16xf32>,
      %bitcast3A_140 = vector.bitcast %get3A_123 : vector<16xf32> to vector<16xi32>
      %add3A_141 = arith.constant 32767 : i32
      %add3A_142 = vector.broadcast %add3A_141 : i32 to vector<16xi32>
      %add3A_143 = arith.addi %bitcast3A_140, %add3A_142 : vector<16xi32>
      %shift_right_logical3A_144 = arith.constant 16 : i32
      %shift_right_logical3A_145 = vector.broadcast %shift_right_logical3A_144 : i32 to vector<16xi32>
      %shift_right_logical3A_146 = arith.shrui %bitcast3A_140, %shift_right_logical3A_145 : vector<16xi32>
      %and3A_147 = arith.constant 1 : i32
      %and3A_148 = vector.broadcast %and3A_147 : i32 to vector<16xi32>
      %and3A_149 = arith.andi %shift_right_logical3A_146, %and3A_148 : vector<16xi32>
      %add3A_150 = arith.addi %add3A_143, %and3A_149 : vector<16xi32>
      %and3A_151 = arith.constant -65536 : i32
      %and3A_152 = vector.broadcast %and3A_151 : i32 to vector<16xi32>
      %and3A_153 = arith.andi %add3A_150, %and3A_152 : vector<16xi32>
      %bitcast3A_154 = vector.bitcast %and3A_153 : vector<16xi32> to vector<16xf32>
      %swap3A_155 = arith.index_cast %mul3A_120 : i32 to index
      %swap3A_156 = tpu.vector_load %arg10[%swap3A_155] {strides = array<i32>} : memref<512xf32, #tpu.memory_space<vmem>>, vector<16xf32>,
      tpu.vector_store %arg10[%swap3A_155], %bitcast3A_154 {strides = array<i32>} : memref<512xf32, #tpu.memory_space<vmem>>, vector<16xf32>,
      %bitcast3A_157 = vector.bitcast %get3A_125 : vector<16xf32> to vector<16xi32>
      %add3A_158 = arith.constant 32767 : i32
      %add3A_159 = vector.broadcast %add3A_158 : i32 to vector<16xi32>
      %add3A_160 = arith.addi %bitcast3A_157, %add3A_159 : vector<16xi32>
      %shift_right_logical3A_161 = arith.constant 16 : i32
      %shift_right_logical3A_162 = vector.broadcast %shift_right_logical3A_161 : i32 to vector<16xi32>
      %shift_right_logical3A_163 = arith.shrui %bitcast3A_157, %shift_right_logical3A_162 : vector<16xi32>
      %and3A_164 = arith.constant 1 : i32
      %and3A_165 = vector.broadcast %and3A_164 : i32 to vector<16xi32>
      %and3A_166 = arith.andi %shift_right_logical3A_163, %and3A_165 : vector<16xi32>
      %add3A_167 = arith.addi %add3A_160, %and3A_166 : vector<16xi32>
      %and3A_168 = arith.constant -65536 : i32
      %and3A_169 = vector.broadcast %and3A_168 : i32 to vector<16xi32>
      %and3A_170 = arith.andi %add3A_167, %and3A_169 : vector<16xi32>
      %bitcast3A_171 = vector.bitcast %and3A_170 : vector<16xi32> to vector<16xf32>
      %swap3A_172 = arith.index_cast %mul3A_120 : i32 to index
      %swap3A_173 = tpu.vector_load %arg11[%swap3A_172] {strides = array<i32>} : memref<512xf32, #tpu.memory_space<vmem>>, vector<16xf32>,
      tpu.vector_store %arg11[%swap3A_172], %bitcast3A_171 {strides = array<i32>} : memref<512xf32, #tpu.memory_space<vmem>>, vector<16xf32>,
      %mul3A_174 = arith.mulf %get3A_121, %get3A_121 : vector<16xf32>
      %mul3A_175 = arith.mulf %get3A_123, %get3A_123 : vector<16xf32>
      %add3A_176 = arith.addf %mul3A_174, %mul3A_175 : vector<16xf32>
      %mul3A_177 = arith.mulf %get3A_125, %get3A_125 : vector<16xf32>
      %add3A_178 = arith.addf %add3A_176, %mul3A_177 : vector<16xf32>
      %swap3A_179 = arith.index_cast %mul3A_120 : i32 to index
      %swap3A_180 = tpu.vector_load %arg12[%swap3A_179] {strides = array<i32>} : memref<512xf32, #tpu.memory_space<vmem>>, vector<16xf32>,
      tpu.vector_store %arg12[%swap3A_179], %add3A_178 {strides = array<i32>} : memref<512xf32, #tpu.memory_space<vmem>>, vector<16xf32>,
      %scan3A_181 = arith.constant 0 : i32
      scf.yield %scan3A_181 : i32
    }
    %scan3A_78 = arith.constant 32 : i32
    %scan3A_79 = arith.constant 0 : i32
    %scan3A_80 = arith.constant 0 : i32
    %scan3A_81 = arith.constant 16 : i32
    %scan3A_82 = arith.addi %scan3A_80, %scan3A_81 : i32
    %scan3A_83 = arith.constant 1 : i32
    %scan3A_84 = scf.for %scan3A_117 = %scan3A_80 to %scan3A_82 step %scan3A_83 iter_args(%scan3A_118 = %scan3A_79) -> (i32)  : i32 {
      %add3A_119 = vector.broadcast %scan3A_117 : i32 to vector<16xi32>
      %add3A_120 = arith.addi %broadcast_in_dim3A_72, %add3A_119 : vector<16xi32>
      %gather3A = tpu.vector_load_idx %arg13[%add3A_120] : memref<128xf32, #tpu.memory_space<vmem>>[vector<16xi32>], vector<16xf32>,
      %gather3A_121 = tpu.vector_load_idx %arg14[%add3A_120] : memref<128xf32, #tpu.memory_space<vmem>>[vector<16xi32>], vector<16xf32>,
      %gather3A_122 = tpu.vector_load_idx %arg15[%add3A_120] : memref<128xf32, #tpu.memory_space<vmem>>[vector<16xi32>], vector<16xf32>,
      %mul3A_123 = arith.mulf %gather3A, %gather3A : vector<16xf32>
      %mul3A_124 = arith.mulf %gather3A_121, %gather3A_121 : vector<16xf32>
      %add3A_125 = arith.addf %mul3A_123, %mul3A_124 : vector<16xf32>
      %mul3A_126 = arith.mulf %gather3A_122, %gather3A_122 : vector<16xf32>
      %add3A_127 = arith.addf %add3A_125, %mul3A_126 : vector<16xf32>
      %bitcast3A = vector.bitcast %gather3A : vector<16xf32> to vector<16xi32>
      %add3A_128 = arith.constant 32767 : i32
      %add3A_129 = vector.broadcast %add3A_128 : i32 to vector<16xi32>
      %add3A_130 = arith.addi %bitcast3A, %add3A_129 : vector<16xi32>
      %shift_right_logical3A = arith.constant 16 : i32
      %shift_right_logical3A_131 = vector.broadcast %shift_right_logical3A : i32 to vector<16xi32>
      %shift_right_logical3A_132 = arith.shrui %bitcast3A, %shift_right_logical3A_131 : vector<16xi32>
      %and3A_133 = arith.constant 1 : i32
      %and3A_134 = vector.broadcast %and3A_133 : i32 to vector<16xi32>
      %and3A_135 = arith.andi %shift_right_logical3A_132, %and3A_134 : vector<16xi32>
      %add3A_136 = arith.addi %add3A_130, %and3A_135 : vector<16xi32>
      %and3A_137 = arith.constant -65536 : i32
      %and3A_138 = vector.broadcast %and3A_137 : i32 to vector<16xi32>
      %and3A_139 = arith.andi %add3A_136, %and3A_138 : vector<16xi32>
      %bitcast3A_140 = vector.bitcast %and3A_139 : vector<16xi32> to vector<16xf32>
      %bitcast3A_141 = vector.bitcast %gather3A_121 : vector<16xf32> to vector<16xi32>
      %add3A_142 = arith.constant 32767 : i32
      %add3A_143 = vector.broadcast %add3A_142 : i32 to vector<16xi32>
      %add3A_144 = arith.addi %bitcast3A_141, %add3A_143 : vector<16xi32>
      %shift_right_logical3A_145 = arith.constant 16 : i32
      %shift_right_logical3A_146 = vector.broadcast %shift_right_logical3A_145 : i32 to vector<16xi32>
      %shift_right_logical3A_147 = arith.shrui %bitcast3A_141, %shift_right_logical3A_146 : vector<16xi32>
      %and3A_148 = arith.constant 1 : i32
      %and3A_149 = vector.broadcast %and3A_148 : i32 to vector<16xi32>
      %and3A_150 = arith.andi %shift_right_logical3A_147, %and3A_149 : vector<16xi32>
      %add3A_151 = arith.addi %add3A_144, %and3A_150 : vector<16xi32>
      %and3A_152 = arith.constant -65536 : i32
      %and3A_153 = vector.broadcast %and3A_152 : i32 to vector<16xi32>
      %and3A_154 = arith.andi %add3A_151, %and3A_153 : vector<16xi32>
      %bitcast3A_155 = vector.bitcast %and3A_154 : vector<16xi32> to vector<16xf32>
      %bitcast3A_156 = vector.bitcast %gather3A_122 : vector<16xf32> to vector<16xi32>
      %add3A_157 = arith.constant 32767 : i32
      %add3A_158 = vector.broadcast %add3A_157 : i32 to vector<16xi32>
      %add3A_159 = arith.addi %bitcast3A_156, %add3A_158 : vector<16xi32>
      %shift_right_logical3A_160 = arith.constant 16 : i32
      %shift_right_logical3A_161 = vector.broadcast %shift_right_logical3A_160 : i32 to vector<16xi32>
      %shift_right_logical3A_162 = arith.shrui %bitcast3A_156, %shift_right_logical3A_161 : vector<16xi32>
      %and3A_163 = arith.constant 1 : i32
      %and3A_164 = vector.broadcast %and3A_163 : i32 to vector<16xi32>
      %and3A_165 = arith.andi %shift_right_logical3A_162, %and3A_164 : vector<16xi32>
      %add3A_166 = arith.addi %add3A_159, %and3A_165 : vector<16xi32>
      %and3A_167 = arith.constant -65536 : i32
      %and3A_168 = vector.broadcast %and3A_167 : i32 to vector<16xi32>
      %and3A_169 = arith.andi %add3A_166, %and3A_168 : vector<16xi32>
      %bitcast3A_170 = vector.bitcast %and3A_169 : vector<16xi32> to vector<16xf32>
      %broadcast_in_dim3A_171 = arith.constant 0 : i32
      %broadcast_in_dim3A_172 = vector.broadcast %broadcast_in_dim3A_171 : i32 to vector<16xi32>
      %while3A = arith.constant 0 : i32
      %while3A_173:2 = scf.while (%while3A_259 = %while3A, %while3A_260 = %broadcast_in_dim3A_172) : (i32, vector<16xi32>) -> (i32, vector<16xi32>) {
        %lt3A_261 = arith.constant 64 : i32
        %lt3A_262 = vector.broadcast %lt3A_261 : i32 to vector<16xi32>
        %lt3A_263 = arith.cmpi slt, %while3A_260, %lt3A_262 : vector<16xi32>
        %reduce_or3A = arith.constant 1.000000e+00 : f32
        %reduce_or3A_264 = arith.constant 0.000000e+00 : f32
        %reduce_or3A_265 = vector.broadcast %reduce_or3A : f32 to vector<16xf32>
        %reduce_or3A_266 = vector.broadcast %reduce_or3A_264 : f32 to vector<16xf32>
        %reduce_or3A_267 = arith.select %lt3A_263, %reduce_or3A_265, %reduce_or3A_266 : vector<16xi1>, vector<16xf32>
        %reduce_or3A_268 = arith.constant true
        %reduce_or3A_269 = vector.broadcast %reduce_or3A_268 : i1 to vector<16xi1>
        %reduce_or3A_270 = tpu.scan <max>, %reduce_or3A_267 masked %reduce_or3A_269 : vector<16xf32>, vector<16xi1> -> vector<16xf32>
        %reduce_or3A_271 = vector.extract %reduce_or3A_270[15] : f32 from vector<16xf32>
        %reduce_or3A_272 = arith.constant 0.000000e+00 : f32
        %reduce_or3A_273 = arith.cmpf ogt, %reduce_or3A_271, %reduce_or3A_272 : f32
        %lt3A_274 = arith.constant 8 : i32
        %lt3A_275 = arith.cmpi slt, %while3A_259, %lt3A_274 : i32
        %and3A_276 = arith.andi %reduce_or3A_273, %lt3A_275 : i1
        scf.condition(%and3A_276) %while3A_259, %while3A_260 : i32, vector<16xi32>
      } do {
      ^bb0(%while3A_259: i32, %while3A_260: vector<16xi32>):
        %mul3A_261 = arith.constant 64 : i32
        %mul3A_262 = arith.muli %while3A_259, %mul3A_261 : i32
        %add3A_263 = arith.constant 0 : i32
        %add3A_264 = arith.addi %mul3A_262, %add3A_263 : i32
        %add3A_265 = vector.broadcast %add3A_264 : i32 to vector<16xi32>
        %add3A_266 = arith.addi %add3A_265, %iota3A : vector<16xi32>
        %get3A = arith.index_cast %add3A_264 : i32 to index
        %get3A_267 = tpu.vector_load %arg9[%get3A] {strides = array<i32>} : memref<512xf32, #tpu.memory_space<vmem>>, vector<16xf32>,
        %mul3A_268 = arith.mulf %get3A_267, %bitcast3A_140 : vector<16xf32>
        %get3A_269 = arith.index_cast %add3A_264 : i32 to index
        %get3A_270 = tpu.vector_load %arg10[%get3A_269] {strides = array<i32>} : memref<512xf32, #tpu.memory_space<vmem>>, vector<16xf32>,
        %mul3A_271 = arith.mulf %get3A_270, %bitcast3A_155 : vector<16xf32>
        %add3A_272 = arith.addf %mul3A_268, %mul3A_271 : vector<16xf32>
        %get3A_273 = arith.index_cast %add3A_264 : i32 to index
        %get3A_274 = tpu.vector_load %arg11[%get3A_273] {strides = array<i32>} : memref<512xf32, #tpu.memory_space<vmem>>, vector<16xf32>,
        %mul3A_275 = arith.mulf %get3A_274, %bitcast3A_170 : vector<16xf32>
        %add3A_276 = arith.addf %add3A_272, %mul3A_275 : vector<16xf32>
        %get3A_277 = arith.index_cast %add3A_264 : i32 to index
        %get3A_278 = tpu.vector_load %arg12[%get3A_277] {strides = array<i32>} : memref<512xf32, #tpu.memory_space<vmem>>, vector<16xf32>,
        %add3A_279 = arith.addf %add3A_127, %get3A_278 : vector<16xf32>
        %mul3A_280 = arith.constant 2.000000e+00 : f32
        %mul3A_281 = vector.broadcast %mul3A_280 : f32 to vector<16xf32>
        %mul3A_282 = arith.mulf %mul3A_281, %add3A_276 : vector<16xf32>
        %sub3A_283 = arith.subf %add3A_279, %mul3A_282 : vector<16xf32>
        %le3A = arith.constant 1.600000e-01 : f32
        %le3A_284 = vector.broadcast %le3A : f32 to vector<16xf32>
        %le3A_285 = arith.cmpf ole, %sub3A_283, %le3A_284 : vector<16xf32>
        %convert_element_type3A = arith.extui %le3A_285 : vector<16xi1> to vector<16xi32>
        %broadcast_in_dim3A_286 = arith.constant true
        %broadcast_in_dim3A_287 = vector.broadcast %broadcast_in_dim3A_286 : i1 to vector<16xi1>
        %masked_cumsum3A = tpu.scan <sum>, %convert_element_type3A masked %broadcast_in_dim3A_287 : vector<16xi32>, vector<16xi1> -> vector<16xi32>
        %sub3A_288 = arith.subi %masked_cumsum3A, %convert_element_type3A : vector<16xi32>
        %add3A_289 = arith.addi %while3A_260, %sub3A_288 : vector<16xi32>
        tpu.vector_store_idx %arg20[%add3A_289], %add3A_266 masked %le3A_285 : memref<128xi32, #tpu.memory_space<vmem>>[vector<16xi32>], vector<16xi32>, vector<16xi1>
        %all_reduce_population_count3A = tpu.all_reduce %le3A_285 {dim = 0 : i64, kind = #tpu.reduction_kind<sum>} : vector<16xi1> -> vector<16xi32>
        %add3A_290 = arith.addi %while3A_260, %all_reduce_population_count3A : vector<16xi32>
        %mul3A_291 = arith.constant 64 : i32
        %mul3A_292 = arith.muli %while3A_259, %mul3A_291 : i32
        %add3A_293 = arith.constant 16 : i32
        %add3A_294 = arith.addi %mul3A_292, %add3A_293 : i32
        %add3A_295 = vector.broadcast %add3A_294 : i32 to vector<16xi32>
        %add3A_296 = arith.addi %add3A_295, %iota3A : vector<16xi32>
        %get3A_297 = arith.index_cast %add3A_294 : i32 to index
        %get3A_298 = tpu.vector_load %arg9[%get3A_297] {strides = array<i32>} : memref<512xf32, #tpu.memory_space<vmem>>, vector<16xf32>,
        %mul3A_299 = arith.mulf %get3A_298, %bitcast3A_140 : vector<16xf32>
        %get3A_300 = arith.index_cast %add3A_294 : i32 to index
        %get3A_301 = tpu.vector_load %arg10[%get3A_300] {strides = array<i32>} : memref<512xf32, #tpu.memory_space<vmem>>, vector<16xf32>,
        %mul3A_302 = arith.mulf %get3A_301, %bitcast3A_155 : vector<16xf32>
        %add3A_303 = arith.addf %mul3A_299, %mul3A_302 : vector<16xf32>
        %get3A_304 = arith.index_cast %add3A_294 : i32 to index
        %get3A_305 = tpu.vector_load %arg11[%get3A_304] {strides = array<i32>} : memref<512xf32, #tpu.memory_space<vmem>>, vector<16xf32>,
        %mul3A_306 = arith.mulf %get3A_305, %bitcast3A_170 : vector<16xf32>
        %add3A_307 = arith.addf %add3A_303, %mul3A_306 : vector<16xf32>
        %get3A_308 = arith.index_cast %add3A_294 : i32 to index
        %get3A_309 = tpu.vector_load %arg12[%get3A_308] {strides = array<i32>} : memref<512xf32, #tpu.memory_space<vmem>>, vector<16xf32>,
        %add3A_310 = arith.addf %add3A_127, %get3A_309 : vector<16xf32>
        %mul3A_311 = arith.constant 2.000000e+00 : f32
        %mul3A_312 = vector.broadcast %mul3A_311 : f32 to vector<16xf32>
        %mul3A_313 = arith.mulf %mul3A_312, %add3A_307 : vector<16xf32>
        %sub3A_314 = arith.subf %add3A_310, %mul3A_313 : vector<16xf32>
        %le3A_315 = arith.constant 1.600000e-01 : f32
        %le3A_316 = vector.broadcast %le3A_315 : f32 to vector<16xf32>
        %le3A_317 = arith.cmpf ole, %sub3A_314, %le3A_316 : vector<16xf32>
        %convert_element_type3A_318 = arith.extui %le3A_317 : vector<16xi1> to vector<16xi32>
        %broadcast_in_dim3A_319 = arith.constant true
        %broadcast_in_dim3A_320 = vector.broadcast %broadcast_in_dim3A_319 : i1 to vector<16xi1>
        %masked_cumsum3A_321 = tpu.scan <sum>, %convert_element_type3A_318 masked %broadcast_in_dim3A_320 : vector<16xi32>, vector<16xi1> -> vector<16xi32>
        %sub3A_322 = arith.subi %masked_cumsum3A_321, %convert_element_type3A_318 : vector<16xi32>
        %add3A_323 = arith.addi %add3A_290, %sub3A_322 : vector<16xi32>
        tpu.vector_store_idx %arg20[%add3A_323], %add3A_296 masked %le3A_317 : memref<128xi32, #tpu.memory_space<vmem>>[vector<16xi32>], vector<16xi32>, vector<16xi1>
        %all_reduce_population_count3A_324 = tpu.all_reduce %le3A_317 {dim = 0 : i64, kind = #tpu.reduction_kind<sum>} : vector<16xi1> -> vector<16xi32>
        %add3A_325 = arith.addi %add3A_290, %all_reduce_population_count3A_324 : vector<16xi32>
        %mul3A_326 = arith.constant 64 : i32
        %mul3A_327 = arith.muli %while3A_259, %mul3A_326 : i32
        %add3A_328 = arith.constant 32 : i32
        %add3A_329 = arith.addi %mul3A_327, %add3A_328 : i32
        %add3A_330 = vector.broadcast %add3A_329 : i32 to vector<16xi32>
        %add3A_331 = arith.addi %add3A_330, %iota3A : vector<16xi32>
        %get3A_332 = arith.index_cast %add3A_329 : i32 to index
        %get3A_333 = tpu.vector_load %arg9[%get3A_332] {strides = array<i32>} : memref<512xf32, #tpu.memory_space<vmem>>, vector<16xf32>,
        %mul3A_334 = arith.mulf %get3A_333, %bitcast3A_140 : vector<16xf32>
        %get3A_335 = arith.index_cast %add3A_329 : i32 to index
        %get3A_336 = tpu.vector_load %arg10[%get3A_335] {strides = array<i32>} : memref<512xf32, #tpu.memory_space<vmem>>, vector<16xf32>,
        %mul3A_337 = arith.mulf %get3A_336, %bitcast3A_155 : vector<16xf32>
        %add3A_338 = arith.addf %mul3A_334, %mul3A_337 : vector<16xf32>
        %get3A_339 = arith.index_cast %add3A_329 : i32 to index
        %get3A_340 = tpu.vector_load %arg11[%get3A_339] {strides = array<i32>} : memref<512xf32, #tpu.memory_space<vmem>>, vector<16xf32>,
        %mul3A_341 = arith.mulf %get3A_340, %bitcast3A_170 : vector<16xf32>
        %add3A_342 = arith.addf %add3A_338, %mul3A_341 : vector<16xf32>
        %get3A_343 = arith.index_cast %add3A_329 : i32 to index
        %get3A_344 = tpu.vector_load %arg12[%get3A_343] {strides = array<i32>} : memref<512xf32, #tpu.memory_space<vmem>>, vector<16xf32>,
        %add3A_345 = arith.addf %add3A_127, %get3A_344 : vector<16xf32>
        %mul3A_346 = arith.constant 2.000000e+00 : f32
        %mul3A_347 = vector.broadcast %mul3A_346 : f32 to vector<16xf32>
        %mul3A_348 = arith.mulf %mul3A_347, %add3A_342 : vector<16xf32>
        %sub3A_349 = arith.subf %add3A_345, %mul3A_348 : vector<16xf32>
        %le3A_350 = arith.constant 1.600000e-01 : f32
        %le3A_351 = vector.broadcast %le3A_350 : f32 to vector<16xf32>
        %le3A_352 = arith.cmpf ole, %sub3A_349, %le3A_351 : vector<16xf32>
        %convert_element_type3A_353 = arith.extui %le3A_352 : vector<16xi1> to vector<16xi32>
        %broadcast_in_dim3A_354 = arith.constant true
        %broadcast_in_dim3A_355 = vector.broadcast %broadcast_in_dim3A_354 : i1 to vector<16xi1>
        %masked_cumsum3A_356 = tpu.scan <sum>, %convert_element_type3A_353 masked %broadcast_in_dim3A_355 : vector<16xi32>, vector<16xi1> -> vector<16xi32>
        %sub3A_357 = arith.subi %masked_cumsum3A_356, %convert_element_type3A_353 : vector<16xi32>
        %add3A_358 = arith.addi %add3A_325, %sub3A_357 : vector<16xi32>
        tpu.vector_store_idx %arg20[%add3A_358], %add3A_331 masked %le3A_352 : memref<128xi32, #tpu.memory_space<vmem>>[vector<16xi32>], vector<16xi32>, vector<16xi1>
        %all_reduce_population_count3A_359 = tpu.all_reduce %le3A_352 {dim = 0 : i64, kind = #tpu.reduction_kind<sum>} : vector<16xi1> -> vector<16xi32>
        %add3A_360 = arith.addi %add3A_325, %all_reduce_population_count3A_359 : vector<16xi32>
        %mul3A_361 = arith.constant 64 : i32
        %mul3A_362 = arith.muli %while3A_259, %mul3A_361 : i32
        %add3A_363 = arith.constant 48 : i32
        %add3A_364 = arith.addi %mul3A_362, %add3A_363 : i32
        %add3A_365 = vector.broadcast %add3A_364 : i32 to vector<16xi32>
        %add3A_366 = arith.addi %add3A_365, %iota3A : vector<16xi32>
        %get3A_367 = arith.index_cast %add3A_364 : i32 to index
        %get3A_368 = tpu.vector_load %arg9[%get3A_367] {strides = array<i32>} : memref<512xf32, #tpu.memory_space<vmem>>, vector<16xf32>,
        %mul3A_369 = arith.mulf %get3A_368, %bitcast3A_140 : vector<16xf32>
        %get3A_370 = arith.index_cast %add3A_364 : i32 to index
        %get3A_371 = tpu.vector_load %arg10[%get3A_370] {strides = array<i32>} : memref<512xf32, #tpu.memory_space<vmem>>, vector<16xf32>,
        %mul3A_372 = arith.mulf %get3A_371, %bitcast3A_155 : vector<16xf32>
        %add3A_373 = arith.addf %mul3A_369, %mul3A_372 : vector<16xf32>
        %get3A_374 = arith.index_cast %add3A_364 : i32 to index
        %get3A_375 = tpu.vector_load %arg11[%get3A_374] {strides = array<i32>} : memref<512xf32, #tpu.memory_space<vmem>>, vector<16xf32>,
        %mul3A_376 = arith.mulf %get3A_375, %bitcast3A_170 : vector<16xf32>
        %add3A_377 = arith.addf %add3A_373, %mul3A_376 : vector<16xf32>
        %get3A_378 = arith.index_cast %add3A_364 : i32 to index
        %get3A_379 = tpu.vector_load %arg12[%get3A_378] {strides = array<i32>} : memref<512xf32, #tpu.memory_space<vmem>>, vector<16xf32>,
        %add3A_380 = arith.addf %add3A_127, %get3A_379 : vector<16xf32>
        %mul3A_381 = arith.constant 2.000000e+00 : f32
        %mul3A_382 = vector.broadcast %mul3A_381 : f32 to vector<16xf32>
        %mul3A_383 = arith.mulf %mul3A_382, %add3A_377 : vector<16xf32>
        %sub3A_384 = arith.subf %add3A_380, %mul3A_383 : vector<16xf32>
        %le3A_385 = arith.constant 1.600000e-01 : f32
        %le3A_386 = vector.broadcast %le3A_385 : f32 to vector<16xf32>
        %le3A_387 = arith.cmpf ole, %sub3A_384, %le3A_386 : vector<16xf32>
        %convert_element_type3A_388 = arith.extui %le3A_387 : vector<16xi1> to vector<16xi32>
        %broadcast_in_dim3A_389 = arith.constant true
        %broadcast_in_dim3A_390 = vector.broadcast %broadcast_in_dim3A_389 : i1 to vector<16xi1>
        %masked_cumsum3A_391 = tpu.scan <sum>, %convert_element_type3A_388 masked %broadcast_in_dim3A_390 : vector<16xi32>, vector<16xi1> -> vector<16xi32>
        %sub3A_392 = arith.subi %masked_cumsum3A_391, %convert_element_type3A_388 : vector<16xi32>
        %add3A_393 = arith.addi %add3A_360, %sub3A_392 : vector<16xi32>
        tpu.vector_store_idx %arg20[%add3A_393], %add3A_366 masked %le3A_387 : memref<128xi32, #tpu.memory_space<vmem>>[vector<16xi32>], vector<16xi32>, vector<16xi1>
        %all_reduce_population_count3A_394 = tpu.all_reduce %le3A_387 {dim = 0 : i64, kind = #tpu.reduction_kind<sum>} : vector<16xi1> -> vector<16xi32>
        %add3A_395 = arith.addi %add3A_360, %all_reduce_population_count3A_394 : vector<16xi32>
        %add3A_396 = arith.constant 1 : i32
        %add3A_397 = arith.addi %while3A_259, %add3A_396 : i32
        scf.yield %add3A_397, %add3A_395 : i32, vector<16xi32>
      }
      %lt3A_174 = arith.constant 0 : i32
      %lt3A_175 = vector.broadcast %lt3A_174 : i32 to vector<16xi32>
      %lt3A_176 = arith.cmpi slt, %while3A_173#1, %lt3A_175 : vector<16xi32>
      %select_n3A_177 = arith.select %lt3A_176, %iota3A, %broadcast_in_dim3A_72 : vector<16xi1>, vector<16xi32>
      %gather3A_178 = tpu.vector_load_idx %arg20[%select_n3A_177] : memref<128xi32, #tpu.memory_space<vmem>>[vector<16xi32>], vector<16xi32>,
      %add3A_179 = arith.constant 0 : i32
      %add3A_180 = vector.broadcast %add3A_179 : i32 to vector<16xi32>
      %add3A_181 = arith.addi %add3A_180, %iota3A : vector<16xi32>
      %gather3A_182 = tpu.vector_load_idx %arg20[%add3A_181] : memref<128xi32, #tpu.memory_space<vmem>>[vector<16xi32>], vector<16xi32>,
      %ge3A = arith.cmpi sge, %add3A_181, %while3A_173#1 : vector<16xi32>
      %select_n3A_183 = arith.select %ge3A, %gather3A_178, %gather3A_182 : vector<16xi1>, vector<16xi32>
      %mul3A_184 = arith.constant 64 : i32
      %mul3A_185 = arith.muli %scan3A_117, %mul3A_184 : i32
      %add3A_186 = vector.broadcast %mul3A_185 : i32 to vector<16xi32>
      %add3A_187 = arith.addi %add3A_186, %add3A_181 : vector<16xi32>
      %gather3A_188 = tpu.vector_load_idx %arg6[%select_n3A_183] : memref<512xf32, #tpu.memory_space<vmem>>[vector<16xi32>], vector<16xf32>,
      %sub3A_189 = arith.subf %gather3A_188, %gather3A : vector<16xf32>
      tpu.vector_store_idx %arg16[%add3A_187], %sub3A_189 : memref<1024xf32, #tpu.memory_space<vmem>>[vector<16xi32>], vector<16xf32>,
      %gather3A_190 = tpu.vector_load_idx %arg7[%select_n3A_183] : memref<512xf32, #tpu.memory_space<vmem>>[vector<16xi32>], vector<16xf32>,
      %sub3A_191 = arith.subf %gather3A_190, %gather3A_121 : vector<16xf32>
      tpu.vector_store_idx %arg17[%add3A_187], %sub3A_191 : memref<1024xf32, #tpu.memory_space<vmem>>[vector<16xi32>], vector<16xf32>,
      %gather3A_192 = tpu.vector_load_idx %arg8[%select_n3A_183] : memref<512xf32, #tpu.memory_space<vmem>>[vector<16xi32>], vector<16xf32>,
      %sub3A_193 = arith.subf %gather3A_192, %gather3A_122 : vector<16xf32>
      tpu.vector_store_idx %arg18[%add3A_187], %sub3A_193 : memref<1024xf32, #tpu.memory_space<vmem>>[vector<16xi32>], vector<16xf32>,
      %mul3A_194 = arith.constant 512 : i32
      %mul3A_195 = arith.muli %select_n3A, %mul3A_194 : i32
      %add3A_196 = vector.broadcast %mul3A_195 : i32 to vector<16xi32>
      %add3A_197 = arith.addi %select_n3A_183, %add3A_196 : vector<16xi32>
      tpu.vector_store_idx %arg19[%add3A_187], %add3A_197 : memref<1024xi32, #tpu.memory_space<vmem>>[vector<16xi32>], vector<16xi32>,
      %add3A_198 = arith.constant 16 : i32
      %add3A_199 = vector.broadcast %add3A_198 : i32 to vector<16xi32>
      %add3A_200 = arith.addi %add3A_199, %iota3A : vector<16xi32>
      %gather3A_201 = tpu.vector_load_idx %arg20[%add3A_200] : memref<128xi32, #tpu.memory_space<vmem>>[vector<16xi32>], vector<16xi32>,
      %ge3A_202 = arith.cmpi sge, %add3A_200, %while3A_173#1 : vector<16xi32>
      %select_n3A_203 = arith.select %ge3A_202, %gather3A_178, %gather3A_201 : vector<16xi1>, vector<16xi32>
      %mul3A_204 = arith.constant 64 : i32
      %mul3A_205 = arith.muli %scan3A_117, %mul3A_204 : i32
      %add3A_206 = vector.broadcast %mul3A_205 : i32 to vector<16xi32>
      %add3A_207 = arith.addi %add3A_206, %add3A_200 : vector<16xi32>
      %gather3A_208 = tpu.vector_load_idx %arg6[%select_n3A_203] : memref<512xf32, #tpu.memory_space<vmem>>[vector<16xi32>], vector<16xf32>,
      %sub3A_209 = arith.subf %gather3A_208, %gather3A : vector<16xf32>
      tpu.vector_store_idx %arg16[%add3A_207], %sub3A_209 : memref<1024xf32, #tpu.memory_space<vmem>>[vector<16xi32>], vector<16xf32>,
      %gather3A_210 = tpu.vector_load_idx %arg7[%select_n3A_203] : memref<512xf32, #tpu.memory_space<vmem>>[vector<16xi32>], vector<16xf32>,
      %sub3A_211 = arith.subf %gather3A_210, %gather3A_121 : vector<16xf32>
      tpu.vector_store_idx %arg17[%add3A_207], %sub3A_211 : memref<1024xf32, #tpu.memory_space<vmem>>[vector<16xi32>], vector<16xf32>,
      %gather3A_212 = tpu.vector_load_idx %arg8[%select_n3A_203] : memref<512xf32, #tpu.memory_space<vmem>>[vector<16xi32>], vector<16xf32>,
      %sub3A_213 = arith.subf %gather3A_212, %gather3A_122 : vector<16xf32>
      tpu.vector_store_idx %arg18[%add3A_207], %sub3A_213 : memref<1024xf32, #tpu.memory_space<vmem>>[vector<16xi32>], vector<16xf32>,
      %mul3A_214 = arith.constant 512 : i32
      %mul3A_215 = arith.muli %select_n3A, %mul3A_214 : i32
      %add3A_216 = vector.broadcast %mul3A_215 : i32 to vector<16xi32>
      %add3A_217 = arith.addi %select_n3A_203, %add3A_216 : vector<16xi32>
      tpu.vector_store_idx %arg19[%add3A_207], %add3A_217 : memref<1024xi32, #tpu.memory_space<vmem>>[vector<16xi32>], vector<16xi32>,
      %add3A_218 = arith.constant 32 : i32
      %add3A_219 = vector.broadcast %add3A_218 : i32 to vector<16xi32>
      %add3A_220 = arith.addi %add3A_219, %iota3A : vector<16xi32>
      %gather3A_221 = tpu.vector_load_idx %arg20[%add3A_220] : memref<128xi32, #tpu.memory_space<vmem>>[vector<16xi32>], vector<16xi32>,
      %ge3A_222 = arith.cmpi sge, %add3A_220, %while3A_173#1 : vector<16xi32>
      %select_n3A_223 = arith.select %ge3A_222, %gather3A_178, %gather3A_221 : vector<16xi1>, vector<16xi32>
      %mul3A_224 = arith.constant 64 : i32
      %mul3A_225 = arith.muli %scan3A_117, %mul3A_224 : i32
      %add3A_226 = vector.broadcast %mul3A_225 : i32 to vector<16xi32>
      %add3A_227 = arith.addi %add3A_226, %add3A_220 : vector<16xi32>
      %gather3A_228 = tpu.vector_load_idx %arg6[%select_n3A_223] : memref<512xf32, #tpu.memory_space<vmem>>[vector<16xi32>], vector<16xf32>,
      %sub3A_229 = arith.subf %gather3A_228, %gather3A : vector<16xf32>
      tpu.vector_store_idx %arg16[%add3A_227], %sub3A_229 : memref<1024xf32, #tpu.memory_space<vmem>>[vector<16xi32>], vector<16xf32>,
      %gather3A_230 = tpu.vector_load_idx %arg7[%select_n3A_223] : memref<512xf32, #tpu.memory_space<vmem>>[vector<16xi32>], vector<16xf32>,
      %sub3A_231 = arith.subf %gather3A_230, %gather3A_121 : vector<16xf32>
      tpu.vector_store_idx %arg17[%add3A_227], %sub3A_231 : memref<1024xf32, #tpu.memory_space<vmem>>[vector<16xi32>], vector<16xf32>,
      %gather3A_232 = tpu.vector_load_idx %arg8[%select_n3A_223] : memref<512xf32, #tpu.memory_space<vmem>>[vector<16xi32>], vector<16xf32>,
      %sub3A_233 = arith.subf %gather3A_232, %gather3A_122 : vector<16xf32>
      tpu.vector_store_idx %arg18[%add3A_227], %sub3A_233 : memref<1024xf32, #tpu.memory_space<vmem>>[vector<16xi32>], vector<16xf32>,
      %mul3A_234 = arith.constant 512 : i32
      %mul3A_235 = arith.muli %select_n3A, %mul3A_234 : i32
      %add3A_236 = vector.broadcast %mul3A_235 : i32 to vector<16xi32>
      %add3A_237 = arith.addi %select_n3A_223, %add3A_236 : vector<16xi32>
      tpu.vector_store_idx %arg19[%add3A_227], %add3A_237 : memref<1024xi32, #tpu.memory_space<vmem>>[vector<16xi32>], vector<16xi32>,
      %add3A_238 = arith.constant 48 : i32
      %add3A_239 = vector.broadcast %add3A_238 : i32 to vector<16xi32>
      %add3A_240 = arith.addi %add3A_239, %iota3A : vector<16xi32>
      %gather3A_241 = tpu.vector_load_idx %arg20[%add3A_240] : memref<128xi32, #tpu.memory_space<vmem>>[vector<16xi32>], vector<16xi32>,
      %ge3A_242 = arith.cmpi sge, %add3A_240, %while3A_173#1 : vector<16xi32>
      %select_n3A_243 = arith.select %ge3A_242, %gather3A_178, %gather3A_241 : vector<16xi1>, vector<16xi32>
      %mul3A_244 = arith.constant 64 : i32
      %mul3A_245 = arith.muli %scan3A_117, %mul3A_244 : i32
      %add3A_246 = vector.broadcast %mul3A_245 : i32 to vector<16xi32>
      %add3A_247 = arith.addi %add3A_246, %add3A_240 : vector<16xi32>
      %gather3A_248 = tpu.vector_load_idx %arg6[%select_n3A_243] : memref<512xf32, #tpu.memory_space<vmem>>[vector<16xi32>], vector<16xf32>,
      %sub3A_249 = arith.subf %gather3A_248, %gather3A : vector<16xf32>
      tpu.vector_store_idx %arg16[%add3A_247], %sub3A_249 : memref<1024xf32, #tpu.memory_space<vmem>>[vector<16xi32>], vector<16xf32>,
      %gather3A_250 = tpu.vector_load_idx %arg7[%select_n3A_243] : memref<512xf32, #tpu.memory_space<vmem>>[vector<16xi32>], vector<16xf32>,
      %sub3A_251 = arith.subf %gather3A_250, %gather3A_121 : vector<16xf32>
      tpu.vector_store_idx %arg17[%add3A_247], %sub3A_251 : memref<1024xf32, #tpu.memory_space<vmem>>[vector<16xi32>], vector<16xf32>,
      %gather3A_252 = tpu.vector_load_idx %arg8[%select_n3A_243] : memref<512xf32, #tpu.memory_space<vmem>>[vector<16xi32>], vector<16xf32>,
      %sub3A_253 = arith.subf %gather3A_252, %gather3A_122 : vector<16xf32>
      tpu.vector_store_idx %arg18[%add3A_247], %sub3A_253 : memref<1024xf32, #tpu.memory_space<vmem>>[vector<16xi32>], vector<16xf32>,
      %mul3A_254 = arith.constant 512 : i32
      %mul3A_255 = arith.muli %select_n3A, %mul3A_254 : i32
      %add3A_256 = vector.broadcast %mul3A_255 : i32 to vector<16xi32>
      %add3A_257 = arith.addi %select_n3A_243, %add3A_256 : vector<16xi32>
      tpu.vector_store_idx %arg19[%add3A_247], %add3A_257 : memref<1024xi32, #tpu.memory_space<vmem>>[vector<16xi32>], vector<16xi32>,
      %scan3A_258 = arith.constant 0 : i32
      scf.yield %scan3A_258 : i32
    }
    %scan3A_85 = arith.constant 16 : i32
    %mul3A_86 = arith.constant 3 : i32
    %mul3A_87 = arith.muli %select_n3A, %mul3A_86 : i32
    %add3A_88 = arith.constant 0 : i32
    %add3A_89 = arith.addi %mul3A_87, %add3A_88 : i32
    %mul3A_90 = arith.constant 8192 : i32
    %mul3A_91 = arith.muli %add3A_89, %mul3A_90 : i32
    %mul3A_92 = arith.constant 64 : i32
    %mul3A_93 = arith.muli %mul3A_32, %mul3A_92 : i32
    %add3A_94 = arith.addi %mul3A_91, %mul3A_93 : i32
    "tpu.region"() ({
      %run_scoped3A = tpu.sem_alloc : memref<!tpu.dma_semaphore, #tpu.memory_space<semaphore_mem>>
      %dma_start3A = tpu.memref_slice %arg4[%add3A_94] : memref<98304xf32, #tpu.memory_space<hbm>> -> memref<1024xf32, #tpu.memory_space<hbm>>
      %dma_start3A_117 = tpu.memref_slice %arg4[%add3A_94] : memref<98304xf32, #tpu.memory_space<hbm>> -> memref<1024xf32, #tpu.memory_space<hbm>>
      tpu.enqueue_dma source(%arg16 : memref<1024xf32, #tpu.memory_space<vmem>>) target(%dma_start3A_117 : memref<1024xf32, #tpu.memory_space<hbm>>) target_semaphore(%run_scoped3A : memref<!tpu.dma_semaphore, #tpu.memory_space<semaphore_mem>>)
      %dma_wait3A = tpu.memref_slice %arg4[%add3A_94] : memref<98304xf32, #tpu.memory_space<hbm>> -> memref<1024xf32, #tpu.memory_space<hbm>>
      %dma_wait3A_118 = tpu.memref_slice %arg4[%add3A_94] : memref<98304xf32, #tpu.memory_space<hbm>> -> memref<1024xf32, #tpu.memory_space<hbm>>
      tpu.wait_dma2 semaphore(%run_scoped3A : memref<!tpu.dma_semaphore, #tpu.memory_space<semaphore_mem>>) src(%arg16 : memref<1024xf32, #tpu.memory_space<vmem>>) dst(%dma_wait3A_118 : memref<1024xf32, #tpu.memory_space<hbm>>)
      tpu.yield
    }) : () -> ()
    %mul3A_95 = arith.constant 3 : i32
    %mul3A_96 = arith.muli %select_n3A, %mul3A_95 : i32
    %add3A_97 = arith.constant 1 : i32
    %add3A_98 = arith.addi %mul3A_96, %add3A_97 : i32
    %mul3A_99 = arith.constant 8192 : i32
    %mul3A_100 = arith.muli %add3A_98, %mul3A_99 : i32
    %mul3A_101 = arith.constant 64 : i32
    %mul3A_102 = arith.muli %mul3A_32, %mul3A_101 : i32
    %add3A_103 = arith.addi %mul3A_100, %mul3A_102 : i32
    "tpu.region"() ({
      %run_scoped3A = tpu.sem_alloc : memref<!tpu.dma_semaphore, #tpu.memory_space<semaphore_mem>>
      %dma_start3A = tpu.memref_slice %arg4[%add3A_103] : memref<98304xf32, #tpu.memory_space<hbm>> -> memref<1024xf32, #tpu.memory_space<hbm>>
      %dma_start3A_117 = tpu.memref_slice %arg4[%add3A_103] : memref<98304xf32, #tpu.memory_space<hbm>> -> memref<1024xf32, #tpu.memory_space<hbm>>
      tpu.enqueue_dma source(%arg17 : memref<1024xf32, #tpu.memory_space<vmem>>) target(%dma_start3A_117 : memref<1024xf32, #tpu.memory_space<hbm>>) target_semaphore(%run_scoped3A : memref<!tpu.dma_semaphore, #tpu.memory_space<semaphore_mem>>)
      %dma_wait3A = tpu.memref_slice %arg4[%add3A_103] : memref<98304xf32, #tpu.memory_space<hbm>> -> memref<1024xf32, #tpu.memory_space<hbm>>
      %dma_wait3A_118 = tpu.memref_slice %arg4[%add3A_103] : memref<98304xf32, #tpu.memory_space<hbm>> -> memref<1024xf32, #tpu.memory_space<hbm>>
      tpu.wait_dma2 semaphore(%run_scoped3A : memref<!tpu.dma_semaphore, #tpu.memory_space<semaphore_mem>>) src(%arg17 : memref<1024xf32, #tpu.memory_space<vmem>>) dst(%dma_wait3A_118 : memref<1024xf32, #tpu.memory_space<hbm>>)
      tpu.yield
    }) : () -> ()
    %mul3A_104 = arith.constant 3 : i32
    %mul3A_105 = arith.muli %select_n3A, %mul3A_104 : i32
    %add3A_106 = arith.constant 2 : i32
    %add3A_107 = arith.addi %mul3A_105, %add3A_106 : i32
    %mul3A_108 = arith.constant 8192 : i32
    %mul3A_109 = arith.muli %add3A_107, %mul3A_108 : i32
    %mul3A_110 = arith.constant 64 : i32
    %mul3A_111 = arith.muli %mul3A_32, %mul3A_110 : i32
    %add3A_112 = arith.addi %mul3A_109, %mul3A_111 : i32
    "tpu.region"() ({
      %run_scoped3A = tpu.sem_alloc : memref<!tpu.dma_semaphore, #tpu.memory_space<semaphore_mem>>
      %dma_start3A = tpu.memref_slice %arg4[%add3A_112] : memref<98304xf32, #tpu.memory_space<hbm>> -> memref<1024xf32, #tpu.memory_space<hbm>>
      %dma_start3A_117 = tpu.memref_slice %arg4[%add3A_112] : memref<98304xf32, #tpu.memory_space<hbm>> -> memref<1024xf32, #tpu.memory_space<hbm>>
      tpu.enqueue_dma source(%arg18 : memref<1024xf32, #tpu.memory_space<vmem>>) target(%dma_start3A_117 : memref<1024xf32, #tpu.memory_space<hbm>>) target_semaphore(%run_scoped3A : memref<!tpu.dma_semaphore, #tpu.memory_space<semaphore_mem>>)
      %dma_wait3A = tpu.memref_slice %arg4[%add3A_112] : memref<98304xf32, #tpu.memory_space<hbm>> -> memref<1024xf32, #tpu.memory_space<hbm>>
      %dma_wait3A_118 = tpu.memref_slice %arg4[%add3A_112] : memref<98304xf32, #tpu.memory_space<hbm>> -> memref<1024xf32, #tpu.memory_space<hbm>>
      tpu.wait_dma2 semaphore(%run_scoped3A : memref<!tpu.dma_semaphore, #tpu.memory_space<semaphore_mem>>) src(%arg18 : memref<1024xf32, #tpu.memory_space<vmem>>) dst(%dma_wait3A_118 : memref<1024xf32, #tpu.memory_space<hbm>>)
      tpu.yield
    }) : () -> ()
    %mul3A_113 = arith.constant 16 : i32
    %mul3A_114 = arith.muli %add3A, %mul3A_113 : i32
    %mul3A_115 = arith.constant 64 : i32
    %mul3A_116 = arith.muli %mul3A_114, %mul3A_115 : i32
    "tpu.region"() ({
      %run_scoped3A = tpu.sem_alloc : memref<!tpu.dma_semaphore, #tpu.memory_space<semaphore_mem>>
      %dma_start3A = tpu.memref_slice %arg5[%mul3A_116] : memref<32768xi32, #tpu.memory_space<hbm>> -> memref<1024xi32, #tpu.memory_space<hbm>>
      %dma_start3A_117 = tpu.memref_slice %arg5[%mul3A_116] : memref<32768xi32, #tpu.memory_space<hbm>> -> memref<1024xi32, #tpu.memory_space<hbm>>
      tpu.enqueue_dma source(%arg19 : memref<1024xi32, #tpu.memory_space<vmem>>) target(%dma_start3A_117 : memref<1024xi32, #tpu.memory_space<hbm>>) target_semaphore(%run_scoped3A : memref<!tpu.dma_semaphore, #tpu.memory_space<semaphore_mem>>)
      %dma_wait3A = tpu.memref_slice %arg5[%mul3A_116] : memref<32768xi32, #tpu.memory_space<hbm>> -> memref<1024xi32, #tpu.memory_space<hbm>>
      %dma_wait3A_118 = tpu.memref_slice %arg5[%mul3A_116] : memref<32768xi32, #tpu.memory_space<hbm>> -> memref<1024xi32, #tpu.memory_space<hbm>>
      tpu.wait_dma2 semaphore(%run_scoped3A : memref<!tpu.dma_semaphore, #tpu.memory_space<semaphore_mem>>) src(%arg19 : memref<1024xi32, #tpu.memory_space<vmem>>) dst(%dma_wait3A_118 : memref<1024xi32, #tpu.memory_space<hbm>>)
      tpu.yield
    }) : () -> ()
    return
  }
}

module attributes {stable_mosaic.version = 14 : i64} {
  func.func @_fps_body(%arg0: memref<4x3x8x512xf32, #tpu.memory_space<vmem>>, %arg1: memref<4x3x512xf32, #tpu.memory_space<vmem>>) attributes {dimension_semantics = [], scalar_prefetch = 0 : i64, scratch_operands = 0 : i64, tpu.core_type = #tpu.core_type<tc>} {
    %get3A = arith.constant 0 : index
    %get3A_0 = arith.constant 0 : index
    %get3A_1 = arith.constant 0 : index
    %get3A_2 = arith.constant 0 : index
    %get3A_3 = vector.load %arg0[%get3A, %get3A_0, %get3A_1, %get3A_2] : memref<4x3x8x512xf32, #tpu.memory_space<vmem>>, vector<4x3x8x512xf32>
    %slice3A = vector.extract_strided_slice %get3A_3 {offsets = [0, 0, 0, 0], sizes = [4, 1, 8, 512], strides = [1, 1, 1, 1]} : vector<4x3x8x512xf32> to vector<4x1x8x512xf32>
    %squeeze3A = vector.shape_cast %slice3A : vector<4x1x8x512xf32> to vector<4x8x512xf32>
    %slice3A_4 = vector.extract_strided_slice %get3A_3 {offsets = [0, 1, 0, 0], sizes = [4, 1, 8, 512], strides = [1, 1, 1, 1]} : vector<4x3x8x512xf32> to vector<4x1x8x512xf32>
    %squeeze3A_5 = vector.shape_cast %slice3A_4 : vector<4x1x8x512xf32> to vector<4x8x512xf32>
    %slice3A_6 = vector.extract_strided_slice %get3A_3 {offsets = [0, 2, 0, 0], sizes = [4, 1, 8, 512], strides = [1, 1, 1, 1]} : vector<4x3x8x512xf32> to vector<4x1x8x512xf32>
    %squeeze3A_7 = vector.shape_cast %slice3A_6 : vector<4x1x8x512xf32> to vector<4x8x512xf32>
    %iota3A = tpu.iota {dimensions = array<i32: 1>} : vector<4x8x512xi32>
    %mul3A = arith.constant 512 : i32
    %mul3A_8 = vector.broadcast %mul3A : i32 to vector<4x8x512xi32>
    %mul3A_9 = arith.muli %iota3A, %mul3A_8 : vector<4x8x512xi32>
    %iota3A_10 = tpu.iota {dimensions = array<i32: 2>} : vector<4x8x512xi32>
    %add3A = arith.addi %mul3A_9, %iota3A_10 : vector<4x8x512xi32>
    %iota3A_11 = tpu.iota {dimensions = array<i32: 2>} : vector<1x1x512xi32>
    %iota3A_12 = tpu.iota {dimensions = array<i32: 1>} : vector<1x3x1xi32>
    %broadcast_in_dim3A = arith.constant 0 : i32
    %broadcast_in_dim3A_13 = vector.broadcast %broadcast_in_dim3A : i32 to vector<4x1x1xi32>
    %broadcast_in_dim3A_14 = arith.constant 1.000000e+10 : f32
    %broadcast_in_dim3A_15 = vector.broadcast %broadcast_in_dim3A_14 : f32 to vector<4x8x512xf32>
    %broadcast_in_dim3A_16 = arith.constant 0.000000e+00 : f32
    %broadcast_in_dim3A_17 = vector.broadcast %broadcast_in_dim3A_16 : f32 to vector<4x3x512xf32>
    %scan3A = arith.constant 1073741824 : i32
    %scan3A_18 = arith.constant 0 : i32
    %scan3A_19 = arith.constant 512 : i32
    %scan3A_20 = arith.addi %scan3A_18, %scan3A_19 : i32
    %scan3A_21 = arith.constant 1 : i32
    %scan3A_22:3 = scf.for %scan3A_27 = %scan3A_18 to %scan3A_20 step %scan3A_21 iter_args(%scan3A_28 = %broadcast_in_dim3A_13, %scan3A_29 = %broadcast_in_dim3A_15, %scan3A_30 = %broadcast_in_dim3A_17) -> (vector<4x1x1xi32>, vector<4x8x512xf32>, vector<4x3x512xf32>)  : i32 {
      %eq3A = vector.broadcast %scan3A_28 : vector<4x1x1xi32> to vector<4x8x512xi32>
      %eq3A_31 = arith.cmpi eq, %add3A, %eq3A : vector<4x8x512xi32>
      %jit3A = arith.constant 0.000000e+00 : f32
      %broadcast_in_dim3A_32 = vector.broadcast %jit3A : f32 to vector<4x8x512xf32>
      %select_n3A = arith.select %eq3A_31, %squeeze3A, %broadcast_in_dim3A_32 : vector<4x8x512xi1>, vector<4x8x512xf32>
      %reduce_sum3A = arith.constant dense<0.000000e+00> : vector<4xf32>
      %reduce_sum3A_33 = vector.multi_reduction <add>, %select_n3A, %reduce_sum3A [1, 2] : vector<4x8x512xf32> to vector<4xf32>
      %broadcast_in_dim3A_34 = vector.shape_cast %reduce_sum3A_33 : vector<4xf32> to vector<4x1x1xf32>
      %jit3A_35 = arith.constant 0.000000e+00 : f32
      %broadcast_in_dim3A_36 = vector.broadcast %jit3A_35 : f32 to vector<4x8x512xf32>
      %select_n3A_37 = arith.select %eq3A_31, %squeeze3A_5, %broadcast_in_dim3A_36 : vector<4x8x512xi1>, vector<4x8x512xf32>
      %reduce_sum3A_38 = arith.constant dense<0.000000e+00> : vector<4xf32>
      %reduce_sum3A_39 = vector.multi_reduction <add>, %select_n3A_37, %reduce_sum3A_38 [1, 2] : vector<4x8x512xf32> to vector<4xf32>
      %broadcast_in_dim3A_40 = vector.shape_cast %reduce_sum3A_39 : vector<4xf32> to vector<4x1x1xf32>
      %jit3A_41 = arith.constant 0.000000e+00 : f32
      %broadcast_in_dim3A_42 = vector.broadcast %jit3A_41 : f32 to vector<4x8x512xf32>
      %select_n3A_43 = arith.select %eq3A_31, %squeeze3A_7, %broadcast_in_dim3A_42 : vector<4x8x512xi1>, vector<4x8x512xf32>
      %reduce_sum3A_44 = arith.constant dense<0.000000e+00> : vector<4xf32>
      %reduce_sum3A_45 = vector.multi_reduction <add>, %select_n3A_43, %reduce_sum3A_44 [1, 2] : vector<4x8x512xf32> to vector<4xf32>
      %broadcast_in_dim3A_46 = vector.shape_cast %reduce_sum3A_45 : vector<4xf32> to vector<4x1x1xf32>
      %sub3A = vector.broadcast %broadcast_in_dim3A_34 : vector<4x1x1xf32> to vector<4x8x512xf32>
      %sub3A_47 = arith.subf %squeeze3A, %sub3A : vector<4x8x512xf32>
      %integer_pow3A = arith.mulf %sub3A_47, %sub3A_47 : vector<4x8x512xf32>
      %sub3A_48 = vector.broadcast %broadcast_in_dim3A_40 : vector<4x1x1xf32> to vector<4x8x512xf32>
      %sub3A_49 = arith.subf %squeeze3A_5, %sub3A_48 : vector<4x8x512xf32>
      %integer_pow3A_50 = arith.mulf %sub3A_49, %sub3A_49 : vector<4x8x512xf32>
      %add3A_51 = arith.addf %integer_pow3A, %integer_pow3A_50 : vector<4x8x512xf32>
      %sub3A_52 = vector.broadcast %broadcast_in_dim3A_46 : vector<4x1x1xf32> to vector<4x8x512xf32>
      %sub3A_53 = arith.subf %squeeze3A_7, %sub3A_52 : vector<4x8x512xf32>
      %integer_pow3A_54 = arith.mulf %sub3A_53, %sub3A_53 : vector<4x8x512xf32>
      %add3A_55 = arith.addf %add3A_51, %integer_pow3A_54 : vector<4x8x512xf32>
      %min3A = arith.minimumf %scan3A_29, %add3A_55 : vector<4x8x512xf32>
      %reduce_max3A = arith.constant dense<0xFF800000> : vector<4xf32>
      %reduce_max3A_56 = vector.multi_reduction <maximumf>, %min3A, %reduce_max3A [1, 2] : vector<4x8x512xf32> to vector<4xf32>
      %broadcast_in_dim3A_57 = vector.shape_cast %reduce_max3A_56 : vector<4xf32> to vector<4x1x1xf32>
      %eq3A_58 = vector.broadcast %broadcast_in_dim3A_57 : vector<4x1x1xf32> to vector<4x8x512xf32>
      %eq3A_59 = arith.cmpf oeq, %min3A, %eq3A_58 : vector<4x8x512xf32>
      %broadcast_in_dim3A_60 = vector.broadcast %scan3A : i32 to vector<4x8x512xi32>
      %select_n3A_61 = arith.select %eq3A_59, %add3A, %broadcast_in_dim3A_60 : vector<4x8x512xi1>, vector<4x8x512xi32>
      %reduce_min3A = arith.constant dense<2147483647> : vector<4xi32>
      %reduce_min3A_62 = vector.multi_reduction <minsi>, %select_n3A_61, %reduce_min3A [1, 2] : vector<4x8x512xi32> to vector<4xi32>
      %broadcast_in_dim3A_63 = vector.shape_cast %reduce_min3A_62 : vector<4xi32> to vector<4x1x1xi32>
      %eq3A_64 = arith.constant 0 : i32
      %eq3A_65 = vector.broadcast %eq3A_64 : i32 to vector<1x3x1xi32>
      %eq3A_66 = arith.cmpi eq, %iota3A_12, %eq3A_65 : vector<1x3x1xi32>
      %eq3A_67 = arith.constant 1 : i32
      %eq3A_68 = vector.broadcast %eq3A_67 : i32 to vector<1x3x1xi32>
      %eq3A_69 = arith.cmpi eq, %iota3A_12, %eq3A_68 : vector<1x3x1xi32>
      %broadcast_in_dim3A_70 = vector.shape_cast %eq3A_69 : vector<1x3x1xi1> to vector<1x3x1xi1>
      %broadcast_in_dim3A_71 = vector.broadcast %broadcast_in_dim3A_70 : vector<1x3x1xi1> to vector<4x3x1xi1>
      %broadcast_in_dim3A_72 = vector.shape_cast %broadcast_in_dim3A_40 : vector<4x1x1xf32> to vector<4x1x1xf32>
      %broadcast_in_dim3A_73 = vector.broadcast %broadcast_in_dim3A_72 : vector<4x1x1xf32> to vector<4x3x1xf32>
      %broadcast_in_dim3A_74 = vector.shape_cast %broadcast_in_dim3A_46 : vector<4x1x1xf32> to vector<4x1x1xf32>
      %broadcast_in_dim3A_75 = vector.broadcast %broadcast_in_dim3A_74 : vector<4x1x1xf32> to vector<4x3x1xf32>
      %select_n3A_76 = arith.select %broadcast_in_dim3A_71, %broadcast_in_dim3A_73, %broadcast_in_dim3A_75 : vector<4x3x1xi1>, vector<4x3x1xf32>
      %broadcast_in_dim3A_77 = vector.shape_cast %eq3A_66 : vector<1x3x1xi1> to vector<1x3x1xi1>
      %broadcast_in_dim3A_78 = vector.broadcast %broadcast_in_dim3A_77 : vector<1x3x1xi1> to vector<4x3x1xi1>
      %broadcast_in_dim3A_79 = vector.shape_cast %broadcast_in_dim3A_34 : vector<4x1x1xf32> to vector<4x1x1xf32>
      %broadcast_in_dim3A_80 = vector.broadcast %broadcast_in_dim3A_79 : vector<4x1x1xf32> to vector<4x3x1xf32>
      %select_n3A_81 = arith.select %broadcast_in_dim3A_78, %broadcast_in_dim3A_80, %select_n3A_76 : vector<4x3x1xi1>, vector<4x3x1xf32>
      %eq3A_82 = vector.broadcast %scan3A_27 : i32 to vector<1x1x512xi32>
      %eq3A_83 = arith.cmpi eq, %iota3A_11, %eq3A_82 : vector<1x1x512xi32>
      %broadcast_in_dim3A_84 = vector.shape_cast %eq3A_83 : vector<1x1x512xi1> to vector<1x1x512xi1>
      %broadcast_in_dim3A_85 = vector.broadcast %broadcast_in_dim3A_84 : vector<1x1x512xi1> to vector<4x3x512xi1>
      %broadcast_in_dim3A_86 = vector.shape_cast %select_n3A_81 : vector<4x3x1xf32> to vector<4x3x1xf32>
      %broadcast_in_dim3A_87 = vector.broadcast %broadcast_in_dim3A_86 : vector<4x3x1xf32> to vector<4x3x512xf32>
      %select_n3A_88 = arith.select %broadcast_in_dim3A_85, %broadcast_in_dim3A_87, %scan3A_30 : vector<4x3x512xi1>, vector<4x3x512xf32>
      scf.yield %broadcast_in_dim3A_63, %min3A, %select_n3A_88 : vector<4x1x1xi32>, vector<4x8x512xf32>, vector<4x3x512xf32>
    }
    %scan3A_23 = arith.constant 512 : i32
    %swap3A = arith.constant 0 : index
    %swap3A_24 = arith.constant 0 : index
    %swap3A_25 = arith.constant 0 : index
    %swap3A_26 = vector.load %arg1[%swap3A, %swap3A_24, %swap3A_25] : memref<4x3x512xf32, #tpu.memory_space<vmem>>, vector<4x3x512xf32>
    tpu.vector_store %arg1[%swap3A, %swap3A_24, %swap3A_25], %scan3A_22#2 {strides = array<i32>} : memref<4x3x512xf32, #tpu.memory_space<vmem>>, vector<4x3x512xf32>,
    return
  }
}

module attributes {stable_mosaic.version = 14 : i64} {
  func.func @_fps_body(%arg0: memref<4x3x8x64xf32, #tpu.memory_space<vmem>>, %arg1: memref<4x3x128xf32, #tpu.memory_space<vmem>>) attributes {dimension_semantics = [], scalar_prefetch = 0 : i64, scratch_operands = 0 : i64, tpu.core_type = #tpu.core_type<tc>} {
    %get3A = arith.constant 0 : index
    %get3A_0 = arith.constant 0 : index
    %get3A_1 = arith.constant 0 : index
    %get3A_2 = arith.constant 0 : index
    %get3A_3 = vector.load %arg0[%get3A, %get3A_0, %get3A_1, %get3A_2] : memref<4x3x8x64xf32, #tpu.memory_space<vmem>>, vector<4x3x8x64xf32>
    %slice3A = vector.extract_strided_slice %get3A_3 {offsets = [0, 0, 0, 0], sizes = [4, 1, 8, 64], strides = [1, 1, 1, 1]} : vector<4x3x8x64xf32> to vector<4x1x8x64xf32>
    %squeeze3A = vector.shape_cast %slice3A : vector<4x1x8x64xf32> to vector<4x8x64xf32>
    %slice3A_4 = vector.extract_strided_slice %get3A_3 {offsets = [0, 1, 0, 0], sizes = [4, 1, 8, 64], strides = [1, 1, 1, 1]} : vector<4x3x8x64xf32> to vector<4x1x8x64xf32>
    %squeeze3A_5 = vector.shape_cast %slice3A_4 : vector<4x1x8x64xf32> to vector<4x8x64xf32>
    %slice3A_6 = vector.extract_strided_slice %get3A_3 {offsets = [0, 2, 0, 0], sizes = [4, 1, 8, 64], strides = [1, 1, 1, 1]} : vector<4x3x8x64xf32> to vector<4x1x8x64xf32>
    %squeeze3A_7 = vector.shape_cast %slice3A_6 : vector<4x1x8x64xf32> to vector<4x8x64xf32>
    %iota3A = tpu.iota {dimensions = array<i32: 1>} : vector<4x8x64xi32>
    %mul3A = arith.constant 64 : i32
    %mul3A_8 = vector.broadcast %mul3A : i32 to vector<4x8x64xi32>
    %mul3A_9 = arith.muli %iota3A, %mul3A_8 : vector<4x8x64xi32>
    %iota3A_10 = tpu.iota {dimensions = array<i32: 2>} : vector<4x8x64xi32>
    %add3A = arith.addi %mul3A_9, %iota3A_10 : vector<4x8x64xi32>
    %iota3A_11 = tpu.iota {dimensions = array<i32: 2>} : vector<1x1x128xi32>
    %iota3A_12 = tpu.iota {dimensions = array<i32: 1>} : vector<1x3x1xi32>
    %broadcast_in_dim3A = arith.constant 0 : i32
    %broadcast_in_dim3A_13 = vector.broadcast %broadcast_in_dim3A : i32 to vector<4x1x1xi32>
    %broadcast_in_dim3A_14 = arith.constant 1.000000e+10 : f32
    %broadcast_in_dim3A_15 = vector.broadcast %broadcast_in_dim3A_14 : f32 to vector<4x8x64xf32>
    %broadcast_in_dim3A_16 = arith.constant 0.000000e+00 : f32
    %broadcast_in_dim3A_17 = vector.broadcast %broadcast_in_dim3A_16 : f32 to vector<4x3x128xf32>
    %scan3A = arith.constant 1073741824 : i32
    %scan3A_18 = arith.constant 0 : i32
    %scan3A_19 = arith.constant 128 : i32
    %scan3A_20 = arith.addi %scan3A_18, %scan3A_19 : i32
    %scan3A_21 = arith.constant 1 : i32
    %scan3A_22:3 = scf.for %scan3A_27 = %scan3A_18 to %scan3A_20 step %scan3A_21 iter_args(%scan3A_28 = %broadcast_in_dim3A_13, %scan3A_29 = %broadcast_in_dim3A_15, %scan3A_30 = %broadcast_in_dim3A_17) -> (vector<4x1x1xi32>, vector<4x8x64xf32>, vector<4x3x128xf32>)  : i32 {
      %eq3A = vector.broadcast %scan3A_28 : vector<4x1x1xi32> to vector<4x8x64xi32>
      %eq3A_31 = arith.cmpi eq, %add3A, %eq3A : vector<4x8x64xi32>
      %jit3A = arith.constant 0.000000e+00 : f32
      %broadcast_in_dim3A_32 = vector.broadcast %jit3A : f32 to vector<4x8x64xf32>
      %select_n3A = arith.select %eq3A_31, %squeeze3A, %broadcast_in_dim3A_32 : vector<4x8x64xi1>, vector<4x8x64xf32>
      %reduce_sum3A = arith.constant dense<0.000000e+00> : vector<4xf32>
      %reduce_sum3A_33 = vector.multi_reduction <add>, %select_n3A, %reduce_sum3A [1, 2] : vector<4x8x64xf32> to vector<4xf32>
      %broadcast_in_dim3A_34 = vector.shape_cast %reduce_sum3A_33 : vector<4xf32> to vector<4x1x1xf32>
      %jit3A_35 = arith.constant 0.000000e+00 : f32
      %broadcast_in_dim3A_36 = vector.broadcast %jit3A_35 : f32 to vector<4x8x64xf32>
      %select_n3A_37 = arith.select %eq3A_31, %squeeze3A_5, %broadcast_in_dim3A_36 : vector<4x8x64xi1>, vector<4x8x64xf32>
      %reduce_sum3A_38 = arith.constant dense<0.000000e+00> : vector<4xf32>
      %reduce_sum3A_39 = vector.multi_reduction <add>, %select_n3A_37, %reduce_sum3A_38 [1, 2] : vector<4x8x64xf32> to vector<4xf32>
      %broadcast_in_dim3A_40 = vector.shape_cast %reduce_sum3A_39 : vector<4xf32> to vector<4x1x1xf32>
      %jit3A_41 = arith.constant 0.000000e+00 : f32
      %broadcast_in_dim3A_42 = vector.broadcast %jit3A_41 : f32 to vector<4x8x64xf32>
      %select_n3A_43 = arith.select %eq3A_31, %squeeze3A_7, %broadcast_in_dim3A_42 : vector<4x8x64xi1>, vector<4x8x64xf32>
      %reduce_sum3A_44 = arith.constant dense<0.000000e+00> : vector<4xf32>
      %reduce_sum3A_45 = vector.multi_reduction <add>, %select_n3A_43, %reduce_sum3A_44 [1, 2] : vector<4x8x64xf32> to vector<4xf32>
      %broadcast_in_dim3A_46 = vector.shape_cast %reduce_sum3A_45 : vector<4xf32> to vector<4x1x1xf32>
      %sub3A = vector.broadcast %broadcast_in_dim3A_34 : vector<4x1x1xf32> to vector<4x8x64xf32>
      %sub3A_47 = arith.subf %squeeze3A, %sub3A : vector<4x8x64xf32>
      %integer_pow3A = arith.mulf %sub3A_47, %sub3A_47 : vector<4x8x64xf32>
      %sub3A_48 = vector.broadcast %broadcast_in_dim3A_40 : vector<4x1x1xf32> to vector<4x8x64xf32>
      %sub3A_49 = arith.subf %squeeze3A_5, %sub3A_48 : vector<4x8x64xf32>
      %integer_pow3A_50 = arith.mulf %sub3A_49, %sub3A_49 : vector<4x8x64xf32>
      %add3A_51 = arith.addf %integer_pow3A, %integer_pow3A_50 : vector<4x8x64xf32>
      %sub3A_52 = vector.broadcast %broadcast_in_dim3A_46 : vector<4x1x1xf32> to vector<4x8x64xf32>
      %sub3A_53 = arith.subf %squeeze3A_7, %sub3A_52 : vector<4x8x64xf32>
      %integer_pow3A_54 = arith.mulf %sub3A_53, %sub3A_53 : vector<4x8x64xf32>
      %add3A_55 = arith.addf %add3A_51, %integer_pow3A_54 : vector<4x8x64xf32>
      %min3A = arith.minimumf %scan3A_29, %add3A_55 : vector<4x8x64xf32>
      %reduce_max3A = arith.constant dense<0xFF800000> : vector<4xf32>
      %reduce_max3A_56 = vector.multi_reduction <maximumf>, %min3A, %reduce_max3A [1, 2] : vector<4x8x64xf32> to vector<4xf32>
      %broadcast_in_dim3A_57 = vector.shape_cast %reduce_max3A_56 : vector<4xf32> to vector<4x1x1xf32>
      %eq3A_58 = vector.broadcast %broadcast_in_dim3A_57 : vector<4x1x1xf32> to vector<4x8x64xf32>
      %eq3A_59 = arith.cmpf oeq, %min3A, %eq3A_58 : vector<4x8x64xf32>
      %broadcast_in_dim3A_60 = vector.broadcast %scan3A : i32 to vector<4x8x64xi32>
      %select_n3A_61 = arith.select %eq3A_59, %add3A, %broadcast_in_dim3A_60 : vector<4x8x64xi1>, vector<4x8x64xi32>
      %reduce_min3A = arith.constant dense<2147483647> : vector<4xi32>
      %reduce_min3A_62 = vector.multi_reduction <minsi>, %select_n3A_61, %reduce_min3A [1, 2] : vector<4x8x64xi32> to vector<4xi32>
      %broadcast_in_dim3A_63 = vector.shape_cast %reduce_min3A_62 : vector<4xi32> to vector<4x1x1xi32>
      %eq3A_64 = arith.constant 0 : i32
      %eq3A_65 = vector.broadcast %eq3A_64 : i32 to vector<1x3x1xi32>
      %eq3A_66 = arith.cmpi eq, %iota3A_12, %eq3A_65 : vector<1x3x1xi32>
      %eq3A_67 = arith.constant 1 : i32
      %eq3A_68 = vector.broadcast %eq3A_67 : i32 to vector<1x3x1xi32>
      %eq3A_69 = arith.cmpi eq, %iota3A_12, %eq3A_68 : vector<1x3x1xi32>
      %broadcast_in_dim3A_70 = vector.shape_cast %eq3A_69 : vector<1x3x1xi1> to vector<1x3x1xi1>
      %broadcast_in_dim3A_71 = vector.broadcast %broadcast_in_dim3A_70 : vector<1x3x1xi1> to vector<4x3x1xi1>
      %broadcast_in_dim3A_72 = vector.shape_cast %broadcast_in_dim3A_40 : vector<4x1x1xf32> to vector<4x1x1xf32>
      %broadcast_in_dim3A_73 = vector.broadcast %broadcast_in_dim3A_72 : vector<4x1x1xf32> to vector<4x3x1xf32>
      %broadcast_in_dim3A_74 = vector.shape_cast %broadcast_in_dim3A_46 : vector<4x1x1xf32> to vector<4x1x1xf32>
      %broadcast_in_dim3A_75 = vector.broadcast %broadcast_in_dim3A_74 : vector<4x1x1xf32> to vector<4x3x1xf32>
      %select_n3A_76 = arith.select %broadcast_in_dim3A_71, %broadcast_in_dim3A_73, %broadcast_in_dim3A_75 : vector<4x3x1xi1>, vector<4x3x1xf32>
      %broadcast_in_dim3A_77 = vector.shape_cast %eq3A_66 : vector<1x3x1xi1> to vector<1x3x1xi1>
      %broadcast_in_dim3A_78 = vector.broadcast %broadcast_in_dim3A_77 : vector<1x3x1xi1> to vector<4x3x1xi1>
      %broadcast_in_dim3A_79 = vector.shape_cast %broadcast_in_dim3A_34 : vector<4x1x1xf32> to vector<4x1x1xf32>
      %broadcast_in_dim3A_80 = vector.broadcast %broadcast_in_dim3A_79 : vector<4x1x1xf32> to vector<4x3x1xf32>
      %select_n3A_81 = arith.select %broadcast_in_dim3A_78, %broadcast_in_dim3A_80, %select_n3A_76 : vector<4x3x1xi1>, vector<4x3x1xf32>
      %eq3A_82 = vector.broadcast %scan3A_27 : i32 to vector<1x1x128xi32>
      %eq3A_83 = arith.cmpi eq, %iota3A_11, %eq3A_82 : vector<1x1x128xi32>
      %broadcast_in_dim3A_84 = vector.shape_cast %eq3A_83 : vector<1x1x128xi1> to vector<1x1x128xi1>
      %broadcast_in_dim3A_85 = vector.broadcast %broadcast_in_dim3A_84 : vector<1x1x128xi1> to vector<4x3x128xi1>
      %broadcast_in_dim3A_86 = vector.shape_cast %select_n3A_81 : vector<4x3x1xf32> to vector<4x3x1xf32>
      %broadcast_in_dim3A_87 = vector.broadcast %broadcast_in_dim3A_86 : vector<4x3x1xf32> to vector<4x3x128xf32>
      %select_n3A_88 = arith.select %broadcast_in_dim3A_85, %broadcast_in_dim3A_87, %scan3A_30 : vector<4x3x128xi1>, vector<4x3x128xf32>
      scf.yield %broadcast_in_dim3A_63, %min3A, %select_n3A_88 : vector<4x1x1xi32>, vector<4x8x64xf32>, vector<4x3x128xf32>
    }
    %scan3A_23 = arith.constant 128 : i32
    %swap3A = arith.constant 0 : index
    %swap3A_24 = arith.constant 0 : index
    %swap3A_25 = arith.constant 0 : index
    %swap3A_26 = vector.load %arg1[%swap3A, %swap3A_24, %swap3A_25] : memref<4x3x128xf32, #tpu.memory_space<vmem>>, vector<4x3x128xf32>
    tpu.vector_store %arg1[%swap3A, %swap3A_24, %swap3A_25], %scan3A_22#2 {strides = array<i32>} : memref<4x3x128xf32, #tpu.memory_space<vmem>>, vector<4x3x128xf32>,
    return
  }
}

module attributes {stable_mosaic.version = 14 : i64} {
  func.func @_mmp_body(%arg0: i32, %arg1: memref<4x8192xf32, #tpu.memory_space<vmem>>, %arg2: memref<4x64xf32, #tpu.memory_space<vmem>>, %arg3: memref<1x64xf32, #tpu.memory_space<vmem>>, %arg4: memref<8192x64xf32, #tpu.memory_space<vmem>>, %arg5: memref<2x64xf32, #tpu.memory_space<vmem>>, %arg6: memref<2x64xf32, #tpu.memory_space<vmem>>) attributes {dimension_semantics = [#tpu.dimension_semantics<arbitrary>], iteration_bounds = array<i64: 8>, scalar_prefetch = 0 : i64, scratch_operands = 1 : i64, tpu.core_type = #tpu.core_type<tc>, window_params = [{transform_indices = @transform_0, window_bounds = array<i64: 4, 8192>}, {pipeline_mode = #tpu.pipeline_mode<synchronous>, transform_indices = @transform_1, window_bounds = array<i64: 4, 64>}, {pipeline_mode = #tpu.pipeline_mode<synchronous>, transform_indices = @transform_2, window_bounds = array<i64: 1, 64>}, {transform_indices = @transform_3, window_bounds = array<i64: 8192, 64>}, {pipeline_mode = #tpu.pipeline_mode<synchronous>, transform_indices = @transform_4, window_bounds = array<i64: 2, 64>}]} {
    %get3A = arith.constant 0 : index
    %get3A_0 = arith.constant 0 : index
    %get3A_1 = vector.load %arg1[%get3A, %get3A_0] : memref<4x8192xf32, #tpu.memory_space<vmem>>, vector<4x8192xf32>
    %get3A_2 = arith.constant 0 : index
    %get3A_3 = arith.constant 0 : index
    %get3A_4 = vector.load %arg2[%get3A_2, %get3A_3] : memref<4x64xf32, #tpu.memory_space<vmem>>, vector<4x64xf32>
    %dot_general3A = arith.constant dense<0.000000e+00> : vector<8192x64xf32>
    %dot_general3A_5 = tpu.matmul %get3A_1, %get3A_4, %dot_general3A {dimension_numbers = #tpu.dot_dimension_numbers<[0], [0], [1], [1], [0, 1, 1, 1], [], []>, transpose_lhs_hint = false} : vector<4x8192xf32>, vector<4x64xf32>, vector<8192x64xf32> -> vector<8192x64xf32>
    %get3A_6 = arith.constant 0 : index
    %get3A_7 = arith.constant 0 : index
    %get3A_8 = vector.load %arg3[%get3A_6, %get3A_7] : memref<1x64xf32, #tpu.memory_space<vmem>>, vector<1x64xf32>
    %add3A = vector.broadcast %get3A_8 : vector<1x64xf32> to vector<8192x64xf32>
    %add3A_9 = arith.addf %dot_general3A_5, %add3A : vector<8192x64xf32>
    %swap3A = arith.constant 0 : index
    %swap3A_10 = arith.constant 0 : index
    %swap3A_11 = vector.load %arg4[%swap3A, %swap3A_10] : memref<8192x64xf32, #tpu.memory_space<vmem>>, vector<8192x64xf32>
    tpu.vector_store %arg4[%swap3A, %swap3A_10], %add3A_9 {strides = array<i32>} : memref<8192x64xf32, #tpu.memory_space<vmem>>, vector<8192x64xf32>,
    %eq3A = arith.constant 0 : i32
    %eq3A_12 = arith.cmpi eq, %arg0, %eq3A : i32
    %convert_element_type3A = arith.extui %eq3A_12 : i1 to i32
    %cond3A = arith.constant 0 : i32
    %cond3A_13 = arith.cmpi ne, %convert_element_type3A, %cond3A : i32
    scf.if %cond3A_13 {
      %broadcast_in_dim3A_38 = arith.constant 0.000000e+00 : f32
      %broadcast_in_dim3A_39 = vector.broadcast %broadcast_in_dim3A_38 : f32 to vector<2x64xf32>
      %swap3A_40 = arith.constant 0 : index
      %swap3A_41 = arith.constant 0 : index
      %swap3A_42 = vector.load %arg6[%swap3A_40, %swap3A_41] : memref<2x64xf32, #tpu.memory_space<vmem>>, vector<2x64xf32>
      tpu.vector_store %arg6[%swap3A_40, %swap3A_41], %broadcast_in_dim3A_39 {strides = array<i32>} : memref<2x64xf32, #tpu.memory_space<vmem>>, vector<2x64xf32>,
    } else {
    }
    %get3A_14 = arith.constant 0 : index
    %get3A_15 = arith.constant 0 : index
    %get3A_16 = vector.load %arg6[%get3A_14, %get3A_15] : memref<2x64xf32, #tpu.memory_space<vmem>>, vector<1x64xf32>
    %reduce_sum3A = arith.constant dense<0.000000e+00> : vector<64xf32>
    %reduce_sum3A_17 = vector.multi_reduction <add>, %add3A_9, %reduce_sum3A [0] : vector<8192x64xf32> to vector<64xf32>
    %broadcast_in_dim3A = vector.shape_cast %reduce_sum3A_17 : vector<64xf32> to vector<1x64xf32>
    %add3A_18 = arith.addf %get3A_16, %broadcast_in_dim3A : vector<1x64xf32>
    %swap3A_19 = arith.constant 0 : index
    %swap3A_20 = arith.constant 0 : index
    %swap3A_21 = vector.load %arg6[%swap3A_19, %swap3A_20] : memref<2x64xf32, #tpu.memory_space<vmem>>, vector<1x64xf32>
    tpu.vector_store %arg6[%swap3A_19, %swap3A_20], %add3A_18 {strides = array<i32>} : memref<2x64xf32, #tpu.memory_space<vmem>>, vector<1x64xf32>,
    %get3A_22 = arith.constant 1 : index
    %get3A_23 = arith.constant 0 : index
    %get3A_24 = vector.load %arg6[%get3A_22, %get3A_23] : memref<2x64xf32, #tpu.memory_space<vmem>>, vector<1x64xf32>
    %mul3A = arith.mulf %add3A_9, %add3A_9 : vector<8192x64xf32>
    %reduce_sum3A_25 = arith.constant dense<0.000000e+00> : vector<64xf32>
    %reduce_sum3A_26 = vector.multi_reduction <add>, %mul3A, %reduce_sum3A_25 [0] : vector<8192x64xf32> to vector<64xf32>
    %broadcast_in_dim3A_27 = vector.shape_cast %reduce_sum3A_26 : vector<64xf32> to vector<1x64xf32>
    %add3A_28 = arith.addf %get3A_24, %broadcast_in_dim3A_27 : vector<1x64xf32>
    %swap3A_29 = arith.constant 1 : index
    %swap3A_30 = arith.constant 0 : index
    %swap3A_31 = vector.load %arg6[%swap3A_29, %swap3A_30] : memref<2x64xf32, #tpu.memory_space<vmem>>, vector<1x64xf32>
    tpu.vector_store %arg6[%swap3A_29, %swap3A_30], %add3A_28 {strides = array<i32>} : memref<2x64xf32, #tpu.memory_space<vmem>>, vector<1x64xf32>,
    %get3A_32 = arith.constant 0 : index
    %get3A_33 = arith.constant 0 : index
    %get3A_34 = vector.load %arg6[%get3A_32, %get3A_33] : memref<2x64xf32, #tpu.memory_space<vmem>>, vector<2x64xf32>
    %swap3A_35 = arith.constant 0 : index
    %swap3A_36 = arith.constant 0 : index
    %swap3A_37 = vector.load %arg5[%swap3A_35, %swap3A_36] : memref<2x64xf32, #tpu.memory_space<vmem>>, vector<2x64xf32>
    tpu.vector_store %arg5[%swap3A_35, %swap3A_36], %get3A_34 {strides = array<i32>} : memref<2x64xf32, #tpu.memory_space<vmem>>, vector<2x64xf32>,
    return
  }
  func.func @transform_0(%arg0: i32) -> (i32, i32) {
    %c0_i32 = arith.constant 0 : i32
    %c0_i32_0 = arith.constant 0 : i32
    return %c0_i32, %arg0 : i32, i32
  }
  func.func @transform_1(%arg0: i32) -> (i32, i32) {
    %c0_i32 = arith.constant 0 : i32
    %c0_i32_0 = arith.constant 0 : i32
    %c0_i32_1 = arith.constant 0 : i32
    return %c0_i32, %c0_i32_0 : i32, i32
  }
  func.func @transform_2(%arg0: i32) -> (i32, i32) {
    %c0_i32 = arith.constant 0 : i32
    %c0_i32_0 = arith.constant 0 : i32
    %c0_i32_1 = arith.constant 0 : i32
    return %c0_i32, %c0_i32_0 : i32, i32
  }
  func.func @transform_3(%arg0: i32) -> (i32, i32) {
    %c0_i32 = arith.constant 0 : i32
    %c0_i32_0 = arith.constant 0 : i32
    return %arg0, %c0_i32 : i32, i32
  }
  func.func @transform_4(%arg0: i32) -> (i32, i32) {
    %c0_i32 = arith.constant 0 : i32
    %c0_i32_0 = arith.constant 0 : i32
    %c0_i32_1 = arith.constant 0 : i32
    return %c0_i32, %c0_i32_0 : i32, i32
  }
}

module attributes {stable_mosaic.version = 14 : i64} {
  func.func @_mmr_body(%arg0: i32, %arg1: memref<8192x64xf32, #tpu.memory_space<vmem>>, %arg2: memref<2x64xf32, #tpu.memory_space<vmem>>, %arg3: memref<1x64xf32, #tpu.memory_space<vmem>>, %arg4: memref<1x64xf32, #tpu.memory_space<vmem>>, %arg5: memref<64x64xf32, #tpu.memory_space<vmem>>, %arg6: memref<1x64xf32, #tpu.memory_space<vmem>>, %arg7: memref<8192x64xf32, #tpu.memory_space<vmem>>, %arg8: memref<2x64xf32, #tpu.memory_space<vmem>>, %arg9: memref<2x64xf32, #tpu.memory_space<vmem>>) attributes {dimension_semantics = [#tpu.dimension_semantics<arbitrary>], iteration_bounds = array<i64: 8>, scalar_prefetch = 0 : i64, scratch_operands = 1 : i64, tpu.core_type = #tpu.core_type<tc>, window_params = [{transform_indices = @transform_0, window_bounds = array<i64: 8192, 64>}, {pipeline_mode = #tpu.pipeline_mode<synchronous>, transform_indices = @transform_1, window_bounds = array<i64: 2, 64>}, {pipeline_mode = #tpu.pipeline_mode<synchronous>, transform_indices = @transform_2, window_bounds = array<i64: 1, 64>}, {pipeline_mode = #tpu.pipeline_mode<synchronous>, transform_indices = @transform_3, window_bounds = array<i64: 1, 64>}, {pipeline_mode = #tpu.pipeline_mode<synchronous>, transform_indices = @transform_4, window_bounds = array<i64: 64, 64>}, {pipeline_mode = #tpu.pipeline_mode<synchronous>, transform_indices = @transform_5, window_bounds = array<i64: 1, 64>}, {transform_indices = @transform_6, window_bounds = array<i64: 8192, 64>}, {pipeline_mode = #tpu.pipeline_mode<synchronous>, transform_indices = @transform_7, window_bounds = array<i64: 2, 64>}]} {
    %get3A = arith.constant 0 : index
    %get3A_0 = arith.constant 0 : index
    %get3A_1 = vector.load %arg2[%get3A, %get3A_0] : memref<2x64xf32, #tpu.memory_space<vmem>>, vector<2x64xf32>
    %get3A_2 = arith.constant 0 : index
    %get3A_3 = arith.constant 0 : index
    %get3A_4 = vector.load %arg3[%get3A_2, %get3A_3] : memref<1x64xf32, #tpu.memory_space<vmem>>, vector<1x64xf32>
    %get3A_5 = arith.constant 0 : index
    %get3A_6 = arith.constant 0 : index
    %get3A_7 = vector.load %arg4[%get3A_5, %get3A_6] : memref<1x64xf32, #tpu.memory_space<vmem>>, vector<1x64xf32>
    %slice3A = vector.extract_strided_slice %get3A_1 {offsets = [0, 0], sizes = [1, 64], strides = [1, 1]} : vector<2x64xf32> to vector<1x64xf32>
    %div3A = arith.constant 6.553600e+04 : f32
    %div3A_8 = vector.broadcast %div3A : f32 to vector<1x64xf32>
    %div3A_9 = arith.divf %slice3A, %div3A_8 : vector<1x64xf32>
    %slice3A_10 = vector.extract_strided_slice %get3A_1 {offsets = [1, 0], sizes = [1, 64], strides = [1, 1]} : vector<2x64xf32> to vector<1x64xf32>
    %div3A_11 = arith.constant 6.553600e+04 : f32
    %div3A_12 = vector.broadcast %div3A_11 : f32 to vector<1x64xf32>
    %div3A_13 = arith.divf %slice3A_10, %div3A_12 : vector<1x64xf32>
    %mul3A = arith.mulf %div3A_9, %div3A_9 : vector<1x64xf32>
    %sub3A = arith.subf %div3A_13, %mul3A : vector<1x64xf32>
    %add3A = arith.constant 9.99999974E-6 : f32
    %add3A_14 = vector.broadcast %add3A : f32 to vector<1x64xf32>
    %add3A_15 = arith.addf %sub3A, %add3A_14 : vector<1x64xf32>
    %rsqrt3A = math.rsqrt %add3A_15 : vector<1x64xf32>
    %mul3A_16 = arith.mulf %get3A_4, %rsqrt3A : vector<1x64xf32>
    %mul3A_17 = arith.mulf %div3A_9, %mul3A_16 : vector<1x64xf32>
    %sub3A_18 = arith.subf %get3A_7, %mul3A_17 : vector<1x64xf32>
    %get3A_19 = arith.constant 0 : index
    %get3A_20 = arith.constant 0 : index
    %get3A_21 = vector.load %arg1[%get3A_19, %get3A_20] : memref<8192x64xf32, #tpu.memory_space<vmem>>, vector<8192x64xf32>
    %mul3A_22 = vector.broadcast %mul3A_16 : vector<1x64xf32> to vector<8192x64xf32>
    %mul3A_23 = arith.mulf %get3A_21, %mul3A_22 : vector<8192x64xf32>
    %add3A_24 = vector.broadcast %sub3A_18 : vector<1x64xf32> to vector<8192x64xf32>
    %add3A_25 = arith.addf %mul3A_23, %add3A_24 : vector<8192x64xf32>
    %max3A = arith.constant 0.000000e+00 : f32
    %max3A_26 = vector.broadcast %max3A : f32 to vector<8192x64xf32>
    %max3A_27 = arith.maximumf %add3A_25, %max3A_26 : vector<8192x64xf32>
    %get3A_28 = arith.constant 0 : index
    %get3A_29 = arith.constant 0 : index
    %get3A_30 = vector.load %arg5[%get3A_28, %get3A_29] : memref<64x64xf32, #tpu.memory_space<vmem>>, vector<64x64xf32>
    %dot_general3A = arith.constant dense<0.000000e+00> : vector<8192x64xf32>
    %dot_general3A_31 = tpu.matmul %max3A_27, %get3A_30, %dot_general3A {dimension_numbers = #tpu.dot_dimension_numbers<[1], [0], [0], [1], [0, 0, 1, 1], [], []>, transpose_lhs_hint = false} : vector<8192x64xf32>, vector<64x64xf32>, vector<8192x64xf32> -> vector<8192x64xf32>
    %get3A_32 = arith.constant 0 : index
    %get3A_33 = arith.constant 0 : index
    %get3A_34 = vector.load %arg6[%get3A_32, %get3A_33] : memref<1x64xf32, #tpu.memory_space<vmem>>, vector<1x64xf32>
    %add3A_35 = vector.broadcast %get3A_34 : vector<1x64xf32> to vector<8192x64xf32>
    %add3A_36 = arith.addf %dot_general3A_31, %add3A_35 : vector<8192x64xf32>
    %swap3A = arith.constant 0 : index
    %swap3A_37 = arith.constant 0 : index
    %swap3A_38 = vector.load %arg7[%swap3A, %swap3A_37] : memref<8192x64xf32, #tpu.memory_space<vmem>>, vector<8192x64xf32>
    tpu.vector_store %arg7[%swap3A, %swap3A_37], %add3A_36 {strides = array<i32>} : memref<8192x64xf32, #tpu.memory_space<vmem>>, vector<8192x64xf32>,
    %eq3A = arith.constant 0 : i32
    %eq3A_39 = arith.cmpi eq, %arg0, %eq3A : i32
    %convert_element_type3A = arith.extui %eq3A_39 : i1 to i32
    %cond3A = arith.constant 0 : i32
    %cond3A_40 = arith.cmpi ne, %convert_element_type3A, %cond3A : i32
    scf.if %cond3A_40 {
      %broadcast_in_dim3A_66 = arith.constant 0.000000e+00 : f32
      %broadcast_in_dim3A_67 = vector.broadcast %broadcast_in_dim3A_66 : f32 to vector<2x64xf32>
      %swap3A_68 = arith.constant 0 : index
      %swap3A_69 = arith.constant 0 : index
      %swap3A_70 = vector.load %arg9[%swap3A_68, %swap3A_69] : memref<2x64xf32, #tpu.memory_space<vmem>>, vector<2x64xf32>
      tpu.vector_store %arg9[%swap3A_68, %swap3A_69], %broadcast_in_dim3A_67 {strides = array<i32>} : memref<2x64xf32, #tpu.memory_space<vmem>>, vector<2x64xf32>,
    } else {
    }
    %get3A_41 = arith.constant 0 : index
    %get3A_42 = arith.constant 0 : index
    %get3A_43 = vector.load %arg9[%get3A_41, %get3A_42] : memref<2x64xf32, #tpu.memory_space<vmem>>, vector<1x64xf32>
    %reduce_sum3A = arith.constant dense<0.000000e+00> : vector<64xf32>
    %reduce_sum3A_44 = vector.multi_reduction <add>, %add3A_36, %reduce_sum3A [0] : vector<8192x64xf32> to vector<64xf32>
    %broadcast_in_dim3A = vector.shape_cast %reduce_sum3A_44 : vector<64xf32> to vector<1x64xf32>
    %add3A_45 = arith.addf %get3A_43, %broadcast_in_dim3A : vector<1x64xf32>
    %swap3A_46 = arith.constant 0 : index
    %swap3A_47 = arith.constant 0 : index
    %swap3A_48 = vector.load %arg9[%swap3A_46, %swap3A_47] : memref<2x64xf32, #tpu.memory_space<vmem>>, vector<1x64xf32>
    tpu.vector_store %arg9[%swap3A_46, %swap3A_47], %add3A_45 {strides = array<i32>} : memref<2x64xf32, #tpu.memory_space<vmem>>, vector<1x64xf32>,
    %get3A_49 = arith.constant 1 : index
    %get3A_50 = arith.constant 0 : index
    %get3A_51 = vector.load %arg9[%get3A_49, %get3A_50] : memref<2x64xf32, #tpu.memory_space<vmem>>, vector<1x64xf32>
    %mul3A_52 = arith.mulf %add3A_36, %add3A_36 : vector<8192x64xf32>
    %reduce_sum3A_53 = arith.constant dense<0.000000e+00> : vector<64xf32>
    %reduce_sum3A_54 = vector.multi_reduction <add>, %mul3A_52, %reduce_sum3A_53 [0] : vector<8192x64xf32> to vector<64xf32>
    %broadcast_in_dim3A_55 = vector.shape_cast %reduce_sum3A_54 : vector<64xf32> to vector<1x64xf32>
    %add3A_56 = arith.addf %get3A_51, %broadcast_in_dim3A_55 : vector<1x64xf32>
    %swap3A_57 = arith.constant 1 : index
    %swap3A_58 = arith.constant 0 : index
    %swap3A_59 = vector.load %arg9[%swap3A_57, %swap3A_58] : memref<2x64xf32, #tpu.memory_space<vmem>>, vector<1x64xf32>
    tpu.vector_store %arg9[%swap3A_57, %swap3A_58], %add3A_56 {strides = array<i32>} : memref<2x64xf32, #tpu.memory_space<vmem>>, vector<1x64xf32>,
    %get3A_60 = arith.constant 0 : index
    %get3A_61 = arith.constant 0 : index
    %get3A_62 = vector.load %arg9[%get3A_60, %get3A_61] : memref<2x64xf32, #tpu.memory_space<vmem>>, vector<2x64xf32>
    %swap3A_63 = arith.constant 0 : index
    %swap3A_64 = arith.constant 0 : index
    %swap3A_65 = vector.load %arg8[%swap3A_63, %swap3A_64] : memref<2x64xf32, #tpu.memory_space<vmem>>, vector<2x64xf32>
    tpu.vector_store %arg8[%swap3A_63, %swap3A_64], %get3A_62 {strides = array<i32>} : memref<2x64xf32, #tpu.memory_space<vmem>>, vector<2x64xf32>,
    return
  }
  func.func @transform_0(%arg0: i32) -> (i32, i32) {
    %c0_i32 = arith.constant 0 : i32
    %c0_i32_0 = arith.constant 0 : i32
    return %arg0, %c0_i32 : i32, i32
  }
  func.func @transform_1(%arg0: i32) -> (i32, i32) {
    %c0_i32 = arith.constant 0 : i32
    %c0_i32_0 = arith.constant 0 : i32
    %c0_i32_1 = arith.constant 0 : i32
    return %c0_i32, %c0_i32_0 : i32, i32
  }
  func.func @transform_2(%arg0: i32) -> (i32, i32) {
    %c0_i32 = arith.constant 0 : i32
    %c0_i32_0 = arith.constant 0 : i32
    %c0_i32_1 = arith.constant 0 : i32
    return %c0_i32, %c0_i32_0 : i32, i32
  }
  func.func @transform_3(%arg0: i32) -> (i32, i32) {
    %c0_i32 = arith.constant 0 : i32
    %c0_i32_0 = arith.constant 0 : i32
    %c0_i32_1 = arith.constant 0 : i32
    return %c0_i32, %c0_i32_0 : i32, i32
  }
  func.func @transform_4(%arg0: i32) -> (i32, i32) {
    %c0_i32 = arith.constant 0 : i32
    %c0_i32_0 = arith.constant 0 : i32
    %c0_i32_1 = arith.constant 0 : i32
    return %c0_i32, %c0_i32_0 : i32, i32
  }
  func.func @transform_5(%arg0: i32) -> (i32, i32) {
    %c0_i32 = arith.constant 0 : i32
    %c0_i32_0 = arith.constant 0 : i32
    %c0_i32_1 = arith.constant 0 : i32
    return %c0_i32, %c0_i32_0 : i32, i32
  }
  func.func @transform_6(%arg0: i32) -> (i32, i32) {
    %c0_i32 = arith.constant 0 : i32
    %c0_i32_0 = arith.constant 0 : i32
    return %arg0, %c0_i32 : i32, i32
  }
  func.func @transform_7(%arg0: i32) -> (i32, i32) {
    %c0_i32 = arith.constant 0 : i32
    %c0_i32_0 = arith.constant 0 : i32
    %c0_i32_1 = arith.constant 0 : i32
    return %c0_i32, %c0_i32_0 : i32, i32
  }
}

module attributes {stable_mosaic.version = 14 : i64} {
  func.func @_mmr_body(%arg0: i32, %arg1: memref<8192x64xf32, #tpu.memory_space<vmem>>, %arg2: memref<2x64xf32, #tpu.memory_space<vmem>>, %arg3: memref<1x64xf32, #tpu.memory_space<vmem>>, %arg4: memref<1x64xf32, #tpu.memory_space<vmem>>, %arg5: memref<64x128xf32, #tpu.memory_space<vmem>>, %arg6: memref<1x128xf32, #tpu.memory_space<vmem>>, %arg7: memref<8192x128xf32, #tpu.memory_space<vmem>>, %arg8: memref<2x128xf32, #tpu.memory_space<vmem>>, %arg9: memref<2x128xf32, #tpu.memory_space<vmem>>) attributes {dimension_semantics = [#tpu.dimension_semantics<arbitrary>], iteration_bounds = array<i64: 8>, scalar_prefetch = 0 : i64, scratch_operands = 1 : i64, tpu.core_type = #tpu.core_type<tc>, window_params = [{transform_indices = @transform_0, window_bounds = array<i64: 8192, 64>}, {pipeline_mode = #tpu.pipeline_mode<synchronous>, transform_indices = @transform_1, window_bounds = array<i64: 2, 64>}, {pipeline_mode = #tpu.pipeline_mode<synchronous>, transform_indices = @transform_2, window_bounds = array<i64: 1, 64>}, {pipeline_mode = #tpu.pipeline_mode<synchronous>, transform_indices = @transform_3, window_bounds = array<i64: 1, 64>}, {pipeline_mode = #tpu.pipeline_mode<synchronous>, transform_indices = @transform_4, window_bounds = array<i64: 64, 128>}, {pipeline_mode = #tpu.pipeline_mode<synchronous>, transform_indices = @transform_5, window_bounds = array<i64: 1, 128>}, {transform_indices = @transform_6, window_bounds = array<i64: 8192, 128>}, {pipeline_mode = #tpu.pipeline_mode<synchronous>, transform_indices = @transform_7, window_bounds = array<i64: 2, 128>}]} {
    %get3A = arith.constant 0 : index
    %get3A_0 = arith.constant 0 : index
    %get3A_1 = vector.load %arg2[%get3A, %get3A_0] : memref<2x64xf32, #tpu.memory_space<vmem>>, vector<2x64xf32>
    %get3A_2 = arith.constant 0 : index
    %get3A_3 = arith.constant 0 : index
    %get3A_4 = vector.load %arg3[%get3A_2, %get3A_3] : memref<1x64xf32, #tpu.memory_space<vmem>>, vector<1x64xf32>
    %get3A_5 = arith.constant 0 : index
    %get3A_6 = arith.constant 0 : index
    %get3A_7 = vector.load %arg4[%get3A_5, %get3A_6] : memref<1x64xf32, #tpu.memory_space<vmem>>, vector<1x64xf32>
    %slice3A = vector.extract_strided_slice %get3A_1 {offsets = [0, 0], sizes = [1, 64], strides = [1, 1]} : vector<2x64xf32> to vector<1x64xf32>
    %div3A = arith.constant 6.553600e+04 : f32
    %div3A_8 = vector.broadcast %div3A : f32 to vector<1x64xf32>
    %div3A_9 = arith.divf %slice3A, %div3A_8 : vector<1x64xf32>
    %slice3A_10 = vector.extract_strided_slice %get3A_1 {offsets = [1, 0], sizes = [1, 64], strides = [1, 1]} : vector<2x64xf32> to vector<1x64xf32>
    %div3A_11 = arith.constant 6.553600e+04 : f32
    %div3A_12 = vector.broadcast %div3A_11 : f32 to vector<1x64xf32>
    %div3A_13 = arith.divf %slice3A_10, %div3A_12 : vector<1x64xf32>
    %mul3A = arith.mulf %div3A_9, %div3A_9 : vector<1x64xf32>
    %sub3A = arith.subf %div3A_13, %mul3A : vector<1x64xf32>
    %add3A = arith.constant 9.99999974E-6 : f32
    %add3A_14 = vector.broadcast %add3A : f32 to vector<1x64xf32>
    %add3A_15 = arith.addf %sub3A, %add3A_14 : vector<1x64xf32>
    %rsqrt3A = math.rsqrt %add3A_15 : vector<1x64xf32>
    %mul3A_16 = arith.mulf %get3A_4, %rsqrt3A : vector<1x64xf32>
    %mul3A_17 = arith.mulf %div3A_9, %mul3A_16 : vector<1x64xf32>
    %sub3A_18 = arith.subf %get3A_7, %mul3A_17 : vector<1x64xf32>
    %get3A_19 = arith.constant 0 : index
    %get3A_20 = arith.constant 0 : index
    %get3A_21 = vector.load %arg1[%get3A_19, %get3A_20] : memref<8192x64xf32, #tpu.memory_space<vmem>>, vector<8192x64xf32>
    %mul3A_22 = vector.broadcast %mul3A_16 : vector<1x64xf32> to vector<8192x64xf32>
    %mul3A_23 = arith.mulf %get3A_21, %mul3A_22 : vector<8192x64xf32>
    %add3A_24 = vector.broadcast %sub3A_18 : vector<1x64xf32> to vector<8192x64xf32>
    %add3A_25 = arith.addf %mul3A_23, %add3A_24 : vector<8192x64xf32>
    %max3A = arith.constant 0.000000e+00 : f32
    %max3A_26 = vector.broadcast %max3A : f32 to vector<8192x64xf32>
    %max3A_27 = arith.maximumf %add3A_25, %max3A_26 : vector<8192x64xf32>
    %get3A_28 = arith.constant 0 : index
    %get3A_29 = arith.constant 0 : index
    %get3A_30 = vector.load %arg5[%get3A_28, %get3A_29] : memref<64x128xf32, #tpu.memory_space<vmem>>, vector<64x128xf32>
    %dot_general3A = arith.constant dense<0.000000e+00> : vector<8192x128xf32>
    %dot_general3A_31 = tpu.matmul %max3A_27, %get3A_30, %dot_general3A {dimension_numbers = #tpu.dot_dimension_numbers<[1], [0], [0], [1], [0, 0, 1, 1], [], []>, transpose_lhs_hint = false} : vector<8192x64xf32>, vector<64x128xf32>, vector<8192x128xf32> -> vector<8192x128xf32>
    %get3A_32 = arith.constant 0 : index
    %get3A_33 = arith.constant 0 : index
    %get3A_34 = vector.load %arg6[%get3A_32, %get3A_33] : memref<1x128xf32, #tpu.memory_space<vmem>>, vector<1x128xf32>
    %add3A_35 = vector.broadcast %get3A_34 : vector<1x128xf32> to vector<8192x128xf32>
    %add3A_36 = arith.addf %dot_general3A_31, %add3A_35 : vector<8192x128xf32>
    %swap3A = arith.constant 0 : index
    %swap3A_37 = arith.constant 0 : index
    %swap3A_38 = vector.load %arg7[%swap3A, %swap3A_37] : memref<8192x128xf32, #tpu.memory_space<vmem>>, vector<8192x128xf32>
    tpu.vector_store %arg7[%swap3A, %swap3A_37], %add3A_36 {strides = array<i32>} : memref<8192x128xf32, #tpu.memory_space<vmem>>, vector<8192x128xf32>,
    %eq3A = arith.constant 0 : i32
    %eq3A_39 = arith.cmpi eq, %arg0, %eq3A : i32
    %convert_element_type3A = arith.extui %eq3A_39 : i1 to i32
    %cond3A = arith.constant 0 : i32
    %cond3A_40 = arith.cmpi ne, %convert_element_type3A, %cond3A : i32
    scf.if %cond3A_40 {
      %broadcast_in_dim3A_66 = arith.constant 0.000000e+00 : f32
      %broadcast_in_dim3A_67 = vector.broadcast %broadcast_in_dim3A_66 : f32 to vector<2x128xf32>
      %swap3A_68 = arith.constant 0 : index
      %swap3A_69 = arith.constant 0 : index
      %swap3A_70 = vector.load %arg9[%swap3A_68, %swap3A_69] : memref<2x128xf32, #tpu.memory_space<vmem>>, vector<2x128xf32>
      tpu.vector_store %arg9[%swap3A_68, %swap3A_69], %broadcast_in_dim3A_67 {strides = array<i32>} : memref<2x128xf32, #tpu.memory_space<vmem>>, vector<2x128xf32>,
    } else {
    }
    %get3A_41 = arith.constant 0 : index
    %get3A_42 = arith.constant 0 : index
    %get3A_43 = vector.load %arg9[%get3A_41, %get3A_42] : memref<2x128xf32, #tpu.memory_space<vmem>>, vector<1x128xf32>
    %reduce_sum3A = arith.constant dense<0.000000e+00> : vector<128xf32>
    %reduce_sum3A_44 = vector.multi_reduction <add>, %add3A_36, %reduce_sum3A [0] : vector<8192x128xf32> to vector<128xf32>
    %broadcast_in_dim3A = vector.shape_cast %reduce_sum3A_44 : vector<128xf32> to vector<1x128xf32>
    %add3A_45 = arith.addf %get3A_43, %broadcast_in_dim3A : vector<1x128xf32>
    %swap3A_46 = arith.constant 0 : index
    %swap3A_47 = arith.constant 0 : index
    %swap3A_48 = vector.load %arg9[%swap3A_46, %swap3A_47] : memref<2x128xf32, #tpu.memory_space<vmem>>, vector<1x128xf32>
    tpu.vector_store %arg9[%swap3A_46, %swap3A_47], %add3A_45 {strides = array<i32>} : memref<2x128xf32, #tpu.memory_space<vmem>>, vector<1x128xf32>,
    %get3A_49 = arith.constant 1 : index
    %get3A_50 = arith.constant 0 : index
    %get3A_51 = vector.load %arg9[%get3A_49, %get3A_50] : memref<2x128xf32, #tpu.memory_space<vmem>>, vector<1x128xf32>
    %mul3A_52 = arith.mulf %add3A_36, %add3A_36 : vector<8192x128xf32>
    %reduce_sum3A_53 = arith.constant dense<0.000000e+00> : vector<128xf32>
    %reduce_sum3A_54 = vector.multi_reduction <add>, %mul3A_52, %reduce_sum3A_53 [0] : vector<8192x128xf32> to vector<128xf32>
    %broadcast_in_dim3A_55 = vector.shape_cast %reduce_sum3A_54 : vector<128xf32> to vector<1x128xf32>
    %add3A_56 = arith.addf %get3A_51, %broadcast_in_dim3A_55 : vector<1x128xf32>
    %swap3A_57 = arith.constant 1 : index
    %swap3A_58 = arith.constant 0 : index
    %swap3A_59 = vector.load %arg9[%swap3A_57, %swap3A_58] : memref<2x128xf32, #tpu.memory_space<vmem>>, vector<1x128xf32>
    tpu.vector_store %arg9[%swap3A_57, %swap3A_58], %add3A_56 {strides = array<i32>} : memref<2x128xf32, #tpu.memory_space<vmem>>, vector<1x128xf32>,
    %get3A_60 = arith.constant 0 : index
    %get3A_61 = arith.constant 0 : index
    %get3A_62 = vector.load %arg9[%get3A_60, %get3A_61] : memref<2x128xf32, #tpu.memory_space<vmem>>, vector<2x128xf32>
    %swap3A_63 = arith.constant 0 : index
    %swap3A_64 = arith.constant 0 : index
    %swap3A_65 = vector.load %arg8[%swap3A_63, %swap3A_64] : memref<2x128xf32, #tpu.memory_space<vmem>>, vector<2x128xf32>
    tpu.vector_store %arg8[%swap3A_63, %swap3A_64], %get3A_62 {strides = array<i32>} : memref<2x128xf32, #tpu.memory_space<vmem>>, vector<2x128xf32>,
    return
  }
  func.func @transform_0(%arg0: i32) -> (i32, i32) {
    %c0_i32 = arith.constant 0 : i32
    %c0_i32_0 = arith.constant 0 : i32
    return %arg0, %c0_i32 : i32, i32
  }
  func.func @transform_1(%arg0: i32) -> (i32, i32) {
    %c0_i32 = arith.constant 0 : i32
    %c0_i32_0 = arith.constant 0 : i32
    %c0_i32_1 = arith.constant 0 : i32
    return %c0_i32, %c0_i32_0 : i32, i32
  }
  func.func @transform_2(%arg0: i32) -> (i32, i32) {
    %c0_i32 = arith.constant 0 : i32
    %c0_i32_0 = arith.constant 0 : i32
    %c0_i32_1 = arith.constant 0 : i32
    return %c0_i32, %c0_i32_0 : i32, i32
  }
  func.func @transform_3(%arg0: i32) -> (i32, i32) {
    %c0_i32 = arith.constant 0 : i32
    %c0_i32_0 = arith.constant 0 : i32
    %c0_i32_1 = arith.constant 0 : i32
    return %c0_i32, %c0_i32_0 : i32, i32
  }
  func.func @transform_4(%arg0: i32) -> (i32, i32) {
    %c0_i32 = arith.constant 0 : i32
    %c0_i32_0 = arith.constant 0 : i32
    %c0_i32_1 = arith.constant 0 : i32
    return %c0_i32, %c0_i32_0 : i32, i32
  }
  func.func @transform_5(%arg0: i32) -> (i32, i32) {
    %c0_i32 = arith.constant 0 : i32
    %c0_i32_0 = arith.constant 0 : i32
    %c0_i32_1 = arith.constant 0 : i32
    return %c0_i32, %c0_i32_0 : i32, i32
  }
  func.func @transform_6(%arg0: i32) -> (i32, i32) {
    %c0_i32 = arith.constant 0 : i32
    %c0_i32_0 = arith.constant 0 : i32
    return %arg0, %c0_i32 : i32, i32
  }
  func.func @transform_7(%arg0: i32) -> (i32, i32) {
    %c0_i32 = arith.constant 0 : i32
    %c0_i32_0 = arith.constant 0 : i32
    %c0_i32_1 = arith.constant 0 : i32
    return %c0_i32, %c0_i32_0 : i32, i32
  }
}

module attributes {stable_mosaic.version = 14 : i64} {
  func.func @_pool_body(%arg0: i32, %arg1: memref<8192x128xf32, #tpu.memory_space<vmem>>, %arg2: memref<2x128xf32, #tpu.memory_space<vmem>>, %arg3: memref<1x128xf32, #tpu.memory_space<vmem>>, %arg4: memref<1x128xf32, #tpu.memory_space<vmem>>, %arg5: memref<256x128xf32, #tpu.memory_space<vmem>>) attributes {dimension_semantics = [#tpu.dimension_semantics<arbitrary>], iteration_bounds = array<i64: 8>, scalar_prefetch = 0 : i64, scratch_operands = 0 : i64, tpu.core_type = #tpu.core_type<tc>, window_params = [{transform_indices = @transform_0, window_bounds = array<i64: 8192, 128>}, {pipeline_mode = #tpu.pipeline_mode<synchronous>, transform_indices = @transform_1, window_bounds = array<i64: 2, 128>}, {pipeline_mode = #tpu.pipeline_mode<synchronous>, transform_indices = @transform_2, window_bounds = array<i64: 1, 128>}, {pipeline_mode = #tpu.pipeline_mode<synchronous>, transform_indices = @transform_3, window_bounds = array<i64: 1, 128>}, {transform_indices = @transform_4, window_bounds = array<i64: 256, 128>}]} {
    %get3A = arith.constant 0 : index
    %get3A_0 = arith.constant 0 : index
    %get3A_1 = vector.load %arg2[%get3A, %get3A_0] : memref<2x128xf32, #tpu.memory_space<vmem>>, vector<2x128xf32>
    %get3A_2 = arith.constant 0 : index
    %get3A_3 = arith.constant 0 : index
    %get3A_4 = vector.load %arg3[%get3A_2, %get3A_3] : memref<1x128xf32, #tpu.memory_space<vmem>>, vector<1x128xf32>
    %get3A_5 = arith.constant 0 : index
    %get3A_6 = arith.constant 0 : index
    %get3A_7 = vector.load %arg4[%get3A_5, %get3A_6] : memref<1x128xf32, #tpu.memory_space<vmem>>, vector<1x128xf32>
    %slice3A = vector.extract_strided_slice %get3A_1 {offsets = [0, 0], sizes = [1, 128], strides = [1, 1]} : vector<2x128xf32> to vector<1x128xf32>
    %div3A = arith.constant 6.553600e+04 : f32
    %div3A_8 = vector.broadcast %div3A : f32 to vector<1x128xf32>
    %div3A_9 = arith.divf %slice3A, %div3A_8 : vector<1x128xf32>
    %slice3A_10 = vector.extract_strided_slice %get3A_1 {offsets = [1, 0], sizes = [1, 128], strides = [1, 1]} : vector<2x128xf32> to vector<1x128xf32>
    %div3A_11 = arith.constant 6.553600e+04 : f32
    %div3A_12 = vector.broadcast %div3A_11 : f32 to vector<1x128xf32>
    %div3A_13 = arith.divf %slice3A_10, %div3A_12 : vector<1x128xf32>
    %mul3A = arith.mulf %div3A_9, %div3A_9 : vector<1x128xf32>
    %sub3A = arith.subf %div3A_13, %mul3A : vector<1x128xf32>
    %add3A = arith.constant 9.99999974E-6 : f32
    %add3A_14 = vector.broadcast %add3A : f32 to vector<1x128xf32>
    %add3A_15 = arith.addf %sub3A, %add3A_14 : vector<1x128xf32>
    %rsqrt3A = math.rsqrt %add3A_15 : vector<1x128xf32>
    %mul3A_16 = arith.mulf %get3A_4, %rsqrt3A : vector<1x128xf32>
    %mul3A_17 = arith.mulf %div3A_9, %mul3A_16 : vector<1x128xf32>
    %sub3A_18 = arith.subf %get3A_7, %mul3A_17 : vector<1x128xf32>
    %get3A_19 = arith.constant 0 : index
    %get3A_20 = arith.constant 0 : index
    %get3A_21 = vector.load %arg1[%get3A_19, %get3A_20] : memref<8192x128xf32, #tpu.memory_space<vmem>>, vector<8192x128xf32>
    %mul3A_22 = vector.broadcast %mul3A_16 : vector<1x128xf32> to vector<8192x128xf32>
    %mul3A_23 = arith.mulf %get3A_21, %mul3A_22 : vector<8192x128xf32>
    %add3A_24 = vector.broadcast %sub3A_18 : vector<1x128xf32> to vector<8192x128xf32>
    %add3A_25 = arith.addf %mul3A_23, %add3A_24 : vector<8192x128xf32>
    %max3A = arith.constant 0.000000e+00 : f32
    %max3A_26 = vector.broadcast %max3A : f32 to vector<8192x128xf32>
    %max3A_27 = arith.maximumf %add3A_25, %max3A_26 : vector<8192x128xf32>
    %reshape3A = vector.shape_cast %max3A_27 : vector<8192x128xf32> to vector<256x32x128xf32>
    %reduce_max3A = arith.constant dense<0xFF800000> : vector<256x128xf32>
    %reduce_max3A_28 = vector.multi_reduction <maximumf>, %reshape3A, %reduce_max3A [1] : vector<256x32x128xf32> to vector<256x128xf32>
    %swap3A = arith.constant 0 : index
    %swap3A_29 = arith.constant 0 : index
    %swap3A_30 = vector.load %arg5[%swap3A, %swap3A_29] : memref<256x128xf32, #tpu.memory_space<vmem>>, vector<256x128xf32>
    tpu.vector_store %arg5[%swap3A, %swap3A_29], %reduce_max3A_28 {strides = array<i32>} : memref<256x128xf32, #tpu.memory_space<vmem>>, vector<256x128xf32>,
    return
  }
  func.func @transform_0(%arg0: i32) -> (i32, i32) {
    %c0_i32 = arith.constant 0 : i32
    %c0_i32_0 = arith.constant 0 : i32
    return %arg0, %c0_i32 : i32, i32
  }
  func.func @transform_1(%arg0: i32) -> (i32, i32) {
    %c0_i32 = arith.constant 0 : i32
    %c0_i32_0 = arith.constant 0 : i32
    %c0_i32_1 = arith.constant 0 : i32
    return %c0_i32, %c0_i32_0 : i32, i32
  }
  func.func @transform_2(%arg0: i32) -> (i32, i32) {
    %c0_i32 = arith.constant 0 : i32
    %c0_i32_0 = arith.constant 0 : i32
    %c0_i32_1 = arith.constant 0 : i32
    return %c0_i32, %c0_i32_0 : i32, i32
  }
  func.func @transform_3(%arg0: i32) -> (i32, i32) {
    %c0_i32 = arith.constant 0 : i32
    %c0_i32_0 = arith.constant 0 : i32
    %c0_i32_1 = arith.constant 0 : i32
    return %c0_i32, %c0_i32_0 : i32, i32
  }
  func.func @transform_4(%arg0: i32) -> (i32, i32) {
    %c0_i32 = arith.constant 0 : i32
    %c0_i32_0 = arith.constant 0 : i32
    return %arg0, %c0_i32 : i32, i32
  }
}

module attributes {stable_mosaic.version = 14 : i64} {
  func.func @_mmd_body(%arg0: i32, %arg1: memref<3x8192xf32, #tpu.memory_space<vmem>>, %arg2: memref<8192x128xf32, #tpu.memory_space<vmem>>, %arg3: memref<3x128xf32, #tpu.memory_space<vmem>>, %arg4: memref<128x128xf32, #tpu.memory_space<vmem>>, %arg5: memref<1x128xf32, #tpu.memory_space<vmem>>, %arg6: memref<8192x128xf32, #tpu.memory_space<vmem>>, %arg7: memref<2x128xf32, #tpu.memory_space<vmem>>, %arg8: memref<2x128xf32, #tpu.memory_space<vmem>>) attributes {dimension_semantics = [#tpu.dimension_semantics<arbitrary>], iteration_bounds = array<i64: 4>, scalar_prefetch = 0 : i64, scratch_operands = 1 : i64, tpu.core_type = #tpu.core_type<tc>, window_params = [{transform_indices = @transform_0, window_bounds = array<i64: 3, 8192>}, {transform_indices = @transform_1, window_bounds = array<i64: 8192, 128>}, {pipeline_mode = #tpu.pipeline_mode<synchronous>, transform_indices = @transform_2, window_bounds = array<i64: 3, 128>}, {pipeline_mode = #tpu.pipeline_mode<synchronous>, transform_indices = @transform_3, window_bounds = array<i64: 128, 128>}, {pipeline_mode = #tpu.pipeline_mode<synchronous>, transform_indices = @transform_4, window_bounds = array<i64: 1, 128>}, {transform_indices = @transform_5, window_bounds = array<i64: 8192, 128>}, {pipeline_mode = #tpu.pipeline_mode<synchronous>, transform_indices = @transform_6, window_bounds = array<i64: 2, 128>}]} {
    %get3A = arith.constant 0 : index
    %get3A_0 = arith.constant 0 : index
    %get3A_1 = vector.load %arg1[%get3A, %get3A_0] : memref<3x8192xf32, #tpu.memory_space<vmem>>, vector<3x8192xf32>
    %get3A_2 = arith.constant 0 : index
    %get3A_3 = arith.constant 0 : index
    %get3A_4 = vector.load %arg3[%get3A_2, %get3A_3] : memref<3x128xf32, #tpu.memory_space<vmem>>, vector<3x128xf32>
    %dot_general3A = arith.constant dense<0.000000e+00> : vector<8192x128xf32>
    %dot_general3A_5 = tpu.matmul %get3A_1, %get3A_4, %dot_general3A {dimension_numbers = #tpu.dot_dimension_numbers<[0], [0], [1], [1], [0, 1, 1, 1], [], []>, transpose_lhs_hint = false} : vector<3x8192xf32>, vector<3x128xf32>, vector<8192x128xf32> -> vector<8192x128xf32>
    %get3A_6 = arith.constant 0 : index
    %get3A_7 = arith.constant 0 : index
    %get3A_8 = vector.load %arg2[%get3A_6, %get3A_7] : memref<8192x128xf32, #tpu.memory_space<vmem>>, vector<8192x128xf32>
    %get3A_9 = arith.constant 0 : index
    %get3A_10 = arith.constant 0 : index
    %get3A_11 = vector.load %arg4[%get3A_9, %get3A_10] : memref<128x128xf32, #tpu.memory_space<vmem>>, vector<128x128xf32>
    %dot_general3A_12 = arith.constant dense<0.000000e+00> : vector<8192x128xf32>
    %dot_general3A_13 = tpu.matmul %get3A_8, %get3A_11, %dot_general3A_12 {dimension_numbers = #tpu.dot_dimension_numbers<[1], [0], [0], [1], [0, 0, 1, 1], [], []>, transpose_lhs_hint = false} : vector<8192x128xf32>, vector<128x128xf32>, vector<8192x128xf32> -> vector<8192x128xf32>
    %add3A = arith.addf %dot_general3A_5, %dot_general3A_13 : vector<8192x128xf32>
    %get3A_14 = arith.constant 0 : index
    %get3A_15 = arith.constant 0 : index
    %get3A_16 = vector.load %arg5[%get3A_14, %get3A_15] : memref<1x128xf32, #tpu.memory_space<vmem>>, vector<1x128xf32>
    %add3A_17 = vector.broadcast %get3A_16 : vector<1x128xf32> to vector<8192x128xf32>
    %add3A_18 = arith.addf %add3A, %add3A_17 : vector<8192x128xf32>
    %swap3A = arith.constant 0 : index
    %swap3A_19 = arith.constant 0 : index
    %swap3A_20 = vector.load %arg6[%swap3A, %swap3A_19] : memref<8192x128xf32, #tpu.memory_space<vmem>>, vector<8192x128xf32>
    tpu.vector_store %arg6[%swap3A, %swap3A_19], %add3A_18 {strides = array<i32>} : memref<8192x128xf32, #tpu.memory_space<vmem>>, vector<8192x128xf32>,
    %eq3A = arith.constant 0 : i32
    %eq3A_21 = arith.cmpi eq, %arg0, %eq3A : i32
    %convert_element_type3A = arith.extui %eq3A_21 : i1 to i32
    %cond3A = arith.constant 0 : i32
    %cond3A_22 = arith.cmpi ne, %convert_element_type3A, %cond3A : i32
    scf.if %cond3A_22 {
      %broadcast_in_dim3A_47 = arith.constant 0.000000e+00 : f32
      %broadcast_in_dim3A_48 = vector.broadcast %broadcast_in_dim3A_47 : f32 to vector<2x128xf32>
      %swap3A_49 = arith.constant 0 : index
      %swap3A_50 = arith.constant 0 : index
      %swap3A_51 = vector.load %arg8[%swap3A_49, %swap3A_50] : memref<2x128xf32, #tpu.memory_space<vmem>>, vector<2x128xf32>
      tpu.vector_store %arg8[%swap3A_49, %swap3A_50], %broadcast_in_dim3A_48 {strides = array<i32>} : memref<2x128xf32, #tpu.memory_space<vmem>>, vector<2x128xf32>,
    } else {
    }
    %get3A_23 = arith.constant 0 : index
    %get3A_24 = arith.constant 0 : index
    %get3A_25 = vector.load %arg8[%get3A_23, %get3A_24] : memref<2x128xf32, #tpu.memory_space<vmem>>, vector<1x128xf32>
    %reduce_sum3A = arith.constant dense<0.000000e+00> : vector<128xf32>
    %reduce_sum3A_26 = vector.multi_reduction <add>, %add3A_18, %reduce_sum3A [0] : vector<8192x128xf32> to vector<128xf32>
    %broadcast_in_dim3A = vector.shape_cast %reduce_sum3A_26 : vector<128xf32> to vector<1x128xf32>
    %add3A_27 = arith.addf %get3A_25, %broadcast_in_dim3A : vector<1x128xf32>
    %swap3A_28 = arith.constant 0 : index
    %swap3A_29 = arith.constant 0 : index
    %swap3A_30 = vector.load %arg8[%swap3A_28, %swap3A_29] : memref<2x128xf32, #tpu.memory_space<vmem>>, vector<1x128xf32>
    tpu.vector_store %arg8[%swap3A_28, %swap3A_29], %add3A_27 {strides = array<i32>} : memref<2x128xf32, #tpu.memory_space<vmem>>, vector<1x128xf32>,
    %get3A_31 = arith.constant 1 : index
    %get3A_32 = arith.constant 0 : index
    %get3A_33 = vector.load %arg8[%get3A_31, %get3A_32] : memref<2x128xf32, #tpu.memory_space<vmem>>, vector<1x128xf32>
    %mul3A = arith.mulf %add3A_18, %add3A_18 : vector<8192x128xf32>
    %reduce_sum3A_34 = arith.constant dense<0.000000e+00> : vector<128xf32>
    %reduce_sum3A_35 = vector.multi_reduction <add>, %mul3A, %reduce_sum3A_34 [0] : vector<8192x128xf32> to vector<128xf32>
    %broadcast_in_dim3A_36 = vector.shape_cast %reduce_sum3A_35 : vector<128xf32> to vector<1x128xf32>
    %add3A_37 = arith.addf %get3A_33, %broadcast_in_dim3A_36 : vector<1x128xf32>
    %swap3A_38 = arith.constant 1 : index
    %swap3A_39 = arith.constant 0 : index
    %swap3A_40 = vector.load %arg8[%swap3A_38, %swap3A_39] : memref<2x128xf32, #tpu.memory_space<vmem>>, vector<1x128xf32>
    tpu.vector_store %arg8[%swap3A_38, %swap3A_39], %add3A_37 {strides = array<i32>} : memref<2x128xf32, #tpu.memory_space<vmem>>, vector<1x128xf32>,
    %get3A_41 = arith.constant 0 : index
    %get3A_42 = arith.constant 0 : index
    %get3A_43 = vector.load %arg8[%get3A_41, %get3A_42] : memref<2x128xf32, #tpu.memory_space<vmem>>, vector<2x128xf32>
    %swap3A_44 = arith.constant 0 : index
    %swap3A_45 = arith.constant 0 : index
    %swap3A_46 = vector.load %arg7[%swap3A_44, %swap3A_45] : memref<2x128xf32, #tpu.memory_space<vmem>>, vector<2x128xf32>
    tpu.vector_store %arg7[%swap3A_44, %swap3A_45], %get3A_43 {strides = array<i32>} : memref<2x128xf32, #tpu.memory_space<vmem>>, vector<2x128xf32>,
    return
  }
  func.func @transform_0(%arg0: i32) -> (i32, i32) {
    %c0_i32 = arith.constant 0 : i32
    %c0_i32_0 = arith.constant 0 : i32
    return %c0_i32, %arg0 : i32, i32
  }
  func.func @transform_1(%arg0: i32) -> (i32, i32) {
    %c0_i32 = arith.constant 0 : i32
    %c0_i32_0 = arith.constant 0 : i32
    return %arg0, %c0_i32 : i32, i32
  }
  func.func @transform_2(%arg0: i32) -> (i32, i32) {
    %c0_i32 = arith.constant 0 : i32
    %c0_i32_0 = arith.constant 0 : i32
    %c0_i32_1 = arith.constant 0 : i32
    return %c0_i32, %c0_i32_0 : i32, i32
  }
  func.func @transform_3(%arg0: i32) -> (i32, i32) {
    %c0_i32 = arith.constant 0 : i32
    %c0_i32_0 = arith.constant 0 : i32
    %c0_i32_1 = arith.constant 0 : i32
    return %c0_i32, %c0_i32_0 : i32, i32
  }
  func.func @transform_4(%arg0: i32) -> (i32, i32) {
    %c0_i32 = arith.constant 0 : i32
    %c0_i32_0 = arith.constant 0 : i32
    %c0_i32_1 = arith.constant 0 : i32
    return %c0_i32, %c0_i32_0 : i32, i32
  }
  func.func @transform_5(%arg0: i32) -> (i32, i32) {
    %c0_i32 = arith.constant 0 : i32
    %c0_i32_0 = arith.constant 0 : i32
    return %arg0, %c0_i32 : i32, i32
  }
  func.func @transform_6(%arg0: i32) -> (i32, i32) {
    %c0_i32 = arith.constant 0 : i32
    %c0_i32_0 = arith.constant 0 : i32
    %c0_i32_1 = arith.constant 0 : i32
    return %c0_i32, %c0_i32_0 : i32, i32
  }
}

module attributes {stable_mosaic.version = 14 : i64} {
  func.func @_mmr_body(%arg0: i32, %arg1: memref<8192x128xf32, #tpu.memory_space<vmem>>, %arg2: memref<2x128xf32, #tpu.memory_space<vmem>>, %arg3: memref<1x128xf32, #tpu.memory_space<vmem>>, %arg4: memref<1x128xf32, #tpu.memory_space<vmem>>, %arg5: memref<128x128xf32, #tpu.memory_space<vmem>>, %arg6: memref<1x128xf32, #tpu.memory_space<vmem>>, %arg7: memref<8192x128xf32, #tpu.memory_space<vmem>>, %arg8: memref<2x128xf32, #tpu.memory_space<vmem>>, %arg9: memref<2x128xf32, #tpu.memory_space<vmem>>) attributes {dimension_semantics = [#tpu.dimension_semantics<arbitrary>], iteration_bounds = array<i64: 4>, scalar_prefetch = 0 : i64, scratch_operands = 1 : i64, tpu.core_type = #tpu.core_type<tc>, window_params = [{transform_indices = @transform_0, window_bounds = array<i64: 8192, 128>}, {pipeline_mode = #tpu.pipeline_mode<synchronous>, transform_indices = @transform_1, window_bounds = array<i64: 2, 128>}, {pipeline_mode = #tpu.pipeline_mode<synchronous>, transform_indices = @transform_2, window_bounds = array<i64: 1, 128>}, {pipeline_mode = #tpu.pipeline_mode<synchronous>, transform_indices = @transform_3, window_bounds = array<i64: 1, 128>}, {pipeline_mode = #tpu.pipeline_mode<synchronous>, transform_indices = @transform_4, window_bounds = array<i64: 128, 128>}, {pipeline_mode = #tpu.pipeline_mode<synchronous>, transform_indices = @transform_5, window_bounds = array<i64: 1, 128>}, {transform_indices = @transform_6, window_bounds = array<i64: 8192, 128>}, {pipeline_mode = #tpu.pipeline_mode<synchronous>, transform_indices = @transform_7, window_bounds = array<i64: 2, 128>}]} {
    %get3A = arith.constant 0 : index
    %get3A_0 = arith.constant 0 : index
    %get3A_1 = vector.load %arg2[%get3A, %get3A_0] : memref<2x128xf32, #tpu.memory_space<vmem>>, vector<2x128xf32>
    %get3A_2 = arith.constant 0 : index
    %get3A_3 = arith.constant 0 : index
    %get3A_4 = vector.load %arg3[%get3A_2, %get3A_3] : memref<1x128xf32, #tpu.memory_space<vmem>>, vector<1x128xf32>
    %get3A_5 = arith.constant 0 : index
    %get3A_6 = arith.constant 0 : index
    %get3A_7 = vector.load %arg4[%get3A_5, %get3A_6] : memref<1x128xf32, #tpu.memory_space<vmem>>, vector<1x128xf32>
    %slice3A = vector.extract_strided_slice %get3A_1 {offsets = [0, 0], sizes = [1, 128], strides = [1, 1]} : vector<2x128xf32> to vector<1x128xf32>
    %div3A = arith.constant 3.276800e+04 : f32
    %div3A_8 = vector.broadcast %div3A : f32 to vector<1x128xf32>
    %div3A_9 = arith.divf %slice3A, %div3A_8 : vector<1x128xf32>
    %slice3A_10 = vector.extract_strided_slice %get3A_1 {offsets = [1, 0], sizes = [1, 128], strides = [1, 1]} : vector<2x128xf32> to vector<1x128xf32>
    %div3A_11 = arith.constant 3.276800e+04 : f32
    %div3A_12 = vector.broadcast %div3A_11 : f32 to vector<1x128xf32>
    %div3A_13 = arith.divf %slice3A_10, %div3A_12 : vector<1x128xf32>
    %mul3A = arith.mulf %div3A_9, %div3A_9 : vector<1x128xf32>
    %sub3A = arith.subf %div3A_13, %mul3A : vector<1x128xf32>
    %add3A = arith.constant 9.99999974E-6 : f32
    %add3A_14 = vector.broadcast %add3A : f32 to vector<1x128xf32>
    %add3A_15 = arith.addf %sub3A, %add3A_14 : vector<1x128xf32>
    %rsqrt3A = math.rsqrt %add3A_15 : vector<1x128xf32>
    %mul3A_16 = arith.mulf %get3A_4, %rsqrt3A : vector<1x128xf32>
    %mul3A_17 = arith.mulf %div3A_9, %mul3A_16 : vector<1x128xf32>
    %sub3A_18 = arith.subf %get3A_7, %mul3A_17 : vector<1x128xf32>
    %get3A_19 = arith.constant 0 : index
    %get3A_20 = arith.constant 0 : index
    %get3A_21 = vector.load %arg1[%get3A_19, %get3A_20] : memref<8192x128xf32, #tpu.memory_space<vmem>>, vector<8192x128xf32>
    %mul3A_22 = vector.broadcast %mul3A_16 : vector<1x128xf32> to vector<8192x128xf32>
    %mul3A_23 = arith.mulf %get3A_21, %mul3A_22 : vector<8192x128xf32>
    %add3A_24 = vector.broadcast %sub3A_18 : vector<1x128xf32> to vector<8192x128xf32>
    %add3A_25 = arith.addf %mul3A_23, %add3A_24 : vector<8192x128xf32>
    %max3A = arith.constant 0.000000e+00 : f32
    %max3A_26 = vector.broadcast %max3A : f32 to vector<8192x128xf32>
    %max3A_27 = arith.maximumf %add3A_25, %max3A_26 : vector<8192x128xf32>
    %get3A_28 = arith.constant 0 : index
    %get3A_29 = arith.constant 0 : index
    %get3A_30 = vector.load %arg5[%get3A_28, %get3A_29] : memref<128x128xf32, #tpu.memory_space<vmem>>, vector<128x128xf32>
    %dot_general3A = arith.constant dense<0.000000e+00> : vector<8192x128xf32>
    %dot_general3A_31 = tpu.matmul %max3A_27, %get3A_30, %dot_general3A {dimension_numbers = #tpu.dot_dimension_numbers<[1], [0], [0], [1], [0, 0, 1, 1], [], []>, transpose_lhs_hint = false} : vector<8192x128xf32>, vector<128x128xf32>, vector<8192x128xf32> -> vector<8192x128xf32>
    %get3A_32 = arith.constant 0 : index
    %get3A_33 = arith.constant 0 : index
    %get3A_34 = vector.load %arg6[%get3A_32, %get3A_33] : memref<1x128xf32, #tpu.memory_space<vmem>>, vector<1x128xf32>
    %add3A_35 = vector.broadcast %get3A_34 : vector<1x128xf32> to vector<8192x128xf32>
    %add3A_36 = arith.addf %dot_general3A_31, %add3A_35 : vector<8192x128xf32>
    %swap3A = arith.constant 0 : index
    %swap3A_37 = arith.constant 0 : index
    %swap3A_38 = vector.load %arg7[%swap3A, %swap3A_37] : memref<8192x128xf32, #tpu.memory_space<vmem>>, vector<8192x128xf32>
    tpu.vector_store %arg7[%swap3A, %swap3A_37], %add3A_36 {strides = array<i32>} : memref<8192x128xf32, #tpu.memory_space<vmem>>, vector<8192x128xf32>,
    %eq3A = arith.constant 0 : i32
    %eq3A_39 = arith.cmpi eq, %arg0, %eq3A : i32
    %convert_element_type3A = arith.extui %eq3A_39 : i1 to i32
    %cond3A = arith.constant 0 : i32
    %cond3A_40 = arith.cmpi ne, %convert_element_type3A, %cond3A : i32
    scf.if %cond3A_40 {
      %broadcast_in_dim3A_66 = arith.constant 0.000000e+00 : f32
      %broadcast_in_dim3A_67 = vector.broadcast %broadcast_in_dim3A_66 : f32 to vector<2x128xf32>
      %swap3A_68 = arith.constant 0 : index
      %swap3A_69 = arith.constant 0 : index
      %swap3A_70 = vector.load %arg9[%swap3A_68, %swap3A_69] : memref<2x128xf32, #tpu.memory_space<vmem>>, vector<2x128xf32>
      tpu.vector_store %arg9[%swap3A_68, %swap3A_69], %broadcast_in_dim3A_67 {strides = array<i32>} : memref<2x128xf32, #tpu.memory_space<vmem>>, vector<2x128xf32>,
    } else {
    }
    %get3A_41 = arith.constant 0 : index
    %get3A_42 = arith.constant 0 : index
    %get3A_43 = vector.load %arg9[%get3A_41, %get3A_42] : memref<2x128xf32, #tpu.memory_space<vmem>>, vector<1x128xf32>
    %reduce_sum3A = arith.constant dense<0.000000e+00> : vector<128xf32>
    %reduce_sum3A_44 = vector.multi_reduction <add>, %add3A_36, %reduce_sum3A [0] : vector<8192x128xf32> to vector<128xf32>
    %broadcast_in_dim3A = vector.shape_cast %reduce_sum3A_44 : vector<128xf32> to vector<1x128xf32>
    %add3A_45 = arith.addf %get3A_43, %broadcast_in_dim3A : vector<1x128xf32>
    %swap3A_46 = arith.constant 0 : index
    %swap3A_47 = arith.constant 0 : index
    %swap3A_48 = vector.load %arg9[%swap3A_46, %swap3A_47] : memref<2x128xf32, #tpu.memory_space<vmem>>, vector<1x128xf32>
    tpu.vector_store %arg9[%swap3A_46, %swap3A_47], %add3A_45 {strides = array<i32>} : memref<2x128xf32, #tpu.memory_space<vmem>>, vector<1x128xf32>,
    %get3A_49 = arith.constant 1 : index
    %get3A_50 = arith.constant 0 : index
    %get3A_51 = vector.load %arg9[%get3A_49, %get3A_50] : memref<2x128xf32, #tpu.memory_space<vmem>>, vector<1x128xf32>
    %mul3A_52 = arith.mulf %add3A_36, %add3A_36 : vector<8192x128xf32>
    %reduce_sum3A_53 = arith.constant dense<0.000000e+00> : vector<128xf32>
    %reduce_sum3A_54 = vector.multi_reduction <add>, %mul3A_52, %reduce_sum3A_53 [0] : vector<8192x128xf32> to vector<128xf32>
    %broadcast_in_dim3A_55 = vector.shape_cast %reduce_sum3A_54 : vector<128xf32> to vector<1x128xf32>
    %add3A_56 = arith.addf %get3A_51, %broadcast_in_dim3A_55 : vector<1x128xf32>
    %swap3A_57 = arith.constant 1 : index
    %swap3A_58 = arith.constant 0 : index
    %swap3A_59 = vector.load %arg9[%swap3A_57, %swap3A_58] : memref<2x128xf32, #tpu.memory_space<vmem>>, vector<1x128xf32>
    tpu.vector_store %arg9[%swap3A_57, %swap3A_58], %add3A_56 {strides = array<i32>} : memref<2x128xf32, #tpu.memory_space<vmem>>, vector<1x128xf32>,
    %get3A_60 = arith.constant 0 : index
    %get3A_61 = arith.constant 0 : index
    %get3A_62 = vector.load %arg9[%get3A_60, %get3A_61] : memref<2x128xf32, #tpu.memory_space<vmem>>, vector<2x128xf32>
    %swap3A_63 = arith.constant 0 : index
    %swap3A_64 = arith.constant 0 : index
    %swap3A_65 = vector.load %arg8[%swap3A_63, %swap3A_64] : memref<2x128xf32, #tpu.memory_space<vmem>>, vector<2x128xf32>
    tpu.vector_store %arg8[%swap3A_63, %swap3A_64], %get3A_62 {strides = array<i32>} : memref<2x128xf32, #tpu.memory_space<vmem>>, vector<2x128xf32>,
    return
  }
  func.func @transform_0(%arg0: i32) -> (i32, i32) {
    %c0_i32 = arith.constant 0 : i32
    %c0_i32_0 = arith.constant 0 : i32
    return %arg0, %c0_i32 : i32, i32
  }
  func.func @transform_1(%arg0: i32) -> (i32, i32) {
    %c0_i32 = arith.constant 0 : i32
    %c0_i32_0 = arith.constant 0 : i32
    %c0_i32_1 = arith.constant 0 : i32
    return %c0_i32, %c0_i32_0 : i32, i32
  }
  func.func @transform_2(%arg0: i32) -> (i32, i32) {
    %c0_i32 = arith.constant 0 : i32
    %c0_i32_0 = arith.constant 0 : i32
    %c0_i32_1 = arith.constant 0 : i32
    return %c0_i32, %c0_i32_0 : i32, i32
  }
  func.func @transform_3(%arg0: i32) -> (i32, i32) {
    %c0_i32 = arith.constant 0 : i32
    %c0_i32_0 = arith.constant 0 : i32
    %c0_i32_1 = arith.constant 0 : i32
    return %c0_i32, %c0_i32_0 : i32, i32
  }
  func.func @transform_4(%arg0: i32) -> (i32, i32) {
    %c0_i32 = arith.constant 0 : i32
    %c0_i32_0 = arith.constant 0 : i32
    %c0_i32_1 = arith.constant 0 : i32
    return %c0_i32, %c0_i32_0 : i32, i32
  }
  func.func @transform_5(%arg0: i32) -> (i32, i32) {
    %c0_i32 = arith.constant 0 : i32
    %c0_i32_0 = arith.constant 0 : i32
    %c0_i32_1 = arith.constant 0 : i32
    return %c0_i32, %c0_i32_0 : i32, i32
  }
  func.func @transform_6(%arg0: i32) -> (i32, i32) {
    %c0_i32 = arith.constant 0 : i32
    %c0_i32_0 = arith.constant 0 : i32
    return %arg0, %c0_i32 : i32, i32
  }
  func.func @transform_7(%arg0: i32) -> (i32, i32) {
    %c0_i32 = arith.constant 0 : i32
    %c0_i32_0 = arith.constant 0 : i32
    %c0_i32_1 = arith.constant 0 : i32
    return %c0_i32, %c0_i32_0 : i32, i32
  }
}

module attributes {stable_mosaic.version = 14 : i64} {
  func.func @_mmr_body(%arg0: i32, %arg1: memref<8192x128xf32, #tpu.memory_space<vmem>>, %arg2: memref<2x128xf32, #tpu.memory_space<vmem>>, %arg3: memref<1x128xf32, #tpu.memory_space<vmem>>, %arg4: memref<1x128xf32, #tpu.memory_space<vmem>>, %arg5: memref<128x256xf32, #tpu.memory_space<vmem>>, %arg6: memref<1x256xf32, #tpu.memory_space<vmem>>, %arg7: memref<8192x256xf32, #tpu.memory_space<vmem>>, %arg8: memref<2x256xf32, #tpu.memory_space<vmem>>, %arg9: memref<2x256xf32, #tpu.memory_space<vmem>>) attributes {dimension_semantics = [#tpu.dimension_semantics<arbitrary>], iteration_bounds = array<i64: 4>, scalar_prefetch = 0 : i64, scratch_operands = 1 : i64, tpu.core_type = #tpu.core_type<tc>, window_params = [{transform_indices = @transform_0, window_bounds = array<i64: 8192, 128>}, {pipeline_mode = #tpu.pipeline_mode<synchronous>, transform_indices = @transform_1, window_bounds = array<i64: 2, 128>}, {pipeline_mode = #tpu.pipeline_mode<synchronous>, transform_indices = @transform_2, window_bounds = array<i64: 1, 128>}, {pipeline_mode = #tpu.pipeline_mode<synchronous>, transform_indices = @transform_3, window_bounds = array<i64: 1, 128>}, {pipeline_mode = #tpu.pipeline_mode<synchronous>, transform_indices = @transform_4, window_bounds = array<i64: 128, 256>}, {pipeline_mode = #tpu.pipeline_mode<synchronous>, transform_indices = @transform_5, window_bounds = array<i64: 1, 256>}, {transform_indices = @transform_6, window_bounds = array<i64: 8192, 256>}, {pipeline_mode = #tpu.pipeline_mode<synchronous>, transform_indices = @transform_7, window_bounds = array<i64: 2, 256>}]} {
    %get3A = arith.constant 0 : index
    %get3A_0 = arith.constant 0 : index
    %get3A_1 = vector.load %arg2[%get3A, %get3A_0] : memref<2x128xf32, #tpu.memory_space<vmem>>, vector<2x128xf32>
    %get3A_2 = arith.constant 0 : index
    %get3A_3 = arith.constant 0 : index
    %get3A_4 = vector.load %arg3[%get3A_2, %get3A_3] : memref<1x128xf32, #tpu.memory_space<vmem>>, vector<1x128xf32>
    %get3A_5 = arith.constant 0 : index
    %get3A_6 = arith.constant 0 : index
    %get3A_7 = vector.load %arg4[%get3A_5, %get3A_6] : memref<1x128xf32, #tpu.memory_space<vmem>>, vector<1x128xf32>
    %slice3A = vector.extract_strided_slice %get3A_1 {offsets = [0, 0], sizes = [1, 128], strides = [1, 1]} : vector<2x128xf32> to vector<1x128xf32>
    %div3A = arith.constant 3.276800e+04 : f32
    %div3A_8 = vector.broadcast %div3A : f32 to vector<1x128xf32>
    %div3A_9 = arith.divf %slice3A, %div3A_8 : vector<1x128xf32>
    %slice3A_10 = vector.extract_strided_slice %get3A_1 {offsets = [1, 0], sizes = [1, 128], strides = [1, 1]} : vector<2x128xf32> to vector<1x128xf32>
    %div3A_11 = arith.constant 3.276800e+04 : f32
    %div3A_12 = vector.broadcast %div3A_11 : f32 to vector<1x128xf32>
    %div3A_13 = arith.divf %slice3A_10, %div3A_12 : vector<1x128xf32>
    %mul3A = arith.mulf %div3A_9, %div3A_9 : vector<1x128xf32>
    %sub3A = arith.subf %div3A_13, %mul3A : vector<1x128xf32>
    %add3A = arith.constant 9.99999974E-6 : f32
    %add3A_14 = vector.broadcast %add3A : f32 to vector<1x128xf32>
    %add3A_15 = arith.addf %sub3A, %add3A_14 : vector<1x128xf32>
    %rsqrt3A = math.rsqrt %add3A_15 : vector<1x128xf32>
    %mul3A_16 = arith.mulf %get3A_4, %rsqrt3A : vector<1x128xf32>
    %mul3A_17 = arith.mulf %div3A_9, %mul3A_16 : vector<1x128xf32>
    %sub3A_18 = arith.subf %get3A_7, %mul3A_17 : vector<1x128xf32>
    %get3A_19 = arith.constant 0 : index
    %get3A_20 = arith.constant 0 : index
    %get3A_21 = vector.load %arg1[%get3A_19, %get3A_20] : memref<8192x128xf32, #tpu.memory_space<vmem>>, vector<8192x128xf32>
    %mul3A_22 = vector.broadcast %mul3A_16 : vector<1x128xf32> to vector<8192x128xf32>
    %mul3A_23 = arith.mulf %get3A_21, %mul3A_22 : vector<8192x128xf32>
    %add3A_24 = vector.broadcast %sub3A_18 : vector<1x128xf32> to vector<8192x128xf32>
    %add3A_25 = arith.addf %mul3A_23, %add3A_24 : vector<8192x128xf32>
    %max3A = arith.constant 0.000000e+00 : f32
    %max3A_26 = vector.broadcast %max3A : f32 to vector<8192x128xf32>
    %max3A_27 = arith.maximumf %add3A_25, %max3A_26 : vector<8192x128xf32>
    %get3A_28 = arith.constant 0 : index
    %get3A_29 = arith.constant 0 : index
    %get3A_30 = vector.load %arg5[%get3A_28, %get3A_29] : memref<128x256xf32, #tpu.memory_space<vmem>>, vector<128x256xf32>
    %dot_general3A = arith.constant dense<0.000000e+00> : vector<8192x256xf32>
    %dot_general3A_31 = tpu.matmul %max3A_27, %get3A_30, %dot_general3A {dimension_numbers = #tpu.dot_dimension_numbers<[1], [0], [0], [1], [0, 0, 1, 1], [], []>, transpose_lhs_hint = false} : vector<8192x128xf32>, vector<128x256xf32>, vector<8192x256xf32> -> vector<8192x256xf32>
    %get3A_32 = arith.constant 0 : index
    %get3A_33 = arith.constant 0 : index
    %get3A_34 = vector.load %arg6[%get3A_32, %get3A_33] : memref<1x256xf32, #tpu.memory_space<vmem>>, vector<1x256xf32>
    %add3A_35 = vector.broadcast %get3A_34 : vector<1x256xf32> to vector<8192x256xf32>
    %add3A_36 = arith.addf %dot_general3A_31, %add3A_35 : vector<8192x256xf32>
    %swap3A = arith.constant 0 : index
    %swap3A_37 = arith.constant 0 : index
    %swap3A_38 = vector.load %arg7[%swap3A, %swap3A_37] : memref<8192x256xf32, #tpu.memory_space<vmem>>, vector<8192x256xf32>
    tpu.vector_store %arg7[%swap3A, %swap3A_37], %add3A_36 {strides = array<i32>} : memref<8192x256xf32, #tpu.memory_space<vmem>>, vector<8192x256xf32>,
    %eq3A = arith.constant 0 : i32
    %eq3A_39 = arith.cmpi eq, %arg0, %eq3A : i32
    %convert_element_type3A = arith.extui %eq3A_39 : i1 to i32
    %cond3A = arith.constant 0 : i32
    %cond3A_40 = arith.cmpi ne, %convert_element_type3A, %cond3A : i32
    scf.if %cond3A_40 {
      %broadcast_in_dim3A_66 = arith.constant 0.000000e+00 : f32
      %broadcast_in_dim3A_67 = vector.broadcast %broadcast_in_dim3A_66 : f32 to vector<2x256xf32>
      %swap3A_68 = arith.constant 0 : index
      %swap3A_69 = arith.constant 0 : index
      %swap3A_70 = vector.load %arg9[%swap3A_68, %swap3A_69] : memref<2x256xf32, #tpu.memory_space<vmem>>, vector<2x256xf32>
      tpu.vector_store %arg9[%swap3A_68, %swap3A_69], %broadcast_in_dim3A_67 {strides = array<i32>} : memref<2x256xf32, #tpu.memory_space<vmem>>, vector<2x256xf32>,
    } else {
    }
    %get3A_41 = arith.constant 0 : index
    %get3A_42 = arith.constant 0 : index
    %get3A_43 = vector.load %arg9[%get3A_41, %get3A_42] : memref<2x256xf32, #tpu.memory_space<vmem>>, vector<1x256xf32>
    %reduce_sum3A = arith.constant dense<0.000000e+00> : vector<256xf32>
    %reduce_sum3A_44 = vector.multi_reduction <add>, %add3A_36, %reduce_sum3A [0] : vector<8192x256xf32> to vector<256xf32>
    %broadcast_in_dim3A = vector.shape_cast %reduce_sum3A_44 : vector<256xf32> to vector<1x256xf32>
    %add3A_45 = arith.addf %get3A_43, %broadcast_in_dim3A : vector<1x256xf32>
    %swap3A_46 = arith.constant 0 : index
    %swap3A_47 = arith.constant 0 : index
    %swap3A_48 = vector.load %arg9[%swap3A_46, %swap3A_47] : memref<2x256xf32, #tpu.memory_space<vmem>>, vector<1x256xf32>
    tpu.vector_store %arg9[%swap3A_46, %swap3A_47], %add3A_45 {strides = array<i32>} : memref<2x256xf32, #tpu.memory_space<vmem>>, vector<1x256xf32>,
    %get3A_49 = arith.constant 1 : index
    %get3A_50 = arith.constant 0 : index
    %get3A_51 = vector.load %arg9[%get3A_49, %get3A_50] : memref<2x256xf32, #tpu.memory_space<vmem>>, vector<1x256xf32>
    %mul3A_52 = arith.mulf %add3A_36, %add3A_36 : vector<8192x256xf32>
    %reduce_sum3A_53 = arith.constant dense<0.000000e+00> : vector<256xf32>
    %reduce_sum3A_54 = vector.multi_reduction <add>, %mul3A_52, %reduce_sum3A_53 [0] : vector<8192x256xf32> to vector<256xf32>
    %broadcast_in_dim3A_55 = vector.shape_cast %reduce_sum3A_54 : vector<256xf32> to vector<1x256xf32>
    %add3A_56 = arith.addf %get3A_51, %broadcast_in_dim3A_55 : vector<1x256xf32>
    %swap3A_57 = arith.constant 1 : index
    %swap3A_58 = arith.constant 0 : index
    %swap3A_59 = vector.load %arg9[%swap3A_57, %swap3A_58] : memref<2x256xf32, #tpu.memory_space<vmem>>, vector<1x256xf32>
    tpu.vector_store %arg9[%swap3A_57, %swap3A_58], %add3A_56 {strides = array<i32>} : memref<2x256xf32, #tpu.memory_space<vmem>>, vector<1x256xf32>,
    %get3A_60 = arith.constant 0 : index
    %get3A_61 = arith.constant 0 : index
    %get3A_62 = vector.load %arg9[%get3A_60, %get3A_61] : memref<2x256xf32, #tpu.memory_space<vmem>>, vector<2x256xf32>
    %swap3A_63 = arith.constant 0 : index
    %swap3A_64 = arith.constant 0 : index
    %swap3A_65 = vector.load %arg8[%swap3A_63, %swap3A_64] : memref<2x256xf32, #tpu.memory_space<vmem>>, vector<2x256xf32>
    tpu.vector_store %arg8[%swap3A_63, %swap3A_64], %get3A_62 {strides = array<i32>} : memref<2x256xf32, #tpu.memory_space<vmem>>, vector<2x256xf32>,
    return
  }
  func.func @transform_0(%arg0: i32) -> (i32, i32) {
    %c0_i32 = arith.constant 0 : i32
    %c0_i32_0 = arith.constant 0 : i32
    return %arg0, %c0_i32 : i32, i32
  }
  func.func @transform_1(%arg0: i32) -> (i32, i32) {
    %c0_i32 = arith.constant 0 : i32
    %c0_i32_0 = arith.constant 0 : i32
    %c0_i32_1 = arith.constant 0 : i32
    return %c0_i32, %c0_i32_0 : i32, i32
  }
  func.func @transform_2(%arg0: i32) -> (i32, i32) {
    %c0_i32 = arith.constant 0 : i32
    %c0_i32_0 = arith.constant 0 : i32
    %c0_i32_1 = arith.constant 0 : i32
    return %c0_i32, %c0_i32_0 : i32, i32
  }
  func.func @transform_3(%arg0: i32) -> (i32, i32) {
    %c0_i32 = arith.constant 0 : i32
    %c0_i32_0 = arith.constant 0 : i32
    %c0_i32_1 = arith.constant 0 : i32
    return %c0_i32, %c0_i32_0 : i32, i32
  }
  func.func @transform_4(%arg0: i32) -> (i32, i32) {
    %c0_i32 = arith.constant 0 : i32
    %c0_i32_0 = arith.constant 0 : i32
    %c0_i32_1 = arith.constant 0 : i32
    return %c0_i32, %c0_i32_0 : i32, i32
  }
  func.func @transform_5(%arg0: i32) -> (i32, i32) {
    %c0_i32 = arith.constant 0 : i32
    %c0_i32_0 = arith.constant 0 : i32
    %c0_i32_1 = arith.constant 0 : i32
    return %c0_i32, %c0_i32_0 : i32, i32
  }
  func.func @transform_6(%arg0: i32) -> (i32, i32) {
    %c0_i32 = arith.constant 0 : i32
    %c0_i32_0 = arith.constant 0 : i32
    return %arg0, %c0_i32 : i32, i32
  }
  func.func @transform_7(%arg0: i32) -> (i32, i32) {
    %c0_i32 = arith.constant 0 : i32
    %c0_i32_0 = arith.constant 0 : i32
    %c0_i32_1 = arith.constant 0 : i32
    return %c0_i32, %c0_i32_0 : i32, i32
  }
}

module attributes {stable_mosaic.version = 14 : i64} {
  func.func @_pool_body(%arg0: i32, %arg1: memref<8192x256xf32, #tpu.memory_space<vmem>>, %arg2: memref<2x256xf32, #tpu.memory_space<vmem>>, %arg3: memref<1x256xf32, #tpu.memory_space<vmem>>, %arg4: memref<1x256xf32, #tpu.memory_space<vmem>>, %arg5: memref<128x256xf32, #tpu.memory_space<vmem>>) attributes {dimension_semantics = [#tpu.dimension_semantics<arbitrary>], iteration_bounds = array<i64: 4>, scalar_prefetch = 0 : i64, scratch_operands = 0 : i64, tpu.core_type = #tpu.core_type<tc>, window_params = [{transform_indices = @transform_0, window_bounds = array<i64: 8192, 256>}, {pipeline_mode = #tpu.pipeline_mode<synchronous>, transform_indices = @transform_1, window_bounds = array<i64: 2, 256>}, {pipeline_mode = #tpu.pipeline_mode<synchronous>, transform_indices = @transform_2, window_bounds = array<i64: 1, 256>}, {pipeline_mode = #tpu.pipeline_mode<synchronous>, transform_indices = @transform_3, window_bounds = array<i64: 1, 256>}, {transform_indices = @transform_4, window_bounds = array<i64: 128, 256>}]} {
    %get3A = arith.constant 0 : index
    %get3A_0 = arith.constant 0 : index
    %get3A_1 = vector.load %arg2[%get3A, %get3A_0] : memref<2x256xf32, #tpu.memory_space<vmem>>, vector<2x256xf32>
    %get3A_2 = arith.constant 0 : index
    %get3A_3 = arith.constant 0 : index
    %get3A_4 = vector.load %arg3[%get3A_2, %get3A_3] : memref<1x256xf32, #tpu.memory_space<vmem>>, vector<1x256xf32>
    %get3A_5 = arith.constant 0 : index
    %get3A_6 = arith.constant 0 : index
    %get3A_7 = vector.load %arg4[%get3A_5, %get3A_6] : memref<1x256xf32, #tpu.memory_space<vmem>>, vector<1x256xf32>
    %slice3A = vector.extract_strided_slice %get3A_1 {offsets = [0, 0], sizes = [1, 256], strides = [1, 1]} : vector<2x256xf32> to vector<1x256xf32>
    %div3A = arith.constant 3.276800e+04 : f32
    %div3A_8 = vector.broadcast %div3A : f32 to vector<1x256xf32>
    %div3A_9 = arith.divf %slice3A, %div3A_8 : vector<1x256xf32>
    %slice3A_10 = vector.extract_strided_slice %get3A_1 {offsets = [1, 0], sizes = [1, 256], strides = [1, 1]} : vector<2x256xf32> to vector<1x256xf32>
    %div3A_11 = arith.constant 3.276800e+04 : f32
    %div3A_12 = vector.broadcast %div3A_11 : f32 to vector<1x256xf32>
    %div3A_13 = arith.divf %slice3A_10, %div3A_12 : vector<1x256xf32>
    %mul3A = arith.mulf %div3A_9, %div3A_9 : vector<1x256xf32>
    %sub3A = arith.subf %div3A_13, %mul3A : vector<1x256xf32>
    %add3A = arith.constant 9.99999974E-6 : f32
    %add3A_14 = vector.broadcast %add3A : f32 to vector<1x256xf32>
    %add3A_15 = arith.addf %sub3A, %add3A_14 : vector<1x256xf32>
    %rsqrt3A = math.rsqrt %add3A_15 : vector<1x256xf32>
    %mul3A_16 = arith.mulf %get3A_4, %rsqrt3A : vector<1x256xf32>
    %mul3A_17 = arith.mulf %div3A_9, %mul3A_16 : vector<1x256xf32>
    %sub3A_18 = arith.subf %get3A_7, %mul3A_17 : vector<1x256xf32>
    %get3A_19 = arith.constant 0 : index
    %get3A_20 = arith.constant 0 : index
    %get3A_21 = vector.load %arg1[%get3A_19, %get3A_20] : memref<8192x256xf32, #tpu.memory_space<vmem>>, vector<8192x256xf32>
    %mul3A_22 = vector.broadcast %mul3A_16 : vector<1x256xf32> to vector<8192x256xf32>
    %mul3A_23 = arith.mulf %get3A_21, %mul3A_22 : vector<8192x256xf32>
    %add3A_24 = vector.broadcast %sub3A_18 : vector<1x256xf32> to vector<8192x256xf32>
    %add3A_25 = arith.addf %mul3A_23, %add3A_24 : vector<8192x256xf32>
    %max3A = arith.constant 0.000000e+00 : f32
    %max3A_26 = vector.broadcast %max3A : f32 to vector<8192x256xf32>
    %max3A_27 = arith.maximumf %add3A_25, %max3A_26 : vector<8192x256xf32>
    %reshape3A = vector.shape_cast %max3A_27 : vector<8192x256xf32> to vector<128x64x256xf32>
    %reduce_max3A = arith.constant dense<0xFF800000> : vector<128x256xf32>
    %reduce_max3A_28 = vector.multi_reduction <maximumf>, %reshape3A, %reduce_max3A [1] : vector<128x64x256xf32> to vector<128x256xf32>
    %swap3A = arith.constant 0 : index
    %swap3A_29 = arith.constant 0 : index
    %swap3A_30 = vector.load %arg5[%swap3A, %swap3A_29] : memref<128x256xf32, #tpu.memory_space<vmem>>, vector<128x256xf32>
    tpu.vector_store %arg5[%swap3A, %swap3A_29], %reduce_max3A_28 {strides = array<i32>} : memref<128x256xf32, #tpu.memory_space<vmem>>, vector<128x256xf32>,
    return
  }
  func.func @transform_0(%arg0: i32) -> (i32, i32) {
    %c0_i32 = arith.constant 0 : i32
    %c0_i32_0 = arith.constant 0 : i32
    return %arg0, %c0_i32 : i32, i32
  }
  func.func @transform_1(%arg0: i32) -> (i32, i32) {
    %c0_i32 = arith.constant 0 : i32
    %c0_i32_0 = arith.constant 0 : i32
    %c0_i32_1 = arith.constant 0 : i32
    return %c0_i32, %c0_i32_0 : i32, i32
  }
  func.func @transform_2(%arg0: i32) -> (i32, i32) {
    %c0_i32 = arith.constant 0 : i32
    %c0_i32_0 = arith.constant 0 : i32
    %c0_i32_1 = arith.constant 0 : i32
    return %c0_i32, %c0_i32_0 : i32, i32
  }
  func.func @transform_3(%arg0: i32) -> (i32, i32) {
    %c0_i32 = arith.constant 0 : i32
    %c0_i32_0 = arith.constant 0 : i32
    %c0_i32_1 = arith.constant 0 : i32
    return %c0_i32, %c0_i32_0 : i32, i32
  }
  func.func @transform_4(%arg0: i32) -> (i32, i32) {
    %c0_i32 = arith.constant 0 : i32
    %c0_i32_0 = arith.constant 0 : i32
    return %arg0, %c0_i32 : i32, i32
  }
}

module attributes {stable_mosaic.version = 14 : i64} {
  func.func @_sa3_body(%arg0: memref<3x512xf32, #tpu.memory_space<vmem>>, %arg1: memref<512x256xf32, #tpu.memory_space<vmem>>, %arg2: memref<3x256xf32, #tpu.memory_space<vmem>>, %arg3: memref<256x256xf32, #tpu.memory_space<vmem>>, %arg4: memref<1x256xf32, #tpu.memory_space<vmem>>, %arg5: memref<1x256xf32, #tpu.memory_space<vmem>>, %arg6: memref<1x256xf32, #tpu.memory_space<vmem>>, %arg7: memref<256x512xf32, #tpu.memory_space<vmem>>, %arg8: memref<1x512xf32, #tpu.memory_space<vmem>>, %arg9: memref<1x512xf32, #tpu.memory_space<vmem>>, %arg10: memref<1x512xf32, #tpu.memory_space<vmem>>, %arg11: memref<512x1024xf32, #tpu.memory_space<vmem>>, %arg12: memref<1x1024xf32, #tpu.memory_space<vmem>>, %arg13: memref<1x1024xf32, #tpu.memory_space<vmem>>, %arg14: memref<1x1024xf32, #tpu.memory_space<vmem>>, %arg15: memref<4x1024xf32, #tpu.memory_space<vmem>>) attributes {dimension_semantics = [], scalar_prefetch = 0 : i64, scratch_operands = 0 : i64, tpu.core_type = #tpu.core_type<tc>} {
    %get3A = arith.constant 0 : index
    %get3A_0 = arith.constant 0 : index
    %get3A_1 = vector.load %arg0[%get3A, %get3A_0] : memref<3x512xf32, #tpu.memory_space<vmem>>, vector<3x512xf32>
    %get3A_2 = arith.constant 0 : index
    %get3A_3 = arith.constant 0 : index
    %get3A_4 = vector.load %arg2[%get3A_2, %get3A_3] : memref<3x256xf32, #tpu.memory_space<vmem>>, vector<3x256xf32>
    %dot_general3A = arith.constant dense<0.000000e+00> : vector<512x256xf32>
    %dot_general3A_5 = tpu.matmul %get3A_1, %get3A_4, %dot_general3A {dimension_numbers = #tpu.dot_dimension_numbers<[0], [0], [1], [1], [0, 1, 1, 1], [], []>, transpose_lhs_hint = false} : vector<3x512xf32>, vector<3x256xf32>, vector<512x256xf32> -> vector<512x256xf32>
    %get3A_6 = arith.constant 0 : index
    %get3A_7 = arith.constant 0 : index
    %get3A_8 = vector.load %arg1[%get3A_6, %get3A_7] : memref<512x256xf32, #tpu.memory_space<vmem>>, vector<512x256xf32>
    %get3A_9 = arith.constant 0 : index
    %get3A_10 = arith.constant 0 : index
    %get3A_11 = vector.load %arg3[%get3A_9, %get3A_10] : memref<256x256xf32, #tpu.memory_space<vmem>>, vector<256x256xf32>
    %dot_general3A_12 = arith.constant dense<0.000000e+00> : vector<512x256xf32>
    %dot_general3A_13 = tpu.matmul %get3A_8, %get3A_11, %dot_general3A_12 {dimension_numbers = #tpu.dot_dimension_numbers<[1], [0], [0], [1], [0, 0, 1, 1], [], []>, transpose_lhs_hint = false} : vector<512x256xf32>, vector<256x256xf32>, vector<512x256xf32> -> vector<512x256xf32>
    %add3A = arith.addf %dot_general3A_5, %dot_general3A_13 : vector<512x256xf32>
    %get3A_14 = arith.constant 0 : index
    %get3A_15 = arith.constant 0 : index
    %get3A_16 = vector.load %arg4[%get3A_14, %get3A_15] : memref<1x256xf32, #tpu.memory_space<vmem>>, vector<1x256xf32>
    %add3A_17 = vector.broadcast %get3A_16 : vector<1x256xf32> to vector<512x256xf32>
    %add3A_18 = arith.addf %add3A, %add3A_17 : vector<512x256xf32>
    %get3A_19 = arith.constant 0 : index
    %get3A_20 = arith.constant 0 : index
    %get3A_21 = vector.load %arg5[%get3A_19, %get3A_20] : memref<1x256xf32, #tpu.memory_space<vmem>>, vector<1x256xf32>
    %get3A_22 = arith.constant 0 : index
    %get3A_23 = arith.constant 0 : index
    %get3A_24 = vector.load %arg6[%get3A_22, %get3A_23] : memref<1x256xf32, #tpu.memory_space<vmem>>, vector<1x256xf32>
    %reduce_sum3A = arith.constant dense<0.000000e+00> : vector<256xf32>
    %reduce_sum3A_25 = vector.multi_reduction <add>, %add3A_18, %reduce_sum3A [0] : vector<512x256xf32> to vector<256xf32>
    %broadcast_in_dim3A = vector.shape_cast %reduce_sum3A_25 : vector<256xf32> to vector<1x256xf32>
    %div3A = arith.constant 5.120000e+02 : f32
    %div3A_26 = vector.broadcast %div3A : f32 to vector<1x256xf32>
    %div3A_27 = arith.divf %broadcast_in_dim3A, %div3A_26 : vector<1x256xf32>
    %mul3A = arith.mulf %add3A_18, %add3A_18 : vector<512x256xf32>
    %reduce_sum3A_28 = arith.constant dense<0.000000e+00> : vector<256xf32>
    %reduce_sum3A_29 = vector.multi_reduction <add>, %mul3A, %reduce_sum3A_28 [0] : vector<512x256xf32> to vector<256xf32>
    %broadcast_in_dim3A_30 = vector.shape_cast %reduce_sum3A_29 : vector<256xf32> to vector<1x256xf32>
    %div3A_31 = arith.constant 5.120000e+02 : f32
    %div3A_32 = vector.broadcast %div3A_31 : f32 to vector<1x256xf32>
    %div3A_33 = arith.divf %broadcast_in_dim3A_30, %div3A_32 : vector<1x256xf32>
    %mul3A_34 = arith.mulf %div3A_27, %div3A_27 : vector<1x256xf32>
    %sub3A = arith.subf %div3A_33, %mul3A_34 : vector<1x256xf32>
    %add3A_35 = arith.constant 9.99999974E-6 : f32
    %add3A_36 = vector.broadcast %add3A_35 : f32 to vector<1x256xf32>
    %add3A_37 = arith.addf %sub3A, %add3A_36 : vector<1x256xf32>
    %rsqrt3A = math.rsqrt %add3A_37 : vector<1x256xf32>
    %mul3A_38 = arith.mulf %get3A_21, %rsqrt3A : vector<1x256xf32>
    %mul3A_39 = vector.broadcast %mul3A_38 : vector<1x256xf32> to vector<512x256xf32>
    %mul3A_40 = arith.mulf %add3A_18, %mul3A_39 : vector<512x256xf32>
    %mul3A_41 = arith.mulf %div3A_27, %mul3A_38 : vector<1x256xf32>
    %sub3A_42 = arith.subf %get3A_24, %mul3A_41 : vector<1x256xf32>
    %add3A_43 = vector.broadcast %sub3A_42 : vector<1x256xf32> to vector<512x256xf32>
    %add3A_44 = arith.addf %mul3A_40, %add3A_43 : vector<512x256xf32>
    %max3A = arith.constant 0.000000e+00 : f32
    %max3A_45 = vector.broadcast %max3A : f32 to vector<512x256xf32>
    %max3A_46 = arith.maximumf %add3A_44, %max3A_45 : vector<512x256xf32>
    %get3A_47 = arith.constant 0 : index
    %get3A_48 = arith.constant 0 : index
    %get3A_49 = vector.load %arg7[%get3A_47, %get3A_48] : memref<256x512xf32, #tpu.memory_space<vmem>>, vector<256x512xf32>
    %dot_general3A_50 = arith.constant dense<0.000000e+00> : vector<512x512xf32>
    %dot_general3A_51 = tpu.matmul %max3A_46, %get3A_49, %dot_general3A_50 {dimension_numbers = #tpu.dot_dimension_numbers<[1], [0], [0], [1], [0, 0, 1, 1], [], []>, transpose_lhs_hint = false} : vector<512x256xf32>, vector<256x512xf32>, vector<512x512xf32> -> vector<512x512xf32>
    %get3A_52 = arith.constant 0 : index
    %get3A_53 = arith.constant 0 : index
    %get3A_54 = vector.load %arg8[%get3A_52, %get3A_53] : memref<1x512xf32, #tpu.memory_space<vmem>>, vector<1x512xf32>
    %add3A_55 = vector.broadcast %get3A_54 : vector<1x512xf32> to vector<512x512xf32>
    %add3A_56 = arith.addf %dot_general3A_51, %add3A_55 : vector<512x512xf32>
    %get3A_57 = arith.constant 0 : index
    %get3A_58 = arith.constant 0 : index
    %get3A_59 = vector.load %arg9[%get3A_57, %get3A_58] : memref<1x512xf32, #tpu.memory_space<vmem>>, vector<1x512xf32>
    %get3A_60 = arith.constant 0 : index
    %get3A_61 = arith.constant 0 : index
    %get3A_62 = vector.load %arg10[%get3A_60, %get3A_61] : memref<1x512xf32, #tpu.memory_space<vmem>>, vector<1x512xf32>
    %reduce_sum3A_63 = arith.constant dense<0.000000e+00> : vector<512xf32>
    %reduce_sum3A_64 = vector.multi_reduction <add>, %add3A_56, %reduce_sum3A_63 [0] : vector<512x512xf32> to vector<512xf32>
    %broadcast_in_dim3A_65 = vector.shape_cast %reduce_sum3A_64 : vector<512xf32> to vector<1x512xf32>
    %div3A_66 = arith.constant 5.120000e+02 : f32
    %div3A_67 = vector.broadcast %div3A_66 : f32 to vector<1x512xf32>
    %div3A_68 = arith.divf %broadcast_in_dim3A_65, %div3A_67 : vector<1x512xf32>
    %mul3A_69 = arith.mulf %add3A_56, %add3A_56 : vector<512x512xf32>
    %reduce_sum3A_70 = arith.constant dense<0.000000e+00> : vector<512xf32>
    %reduce_sum3A_71 = vector.multi_reduction <add>, %mul3A_69, %reduce_sum3A_70 [0] : vector<512x512xf32> to vector<512xf32>
    %broadcast_in_dim3A_72 = vector.shape_cast %reduce_sum3A_71 : vector<512xf32> to vector<1x512xf32>
    %div3A_73 = arith.constant 5.120000e+02 : f32
    %div3A_74 = vector.broadcast %div3A_73 : f32 to vector<1x512xf32>
    %div3A_75 = arith.divf %broadcast_in_dim3A_72, %div3A_74 : vector<1x512xf32>
    %mul3A_76 = arith.mulf %div3A_68, %div3A_68 : vector<1x512xf32>
    %sub3A_77 = arith.subf %div3A_75, %mul3A_76 : vector<1x512xf32>
    %add3A_78 = arith.constant 9.99999974E-6 : f32
    %add3A_79 = vector.broadcast %add3A_78 : f32 to vector<1x512xf32>
    %add3A_80 = arith.addf %sub3A_77, %add3A_79 : vector<1x512xf32>
    %rsqrt3A_81 = math.rsqrt %add3A_80 : vector<1x512xf32>
    %mul3A_82 = arith.mulf %get3A_59, %rsqrt3A_81 : vector<1x512xf32>
    %mul3A_83 = vector.broadcast %mul3A_82 : vector<1x512xf32> to vector<512x512xf32>
    %mul3A_84 = arith.mulf %add3A_56, %mul3A_83 : vector<512x512xf32>
    %mul3A_85 = arith.mulf %div3A_68, %mul3A_82 : vector<1x512xf32>
    %sub3A_86 = arith.subf %get3A_62, %mul3A_85 : vector<1x512xf32>
    %add3A_87 = vector.broadcast %sub3A_86 : vector<1x512xf32> to vector<512x512xf32>
    %add3A_88 = arith.addf %mul3A_84, %add3A_87 : vector<512x512xf32>
    %max3A_89 = arith.constant 0.000000e+00 : f32
    %max3A_90 = vector.broadcast %max3A_89 : f32 to vector<512x512xf32>
    %max3A_91 = arith.maximumf %add3A_88, %max3A_90 : vector<512x512xf32>
    %get3A_92 = arith.constant 0 : index
    %get3A_93 = arith.constant 0 : index
    %get3A_94 = vector.load %arg11[%get3A_92, %get3A_93] : memref<512x1024xf32, #tpu.memory_space<vmem>>, vector<512x1024xf32>
    %dot_general3A_95 = arith.constant dense<0.000000e+00> : vector<512x1024xf32>
    %dot_general3A_96 = tpu.matmul %max3A_91, %get3A_94, %dot_general3A_95 {dimension_numbers = #tpu.dot_dimension_numbers<[1], [0], [0], [1], [0, 0, 1, 1], [], []>, transpose_lhs_hint = false} : vector<512x512xf32>, vector<512x1024xf32>, vector<512x1024xf32> -> vector<512x1024xf32>
    %get3A_97 = arith.constant 0 : index
    %get3A_98 = arith.constant 0 : index
    %get3A_99 = vector.load %arg12[%get3A_97, %get3A_98] : memref<1x1024xf32, #tpu.memory_space<vmem>>, vector<1x1024xf32>
    %add3A_100 = vector.broadcast %get3A_99 : vector<1x1024xf32> to vector<512x1024xf32>
    %add3A_101 = arith.addf %dot_general3A_96, %add3A_100 : vector<512x1024xf32>
    %get3A_102 = arith.constant 0 : index
    %get3A_103 = arith.constant 0 : index
    %get3A_104 = vector.load %arg13[%get3A_102, %get3A_103] : memref<1x1024xf32, #tpu.memory_space<vmem>>, vector<1x1024xf32>
    %get3A_105 = arith.constant 0 : index
    %get3A_106 = arith.constant 0 : index
    %get3A_107 = vector.load %arg14[%get3A_105, %get3A_106] : memref<1x1024xf32, #tpu.memory_space<vmem>>, vector<1x1024xf32>
    %reduce_sum3A_108 = arith.constant dense<0.000000e+00> : vector<1024xf32>
    %reduce_sum3A_109 = vector.multi_reduction <add>, %add3A_101, %reduce_sum3A_108 [0] : vector<512x1024xf32> to vector<1024xf32>
    %broadcast_in_dim3A_110 = vector.shape_cast %reduce_sum3A_109 : vector<1024xf32> to vector<1x1024xf32>
    %div3A_111 = arith.constant 5.120000e+02 : f32
    %div3A_112 = vector.broadcast %div3A_111 : f32 to vector<1x1024xf32>
    %div3A_113 = arith.divf %broadcast_in_dim3A_110, %div3A_112 : vector<1x1024xf32>
    %mul3A_114 = arith.mulf %add3A_101, %add3A_101 : vector<512x1024xf32>
    %reduce_sum3A_115 = arith.constant dense<0.000000e+00> : vector<1024xf32>
    %reduce_sum3A_116 = vector.multi_reduction <add>, %mul3A_114, %reduce_sum3A_115 [0] : vector<512x1024xf32> to vector<1024xf32>
    %broadcast_in_dim3A_117 = vector.shape_cast %reduce_sum3A_116 : vector<1024xf32> to vector<1x1024xf32>
    %div3A_118 = arith.constant 5.120000e+02 : f32
    %div3A_119 = vector.broadcast %div3A_118 : f32 to vector<1x1024xf32>
    %div3A_120 = arith.divf %broadcast_in_dim3A_117, %div3A_119 : vector<1x1024xf32>
    %mul3A_121 = arith.mulf %div3A_113, %div3A_113 : vector<1x1024xf32>
    %sub3A_122 = arith.subf %div3A_120, %mul3A_121 : vector<1x1024xf32>
    %add3A_123 = arith.constant 9.99999974E-6 : f32
    %add3A_124 = vector.broadcast %add3A_123 : f32 to vector<1x1024xf32>
    %add3A_125 = arith.addf %sub3A_122, %add3A_124 : vector<1x1024xf32>
    %rsqrt3A_126 = math.rsqrt %add3A_125 : vector<1x1024xf32>
    %mul3A_127 = arith.mulf %get3A_104, %rsqrt3A_126 : vector<1x1024xf32>
    %mul3A_128 = vector.broadcast %mul3A_127 : vector<1x1024xf32> to vector<512x1024xf32>
    %mul3A_129 = arith.mulf %add3A_101, %mul3A_128 : vector<512x1024xf32>
    %mul3A_130 = arith.mulf %div3A_113, %mul3A_127 : vector<1x1024xf32>
    %sub3A_131 = arith.subf %get3A_107, %mul3A_130 : vector<1x1024xf32>
    %add3A_132 = vector.broadcast %sub3A_131 : vector<1x1024xf32> to vector<512x1024xf32>
    %add3A_133 = arith.addf %mul3A_129, %add3A_132 : vector<512x1024xf32>
    %max3A_134 = arith.constant 0.000000e+00 : f32
    %max3A_135 = vector.broadcast %max3A_134 : f32 to vector<512x1024xf32>
    %max3A_136 = arith.maximumf %add3A_133, %max3A_135 : vector<512x1024xf32>
    %reshape3A = vector.shape_cast %max3A_136 : vector<512x1024xf32> to vector<4x128x1024xf32>
    %reduce_max3A = arith.constant dense<0xFF800000> : vector<4x1024xf32>
    %reduce_max3A_137 = vector.multi_reduction <maximumf>, %reshape3A, %reduce_max3A [1] : vector<4x128x1024xf32> to vector<4x1024xf32>
    %swap3A = arith.constant 0 : index
    %swap3A_138 = arith.constant 0 : index
    %swap3A_139 = vector.load %arg15[%swap3A, %swap3A_138] : memref<4x1024xf32, #tpu.memory_space<vmem>>, vector<4x1024xf32>
    tpu.vector_store %arg15[%swap3A, %swap3A_138], %reduce_max3A_137 {strides = array<i32>} : memref<4x1024xf32, #tpu.memory_space<vmem>>, vector<4x1024xf32>,
    return
  }
}

</mosaic_0001>

<sc_bundles>
// kernel: kernel.16.cloned.1.call-start
scs
__scs_entry_jumppad:
0x0: {  	(pc) =	sbr.rel $0x88, $3  }
0x1: {  	(tag) =	ssettag $0x0;
	lr =	simm.s32 $0x1  }
0x2: {  	[smem:$0x3F7C] =	sst lr;
	_ =	strace $0xD0000000  }
0x3: {  	_ = 	snop  }
0x4: {  	_ = 	snop  }
0x5: {  	_ = 	snop  }
0x6: {  	_ = 	snop  }
0x7: {  	_ = 	snop  }
__scs_overlays_trampoline_lowered:
0x8: {  	[smem:$0x3F8B] =	sst s0  }
0x9: {  	[smem:$0x3F8C] =	sst s1  }
0xa: {  	[smem:$0x3F8D] =	sst s2  }
0xb: {  	[smem:$0x3F8E] =	sst s3  }
0xc: {  	[smem:$0x3F8F] =	sst s4  }
0xd: {  	[smem:$0x3F90] =	sst s5  }
0xe: {  	[smem:$0x3F91] =	sst s6  }
0xf: {  	[smem:$0x3F92] =	sst s7  }
0x10: {  	[smem:$0x3F93] =	sst s8  }
0x11: {  	[smem:$0x3F94] =	sst s9;
	s0 =	simm.s32 @!p0 $0x0  }
0x12: {  	s1 =	sld [smem:$0x3F7A];
	s0 =	simm.s32 @p0 $0x1  }
0x13: {  	[smem:$0x3F95] =	sst s0;
	s0 =	simm.s32 @!p1 $0x0  }
0x14: {  	s2 =	sld [smem:$0x3F79];
	s0 =	simm.s32 @p1 $0x1  }
0x15: {  	[smem:$0x3F96] =	sst s0;
	s0 =	simm.s32 @!p2 $0x0  }
0x16: {  	s3 =	sld [smem:$0x3FDB];
	s0 =	simm.s32 @p2 $0x1  }
0x17: {  	s4 =	simm.s32 $0x1BF5;
	[smem:$0x3F98] =	sst s0  }
0x18: {  	s0 =	sld [smem:$0x3F7B];
	_ =	swait.ge [sflag:s4], $0x0  }
0x19: {  	s7 =	sld [smem:$0x3F7C]  }
0x1a: {  	s8 =	sadd.s32 $0xFFFFE003, lr  }
0x1b: {  	s9 =	sadd.s32 $0xFFFFFEF7, lr;
	s5 =	simm.s32 $0xFFFFFFFF;
	p2 =	slt.u32 s8, $0xFFFFF086  }
0x1c: {  	p1 =	slt.u32 s9, $0xF7A;
	s5 =	simm.s32 @!p2 $0x0  }
0x1d: {  	s5 =	simm.s32 @p1 $0x1;
	p0 =	seq.s32 s7, s2  }
0x1e: {  	s7 =	smul.u32 @!p0 $0xF7A, s2;
	p2 =	seq.s32 @!p0 s5, $0x0  }
0x1f: {  	s9 =	smul.u32 $0xF7A, s1;
	s8 =	simm.s32 @!p0 $0x1BF5;
	p2 =	por !p2, p0  }
0x20: {  	[sflag:s8] =	ssyncset.s32 @!p0 $0xFFFFF086;
	s6 =	sadd.s32 @!p0 s3, s7;
	s7 =	simm.s32 @!p0 $0x108  }
0x21: {  	s3 =	sadd.s32 s3, s9;
	s6 =	sadd.s32 @!p0 $0x88, s6;
	s7 =	simm.s32 @p2 $0x1082  }
0x22: {  	[simem:s7], [sflag:s8] =	dma.local @!p0 [hbm:s6], $0xF7A  }
0x23: {  	s9 =	sor.u32 $0xD0000000, s2;
	s6 =	simm.s32 $0x108;
	_ =	swait.ge @!p0 [sflag:s8], $0x0  }
0x24: {  	s3 =	sadd.s32 $0x88, s3;
	s6 =	simm.s32 @!p1 $0x1082;
	[sflag:s4] =	ssyncset.s32 $0xFFFFF086  }
0x25: {  	[simem:s6], [sflag:s4] =	dma.local [hbm:s3], $0xF7A  }
0x26: {  	[smem:$0x3F7C] =	sst s1;
	(tag) =	ssettag s2;
	_ =	strace s9  }
0x27: {  	s1 =	sld [smem:$0x3F8C]  }
0x28: {  	s2 =	sld [smem:$0x3F8D]  }
0x29: {  	s4 =	sld [smem:$0x3F8F]  }
0x2a: {  	p0 =	seq.s32 s5, $0x0;
	s5 =	sld [smem:$0x3F90]  }
0x2b: {  	s6 =	sld [smem:$0x3F91]  }
0x2c: {  	s7 =	sld [smem:$0x3F92]  }
0x2d: {  	s3 =	simm.s32 $0x108;
	s8 =	sld [smem:$0x3F93]  }
0x2e: {  	s3 =	simm.s32 @!p0 $0x1082;
	s9 =	sld [smem:$0x3F94]  }
0x2f: {  	lr =	sadd.s32 s0, s3;
	s0 =	sld [smem:$0x3F8B]  }
0x30: {  	s3 =	sld [smem:$0x3F8E]  }
0x31: {  	[smem:$0x3F97] =	sst s10  }
0x32: {  	s10 =	sld [smem:$0x3F95];
	_ =	sdelay $0x3  }
0x33: {  	p0 =	seq.s32 s10, $0x1;
	s10 =	sld [smem:$0x3F97];
	_ =	sdelay $0x3  }
0x34: {  	[smem:$0x3F97] =	sst s10  }
0x35: {  	s10 =	sld [smem:$0x3F96];
	_ =	sdelay $0x3  }
0x36: {  	p1 =	seq.s32 s10, $0x1;
	s10 =	sld [smem:$0x3F97];
	_ =	sdelay $0x3  }
0x37: {  	[smem:$0x3F97] =	sst s10  }
0x38: {  	s10 =	sld [smem:$0x3F98]  }
0x39: {  	_ = 	snop;
	(pc) =	sbr.ind lr, $3  }
0x3a: {  	_ = 	snop  }
0x3b: {  	_ = 	snop  }
0x3c: {  	p2 =	seq.s32 s10, $0x1;
	s10 =	sld [smem:$0x3F97]  }
0x3d: {  	_ =	shalt  }
0x3e: {  	_ =	shalt  }
0x3f: {  	_ =	shalt  }
0x40: {  	_ =	shalt  }
0x41: {  	_ =	shalt  }
0x42: {  	_ =	shalt  }
0x43: {  	_ =	shalt  }
0x44: {  	_ =	shalt  }
0x45: {  	_ =	shalt  }
0x46: {  	_ =	shalt  }
0x47: {  	_ =	shalt  }
0x48: {  	_ =	shalt  }
0x49: {  	_ =	shalt  }
0x4a: {  	_ =	shalt  }
0x4b: {  	_ =	shalt  }
0x4c: {  	_ =	shalt  }
0x4d: {  	_ =	shalt  }
0x4e: {  	_ =	shalt  }
0x4f: {  	_ =	shalt  }
0x50: {  	_ =	shalt  }
0x51: {  	_ =	shalt  }
0x52: {  	_ =	shalt  }
0x53: {  	_ =	shalt  }
0x54: {  	_ =	shalt  }
0x55: {  	_ =	shalt  }
0x56: {  	_ =	shalt  }
0x57: {  	_ =	shalt  }
0x58: {  	_ =	shalt  }
0x59: {  	_ =	shalt  }
0x5a: {  	_ =	shalt  }
0x5b: {  	_ =	shalt  }
0x5c: {  	_ =	shalt  }
0x5d: {  	_ =	shalt  }
0x5e: {  	_ =	shalt  }
0x5f: {  	_ =	shalt  }
0x60: {  	_ =	shalt  }
0x61: {  	_ =	shalt  }
0x62: {  	_ =	shalt  }
0x63: {  	_ =	shalt  }
0x64: {  	_ =	shalt  }
0x65: {  	_ =	shalt  }
0x66: {  	_ =	shalt  }
0x67: {  	_ =	shalt  }
0x68: {  	_ =	shalt  }
0x69: {  	_ =	shalt  }
0x6a: {  	_ =	shalt  }
0x6b: {  	_ =	shalt  }
0x6c: {  	_ =	shalt  }
0x6d: {  	_ =	shalt  }
0x6e: {  	_ =	shalt  }
0x6f: {  	_ =	shalt  }
0x70: {  	_ =	shalt  }
0x71: {  	_ =	shalt  }
0x72: {  	_ =	shalt  }
0x73: {  	_ =	shalt  }
0x74: {  	_ =	shalt  }
0x75: {  	_ =	shalt  }
0x76: {  	_ =	shalt  }
0x77: {  	_ =	shalt  }
0x78: {  	_ =	shalt  }
0x79: {  	_ =	shalt  }
0x7a: {  	_ =	shalt  }
0x7b: {  	_ =	shalt  }
0x7c: {  	_ =	shalt  }
0x7d: {  	_ =	shalt  }
0x7e: {  	_ =	shalt  }
0x7f: {  	_ =	shalt  }
0x80: {  	_ =	shalt  }
0x81: {  	_ =	shalt  }
0x82: {  	_ =	shalt  }
0x83: {  	_ =	shalt  }
0x84: {  	_ =	shalt  }
0x85: {  	_ =	shalt  }
0x86: {  	_ =	shalt  }
0x87: {  	_ =	shalt  }
.Lfunc_end0:
.L_simem_size_0:
called_computation_lowered:
.L_overlay_start_0:
0x88: {  	s2 =	sld [smem:$0x3FD9]  }
0x89: {  	s3 =	sld [smem:$0x3FFE];
	_ =	sdelay $0x1  }
0x8a: {  	s1 =	srdreg.scid  }
0x8b: {  	s0 =	sand.u32 $0x1, s1  }
0x8c: {  	s16 =	sshll.u32 s0, $0xA;
	s2 =	sadd.s32 s3, s2  }
0x8d: {  	s2 =	sadd.s32 s2, s16  }
0x8e: {  	[smem:$0x3FA3] =	sst s2  }
0x8f: {  	_ = 	snop  }
0x90: {  	(tm) =	ssettm $0x1  }
0x91: {  	s17 =	sld [smem:$0x3FFB];
	_ =	sdelay $0x3  }
0x92: {  	_ =	strace s17  }
0x93: {  	s2 =	sld [smem:$0x3FFC];
	_ =	sdelay $0x3  }
0x94: {  	_ =	strace s2  }
0x95: {  	s2 =	sld [smem:$0x3FFD];
	_ =	sdelay $0x3  }
0x96: {  	_ =	strace s2  }
0x97: {  	_ =	strace $0x8FFFFFFF  }
0x98: {  	s18 =	sld [smem:$0x3FDB];
	_ =	sdelay $0x1  }
0x99: {  	s19 =	simm.s32 $_scs_section_size  }
0x9a: {  	s4 =	simm.s32 $_size__tile_overlayer_lowered;
	s5 =	simm.s32 $_tile_overlayer_lowered  }
0x9b: {  	s22 =	simm.s32 $0x1BFF;
	s21 =	sshll.u32 s5, $0x1;
	s2 =	sadd.s32 s19, s18  }
0x9c: {  	s6 =	simm.s32 $0x0;
	s20 =	sshll.u32 s4, $0x1;
	s4 =	sadd.s32 s21, s2  }
0x9d: {  	[timem:s6], [sflag:s22] =	dma.local [hbm:s4], s20  }
0x9e: {  	_ =	swait.ge [sflag:s22], s20  }
0x9f: {  	s3 =	ssub.s32 $0x0, s20;
	[sflag:s22] =	ssyncset.done $0x0  }
0xa0: {  	[sflag:s22] =	ssyncadd.s32 s3;
	_ =	sdelay $0x1  }
0xa1: {  	s23 =	simm.s32 $0x1B8B  }
0xa2: {  	_ =	swait.ge [sflag:s23], $0x1  }
0xa3: {  	[sflag:s23] =	ssyncset.done $0x0  }
0xa4: {  	s25 =	simm.s32 $0x1B8E;
	s24 =	sld [smem:$0x3FFE];
	[sflag:s23] =	ssyncadd.s32 $0xFFFFFFFF  }
0xa5: {  	s26 =	simm.s32 $execute0_lowered;
	[smem:$0x3FD2] =	sst s25  }
0xa6: {  	s4 =	sshll.u32 s26, $0x1;
	_ =	strace $0x80000046;
	[dreg:$0x1] =	wrdreg $0xFFFFFFFF  }
0xa7: {  	s28 =	simm.s32 $_size_execute0_lowered;
	s2 =	sadd.s32 s2, s4;
	[dreg:$0x0] =	wrdreg $0x0  }
0xa8: {  	s4 =	sshll.u32 s28, $0x1;
	[dreg:$0x2] =	wrdreg s2  }
0xa9: {  	[dreg:$0x3] =	wrdreg s4  }
0xaa: {  	[dreg:$0x4] =	wrdreg $0xC0  }
0xab: {  	_ =	task [dreg:s6], $0x5FFFF  }
0xac: {  	[dreg:$0x1] =	wrdreg $0xFFFFFFFF  }
0xad: {  	[dreg:$0x0] =	wrdreg $0x60  }
0xae: {  	[dreg:$0x2] =	wrdreg s24  }
0xaf: {  	[dreg:$0x3] =	wrdreg $0x9  }
0xb0: {  	_ =	task.clear_ibuf [dreg:s6], $0x4FFFF;
	_ =	strace $0x90000046  }
0xb1: {  	s29 =	simm.s32 $0x9;
	_ =	strace $0x80000048  }
0xb2: {  	_ =	swait.ge [sflag:s29], $0x1  }
0xb3: {  	[sflag:s29] =	ssyncadd.s32 $0xFFFFFFFF  }
0xb4: {  	_ =	strace $0x90000048  }
0xb5: {  	_ =	sfence  }
0xb6: {  	s30 =	sld [smem:$0x0];
	_ =	sdelay $0x2  }
0xb7: {  	s31 =	sshll.u32 s1, $0xD;
	s1 =	sshrl.u32 s1, $0x2  }
0xb8: {  	s3 =	sand.u32 $0x4000, s31;
	s1 =	sadd.s32 s1, s30  }
0xb9: {  	s0 =	sor.u32 s3, s0;
	s1 =	sshll.u32 s1, $0x11  }
0xba: {  	s0 =	sor.u32 s1, s0  }
0xbb: {  	s0 =	sadd.s32 $0x8F2B, s0  }
0xbc: {  	[sflag:s0] =	ssyncadd.remote.s32 $0x1  }
0xbd: {  	_ =	sfence.sel $0xFFFF  }
0xbe: {  	[dreg:$0x0] =	wrdreg $0xFFFFFFFF;
	(pc) =	sbr.abs _section_cstart, $3  }
0xbf: {  	[dreg:$0x1] =	wrdreg $0xFFFFFFFF  }
0xc0: {  	_ =	task.clear_ibuf [dreg:s6], $0x2FFFF;
	_ =	strace $0x9FFFFFFF  }
0xc1: {  	(tm) =	ssettm $0x7FFFFFFF  }
tec
execute0_lowered:
.L_overlay_start_1:
0x0: {  	(tag) =	ssettag $0x1  }
0x1: {  	s1 =	simm.s32 $0x0  }
0x2: {  	[smem:$0x7FF] =	sst s1  }
0x3: {  	s0 =	rddreg [dreg:$0x0];
	v0 =	vimm.f32 $1.000000000e+00;
	s2 =	srdreg.scid;
	_ =	strace $0x80000047  }
0x4: {  	s13 =	stileid.u32;
	s28 =	simm.s32 $0x0;
	s3 =	sadd.s32 $0x7200, s0;
	(xrf0) =	vmax.scan.msk.f32 $0xffff, v0  }
0x5: {  	s2 =	sand.u32 $0x1, s2;
	s4 =	sadd.s32 $0x6E00, s0;
	s0 =	sadd.s32 $0x9200, s0  }
0x6: {  	s7 =	sshll.u32 s13, $0x1;
	s15 =	sand.u32 $0xC, s13;
	s8 =	sshrl.u32 s13, $0x2  }
0x7: {  	s13 =	sor.u32 $0x3, s13;
	s5 =	ssub.s32 $0x2, s2;
	s12 =	sand.u32 $0x6, s7  }
0x8: {  	s11 =	sor.u32 $0x1, s15;
	s16 =	sshll.u32 s8, $0xB;
	s9 =	smul.u32 $0x600, s8  }
0x9: {  	s20 =	sshll.u32 s13, $0x9;
	s8 =	sshll.u32 s8, $0x10;
	s30 =	sshll.u32 s13, $0xE  }
0xa: {  	s6 =	sshrl.u32 s5, $0x1;
	s2 =	sor.u32 s2, s12;
	s17 =	sshll.u32 s11, $0x9;
	v0, _, _ =	vpop (xrf0)  }
0xb: {  	s12 =	sor.u32 $0x2, s15;
	s26 =	sshll.u32 s11, $0xE;
	s15 =	simm.s32 $0x1;
	(v2sf) =	vpush v0, $0xF  }
0xc: {  	s14 =	ssub.s32 s5, s6;
	s10 =	sshll.u32 s2, $0x6;
	s5 =	sadd.s32 s3, s16  }
0xd: {  	s18 =	sadd.s32 s3, s17;
	s19 =	sshll.u32 s12, $0x9;
	s6 =	sadd.s32 s3, s20  }
0xe: {  	s2 =	sshll.u32 s2, $0xB;
	s29 =	sshll.u32 s12, $0xE;
	s16 =	simm.s32 $0x1000  }
0xf: {  	s17 =	simm.s32 $0x2000;
	s20 =	simm.s32 $0x8080;
	[dreg:$0x2] =	wrdreg s5  }
0x10: {  	[dreg:$0x3] =	wrdreg s18;
	s9 =	sor.u32 s9, s10;
	s5 =	sadd.s32 s3, s19  }
0x11: {  	s23 =	sor.u32 s8, s2;
	s11 =	sor.u32 s29, s2;
	s14 =	smax.u32 s14, $0x1  }
0x12: {  	s18 =	simm.s32 $0x3000;
	s19 =	simm.s32 $0x8000;
	s21 =	sshrl.u32 s9, $0x3  }
0x13: {  	[dreg:$0x4] =	wrdreg s5;
	s22 =	sadd.s32 $0x200, s9;
	s9 =	sadd.s32 $0x400, s9  }
0x14: {  	s10 =	sshrl.u32 s23, $0x3;
	s31 =	sshrl.u32 s11, $0x3;
	s23 =	simm.s32 $0x8180  }
0x15: {  	s7 =	sadd.s32 s4, s21;
	s3 =	sshrl.u32 s22, $0x3;
	s24 =	sshrl.u32 s9, $0x3  }
0x16: {  	s10 =	sadd.s32 s0, s10;
	s12 =	sadd.s32 s0, s31;
	s21 =	simm.s32 $0x8100  }
.Ltmp0:
0x17: {  	s22 =	simm.s32 $0xA180;
	s8 =	sadd.s32 s4, s3;
	(pc) =	sbr.rel .LBB2_1-.Ltmp0, $4  }
0x18: {  	s9 =	sadd.s32 s4, s24;
	s4 =	sor.u32 s26, s2;
	s2 =	sor.u32 s30, s2  }
0x19: {  	s24 =	simm.s32 $0x8980;
	s26 =	simm.s32 $0x9980;
	s4 =	sshrl.u32 s4, $0x3  }
0x1a: {  	v1 =	vimm.s32 $0x0;
	v2 =	vimm.f32 $0.0e+00;
	s2 =	sshrl.u32 s2, $0x3;
	s11 =	sadd.s32 s0, s4;
	v0 =	vlaneseq.u32;
	s25 =	spop (v2sf)  }
0x1b: {  	s13 =	sadd.s32 s0, s2;
	v3 =	vadd.s32 $0x1, v0;
	v4 =	vor.u32 $0x10, v0;
	v5 =	vadd.s32 $0x11, v0;
	p0 =	sgt.f32 s25, $0.0e+00;
	s25 =	simm.s32 $0x9180  }
.LBB2_9:
0x1c: {  	[hbm4b:s10+s1] =	stream.linear.scatter [tilespmem:s23], [sflag:$0x1], $0x800, $0x38;
	[tilespmem:$0xA200] =	vst v63  }
0x1d: {  	_ =	swait.ge [sflag:s15], $0x800  }
0x1e: {  	[sflag:s15] =	ssyncset.done $0x0  }
0x1f: {  	[sflag:s15] =	ssyncadd.s32 $0xFFFFF800  }
0x20: {  	[hbm4b:s11+s1] =	stream.linear.scatter [tilespmem:s24], [sflag:$0x1], $0x800, $0x38;
	[tilespmem:$0xA200] =	vst v63  }
0x21: {  	_ =	swait.ge [sflag:s15], $0x800  }
0x22: {  	[sflag:s15] =	ssyncset.done $0x0  }
0x23: {  	[sflag:s15] =	ssyncadd.s32 $0xFFFFF800  }
0x24: {  	[hbm4b:s12+s1] =	stream.linear.scatter [tilespmem:s25], [sflag:$0x1], $0x800, $0x38;
	[tilespmem:$0xA200] =	vst v63  }
0x25: {  	s28 =	sadd.s32 $0x1, s28;
	_ =	swait.ge [sflag:s15], $0x800  }
0x26: {  	p1 =	sne.s32 s28, s14;
	[sflag:s15] =	ssyncset.done $0x0  }
.Ltmp1:
0x27: {  	[sflag:s15] =	ssyncadd.s32 $0xFFFFF800;
	(pc) =	sbr.rel @!p1 .LBB2_10-.Ltmp1, $4  }
0x28: {  	[hbm4b:s13+s1] =	stream.linear.scatter [tilespmem:s26], [sflag:$0x1], $0x800, $0x38;
	[tilespmem:$0xA200] =	vst v63  }
0x29: {  	_ =	swait.ge [sflag:s15], $0x800  }
0x2a: {  	[sflag:s15] =	ssyncset.done $0x0  }
0x2b: {  	[sflag:s15] =	ssyncadd.s32 $0xFFFFF800  }
.LBB2_1:
0x2c: {  	s0 =	rddreg [dreg:$0x2]  }
0x2d: {  	[tilespmem:s1], [sflag:$0x1] =	stream.linear.gather [hbm4b:s0+s1], $0x1000, $0x38;
	[tilespmem:$0xA200] =	vst v63  }
0x2e: {  	_ =	swait.ge [sflag:s15], $0x1000  }
0x2f: {  	[sflag:s15] =	ssyncset.done $0x0  }
0x30: {  	s30 =	rddreg [dreg:$0x3];
	[sflag:s15] =	ssyncadd.s32 $0xFFFFF000  }
0x31: {  	[tilespmem:s16], [sflag:$0x1] =	stream.linear.gather [hbm4b:s30+s1], $0x1000, $0x38;
	[tilespmem:$0xA200] =	vst v63  }
0x32: {  	_ =	swait.ge [sflag:s15], $0x1000  }
0x33: {  	[sflag:s15] =	ssyncset.done $0x0  }
0x34: {  	s31 =	rddreg [dreg:$0x4];
	[sflag:s15] =	ssyncadd.s32 $0xFFFFF000  }
0x35: {  	[tilespmem:s17], [sflag:$0x1] =	stream.linear.gather [hbm4b:s31+s1], $0x1000, $0x38;
	[tilespmem:$0xA200] =	vst v63  }
0x36: {  	_ =	swait.ge [sflag:s15], $0x1000  }
0x37: {  	[sflag:s15] =	ssyncset.done $0x0  }
0x38: {  	[sflag:s15] =	ssyncadd.s32 $0xFFFFF000  }
0x39: {  	[tilespmem:s18], [sflag:$0x1] =	stream.linear.gather [hbm4b:s6+s1], $0x1000, $0x38;
	[tilespmem:$0xA200] =	vst v63  }
0x3a: {  	_ =	swait.ge [sflag:s15], $0x1000  }
0x3b: {  	[sflag:s15] =	ssyncset.done $0x0  }
0x3c: {  	[sflag:s15] =	ssyncadd.s32 $0xFFFFF000  }
0x3d: {  	[tilespmem:s19], [sflag:$0x1] =	stream.linear.gather [hbm4b:s7+s1], $0x40, $0x38;
	[tilespmem:$0xA200] =	vst v63  }
0x3e: {  	_ =	swait.ge [sflag:s15], $0x40  }
0x3f: {  	[sflag:s15] =	ssyncset.done $0x0  }
0x40: {  	[sflag:s15] =	ssyncadd.s32 $0xFFFFFFC0  }
0x41: {  	[tilespmem:s20], [sflag:$0x1] =	stream.linear.gather [hbm4b:s8+s1], $0x40, $0x38;
	[tilespmem:$0xA200] =	vst v63  }
0x42: {  	_ =	swait.ge [sflag:s15], $0x40  }
0x43: {  	[sflag:s15] =	ssyncset.done $0x0  }
0x44: {  	[sflag:s15] =	ssyncadd.s32 $0xFFFFFFC0  }
0x45: {  	[tilespmem:s21], [sflag:$0x1] =	stream.linear.gather [hbm4b:s9+s1], $0x40, $0x38;
	[tilespmem:$0xA200] =	vst v63  }
0x46: {  	_ =	swait.ge [sflag:s15], $0x40  }
0x47: {  	[sflag:s15] =	ssyncset.done $0x0  }
0x48: {  	s2 =	simm.s32 $0x0;
	[sflag:s15] =	ssyncadd.s32 $0xFFFFFFC0  }
0x49: {  	v6 =	vld [tilespmem:s2+$0x0]  }
0x4a: {  	v7 =	vld [tilespmem:s2+$0x1000]  }
0x4b: {  	v10 =	vld [tilespmem:s2+$0x2000];
	_ =	sdelay $0x3  }
0x4c: {  	s0 =	simm.s32 $0x10;
	v9 =	vmul.f32 v6, v6;
	v11 =	vmul.f32 v7, v7;
	v12 =	vshrl.u32 v6, $0x10  }
0x4d: {  	v8 =	vld [tilespmem:s0+$0x0];
	v13 =	vshrl.u32 v7, $0x10;
	v14 =	vmul.f32 v10, v10;
	v15 =	vshrl.u32 v10, $0x10  }
0x4e: {  	v12 =	vand.u32 $0x1, v12;
	v13 =	vand.u32 $0x1, v13;
	v11 =	vadd.f32 v11, v9;
	v9 =	vld [tilespmem:s0+$0x1000]  }
0x4f: {  	v6 =	vadd.s32 v12, v6;
	v12 =	vadd.s32 v13, v7;
	v13 =	vand.u32 $0x1, v15  }
0x50: {  	v7 =	vld [tilespmem:s0+$0x2000];
	v6 =	vadd.s32 $0x7FFF, v6;
	v10 =	vadd.s32 v13, v10  }
0x51: {  	v12 =	vadd.s32 $0x7FFF, v12;
	v11 =	vadd.f32 v14, v11;
	v6 =	vand.u32 $0xFFFF0000, v6  }
0x52: {  	v10 =	vadd.s32 $0x7FFF, v10;
	v14 =	vshrl.u32 v8, $0x10;
	v15 =	vand.u32 $0xFFFF0000, v12;
	[tilespmem:s2+$0x4000] =	vst v6  }
0x53: {  	s3 =	simm.s32 $0x20;
	[tilespmem:s2+$0x7000] =	vst v11;
	v11 =	vmul.f32 v8, v8;
	v12 =	vshrl.u32 v9, $0x10;
	v13 =	vmul.f32 v9, v9  }
0x54: {  	s4 =	simm.s32 $0xC0;
	v10 =	vand.u32 $0xFFFF0000, v10;
	v14 =	vand.u32 $0x1, v14;
	v6 =	vld [tilespmem:s3+$0x0];
	[tilespmem:s2+$0x5000] =	vst v15;
	v12 =	vand.u32 $0x1, v12  }
.LBB2_2:
0x55: {  	p1 =	sne.s32 s4, $0x3FC0;
	v15 =	vld [tilespmem:s3+$0x1000];
	v16 =	vshrl.u32 v7, $0x10;
	v11 =	vadd.f32 v13, v11;
	v13 =	vmul.f32 v7, v7;
	[tilespmem:s2+$0x6000] =	vst v10;
	s2 =	smov.u32 s0;
	s0 =	smov.u32 s3  }
0x56: {  	v8 =	vadd.s32 v14, v8;
	v9 =	vadd.s32 v12, v9;
	v10 =	vand.u32 $0x1, v16  }
.Ltmp2:
0x57: {  	v17 =	vadd.s32 $0x7FFF, v8;
	v10 =	vadd.s32 v10, v7;
	v7 =	vld [tilespmem:s0+$0x2000];
	v11 =	vadd.f32 v13, v11;
	(pc) =	sbr.rel @p1 .LBB2_2-.Ltmp2, $4  }
0x58: {  	v12 =	vand.u32 $0xFFFF0000, v17;
	v13 =	vadd.s32 $0x7FFF, v9;
	v18 =	vadd.s32 $0x7FFF, v10  }
0x59: {  	v16 =	vand.u32 $0xFFFF0000, v13;
	v14 =	vshrl.u32 v6, $0x10;
	v10 =	vand.u32 $0xFFFF0000, v18;
	[tilespmem:s2+$0x7000] =	vst v11;
	v8 =	vmovc v6  }
0x5a: {  	s3 =	sshra.s32 s4, $0x2;
	v17 =	vshrl.u32 v15, $0x10;
	v11 =	vmul.f32 v6, v8;
	v13 =	vmul.f32 v15, v15;
	[tilespmem:s2+$0x4000] =	vst v12;
	v9 =	vmovc v15  }
0x5b: {  	s4 =	sadd.s32 $0x40, s4;
	v14 =	vand.u32 $0x1, v14;
	v6 =	vld [tilespmem:s3+$0x0];
	v12 =	vand.u32 $0x1, v17;
	[tilespmem:s2+$0x5000] =	vst v16  }
0x5c: {  	v15 =	vld [tilespmem:s3+$0x1000];
	v16 =	vshrl.u32 v7, $0x10;
	[tilespmem:s2+$0x6000] =	vst v10;
	v51 =	vadd.f32 v13, v11  }
0x5d: {  	v52 =	vmul.f32 v7, v7;
	v8 =	vadd.s32 v14, v8;
	v9 =	vadd.s32 v12, v9;
	v53 =	vld [tilespmem:s3+$0x2000]  }
0x5e: {  	v54 =	vand.u32 $0x1, v16;
	v8 =	vadd.s32 $0x7FFF, v8;
	v9 =	vadd.s32 $0x7FFF, v9  }
0x5f: {  	v7 =	vadd.s32 v54, v7;
	v10 =	vadd.f32 v52, v51;
	v8 =	vand.u32 $0xFFFF0000, v8  }
0x60: {  	v9 =	vand.u32 $0xFFFF0000, v9;
	v7 =	vadd.s32 $0x7FFF, v7;
	v55 =	vmul.f32 v6, v6  }
0x61: {  	v57 =	vshrl.u32 v6, $0x10;
	v7 =	vand.u32 $0xFFFF0000, v7;
	v56 =	vmul.f32 v15, v15  }
0x62: {  	[tilespmem:s0+$0x4000] =	vst v8;
	v58 =	vshrl.u32 v15, $0x10;
	v60 =	vand.u32 $0x1, v57;
	v59 =	vmul.f32 v53, v53  }
0x63: {  	[tilespmem:s0+$0x7000] =	vst v10;
	v10 =	vand.u32 $0x1, v58;
	v61 =	vshrl.u32 v53, $0x10;
	v6 =	vadd.s32 v60, v6  }
0x64: {  	[tilespmem:s0+$0x6000] =	vst v7;
	v11 =	vadd.f32 v56, v55;
	v7 =	vadd.s32 v10, v15;
	v6 =	vadd.s32 $0x7FFF, v6  }
.Ltmp3:
0x65: {  	[tilespmem:s0+$0x5000] =	vst v9;
	v9 =	vand.u32 $0x1, v61;
	v6 =	vand.u32 $0xFFFF0000, v6;
	v7 =	vadd.s32 $0x7FFF, v7;
	(pc) =	sbr.rel .LBB2_4-.Ltmp3, $4  }
0x66: {  	v9 =	vadd.s32 v9, v53;
	v62 =	vadd.f32 v59, v11;
	v7 =	vand.u32 $0xFFFF0000, v7;
	[tilespmem:s3+$0x4000] =	vst v6  }
0x67: {  	v63 =	vadd.s32 $0x7FFF, v9;
	[tilespmem:s3+$0x5000] =	vst v7  }
0x68: {  	v6 =	vand.u32 $0xFFFF0000, v63;
	[tilespmem:s3+$0x7000] =	vst v62  }
0x69: {  	s29 =	simm.s32 $0x0;
	[tilespmem:s3+$0x6000] =	vst v6  }
.LBB2_7:
0x6a: {  	v10 =	vpsel p1, v10, v10  }
.LBB2_8:
0x6b: {  	v9 =	vshra.s32 v10, $0x1F  }
0x6c: {  	v9 =	vand.u32 v0, v9;
	_ =	sdelay $0x3  }
0x6d: {  	v11 =	vld.idx.msk [tilespmem:v0+s22+$0x0], $0xffff  }
0x6e: {  	v9 =	vld.idx.msk [tilespmem:v9+s22+$0x0], $0xffff;
	_ =	sdelay $0x3  }
0x6f: {  	vm0 =	vlt.s32 v10, v3  }
0x70: {  	v11 =	vsel vm0, v9, v11;
	_ =	sdelay $0x4  }
0x71: {  	v12 =	vld.idx.msk [tilespmem:v11+s1+$0x0], $0xffff  }
0x72: {  	s0 =	sshll.u32 s29, $0x5  }
0x73: {  	v13 =	vor.u32 s0, v0;
	_ =	sdelay $0x2  }
0x74: {  	v12 =	vsub.f32 v12, v8;
	_ =	sdelay $0x1  }
0x75: {  	[tilespmem:v13+s23+$0x0] =	vst.idx.msk $0xffff, v12  }
0x76: {  	v12 =	vld.idx.msk [tilespmem:v11+s16+$0x0], $0xffff;
	_ =	sdelay $0x4  }
0x77: {  	v12 =	vsub.f32 v12, v7;
	_ =	sdelay $0x1  }
0x78: {  	[tilespmem:v13+s24+$0x0] =	vst.idx.msk $0xffff, v12  }
0x79: {  	v12 =	vld.idx.msk [tilespmem:v11+s17+$0x0], $0xffff;
	_ =	sdelay $0x4  }
0x7a: {  	v12 =	vsub.f32 v12, v6;
	_ =	sdelay $0x1  }
0x7b: {  	[tilespmem:v13+s25+$0x0] =	vst.idx.msk $0xffff, v12  }
0x7c: {  	v11 =	vld.idx.msk [tilespmem:v11+s18+$0x0], $0xffff;
	_ =	sdelay $0x4  }
0x7d: {  	[tilespmem:v13+s26+$0x0] =	vst.idx.msk $0xffff, v11  }
0x7e: {  	v11 =	vld.idx.msk [tilespmem:v4+s22+$0x0], $0xffff;
	_ =	sdelay $0x3  }
0x7f: {  	vm15 =	vlt.s32 v10, v5  }
0x80: {  	v9 =	vsel vm15, v9, v11;
	_ =	sdelay $0x4  }
0x81: {  	v61 =	vld.idx.msk [tilespmem:v9+s1+$0x0], $0xffff;
	_ =	sdelay $0x1  }
0x82: {  	v62 =	vor.u32 s0, v4;
	_ =	sdelay $0x2  }
0x83: {  	v63 =	vsub.f32 v61, v8;
	_ =	sdelay $0x1  }
0x84: {  	[tilespmem:v62+s23+$0x0] =	vst.idx.msk $0xffff, v63  }
0x85: {  	v8 =	vld.idx.msk [tilespmem:v9+s16+$0x0], $0xffff;
	_ =	sdelay $0x4  }
0x86: {  	v7 =	vsub.f32 v8, v7;
	_ =	sdelay $0x1  }
0x87: {  	[tilespmem:v62+s24+$0x0] =	vst.idx.msk $0xffff, v7  }
0x88: {  	v7 =	vld.idx.msk [tilespmem:v9+s17+$0x0], $0xffff;
	_ =	sdelay $0x4  }
0x89: {  	v6 =	vsub.f32 v7, v6;
	_ =	sdelay $0x1  }
0x8a: {  	s29 =	sadd.s32 $0x1, s29;
	[tilespmem:v62+s25+$0x0] =	vst.idx.msk $0xffff, v6  }
0x8b: {  	p1 =	sne.s32 s29, $0x40;
	v6 =	vld.idx.msk [tilespmem:v9+s18+$0x0], $0xffff  }
.Ltmp4:
0x8c: {  	_ = 	snop;
	(pc) =	sbr.rel @!p1 .LBB2_9-.Ltmp4, $2  }
0x8d: {  	_ =	sdelay $0x2  }
0x8e: {  	[tilespmem:v62+s26+$0x0] =	vst.idx.msk $0xffff, v6  }
.LBB2_4:
0x8f: {  	v6 =	vmov s29;
	_ =	sdelay $0x2  }
.Ltmp5:
0x90: {  	_ = 	snop;
	(pc) =	sbr.rel @!p0 .LBB2_8-.Ltmp5, $4  }
0x91: {  	_ = 	snop  }
0x92: {  	v8 =	vld.idx.msk [tilespmem:v6+s19+$0x0], $0xffff  }
0x93: {  	v7 =	vld.idx.msk [tilespmem:v6+s20+$0x0], $0xffff  }
0x94: {  	v10 =	vimm.s32 $0x0;
	v6 =	vld.idx.msk [tilespmem:v6+s21+$0x0], $0xffff  }
0x95: {  	_ =	sdelay $0x2  }
0x96: {  	v9 =	vmul.f32 v8, v8;
	v11 =	vmul.f32 v7, v7;
	_ =	sdelay $0x1  }
0x97: {  	v9 =	vadd.f32 v11, v9;
	v11 =	vmul.f32 v6, v6  }
0x98: {  	v12 =	vshrl.u32 v7, $0x10  }
0x99: {  	v13 =	vshrl.u32 v6, $0x10;
	v9 =	vadd.f32 v11, v9;
	v11 =	vshrl.u32 v8, $0x10  }
0x9a: {  	v12 =	vand.u32 $0x1, v12;
	v13 =	vand.u32 $0x1, v13;
	v11 =	vand.u32 $0x1, v11  }
0x9b: {  	v12 =	vadd.s32 v12, v7;
	v13 =	vadd.s32 v13, v6;
	v11 =	vadd.s32 v11, v8  }
0x9c: {  	s30 =	simm.s32 $0x7020;
	s31 =	simm.s32 $0x4020;
	s0 =	simm.s32 $0x5020;
	v12 =	vadd.s32 $0x7FFF, v12;
	v13 =	vadd.s32 $0x7FFF, v13;
	v11 =	vadd.s32 $0x7FFF, v11  }
0x9d: {  	s2 =	simm.s32 $0x6020;
	s3 =	simm.s32 $0x0;
	s4 =	simm.s32 $0x0;
	v12 =	vand.u32 $0xFFFF0000, v12;
	v13 =	vand.u32 $0xFFFF0000, v13;
	v11 =	vand.u32 $0xFFFF0000, v11  }
.LBB2_6:
0x9e: {  	v14 =	vld [tilespmem:s31+$0xFFFFFFE0]  }
0x9f: {  	v15 =	vld [tilespmem:s0+$0xFFFFFFE0];
	_ =	sdelay $0x1  }
0xa0: {  	v16 =	vld [tilespmem:s2+$0xFFFFFFE0];
	_ =	sdelay $0x2  }
0xa1: {  	v14 =	vmul.f32 v11, v14;
	v15 =	vmul.f32 v12, v15  }
0xa2: {  	v17 =	vld [tilespmem:s30+$0xFFFFFFE0]  }
0xa3: {  	v14 =	vadd.f32 v15, v14;
	v15 =	vmul.f32 v13, v16;
	_ =	sdelay $0x1  }
0xa4: {  	v14 =	vadd.f32 v15, v14;
	_ =	sdelay $0x1  }
0xa5: {  	v15 =	vadd.f32 v17, v9;
	v14 =	vadd.f32 v14, v14;
	_ =	sdelay $0x1  }
0xa6: {  	v14 =	vsub.f32 v15, v14;
	_ =	sdelay $0x1  }
0xa7: {  	vm0 =	vle.f32 v14, $3.999999910e-02  }
0xa8: {  	v14 =	vsel vm0, $0x1, v1  }
0xa9: {  	(xrf0) =	vadd.scan.msk.s32 $0xffff, v14;
	_ =	sdelay $0x4  }
0xaa: {  	v14 =	vsel vm0, $0xFFFFFFFF, v1  }
0xab: {  	v14 =	vadd.s32 v14, v10;
	v15, _, _ =	vpop (xrf0)  }
0xac: {  	v14 =	vadd.s32 v15, v14;
	_ =	sdelay $0x3  }
0xad: {  	v15 =	vor.u32 s3, v0  }
0xae: {  	[tilespmem:v14+s22+$0x0] =	vst.idx.msk vm0, v15  }
0xaf: {  	v14 =	vld [tilespmem:s31+$0xFFFFFFF0]  }
0xb0: {  	v15 =	vld [tilespmem:s0+$0xFFFFFFF0];
	_ =	sdelay $0x1  }
0xb1: {  	v56 =	vld [tilespmem:s2+$0xFFFFFFF0];
	_ =	sdelay $0x2  }
0xb2: {  	v14 =	vmul.f32 v11, v14;
	v15 =	vmul.f32 v12, v15  }
0xb3: {  	v57 =	vld [tilespmem:s30+$0xFFFFFFF0]  }
0xb4: {  	v14 =	vadd.f32 v15, v14;
	v15 =	vmul.f32 v13, v56;
	_ =	sdelay $0x1  }
0xb5: {  	v14 =	vadd.f32 v15, v14;
	_ =	sdelay $0x1  }
0xb6: {  	v15 =	vadd.f32 v57, v9;
	v14 =	vadd.f32 v14, v14;
	_ =	sdelay $0x1  }
0xb7: {  	v14 =	vsub.f32 v15, v14;
	_ =	sdelay $0x1  }
0xb8: {  	vm1 =	vle.f32 v14, $3.999999910e-02  }
0xb9: {  	v14 =	vsel vm1, $0x1, v1  }
0xba: {  	(xrf0) =	vadd.scan.msk.s32 $0xffff, v14;
	_ =	sdelay $0x2  }
0xbb: {  	v14 =	vmpcnt.ones.xlane vm0;
	_ =	sdelay $0x1  }
0xbc: {  	v10 =	vadd.s32 v10, v14;
	v14 =	vsel vm1, $0xFFFFFFFF, v1  }
0xbd: {  	v14 =	vadd.s32 v14, v10;
	v15, _, _ =	vpop (xrf0)  }
0xbe: {  	v14 =	vadd.s32 v15, v14;
	_ =	sdelay $0x2  }
0xbf: {  	s5 =	sadd.s32 $0x10, s3  }
0xc0: {  	v15 =	vor.u32 s5, v0  }
0xc1: {  	[tilespmem:v14+s22+$0x0] =	vst.idx.msk vm1, v15  }
0xc2: {  	v14 =	vld [tilespmem:s31+$0x0]  }
0xc3: {  	v15 =	vld [tilespmem:s0+$0x0];
	_ =	sdelay $0x1  }
0xc4: {  	v58 =	vld [tilespmem:s2+$0x0];
	_ =	sdelay $0x2  }
0xc5: {  	v14 =	vmul.f32 v11, v14;
	v15 =	vmul.f32 v12, v15  }
0xc6: {  	v59 =	vld [tilespmem:s30+$0x0]  }
0xc7: {  	v14 =	vadd.f32 v15, v14;
	v15 =	vmul.f32 v13, v58;
	_ =	sdelay $0x1  }
0xc8: {  	v14 =	vadd.f32 v15, v14;
	_ =	sdelay $0x1  }
0xc9: {  	v15 =	vadd.f32 v59, v9;
	v14 =	vadd.f32 v14, v14;
	_ =	sdelay $0x1  }
0xca: {  	v14 =	vsub.f32 v15, v14;
	_ =	sdelay $0x1  }
0xcb: {  	vm13 =	vle.f32 v14, $3.999999910e-02  }
0xcc: {  	v14 =	vsel vm13, $0x1, v1  }
0xcd: {  	(xrf0) =	vadd.scan.msk.s32 $0xffff, v14;
	_ =	sdelay $0x2  }
0xce: {  	v14 =	vmpcnt.ones.xlane vm1;
	_ =	sdelay $0x1  }
0xcf: {  	v10 =	vadd.s32 v10, v14;
	v14 =	vsel vm13, $0xFFFFFFFF, v1  }
0xd0: {  	v14 =	vadd.s32 v14, v10;
	v15, _, _ =	vpop (xrf0)  }
0xd1: {  	v14 =	vadd.s32 v15, v14;
	_ =	sdelay $0x2  }
0xd2: {  	s5 =	sadd.s32 $0x20, s3  }
0xd3: {  	v15 =	vor.u32 s5, v0  }
0xd4: {  	[tilespmem:v14+s22+$0x0] =	vst.idx.msk vm13, v15  }
0xd5: {  	v14 =	vld [tilespmem:s31+$0x10]  }
0xd6: {  	v15 =	vld [tilespmem:s0+$0x10];
	_ =	sdelay $0x1  }
0xd7: {  	v60 =	vld [tilespmem:s2+$0x10];
	_ =	sdelay $0x2  }
0xd8: {  	v14 =	vmul.f32 v11, v14;
	v15 =	vmul.f32 v12, v15  }
0xd9: {  	v61 =	vld [tilespmem:s30+$0x10]  }
0xda: {  	v14 =	vadd.f32 v15, v14;
	v15 =	vmul.f32 v13, v60;
	_ =	sdelay $0x1  }
0xdb: {  	v14 =	vadd.f32 v15, v14;
	_ =	sdelay $0x1  }
0xdc: {  	v15 =	vadd.f32 v61, v9;
	v14 =	vadd.f32 v14, v14;
	_ =	sdelay $0x1  }
0xdd: {  	v14 =	vsub.f32 v15, v14;
	_ =	sdelay $0x1  }
0xde: {  	v15 =	vmpcnt.ones.xlane vm13;
	vm14 =	vle.f32 v14, $3.999999910e-02  }
0xdf: {  	v14 =	vmpcnt.ones.xlane vm14  }
0xe0: {  	v15 =	vadd.s32 v10, v15  }
0xe1: {  	v10 =	vadd.s32 v15, v14  }
0xe2: {  	v14 =	vsel vm14, $0x1, v1;
	vm15 =	vlt.s32 v10, $0x20  }
0xe3: {  	(xrf0) =	vadd.scan.msk.s32 $0xffff, v14;
	v62 =	vsel vm15, $0x3F800000, v2  }
0xe4: {  	(xrf0) =	vmax.scan.msk.f32 $0xffff, v62;
	_ =	sdelay $0x4  }
0xe5: {  	v14, _, _ =	vpop (xrf0)  }
0xe6: {  	v16, _, _ =	vpop (xrf0)  }
0xe7: {  	(v2sf) =	vpush v16, $0xF;
	_ =	sdelay $0xe  }
0xe8: {  	p1 =	sgt.u32 s4, $0x3E;
	s5 =	spop (v2sf)  }
0xe9: {  	v63 =	vsel vm14, $0xFFFFFFFF, v1;
	p2 =	sgt.f32 @!p1 s5, $0.0e+00  }
0xea: {  	v15 =	vadd.s32 v63, v15  }
0xeb: {  	v14 =	vadd.s32 v14, v15;
	p2 =	por p1, !p2  }
.Ltmp6:
0xec: {  	_ = 	snop;
	(pc) =	sbr.rel @!p2 .LBB2_6-.Ltmp6, $4  }
0xed: {  	_ = 	snop  }
0xee: {  	s5 =	sadd.s32 $0x30, s3  }
0xef: {  	s4 =	sadd.s32 $0x1, s4;
	s30 =	sadd.s32 $0x40, s30;
	s31 =	sadd.s32 $0x40, s31;
	v15 =	vor.u32 s5, v0  }
0xf0: {  	s0 =	sadd.s32 $0x40, s0;
	s2 =	sadd.s32 $0x40, s2;
	s3 =	sadd.s32 $0x40, s3;
	[tilespmem:v14+s22+$0x0] =	vst.idx.msk vm14, v15  }
.Ltmp7:
0xf1: {  	_ = 	snop;
	(pc) =	sbr.rel .LBB2_7-.Ltmp7, $1  }
0xf2: {  	_ =	sdelay $0x3  }
.LBB2_10:
0xf3: {  	_ =	sfence.sel $0x180000  }
0xf4: {  	[bflag:$0x0] =	sbarrier.arrive $0xFFFF  }
0xf5: {  	_ =	strace $0x90000047  }
0xf6: {  	s0 =	stileid.u32;
	[bflag:$0x2] =	sbarrier.arrive $0xFFFF  }
0xf7: {  	p0 =	sne.s32 s0, $0x0;
	s0 =	rddreg [dreg:$0x1]  }
0xf8: {  	s0 =	sadd.s32 @!p0 $0x100000, s0  }
0xf9: {  	[sflag:s0] =	ssyncadd.tile.s32 @!p0 $0x1;
	_ =	shalt  }
.Lfunc_end2:
_tile_overlayer_lowered:
.L_overlay_start_2:
0xfa: {  	(tag) =	ssettag $0x2  }
0xfb: {  	s0 =	rddreg [dreg:$0x0];
	s2 =	stileid.u32  }
0xfc: {  	s1 =	rddreg [dreg:$0x1];
	p0 =	sne.s32 s2, $0x0  }
0xfd: {  	s3 =	rddreg [dreg:$0x2];
	[bflag:$0x3] =	sbarrier.arrive $0xFFFF;
	s2 =	simm.s32 @!p0 $0x1C01  }
0xfe: {  	[timem:s3], [sflag:s2] =	dma.local @!p0 [hbm:s0], s1  }
0xff: {  	s0 =	simm.s32 @!p0 $0x1  }
0x100: {  	_ =	swait.ge @!p0 [sflag:s0], s1  }
0x101: {  	s1 =	ssub.s32 @!p0 $0x0, s1;
	[sflag:s0] =	ssyncset.done @!p0 $0x0  }
0x102: {  	[sflag:s0] =	ssyncadd.s32 @!p0 s1  }
0x103: {  	[bflag:$0x3] =	sbarrier.arrive $0xFFFF  }
0x104: {  	_ =	shalt  }

// kernel: kernel.19.cloned.1.call-start
scs
__scs_entry_jumppad:
0x0: {  	(pc) =	sbr.rel $0x88, $3  }
0x1: {  	(tag) =	ssettag $0x0;
	lr =	simm.s32 $0x1  }
0x2: {  	[smem:$0x3F7C] =	sst lr;
	_ =	strace $0xD0000000  }
0x3: {  	_ = 	snop  }
0x4: {  	_ = 	snop  }
0x5: {  	_ = 	snop  }
0x6: {  	_ = 	snop  }
0x7: {  	_ = 	snop  }
__scs_overlays_trampoline_lowered:
0x8: {  	[smem:$0x3F8B] =	sst s0  }
0x9: {  	[smem:$0x3F8C] =	sst s1  }
0xa: {  	[smem:$0x3F8D] =	sst s2  }
0xb: {  	[smem:$0x3F8E] =	sst s3  }
0xc: {  	[smem:$0x3F8F] =	sst s4  }
0xd: {  	[smem:$0x3F90] =	sst s5  }
0xe: {  	[smem:$0x3F91] =	sst s6  }
0xf: {  	[smem:$0x3F92] =	sst s7  }
0x10: {  	[smem:$0x3F93] =	sst s8  }
0x11: {  	[smem:$0x3F94] =	sst s9;
	s0 =	simm.s32 @!p0 $0x0  }
0x12: {  	s1 =	sld [smem:$0x3F7A];
	s0 =	simm.s32 @p0 $0x1  }
0x13: {  	[smem:$0x3F95] =	sst s0;
	s0 =	simm.s32 @!p1 $0x0  }
0x14: {  	s2 =	sld [smem:$0x3F79];
	s0 =	simm.s32 @p1 $0x1  }
0x15: {  	[smem:$0x3F96] =	sst s0;
	s0 =	simm.s32 @!p2 $0x0  }
0x16: {  	s3 =	sld [smem:$0x3FDB];
	s0 =	simm.s32 @p2 $0x1  }
0x17: {  	s4 =	simm.s32 $0x1BF5;
	[smem:$0x3F98] =	sst s0  }
0x18: {  	s0 =	sld [smem:$0x3F7B];
	_ =	swait.ge [sflag:s4], $0x0  }
0x19: {  	s7 =	sld [smem:$0x3F7C]  }
0x1a: {  	s8 =	sadd.s32 $0xFFFFE003, lr  }
0x1b: {  	s9 =	sadd.s32 $0xFFFFFEF7, lr;
	s5 =	simm.s32 $0xFFFFFFFF;
	p2 =	slt.u32 s8, $0xFFFFF086  }
0x1c: {  	p1 =	slt.u32 s9, $0xF7A;
	s5 =	simm.s32 @!p2 $0x0  }
0x1d: {  	s5 =	simm.s32 @p1 $0x1;
	p0 =	seq.s32 s7, s2  }
0x1e: {  	s7 =	smul.u32 @!p0 $0xF7A, s2;
	p2 =	seq.s32 @!p0 s5, $0x0  }
0x1f: {  	s9 =	smul.u32 $0xF7A, s1;
	s8 =	simm.s32 @!p0 $0x1BF5;
	p2 =	por !p2, p0  }
0x20: {  	[sflag:s8] =	ssyncset.s32 @!p0 $0xFFFFF086;
	s6 =	sadd.s32 @!p0 s3, s7;
	s7 =	simm.s32 @!p0 $0x108  }
0x21: {  	s3 =	sadd.s32 s3, s9;
	s6 =	sadd.s32 @!p0 $0x88, s6;
	s7 =	simm.s32 @p2 $0x1082  }
0x22: {  	[simem:s7], [sflag:s8] =	dma.local @!p0 [hbm:s6], $0xF7A  }
0x23: {  	s9 =	sor.u32 $0xD0000000, s2;
	s6 =	simm.s32 $0x108;
	_ =	swait.ge @!p0 [sflag:s8], $0x0  }
0x24: {  	s3 =	sadd.s32 $0x88, s3;
	s6 =	simm.s32 @!p1 $0x1082;
	[sflag:s4] =	ssyncset.s32 $0xFFFFF086  }
0x25: {  	[simem:s6], [sflag:s4] =	dma.local [hbm:s3], $0xF7A  }
0x26: {  	[smem:$0x3F7C] =	sst s1;
	(tag) =	ssettag s2;
	_ =	strace s9  }
0x27: {  	s1 =	sld [smem:$0x3F8C]  }
0x28: {  	s2 =	sld [smem:$0x3F8D]  }
0x29: {  	s4 =	sld [smem:$0x3F8F]  }
0x2a: {  	p0 =	seq.s32 s5, $0x0;
	s5 =	sld [smem:$0x3F90]  }
0x2b: {  	s6 =	sld [smem:$0x3F91]  }
0x2c: {  	s7 =	sld [smem:$0x3F92]  }
0x2d: {  	s3 =	simm.s32 $0x108;
	s8 =	sld [smem:$0x3F93]  }
0x2e: {  	s3 =	simm.s32 @!p0 $0x1082;
	s9 =	sld [smem:$0x3F94]  }
0x2f: {  	lr =	sadd.s32 s0, s3;
	s0 =	sld [smem:$0x3F8B]  }
0x30: {  	s3 =	sld [smem:$0x3F8E]  }
0x31: {  	[smem:$0x3F97] =	sst s10  }
0x32: {  	s10 =	sld [smem:$0x3F95];
	_ =	sdelay $0x3  }
0x33: {  	p0 =	seq.s32 s10, $0x1;
	s10 =	sld [smem:$0x3F97];
	_ =	sdelay $0x3  }
0x34: {  	[smem:$0x3F97] =	sst s10  }
0x35: {  	s10 =	sld [smem:$0x3F96];
	_ =	sdelay $0x3  }
0x36: {  	p1 =	seq.s32 s10, $0x1;
	s10 =	sld [smem:$0x3F97];
	_ =	sdelay $0x3  }
0x37: {  	[smem:$0x3F97] =	sst s10  }
0x38: {  	s10 =	sld [smem:$0x3F98]  }
0x39: {  	_ = 	snop;
	(pc) =	sbr.ind lr, $3  }
0x3a: {  	_ = 	snop  }
0x3b: {  	_ = 	snop  }
0x3c: {  	p2 =	seq.s32 s10, $0x1;
	s10 =	sld [smem:$0x3F97]  }
0x3d: {  	_ =	shalt  }
0x3e: {  	_ =	shalt  }
0x3f: {  	_ =	shalt  }
0x40: {  	_ =	shalt  }
0x41: {  	_ =	shalt  }
0x42: {  	_ =	shalt  }
0x43: {  	_ =	shalt  }
0x44: {  	_ =	shalt  }
0x45: {  	_ =	shalt  }
0x46: {  	_ =	shalt  }
0x47: {  	_ =	shalt  }
0x48: {  	_ =	shalt  }
0x49: {  	_ =	shalt  }
0x4a: {  	_ =	shalt  }
0x4b: {  	_ =	shalt  }
0x4c: {  	_ =	shalt  }
0x4d: {  	_ =	shalt  }
0x4e: {  	_ =	shalt  }
0x4f: {  	_ =	shalt  }
0x50: {  	_ =	shalt  }
0x51: {  	_ =	shalt  }
0x52: {  	_ =	shalt  }
0x53: {  	_ =	shalt  }
0x54: {  	_ =	shalt  }
0x55: {  	_ =	shalt  }
0x56: {  	_ =	shalt  }
0x57: {  	_ =	shalt  }
0x58: {  	_ =	shalt  }
0x59: {  	_ =	shalt  }
0x5a: {  	_ =	shalt  }
0x5b: {  	_ =	shalt  }
0x5c: {  	_ =	shalt  }
0x5d: {  	_ =	shalt  }
0x5e: {  	_ =	shalt  }
0x5f: {  	_ =	shalt  }
0x60: {  	_ =	shalt  }
0x61: {  	_ =	shalt  }
0x62: {  	_ =	shalt  }
0x63: {  	_ =	shalt  }
0x64: {  	_ =	shalt  }
0x65: {  	_ =	shalt  }
0x66: {  	_ =	shalt  }
0x67: {  	_ =	shalt  }
0x68: {  	_ =	shalt  }
0x69: {  	_ =	shalt  }
0x6a: {  	_ =	shalt  }
0x6b: {  	_ =	shalt  }
0x6c: {  	_ =	shalt  }
0x6d: {  	_ =	shalt  }
0x6e: {  	_ =	shalt  }
0x6f: {  	_ =	shalt  }
0x70: {  	_ =	shalt  }
0x71: {  	_ =	shalt  }
0x72: {  	_ =	shalt  }
0x73: {  	_ =	shalt  }
0x74: {  	_ =	shalt  }
0x75: {  	_ =	shalt  }
0x76: {  	_ =	shalt  }
0x77: {  	_ =	shalt  }
0x78: {  	_ =	shalt  }
0x79: {  	_ =	shalt  }
0x7a: {  	_ =	shalt  }
0x7b: {  	_ =	shalt  }
0x7c: {  	_ =	shalt  }
0x7d: {  	_ =	shalt  }
0x7e: {  	_ =	shalt  }
0x7f: {  	_ =	shalt  }
0x80: {  	_ =	shalt  }
0x81: {  	_ =	shalt  }
0x82: {  	_ =	shalt  }
0x83: {  	_ =	shalt  }
0x84: {  	_ =	shalt  }
0x85: {  	_ =	shalt  }
0x86: {  	_ =	shalt  }
0x87: {  	_ =	shalt  }
.Lfunc_end0:
.L_simem_size_0:
called_computation.1_lowered:
.L_overlay_start_0:
0x88: {  	s2 =	sld [smem:$0x3FD9]  }
0x89: {  	s3 =	sld [smem:$0x3FFE];
	_ =	sdelay $0x1  }
0x8a: {  	s1 =	srdreg.scid  }
0x8b: {  	s0 =	sand.u32 $0x1, s1  }
0x8c: {  	s17 =	sshll.u32 s0, $0xA;
	s2 =	sadd.s32 s3, s2  }
0x8d: {  	s2 =	sadd.s32 s2, s17  }
0x8e: {  	[smem:$0x3FA3] =	sst s2  }
0x8f: {  	_ = 	snop  }
0x90: {  	s18 =	sld [smem:$0x3FD0];
	(tm) =	ssettm $0x1  }
0x91: {  	s19 =	sld [smem:$0x3FFB];
	_ =	sdelay $0x3  }
0x92: {  	_ =	strace s19  }
0x93: {  	s2 =	sld [smem:$0x3FFC];
	_ =	sdelay $0x3  }
0x94: {  	_ =	strace s2  }
0x95: {  	s2 =	sld [smem:$0x3FFD];
	_ =	sdelay $0x3  }
0x96: {  	_ =	strace s2  }
0x97: {  	_ =	strace $0x8FFFFFFF  }
0x98: {  	s20 =	sld [smem:$0x3FDB];
	_ =	sdelay $0x1  }
0x99: {  	s4 =	simm.s32 $_scs_section_size  }
0x9a: {  	s5 =	simm.s32 $_size__tile_overlayer_lowered;
	s6 =	simm.s32 $_tile_overlayer_lowered  }
0x9b: {  	s7 =	simm.s32 $0x1BFF;
	s21 =	sshll.u32 s6, $0x1;
	s4 =	sadd.s32 s4, s20  }
0x9c: {  	s22 =	simm.s32 $0x0;
	s5 =	sshll.u32 s5, $0x1;
	s6 =	sadd.s32 s21, s4  }
0x9d: {  	[timem:s22], [sflag:s7] =	dma.local [hbm:s6], s5  }
0x9e: {  	_ =	swait.ge [sflag:s7], s5  }
0x9f: {  	s5 =	ssub.s32 $0x0, s5;
	[sflag:s7] =	ssyncset.done $0x0  }
0xa0: {  	[sflag:s7] =	ssyncadd.s32 s5;
	_ =	sdelay $0x1  }
0xa1: {  	s23 =	simm.s32 $0x1B8B  }
0xa2: {  	_ =	swait.ge [sflag:s23], $0x1  }
0xa3: {  	[sflag:s23] =	ssyncset.done $0x0  }
0xa4: {  	[sflag:s23] =	ssyncadd.s32 $0xFFFFFFFF  }
0xa5: {  	s5 =	sld [smem:$0x0]  }
0xa6: {  	s6 =	sand.u32 $0xFFFFFFFE, s1  }
0xa7: {  	p0 =	sne.s32 s1, s6  }
0xa8: {  	s6 =	sshll.u32 @p0 s6, $0xE  }
0xa9: {  	s6 =	sadd.s32 @p0 $0x11B8D, s6;
	s7 =	sshll.u32 @p0 s5, $0x11  }
0xaa: {  	s6 =	sor.u32 @p0 s7, s6  }
0xab: {  	[sflag:s6] =	ssyncadd.remote.s32 @p0 $0x1;
	_ =	sdelay $0x1  }
0xac: {  	s6 =	simm.s32 @p0 $0x1B8D  }
0xad: {  	_ =	swait.eq @p0 [sflag:s6], $0x1  }
0xae: {  	[sflag:s6] =	ssyncadd.s32 @p0 $0xFFFFFFFF  }
0xaf: {  	s7 =	sshll.u32 @!p0 s1, $0xE  }
0xb0: {  	s7 =	sor.u32 @!p0 $0x4000, s7;
	s6 =	simm.s32 @!p0 $0x1B8D  }
0xb1: {  	s5 =	sshll.u32 @!p0 s5, $0x11;
	s7 =	sadd.s32 @!p0 $0x11B8D, s7;
	_ =	swait.eq @!p0 [sflag:s6], $0x1  }
0xb2: {  	s5 =	sor.u32 @!p0 s5, s7;
	[sflag:s6] =	ssyncadd.s32 @!p0 $0xFFFFFFFF  }
0xb3: {  	s25 =	simm.s32 $0x1B8E;
	s24 =	sld [smem:$0x3FFE];
	[sflag:s5] =	ssyncadd.remote.s32 @!p0 $0x1  }
0xb4: {  	s26 =	simm.s32 $execute0_lowered;
	[smem:$0x3FD2] =	sst s25  }
0xb5: {  	s6 =	sshll.u32 s26, $0x1;
	_ =	strace $0x80000049;
	[dreg:$0x1] =	wrdreg $0xFFFFFFFF  }
0xb6: {  	s28 =	simm.s32 $_size_execute0_lowered;
	s4 =	sadd.s32 s4, s6;
	[dreg:$0x0] =	wrdreg $0x0  }
0xb7: {  	s6 =	sshll.u32 s28, $0x1;
	[dreg:$0x2] =	wrdreg s4  }
0xb8: {  	[dreg:$0x3] =	wrdreg s6  }
0xb9: {  	[dreg:$0x4] =	wrdreg $0xC0  }
0xba: {  	_ =	task [dreg:s22], $0x5FFFF  }
0xbb: {  	[dreg:$0x1] =	wrdreg $0xFFFFFFFF  }
0xbc: {  	[dreg:$0x0] =	wrdreg $0x60  }
0xbd: {  	[dreg:$0x2] =	wrdreg s24  }
0xbe: {  	[dreg:$0x3] =	wrdreg s18  }
0xbf: {  	[dreg:$0x4] =	wrdreg $0xA  }
0xc0: {  	_ =	task.clear_ibuf [dreg:s22], $0x5FFFF;
	_ =	strace $0x90000049  }
0xc1: {  	s29 =	simm.s32 $0xA;
	_ =	strace $0x8000004B  }
0xc2: {  	_ =	swait.ge [sflag:s29], $0x1  }
0xc3: {  	[sflag:s29] =	ssyncadd.s32 $0xFFFFFFFF  }
0xc4: {  	_ =	strace $0x9000004B  }
0xc5: {  	_ =	sfence  }
0xc6: {  	s30 =	sld [smem:$0x0];
	_ =	sdelay $0x2  }
0xc7: {  	s31 =	sshll.u32 s1, $0xD;
	s1 =	sshrl.u32 s1, $0x2  }
0xc8: {  	s4 =	sand.u32 $0x4000, s31;
	s1 =	sadd.s32 s1, s30  }
0xc9: {  	s0 =	sor.u32 s4, s0;
	s1 =	sshll.u32 s1, $0x11  }
0xca: {  	s0 =	sor.u32 s1, s0  }
0xcb: {  	s0 =	sadd.s32 $0x8F2B, s0  }
0xcc: {  	[sflag:s0] =	ssyncadd.remote.s32 $0x1  }
0xcd: {  	_ =	sfence.sel $0xFFFF  }
0xce: {  	[dreg:$0x0] =	wrdreg $0xFFFFFFFF;
	(pc) =	sbr.abs _section_cstart, $3  }
0xcf: {  	[dreg:$0x1] =	wrdreg $0xFFFFFFFF  }
0xd0: {  	_ =	task.clear_ibuf [dreg:s22], $0x2FFFF;
	_ =	strace $0x9FFFFFFF  }
0xd1: {  	(tm) =	ssettm $0x7FFFFFFF  }
tec
execute0_lowered:
.L_overlay_start_1:
0x0: {  	(tag) =	ssettag $0x1  }
0x1: {  	s0 =	rddreg [dreg:$0x0];
	s1 =	simm.s32 $0x0  }
0x2: {  	[smem:$0x7FF] =	sst s1  }
0x3: {  	s2 =	rddreg [dreg:$0x1];
	v0 =	vimm.f32 $1.000000000e+00;
	_ =	strace $0x8000004A  }
0x4: {  	(xrf0) =	vmax.scan.msk.f32 $0xffff, v0  }
0x5: {  	s3 =	srdreg.scid;
	s7 =	stileid.u32  }
0x6: {  	s17 =	simm.s32 $0xE00;
	s18 =	simm.s32 $0xE80;
	s19 =	simm.s32 $0xF00  }
0x7: {  	s20 =	simm.s32 $0x1F80;
	s3 =	sand.u32 $0x1, s3;
	s9 =	sshrl.u32 s7, $0x2  }
0x8: {  	s4 =	sshll.u32 s7, $0x1;
	s5 =	sadd.s32 $0x6E00, s0;
	s21 =	smul.u32 $0x3, s9  }
0x9: {  	s11 =	sadd.s32 $0x11200, s0;
	s4 =	sor.u32 s3, s4;
	s23 =	smul.u32 $0xC0, s9  }
0xa: {  	s3 =	ssub.s32 $0x2, s3;
	s8 =	smul.u32 $0x180, s9;
	s31 =	sshll.u32 s9, $0x9;
	v0, _, _ =	vpop (xrf0)  }
0xb: {  	s9 =	smul.u32 $0x6000, s9;
	s6 =	sshll.u32 s4, $0x7;
	s22 =	sshrl.u32 s3, $0x1;
	(v2sf) =	vpush v0, $0xF  }
0xc: {  	s10 =	sand.u32 $0x7, s4;
	s0 =	sadd.s32 s6, s0;
	s13 =	ssub.s32 s3, s22  }
0xd: {  	s24 =	sshll.u32 s10, $0x4;
	s12 =	sadd.s32 $0x1, s21;
	s25 =	sadd.s32 s5, s23  }
0xe: {  	s14 =	sadd.s32 $0x2, s21;
	s10 =	sshll.u32 s10, $0xA;
	s21 =	simm.s32 $0xF80  }
0xf: {  	s22 =	simm.s32 $0x1380;
	s23 =	simm.s32 $0x1780;
	[dreg:$0x3] =	wrdreg s25  }
0x10: {  	s26 =	sshll.u32 s12, $0x6;
	s6 =	sshll.u32 s14, $0x6;
	s28 =	sshll.u32 s12, $0x7  }
0x11: {  	s15 =	sshll.u32 s14, $0x7;
	s8 =	sor.u32 s8, s24;
	s12 =	sshll.u32 s12, $0xD  }
0x12: {  	s14 =	sshll.u32 s14, $0xD;
	s9 =	sor.u32 s9, s10;
	s13 =	smax.u32 s13, $0x1  }
0x13: {  	s25 =	simm.s32 $0x0;
	s4 =	sadd.s32 s5, s26;
	s5 =	sadd.s32 s5, s6  }
0x14: {  	s6 =	sor.u32 s24, s28;
	s7 =	sor.u32 s24, s15;
	s8 =	sshrl.u32 s8, $0x3  }
0x15: {  	s12 =	sor.u32 s10, s12;
	s10 =	sor.u32 s10, s14;
	s9 =	sshrl.u32 s9, $0x3  }
0x16: {  	s15 =	simm.s32 $0x200;
	s24 =	simm.s32 $0x1B80;
	s29 =	sshrl.u32 s6, $0x3  }
.Ltmp0:
0x17: {  	s16 =	sshrl.u32 s7, $0x3;
	s6 =	sadd.s32 s2, s8;
	(pc) =	sbr.rel .LBB2_1-.Ltmp0, $4  }
0x18: {  	v1 =	vlaneseq.u32;
	v2 =	vimm.s32 $0x0;
	s12 =	sshrl.u32 s12, $0x3;
	s14 =	sshrl.u32 s10, $0x3;
	s9 =	sadd.s32 s11, s9  }
0x19: {  	v3 =	vimm.f32 $0.0e+00;
	v4 =	vadd.s32 $0x1, v1;
	v5 =	vor.u32 $0x10, v1;
	s7 =	sadd.s32 s2, s29;
	s8 =	sadd.s32 s2, s16;
	s10 =	sadd.s32 s11, s12  }
0x1a: {  	v6 =	vadd.s32 $0x11, v1;
	v7 =	vor.u32 $0x20, v1;
	v8 =	vadd.s32 $0x21, v1;
	s11 =	sadd.s32 s11, s14;
	s12 =	sadd.s32 $0x14200, s0;
	s30 =	spop (v2sf)  }
0x1b: {  	v9 =	vor.u32 $0x30, v1;
	v10 =	vadd.s32 $0x31, v1;
	s14 =	simm.s32 $0x1;
	s16 =	simm.s32 $0x400;
	v0 =	vmov s31;
	p0 =	sgt.f32 s30, $0.0e+00  }
.LBB2_9:
0x1c: {  	[hbm4b:s9+s1] =	stream.linear.scatter [tilespmem:s21], [sflag:$0x1], $0x400, $0x38;
	[tilespmem:$0x2000] =	vst v63  }
0x1d: {  	_ =	swait.ge [sflag:s14], $0x400  }
0x1e: {  	[sflag:s14] =	ssyncset.done $0x0  }
0x1f: {  	[sflag:s14] =	ssyncadd.s32 $0xFFFFFC00  }
0x20: {  	[hbm4b:s10+s1] =	stream.linear.scatter [tilespmem:s22], [sflag:$0x1], $0x400, $0x38;
	[tilespmem:$0x2000] =	vst v63  }
0x21: {  	_ =	swait.ge [sflag:s14], $0x400  }
0x22: {  	[sflag:s14] =	ssyncset.done $0x0  }
0x23: {  	[sflag:s14] =	ssyncadd.s32 $0xFFFFFC00  }
0x24: {  	[hbm4b:s11+s1] =	stream.linear.scatter [tilespmem:s23], [sflag:$0x1], $0x400, $0x38;
	[tilespmem:$0x2000] =	vst v63  }
0x25: {  	s25 =	sadd.s32 $0x1, s25;
	_ =	swait.ge [sflag:s14], $0x400  }
0x26: {  	p1 =	sne.s32 s25, s13;
	[sflag:s14] =	ssyncset.done $0x0  }
.Ltmp1:
0x27: {  	[sflag:s14] =	ssyncadd.s32 $0xFFFFFC00;
	(pc) =	sbr.rel @!p1 .LBB2_10-.Ltmp1, $4  }
0x28: {  	[hbm4b:s12+s1] =	stream.linear.scatter [tilespmem:s24], [sflag:$0x1], $0x400, $0x38;
	[tilespmem:$0x2000] =	vst v63  }
0x29: {  	_ =	swait.ge [sflag:s14], $0x400  }
0x2a: {  	[sflag:s14] =	ssyncset.done $0x0  }
0x2b: {  	[sflag:s14] =	ssyncadd.s32 $0xFFFFFC00  }
.LBB2_1:
0x2c: {  	s0 =	rddreg [dreg:$0x3]  }
0x2d: {  	[tilespmem:s1], [sflag:$0x1] =	stream.linear.gather [hbm4b:s0+s1], $0x200, $0x38;
	[tilespmem:$0x2000] =	vst v63  }
0x2e: {  	_ =	swait.ge [sflag:s14], $0x200  }
0x2f: {  	[sflag:s14] =	ssyncset.done $0x0  }
0x30: {  	[sflag:s14] =	ssyncadd.s32 $0xFFFFFE00  }
0x31: {  	[tilespmem:s15], [sflag:$0x1] =	stream.linear.gather [hbm4b:s4+s1], $0x200, $0x38;
	[tilespmem:$0x2000] =	vst v63  }
0x32: {  	_ =	swait.ge [sflag:s14], $0x200  }
0x33: {  	[sflag:s14] =	ssyncset.done $0x0  }
0x34: {  	[sflag:s14] =	ssyncadd.s32 $0xFFFFFE00  }
0x35: {  	[tilespmem:s16], [sflag:$0x1] =	stream.linear.gather [hbm4b:s5+s1], $0x200, $0x38;
	[tilespmem:$0x2000] =	vst v63  }
0x36: {  	_ =	swait.ge [sflag:s14], $0x200  }
0x37: {  	[sflag:s14] =	ssyncset.done $0x0  }
0x38: {  	[sflag:s14] =	ssyncadd.s32 $0xFFFFFE00  }
0x39: {  	[tilespmem:s17], [sflag:$0x1] =	stream.linear.gather [hbm4b:s6+s1], $0x10, $0x38;
	[tilespmem:$0x2000] =	vst v63  }
0x3a: {  	_ =	swait.ge [sflag:s14], $0x10  }
0x3b: {  	[sflag:s14] =	ssyncset.done $0x0  }
0x3c: {  	[sflag:s14] =	ssyncadd.s32 $0xFFFFFFF0  }
0x3d: {  	[tilespmem:s18], [sflag:$0x1] =	stream.linear.gather [hbm4b:s7+s1], $0x10, $0x38;
	[tilespmem:$0x2000] =	vst v63  }
0x3e: {  	_ =	swait.ge [sflag:s14], $0x10  }
0x3f: {  	[sflag:s14] =	ssyncset.done $0x0  }
0x40: {  	[sflag:s14] =	ssyncadd.s32 $0xFFFFFFF0  }
0x41: {  	[tilespmem:s19], [sflag:$0x1] =	stream.linear.gather [hbm4b:s8+s1], $0x10, $0x38;
	[tilespmem:$0x2000] =	vst v63  }
0x42: {  	_ =	swait.ge [sflag:s14], $0x10  }
0x43: {  	[sflag:s14] =	ssyncset.done $0x0  }
0x44: {  	s2 =	simm.s32 $0x0;
	[sflag:s14] =	ssyncadd.s32 $0xFFFFFFF0  }
0x45: {  	v11 =	vld [tilespmem:s2+$0x0]  }
0x46: {  	v12 =	vld [tilespmem:s2+$0x200]  }
0x47: {  	v15 =	vld [tilespmem:s2+$0x400];
	_ =	sdelay $0x3  }
0x48: {  	s0 =	simm.s32 $0x10;
	v14 =	vmul.f32 v11, v11;
	v16 =	vmul.f32 v12, v12;
	v17 =	vshrl.u32 v11, $0x10  }
0x49: {  	v13 =	vld [tilespmem:s0+$0x0];
	v18 =	vshrl.u32 v12, $0x10;
	v19 =	vmul.f32 v15, v15;
	v20 =	vshrl.u32 v15, $0x10  }
0x4a: {  	v17 =	vand.u32 $0x1, v17;
	v18 =	vand.u32 $0x1, v18;
	v16 =	vadd.f32 v16, v14;
	v14 =	vld [tilespmem:s0+$0x200]  }
0x4b: {  	v11 =	vadd.s32 v17, v11;
	v17 =	vadd.s32 v18, v12;
	v18 =	vand.u32 $0x1, v20  }
0x4c: {  	v12 =	vld [tilespmem:s0+$0x400];
	v11 =	vadd.s32 $0x7FFF, v11;
	v15 =	vadd.s32 v18, v15  }
0x4d: {  	v17 =	vadd.s32 $0x7FFF, v17;
	v16 =	vadd.f32 v19, v16;
	v11 =	vand.u32 $0xFFFF0000, v11  }
0x4e: {  	v15 =	vadd.s32 $0x7FFF, v15;
	v19 =	vshrl.u32 v13, $0x10;
	v20 =	vand.u32 $0xFFFF0000, v17;
	[tilespmem:s2+$0x600] =	vst v11  }
0x4f: {  	s28 =	simm.s32 $0x20;
	[tilespmem:s2+$0xC00] =	vst v16;
	v16 =	vmul.f32 v13, v13;
	v17 =	vshrl.u32 v14, $0x10;
	v18 =	vmul.f32 v14, v14  }
0x50: {  	s26 =	simm.s32 $0xC0;
	v15 =	vand.u32 $0xFFFF0000, v15;
	v19 =	vand.u32 $0x1, v19;
	v11 =	vld [tilespmem:s28+$0x0];
	[tilespmem:s2+$0x800] =	vst v20;
	v17 =	vand.u32 $0x1, v17  }
.LBB2_2:
0x51: {  	p1 =	sne.s32 s26, $0x7C0;
	v20 =	vld [tilespmem:s28+$0x200];
	v21 =	vshrl.u32 v12, $0x10;
	v16 =	vadd.f32 v18, v16;
	v18 =	vmul.f32 v12, v12;
	[tilespmem:s2+$0xA00] =	vst v15;
	s2 =	smov.u32 s0;
	s0 =	smov.u32 s28  }
0x52: {  	v13 =	vadd.s32 v19, v13;
	v14 =	vadd.s32 v17, v14;
	v15 =	vand.u32 $0x1, v21  }
.Ltmp2:
0x53: {  	v22 =	vadd.s32 $0x7FFF, v13;
	v15 =	vadd.s32 v15, v12;
	v12 =	vld [tilespmem:s0+$0x400];
	v16 =	vadd.f32 v18, v16;
	(pc) =	sbr.rel @p1 .LBB2_2-.Ltmp2, $4  }
0x54: {  	v17 =	vand.u32 $0xFFFF0000, v22;
	v18 =	vadd.s32 $0x7FFF, v14;
	v23 =	vadd.s32 $0x7FFF, v15  }
0x55: {  	v21 =	vand.u32 $0xFFFF0000, v18;
	v19 =	vshrl.u32 v11, $0x10;
	v15 =	vand.u32 $0xFFFF0000, v23;
	[tilespmem:s2+$0xC00] =	vst v16;
	v13 =	vmovc v11  }
0x56: {  	s28 =	sshra.s32 s26, $0x2;
	v22 =	vshrl.u32 v20, $0x10;
	v16 =	vmul.f32 v11, v13;
	v18 =	vmul.f32 v20, v20;
	[tilespmem:s2+$0x600] =	vst v17;
	v14 =	vmovc v20  }
0x57: {  	s26 =	sadd.s32 $0x40, s26;
	v19 =	vand.u32 $0x1, v19;
	v11 =	vld [tilespmem:s28+$0x0];
	v17 =	vand.u32 $0x1, v22;
	[tilespmem:s2+$0x800] =	vst v21  }
0x58: {  	v20 =	vld [tilespmem:s28+$0x200];
	v21 =	vshrl.u32 v12, $0x10;
	[tilespmem:s2+$0xA00] =	vst v15;
	v49 =	vadd.f32 v18, v16  }
0x59: {  	v50 =	vmul.f32 v12, v12;
	v13 =	vadd.s32 v19, v13;
	v14 =	vadd.s32 v17, v14;
	v51 =	vld [tilespmem:s28+$0x400]  }
0x5a: {  	v52 =	vand.u32 $0x1, v21;
	v13 =	vadd.s32 $0x7FFF, v13;
	v14 =	vadd.s32 $0x7FFF, v14  }
0x5b: {  	v53 =	vadd.s32 v52, v12;
	v15 =	vadd.f32 v50, v49;
	v13 =	vand.u32 $0xFFFF0000, v13  }
0x5c: {  	v14 =	vand.u32 $0xFFFF0000, v14;
	v12 =	vadd.s32 $0x7FFF, v53;
	v54 =	vmul.f32 v11, v11  }
0x5d: {  	v56 =	vshrl.u32 v11, $0x10;
	v12 =	vand.u32 $0xFFFF0000, v12;
	v55 =	vmul.f32 v20, v20  }
0x5e: {  	[tilespmem:s0+$0x600] =	vst v13;
	v57 =	vshrl.u32 v20, $0x10;
	v59 =	vand.u32 $0x1, v56;
	v58 =	vmul.f32 v51, v51  }
0x5f: {  	[tilespmem:s0+$0xC00] =	vst v15;
	v15 =	vand.u32 $0x1, v57;
	v60 =	vshrl.u32 v51, $0x10;
	v11 =	vadd.s32 v59, v11  }
0x60: {  	[tilespmem:s0+$0x800] =	vst v14;
	v16 =	vadd.f32 v55, v54;
	v62 =	vadd.s32 v15, v20;
	v11 =	vadd.s32 $0x7FFF, v11  }
.Ltmp3:
0x61: {  	[tilespmem:s0+$0xA00] =	vst v12;
	v14 =	vand.u32 $0x1, v60;
	v11 =	vand.u32 $0xFFFF0000, v11;
	v12 =	vadd.s32 $0x7FFF, v62;
	(pc) =	sbr.rel .LBB2_4-.Ltmp3, $4  }
0x62: {  	v14 =	vadd.s32 v14, v51;
	v61 =	vadd.f32 v58, v16;
	v12 =	vand.u32 $0xFFFF0000, v12;
	[tilespmem:s28+$0x600] =	vst v11  }
0x63: {  	v63 =	vadd.s32 $0x7FFF, v14;
	[tilespmem:s28+$0x800] =	vst v12  }
0x64: {  	v11 =	vand.u32 $0xFFFF0000, v63;
	[tilespmem:s28+$0xC00] =	vst v61  }
0x65: {  	s26 =	simm.s32 $0x0;
	[tilespmem:s28+$0xA00] =	vst v11  }
.LBB2_7:
0x66: {  	v14 =	vpsel p1, v14, v14  }
.LBB2_8:
0x67: {  	v15 =	vshra.s32 v14, $0x1F  }
0x68: {  	v15 =	vand.u32 v1, v15;
	_ =	sdelay $0x3  }
0x69: {  	v16 =	vld.idx.msk [tilespmem:v1+s20+$0x0], $0xffff  }
0x6a: {  	v15 =	vld.idx.msk [tilespmem:v15+s20+$0x0], $0xffff;
	_ =	sdelay $0x3  }
0x6b: {  	vm0 =	vlt.s32 v14, v4  }
0x6c: {  	v16 =	vsel vm0, v15, v16;
	_ =	sdelay $0x4  }
0x6d: {  	v17 =	vld.idx.msk [tilespmem:v16+s1+$0x0], $0xffff  }
0x6e: {  	s0 =	sshll.u32 s26, $0x6  }
0x6f: {  	v18 =	vor.u32 s0, v1;
	_ =	sdelay $0x2  }
0x70: {  	v17 =	vsub.f32 v17, v13;
	_ =	sdelay $0x1  }
0x71: {  	[tilespmem:v18+s21+$0x0] =	vst.idx.msk $0xffff, v17  }
0x72: {  	v17 =	vld.idx.msk [tilespmem:v16+s15+$0x0], $0xffff;
	_ =	sdelay $0x4  }
0x73: {  	v17 =	vsub.f32 v17, v12;
	_ =	sdelay $0x1  }
0x74: {  	[tilespmem:v18+s22+$0x0] =	vst.idx.msk $0xffff, v17  }
0x75: {  	v17 =	vld.idx.msk [tilespmem:v16+s16+$0x0], $0xffff;
	_ =	sdelay $0x4  }
0x76: {  	v17 =	vsub.f32 v17, v11;
	_ =	sdelay $0x1  }
0x77: {  	v16 =	vadd.s32 v0, v16;
	[tilespmem:v18+s23+$0x0] =	vst.idx.msk $0xffff, v17  }
0x78: {  	[tilespmem:v18+s24+$0x0] =	vst.idx.msk $0xffff, v16  }
0x79: {  	v16 =	vld.idx.msk [tilespmem:v5+s20+$0x0], $0xffff;
	_ =	sdelay $0x3  }
0x7a: {  	vm13 =	vlt.s32 v14, v6  }
0x7b: {  	v16 =	vsel vm13, v15, v16;
	_ =	sdelay $0x4  }
0x7c: {  	v17 =	vld.idx.msk [tilespmem:v16+s1+$0x0], $0xffff;
	_ =	sdelay $0x1  }
0x7d: {  	v59 =	vor.u32 s0, v5;
	_ =	sdelay $0x2  }
0x7e: {  	v17 =	vsub.f32 v17, v13;
	_ =	sdelay $0x1  }
0x7f: {  	[tilespmem:v59+s21+$0x0] =	vst.idx.msk $0xffff, v17  }
0x80: {  	v17 =	vld.idx.msk [tilespmem:v16+s15+$0x0], $0xffff;
	_ =	sdelay $0x4  }
0x81: {  	v17 =	vsub.f32 v17, v12;
	_ =	sdelay $0x1  }
0x82: {  	[tilespmem:v59+s22+$0x0] =	vst.idx.msk $0xffff, v17  }
0x83: {  	v17 =	vld.idx.msk [tilespmem:v16+s16+$0x0], $0xffff;
	_ =	sdelay $0x4  }
0x84: {  	v17 =	vsub.f32 v17, v11;
	_ =	sdelay $0x1  }
0x85: {  	v16 =	vadd.s32 v0, v16;
	[tilespmem:v59+s23+$0x0] =	vst.idx.msk $0xffff, v17  }
0x86: {  	[tilespmem:v59+s24+$0x0] =	vst.idx.msk $0xffff, v16  }
0x87: {  	v16 =	vld.idx.msk [tilespmem:v7+s20+$0x0], $0xffff;
	_ =	sdelay $0x3  }
0x88: {  	vm14 =	vlt.s32 v14, v8  }
0x89: {  	v16 =	vsel vm14, v15, v16;
	_ =	sdelay $0x4  }
0x8a: {  	v17 =	vld.idx.msk [tilespmem:v16+s1+$0x0], $0xffff;
	_ =	sdelay $0x1  }
0x8b: {  	v60 =	vor.u32 s0, v7;
	_ =	sdelay $0x2  }
0x8c: {  	v17 =	vsub.f32 v17, v13;
	_ =	sdelay $0x1  }
0x8d: {  	[tilespmem:v60+s21+$0x0] =	vst.idx.msk $0xffff, v17  }
0x8e: {  	v17 =	vld.idx.msk [tilespmem:v16+s15+$0x0], $0xffff;
	_ =	sdelay $0x4  }
0x8f: {  	v17 =	vsub.f32 v17, v12;
	_ =	sdelay $0x1  }
0x90: {  	[tilespmem:v60+s22+$0x0] =	vst.idx.msk $0xffff, v17  }
0x91: {  	v17 =	vld.idx.msk [tilespmem:v16+s16+$0x0], $0xffff;
	_ =	sdelay $0x4  }
0x92: {  	v17 =	vsub.f32 v17, v11;
	_ =	sdelay $0x1  }
0x93: {  	v16 =	vadd.s32 v0, v16;
	[tilespmem:v60+s23+$0x0] =	vst.idx.msk $0xffff, v17  }
0x94: {  	[tilespmem:v60+s24+$0x0] =	vst.idx.msk $0xffff, v16  }
0x95: {  	v16 =	vld.idx.msk [tilespmem:v9+s20+$0x0], $0xffff;
	_ =	sdelay $0x3  }
0x96: {  	vm15 =	vlt.s32 v14, v10  }
0x97: {  	v14 =	vsel vm15, v15, v16;
	_ =	sdelay $0x4  }
0x98: {  	v15 =	vld.idx.msk [tilespmem:v14+s1+$0x0], $0xffff;
	_ =	sdelay $0x1  }
0x99: {  	v61 =	vor.u32 s0, v9;
	_ =	sdelay $0x2  }
0x9a: {  	v62 =	vsub.f32 v15, v13;
	_ =	sdelay $0x1  }
0x9b: {  	[tilespmem:v61+s21+$0x0] =	vst.idx.msk $0xffff, v62  }
0x9c: {  	v13 =	vld.idx.msk [tilespmem:v14+s15+$0x0], $0xffff;
	_ =	sdelay $0x4  }
0x9d: {  	v63 =	vsub.f32 v13, v12;
	_ =	sdelay $0x1  }
0x9e: {  	[tilespmem:v61+s22+$0x0] =	vst.idx.msk $0xffff, v63  }
0x9f: {  	v12 =	vld.idx.msk [tilespmem:v14+s16+$0x0], $0xffff;
	_ =	sdelay $0x1  }
0xa0: {  	s26 =	sadd.s32 $0x1, s26  }
0xa1: {  	p1 =	sne.s32 s26, $0x10  }
.Ltmp4:
0xa2: {  	_ = 	snop;
	(pc) =	sbr.rel @!p1 .LBB2_9-.Ltmp4, $3  }
0xa3: {  	v11 =	vsub.f32 v12, v11;
	_ =	sdelay $0x1  }
0xa4: {  	[tilespmem:v61+s23+$0x0] =	vst.idx.msk $0xffff, v11;
	v11 =	vadd.s32 v0, v14  }
0xa5: {  	[tilespmem:v61+s24+$0x0] =	vst.idx.msk $0xffff, v11  }
.LBB2_4:
0xa6: {  	v11 =	vmov s26;
	_ =	sdelay $0x2  }
.Ltmp5:
0xa7: {  	_ = 	snop;
	(pc) =	sbr.rel @!p0 .LBB2_8-.Ltmp5, $4  }
0xa8: {  	_ = 	snop  }
0xa9: {  	v13 =	vld.idx.msk [tilespmem:v11+s17+$0x0], $0xffff  }
0xaa: {  	v12 =	vld.idx.msk [tilespmem:v11+s18+$0x0], $0xffff  }
0xab: {  	v14 =	vimm.s32 $0x0;
	v11 =	vld.idx.msk [tilespmem:v11+s19+$0x0], $0xffff  }
0xac: {  	_ =	sdelay $0x2  }
0xad: {  	v15 =	vmul.f32 v13, v13;
	v16 =	vmul.f32 v12, v12;
	_ =	sdelay $0x1  }
0xae: {  	v15 =	vadd.f32 v16, v15;
	v16 =	vmul.f32 v11, v11  }
0xaf: {  	v17 =	vshrl.u32 v12, $0x10  }
0xb0: {  	v18 =	vshrl.u32 v11, $0x10;
	v15 =	vadd.f32 v16, v15;
	v16 =	vshrl.u32 v13, $0x10  }
0xb1: {  	v17 =	vand.u32 $0x1, v17;
	v18 =	vand.u32 $0x1, v18;
	v16 =	vand.u32 $0x1, v16  }
0xb2: {  	v17 =	vadd.s32 v17, v12;
	v18 =	vadd.s32 v18, v11;
	v16 =	vadd.s32 v16, v13  }
0xb3: {  	s28 =	simm.s32 $0xC20;
	s29 =	simm.s32 $0x620;
	s30 =	simm.s32 $0x820;
	v17 =	vadd.s32 $0x7FFF, v17;
	v18 =	vadd.s32 $0x7FFF, v18;
	v16 =	vadd.s32 $0x7FFF, v16  }
0xb4: {  	s31 =	simm.s32 $0xA20;
	s0 =	simm.s32 $0x0;
	s2 =	simm.s32 $0x0;
	v17 =	vand.u32 $0xFFFF0000, v17;
	v18 =	vand.u32 $0xFFFF0000, v18;
	v16 =	vand.u32 $0xFFFF0000, v16  }
.LBB2_6:
0xb5: {  	v19 =	vld [tilespmem:s29+$0xFFFFFFE0]  }
0xb6: {  	v20 =	vld [tilespmem:s30+$0xFFFFFFE0];
	_ =	sdelay $0x1  }
0xb7: {  	v21 =	vld [tilespmem:s31+$0xFFFFFFE0];
	_ =	sdelay $0x2  }
0xb8: {  	v19 =	vmul.f32 v16, v19;
	v20 =	vmul.f32 v17, v20  }
0xb9: {  	v22 =	vld [tilespmem:s28+$0xFFFFFFE0]  }
0xba: {  	v19 =	vadd.f32 v20, v19;
	v20 =	vmul.f32 v18, v21;
	_ =	sdelay $0x1  }
0xbb: {  	v19 =	vadd.f32 v20, v19;
	_ =	sdelay $0x1  }
0xbc: {  	v20 =	vadd.f32 v22, v15;
	v19 =	vadd.f32 v19, v19;
	_ =	sdelay $0x1  }
0xbd: {  	v19 =	vsub.f32 v20, v19;
	_ =	sdelay $0x1  }
0xbe: {  	vm0 =	vle.f32 v19, $1.599999960e-01  }
0xbf: {  	v19 =	vsel vm0, $0x1, v2  }
0xc0: {  	(xrf0) =	vadd.scan.msk.s32 $0xffff, v19;
	_ =	sdelay $0x4  }
0xc1: {  	v19 =	vsel vm0, $0xFFFFFFFF, v2  }
0xc2: {  	v19 =	vadd.s32 v19, v14;
	v20, _, _ =	vpop (xrf0)  }
0xc3: {  	v19 =	vadd.s32 v20, v19;
	_ =	sdelay $0x3  }
0xc4: {  	v20 =	vor.u32 s0, v1  }
0xc5: {  	[tilespmem:v19+s20+$0x0] =	vst.idx.msk vm0, v20  }
0xc6: {  	v19 =	vld [tilespmem:s29+$0xFFFFFFF0]  }
0xc7: {  	v20 =	vld [tilespmem:s30+$0xFFFFFFF0];
	_ =	sdelay $0x1  }
0xc8: {  	v56 =	vld [tilespmem:s31+$0xFFFFFFF0];
	_ =	sdelay $0x2  }
0xc9: {  	v19 =	vmul.f32 v16, v19;
	v20 =	vmul.f32 v17, v20  }
0xca: {  	v57 =	vld [tilespmem:s28+$0xFFFFFFF0]  }
0xcb: {  	v19 =	vadd.f32 v20, v19;
	v20 =	vmul.f32 v18, v56;
	_ =	sdelay $0x1  }
0xcc: {  	v19 =	vadd.f32 v20, v19;
	_ =	sdelay $0x1  }
0xcd: {  	v20 =	vadd.f32 v57, v15;
	v19 =	vadd.f32 v19, v19;
	_ =	sdelay $0x1  }
0xce: {  	v19 =	vsub.f32 v20, v19;
	_ =	sdelay $0x1  }
0xcf: {  	vm1 =	vle.f32 v19, $1.599999960e-01  }
0xd0: {  	v19 =	vsel vm1, $0x1, v2  }
0xd1: {  	(xrf0) =	vadd.scan.msk.s32 $0xffff, v19;
	_ =	sdelay $0x2  }
0xd2: {  	v19 =	vmpcnt.ones.xlane vm0;
	_ =	sdelay $0x1  }
0xd3: {  	v14 =	vadd.s32 v14, v19;
	v19 =	vsel vm1, $0xFFFFFFFF, v2  }
0xd4: {  	v19 =	vadd.s32 v19, v14;
	v20, _, _ =	vpop (xrf0)  }
0xd5: {  	v19 =	vadd.s32 v20, v19;
	_ =	sdelay $0x2  }
0xd6: {  	s3 =	sadd.s32 $0x10, s0  }
0xd7: {  	v20 =	vor.u32 s3, v1  }
0xd8: {  	[tilespmem:v19+s20+$0x0] =	vst.idx.msk vm1, v20  }
0xd9: {  	v19 =	vld [tilespmem:s29+$0x0]  }
0xda: {  	v20 =	vld [tilespmem:s30+$0x0];
	_ =	sdelay $0x1  }
0xdb: {  	v58 =	vld [tilespmem:s31+$0x0];
	_ =	sdelay $0x2  }
0xdc: {  	v19 =	vmul.f32 v16, v19;
	v20 =	vmul.f32 v17, v20  }
0xdd: {  	v59 =	vld [tilespmem:s28+$0x0]  }
0xde: {  	v19 =	vadd.f32 v20, v19;
	v20 =	vmul.f32 v18, v58;
	_ =	sdelay $0x1  }
0xdf: {  	v19 =	vadd.f32 v20, v19;
	_ =	sdelay $0x1  }
0xe0: {  	v20 =	vadd.f32 v59, v15;
	v19 =	vadd.f32 v19, v19;
	_ =	sdelay $0x1  }
0xe1: {  	v19 =	vsub.f32 v20, v19;
	_ =	sdelay $0x1  }
0xe2: {  	vm13 =	vle.f32 v19, $1.599999960e-01  }
0xe3: {  	v19 =	vsel vm13, $0x1, v2  }
0xe4: {  	(xrf0) =	vadd.scan.msk.s32 $0xffff, v19;
	_ =	sdelay $0x2  }
0xe5: {  	v19 =	vmpcnt.ones.xlane vm1;
	_ =	sdelay $0x1  }
0xe6: {  	v14 =	vadd.s32 v14, v19;
	v19 =	vsel vm13, $0xFFFFFFFF, v2  }
0xe7: {  	v19 =	vadd.s32 v19, v14;
	v20, _, _ =	vpop (xrf0)  }
0xe8: {  	v19 =	vadd.s32 v20, v19;
	_ =	sdelay $0x2  }
0xe9: {  	s3 =	sadd.s32 $0x20, s0  }
0xea: {  	v20 =	vor.u32 s3, v1  }
0xeb: {  	[tilespmem:v19+s20+$0x0] =	vst.idx.msk vm13, v20  }
0xec: {  	v19 =	vld [tilespmem:s29+$0x10]  }
0xed: {  	v20 =	vld [tilespmem:s30+$0x10];
	_ =	sdelay $0x1  }
0xee: {  	v60 =	vld [tilespmem:s31+$0x10];
	_ =	sdelay $0x2  }
0xef: {  	v19 =	vmul.f32 v16, v19;
	v20 =	vmul.f32 v17, v20  }
0xf0: {  	v61 =	vld [tilespmem:s28+$0x10]  }
0xf1: {  	v19 =	vadd.f32 v20, v19;
	v20 =	vmul.f32 v18, v60;
	_ =	sdelay $0x1  }
0xf2: {  	v19 =	vadd.f32 v20, v19;
	_ =	sdelay $0x1  }
0xf3: {  	v20 =	vadd.f32 v61, v15;
	v19 =	vadd.f32 v19, v19;
	_ =	sdelay $0x1  }
0xf4: {  	v19 =	vsub.f32 v20, v19;
	_ =	sdelay $0x1  }
0xf5: {  	v20 =	vmpcnt.ones.xlane vm13;
	vm14 =	vle.f32 v19, $1.599999960e-01  }
0xf6: {  	v19 =	vmpcnt.ones.xlane vm14  }
0xf7: {  	v20 =	vadd.s32 v14, v20  }
0xf8: {  	v14 =	vadd.s32 v20, v19  }
0xf9: {  	v19 =	vsel vm14, $0x1, v2;
	vm15 =	vlt.s32 v14, $0x40  }
0xfa: {  	(xrf0) =	vadd.scan.msk.s32 $0xffff, v19;
	v62 =	vsel vm15, $0x3F800000, v3  }
0xfb: {  	(xrf0) =	vmax.scan.msk.f32 $0xffff, v62;
	_ =	sdelay $0x4  }
0xfc: {  	v19, _, _ =	vpop (xrf0)  }
0xfd: {  	v21, _, _ =	vpop (xrf0)  }
0xfe: {  	(v2sf) =	vpush v21, $0xF;
	_ =	sdelay $0xe  }
0xff: {  	p1 =	sgt.u32 s2, $0x6;
	s3 =	spop (v2sf)  }
0x100: {  	v63 =	vsel vm14, $0xFFFFFFFF, v2;
	p2 =	sgt.f32 @!p1 s3, $0.0e+00  }
0x101: {  	v20 =	vadd.s32 v63, v20  }
0x102: {  	v19 =	vadd.s32 v19, v20;
	p2 =	por p1, !p2  }
.Ltmp6:
0x103: {  	_ = 	snop;
	(pc) =	sbr.rel @!p2 .LBB2_6-.Ltmp6, $4  }
0x104: {  	_ = 	snop  }
0x105: {  	s3 =	sadd.s32 $0x30, s0  }
0x106: {  	s2 =	sadd.s32 $0x1, s2;
	s28 =	sadd.s32 $0x40, s28;
	s29 =	sadd.s32 $0x40, s29;
	v20 =	vor.u32 s3, v1  }
0x107: {  	s30 =	sadd.s32 $0x40, s30;
	s31 =	sadd.s32 $0x40, s31;
	s0 =	sadd.s32 $0x40, s0;
	[tilespmem:v19+s20+$0x0] =	vst.idx.msk vm14, v20  }
.Ltmp7:
0x108: {  	_ = 	snop;
	(pc) =	sbr.rel .LBB2_7-.Ltmp7, $1  }
0x109: {  	_ =	sdelay $0x3  }
.LBB2_10:
0x10a: {  	_ =	sfence.sel $0x180000  }
0x10b: {  	[bflag:$0x0] =	sbarrier.arrive $0xFFFF  }
0x10c: {  	_ =	strace $0x9000004A  }
0x10d: {  	s0 =	stileid.u32;
	[bflag:$0x2] =	sbarrier.arrive $0xFFFF  }
0x10e: {  	p0 =	sne.s32 s0, $0x0;
	s0 =	rddreg [dreg:$0x2]  }
0x10f: {  	s0 =	sadd.s32 @!p0 $0x100000, s0  }
0x110: {  	[sflag:s0] =	ssyncadd.tile.s32 @!p0 $0x1;
	_ =	shalt  }
.Lfunc_end2:
_tile_overlayer_lowered:
.L_overlay_start_2:
0x111: {  	(tag) =	ssettag $0x2  }
0x112: {  	s0 =	rddreg [dreg:$0x0];
	s2 =	stileid.u32  }
0x113: {  	s1 =	rddreg [dreg:$0x1];
	p0 =	sne.s32 s2, $0x0  }
0x114: {  	s3 =	rddreg [dreg:$0x2];
	[bflag:$0x3] =	sbarrier.arrive $0xFFFF;
	s2 =	simm.s32 @!p0 $0x1C01  }
0x115: {  	[timem:s3], [sflag:s2] =	dma.local @!p0 [hbm:s0], s1  }
0x116: {  	s0 =	simm.s32 @!p0 $0x1  }
0x117: {  	_ =	swait.ge @!p0 [sflag:s0], s1  }
0x118: {  	s1 =	ssub.s32 @!p0 $0x0, s1;
	[sflag:s0] =	ssyncset.done @!p0 $0x0  }
0x119: {  	[sflag:s0] =	ssyncadd.s32 @!p0 s1  }
0x11a: {  	[bflag:$0x3] =	sbarrier.arrive $0xFFFF  }
0x11b: {  	_ =	shalt  }

// kernel: kernel.22.cloned.1.call-start
scs
__scs_entry_jumppad:
0x0: {  	(pc) =	sbr.rel $0x88, $3  }
0x1: {  	(tag) =	ssettag $0x0;
	lr =	simm.s32 $0x1  }
0x2: {  	[smem:$0x3F7C] =	sst lr;
	_ =	strace $0xD0000000  }
0x3: {  	_ = 	snop  }
0x4: {  	_ = 	snop  }
0x5: {  	_ = 	snop  }
0x6: {  	_ = 	snop  }
0x7: {  	_ = 	snop  }
__scs_overlays_trampoline_lowered:
0x8: {  	[smem:$0x3F8B] =	sst s0  }
0x9: {  	[smem:$0x3F8C] =	sst s1  }
0xa: {  	[smem:$0x3F8D] =	sst s2  }
0xb: {  	[smem:$0x3F8E] =	sst s3  }
0xc: {  	[smem:$0x3F8F] =	sst s4  }
0xd: {  	[smem:$0x3F90] =	sst s5  }
0xe: {  	[smem:$0x3F91] =	sst s6  }
0xf: {  	[smem:$0x3F92] =	sst s7  }
0x10: {  	[smem:$0x3F93] =	sst s8  }
0x11: {  	[smem:$0x3F94] =	sst s9;
	s0 =	simm.s32 @!p0 $0x0  }
0x12: {  	s1 =	sld [smem:$0x3F7A];
	s0 =	simm.s32 @p0 $0x1  }
0x13: {  	[smem:$0x3F95] =	sst s0;
	s0 =	simm.s32 @!p1 $0x0  }
0x14: {  	s2 =	sld [smem:$0x3F79];
	s0 =	simm.s32 @p1 $0x1  }
0x15: {  	[smem:$0x3F96] =	sst s0;
	s0 =	simm.s32 @!p2 $0x0  }
0x16: {  	s3 =	sld [smem:$0x3FDB];
	s0 =	simm.s32 @p2 $0x1  }
0x17: {  	s4 =	simm.s32 $0x1BF5;
	[smem:$0x3F98] =	sst s0  }
0x18: {  	s0 =	sld [smem:$0x3F7B];
	_ =	swait.ge [sflag:s4], $0x0  }
0x19: {  	s7 =	sld [smem:$0x3F7C]  }
0x1a: {  	s8 =	sadd.s32 $0xFFFFE003, lr  }
0x1b: {  	s9 =	sadd.s32 $0xFFFFFEF7, lr;
	s5 =	simm.s32 $0xFFFFFFFF;
	p2 =	slt.u32 s8, $0xFFFFF086  }
0x1c: {  	p1 =	slt.u32 s9, $0xF7A;
	s5 =	simm.s32 @!p2 $0x0  }
0x1d: {  	s5 =	simm.s32 @p1 $0x1;
	p0 =	seq.s32 s7, s2  }
0x1e: {  	s7 =	smul.u32 @!p0 $0xF7A, s2;
	p2 =	seq.s32 @!p0 s5, $0x0  }
0x1f: {  	s9 =	smul.u32 $0xF7A, s1;
	s8 =	simm.s32 @!p0 $0x1BF5;
	p2 =	por !p2, p0  }
0x20: {  	[sflag:s8] =	ssyncset.s32 @!p0 $0xFFFFF086;
	s6 =	sadd.s32 @!p0 s3, s7;
	s7 =	simm.s32 @!p0 $0x108  }
0x21: {  	s3 =	sadd.s32 s3, s9;
	s6 =	sadd.s32 @!p0 $0x88, s6;
	s7 =	simm.s32 @p2 $0x1082  }
0x22: {  	[simem:s7], [sflag:s8] =	dma.local @!p0 [hbm:s6], $0xF7A  }
0x23: {  	s9 =	sor.u32 $0xD0000000, s2;
	s6 =	simm.s32 $0x108;
	_ =	swait.ge @!p0 [sflag:s8], $0x0  }
0x24: {  	s3 =	sadd.s32 $0x88, s3;
	s6 =	simm.s32 @!p1 $0x1082;
	[sflag:s4] =	ssyncset.s32 $0xFFFFF086  }
0x25: {  	[simem:s6], [sflag:s4] =	dma.local [hbm:s3], $0xF7A  }
0x26: {  	[smem:$0x3F7C] =	sst s1;
	(tag) =	ssettag s2;
	_ =	strace s9  }
0x27: {  	s1 =	sld [smem:$0x3F8C]  }
0x28: {  	s2 =	sld [smem:$0x3F8D]  }
0x29: {  	s4 =	sld [smem:$0x3F8F]  }
0x2a: {  	p0 =	seq.s32 s5, $0x0;
	s5 =	sld [smem:$0x3F90]  }
0x2b: {  	s6 =	sld [smem:$0x3F91]  }
0x2c: {  	s7 =	sld [smem:$0x3F92]  }
0x2d: {  	s3 =	simm.s32 $0x108;
	s8 =	sld [smem:$0x3F93]  }
0x2e: {  	s3 =	simm.s32 @!p0 $0x1082;
	s9 =	sld [smem:$0x3F94]  }
0x2f: {  	lr =	sadd.s32 s0, s3;
	s0 =	sld [smem:$0x3F8B]  }
0x30: {  	s3 =	sld [smem:$0x3F8E]  }
0x31: {  	[smem:$0x3F97] =	sst s10  }
0x32: {  	s10 =	sld [smem:$0x3F95];
	_ =	sdelay $0x3  }
0x33: {  	p0 =	seq.s32 s10, $0x1;
	s10 =	sld [smem:$0x3F97];
	_ =	sdelay $0x3  }
0x34: {  	[smem:$0x3F97] =	sst s10  }
0x35: {  	s10 =	sld [smem:$0x3F96];
	_ =	sdelay $0x3  }
0x36: {  	p1 =	seq.s32 s10, $0x1;
	s10 =	sld [smem:$0x3F97];
	_ =	sdelay $0x3  }
0x37: {  	[smem:$0x3F97] =	sst s10  }
0x38: {  	s10 =	sld [smem:$0x3F98]  }
0x39: {  	_ = 	snop;
	(pc) =	sbr.ind lr, $3  }
0x3a: {  	_ = 	snop  }
0x3b: {  	_ = 	snop  }
0x3c: {  	p2 =	seq.s32 s10, $0x1;
	s10 =	sld [smem:$0x3F97]  }
0x3d: {  	_ =	shalt  }
0x3e: {  	_ =	shalt  }
0x3f: {  	_ =	shalt  }
0x40: {  	_ =	shalt  }
0x41: {  	_ =	shalt  }
0x42: {  	_ =	shalt  }
0x43: {  	_ =	shalt  }
0x44: {  	_ =	shalt  }
0x45: {  	_ =	shalt  }
0x46: {  	_ =	shalt  }
0x47: {  	_ =	shalt  }
0x48: {  	_ =	shalt  }
0x49: {  	_ =	shalt  }
0x4a: {  	_ =	shalt  }
0x4b: {  	_ =	shalt  }
0x4c: {  	_ =	shalt  }
0x4d: {  	_ =	shalt  }
0x4e: {  	_ =	shalt  }
0x4f: {  	_ =	shalt  }
0x50: {  	_ =	shalt  }
0x51: {  	_ =	shalt  }
0x52: {  	_ =	shalt  }
0x53: {  	_ =	shalt  }
0x54: {  	_ =	shalt  }
0x55: {  	_ =	shalt  }
0x56: {  	_ =	shalt  }
0x57: {  	_ =	shalt  }
0x58: {  	_ =	shalt  }
0x59: {  	_ =	shalt  }
0x5a: {  	_ =	shalt  }
0x5b: {  	_ =	shalt  }
0x5c: {  	_ =	shalt  }
0x5d: {  	_ =	shalt  }
0x5e: {  	_ =	shalt  }
0x5f: {  	_ =	shalt  }
0x60: {  	_ =	shalt  }
0x61: {  	_ =	shalt  }
0x62: {  	_ =	shalt  }
0x63: {  	_ =	shalt  }
0x64: {  	_ =	shalt  }
0x65: {  	_ =	shalt  }
0x66: {  	_ =	shalt  }
0x67: {  	_ =	shalt  }
0x68: {  	_ =	shalt  }
0x69: {  	_ =	shalt  }
0x6a: {  	_ =	shalt  }
0x6b: {  	_ =	shalt  }
0x6c: {  	_ =	shalt  }
0x6d: {  	_ =	shalt  }
0x6e: {  	_ =	shalt  }
0x6f: {  	_ =	shalt  }
0x70: {  	_ =	shalt  }
0x71: {  	_ =	shalt  }
0x72: {  	_ =	shalt  }
0x73: {  	_ =	shalt  }
0x74: {  	_ =	shalt  }
0x75: {  	_ =	shalt  }
0x76: {  	_ =	shalt  }
0x77: {  	_ =	shalt  }
0x78: {  	_ =	shalt  }
0x79: {  	_ =	shalt  }
0x7a: {  	_ =	shalt  }
0x7b: {  	_ =	shalt  }
0x7c: {  	_ =	shalt  }
0x7d: {  	_ =	shalt  }
0x7e: {  	_ =	shalt  }
0x7f: {  	_ =	shalt  }
0x80: {  	_ =	shalt  }
0x81: {  	_ =	shalt  }
0x82: {  	_ =	shalt  }
0x83: {  	_ =	shalt  }
0x84: {  	_ =	shalt  }
0x85: {  	_ =	shalt  }
0x86: {  	_ =	shalt  }
0x87: {  	_ =	shalt  }
.Lfunc_end0:
.L_simem_size_0:
called_computation.2_lowered:
.L_overlay_start_0:
0x88: {  	s2 =	sld [smem:$0x3FD9]  }
0x89: {  	s3 =	sld [smem:$0x3FFE];
	_ =	sdelay $0x1  }
0x8a: {  	s1 =	srdreg.scid  }
0x8b: {  	s0 =	sand.u32 $0x1, s1  }
0x8c: {  	s16 =	sshll.u32 s0, $0xA;
	s2 =	sadd.s32 s3, s2  }
0x8d: {  	s2 =	sadd.s32 s2, s16  }
0x8e: {  	[smem:$0x3FA3] =	sst s2  }
0x8f: {  	_ = 	snop  }
0x90: {  	(tm) =	ssettm $0x1  }
0x91: {  	s17 =	sld [smem:$0x3FFB];
	_ =	sdelay $0x3  }
0x92: {  	_ =	strace s17  }
0x93: {  	s2 =	sld [smem:$0x3FFC];
	_ =	sdelay $0x3  }
0x94: {  	_ =	strace s2  }
0x95: {  	s2 =	sld [smem:$0x3FFD];
	_ =	sdelay $0x3  }
0x96: {  	_ =	strace s2  }
0x97: {  	_ =	strace $0x8FFFFFFF  }
0x98: {  	s18 =	sld [smem:$0x3FDB];
	_ =	sdelay $0x1  }
0x99: {  	s19 =	simm.s32 $_scs_section_size  }
0x9a: {  	s4 =	simm.s32 $_size__tile_overlayer_lowered;
	s5 =	simm.s32 $_tile_overlayer_lowered  }
0x9b: {  	s22 =	simm.s32 $0x1BFF;
	s21 =	sshll.u32 s5, $0x1;
	s2 =	sadd.s32 s19, s18  }
0x9c: {  	s6 =	simm.s32 $0x0;
	s20 =	sshll.u32 s4, $0x1;
	s4 =	sadd.s32 s21, s2  }
0x9d: {  	[timem:s6], [sflag:s22] =	dma.local [hbm:s4], s20  }
0x9e: {  	_ =	swait.ge [sflag:s22], s20  }
0x9f: {  	s3 =	ssub.s32 $0x0, s20;
	[sflag:s22] =	ssyncset.done $0x0  }
0xa0: {  	[sflag:s22] =	ssyncadd.s32 s3;
	_ =	sdelay $0x1  }
0xa1: {  	s23 =	simm.s32 $0x1B8B  }
0xa2: {  	_ =	swait.ge [sflag:s23], $0x1  }
0xa3: {  	[sflag:s23] =	ssyncset.done $0x0  }
0xa4: {  	s25 =	simm.s32 $0x1B8E;
	s24 =	sld [smem:$0x3FFE];
	[sflag:s23] =	ssyncadd.s32 $0xFFFFFFFF  }
0xa5: {  	s26 =	simm.s32 $execute0_lowered;
	[smem:$0x3FD2] =	sst s25  }
0xa6: {  	s4 =	sshll.u32 s26, $0x1;
	_ =	strace $0x8000004C;
	[dreg:$0x1] =	wrdreg $0xFFFFFFFF  }
0xa7: {  	s28 =	simm.s32 $_size_execute0_lowered;
	s2 =	sadd.s32 s2, s4;
	[dreg:$0x0] =	wrdreg $0x0  }
0xa8: {  	s4 =	sshll.u32 s28, $0x1;
	[dreg:$0x2] =	wrdreg s2  }
0xa9: {  	[dreg:$0x3] =	wrdreg s4  }
0xaa: {  	[dreg:$0x4] =	wrdreg $0xC0  }
0xab: {  	_ =	task [dreg:s6], $0x5FFFF  }
0xac: {  	[dreg:$0x1] =	wrdreg $0xFFFFFFFF  }
0xad: {  	[dreg:$0x0] =	wrdreg $0x60  }
0xae: {  	[dreg:$0x2] =	wrdreg s24  }
0xaf: {  	[dreg:$0x3] =	wrdreg $0x9  }
0xb0: {  	_ =	task.clear_ibuf [dreg:s6], $0x4FFFF;
	_ =	strace $0x9000004C  }
0xb1: {  	s29 =	simm.s32 $0x9;
	_ =	strace $0x8000004E  }
0xb2: {  	_ =	swait.ge [sflag:s29], $0x1  }
0xb3: {  	[sflag:s29] =	ssyncadd.s32 $0xFFFFFFFF  }
0xb4: {  	_ =	strace $0x9000004E  }
0xb5: {  	_ =	sfence  }
0xb6: {  	s30 =	sld [smem:$0x0];
	_ =	sdelay $0x2  }
0xb7: {  	s31 =	sshll.u32 s1, $0xD;
	s1 =	sshrl.u32 s1, $0x2  }
0xb8: {  	s3 =	sand.u32 $0x4000, s31;
	s1 =	sadd.s32 s1, s30  }
0xb9: {  	s0 =	sor.u32 s3, s0;
	s1 =	sshll.u32 s1, $0x11  }
0xba: {  	s0 =	sor.u32 s1, s0  }
0xbb: {  	s0 =	sadd.s32 $0x8F2B, s0  }
0xbc: {  	[sflag:s0] =	ssyncadd.remote.s32 $0x1  }
0xbd: {  	_ =	sfence.sel $0xFFFF  }
0xbe: {  	[dreg:$0x0] =	wrdreg $0xFFFFFFFF;
	(pc) =	sbr.abs _section_cstart, $3  }
0xbf: {  	[dreg:$0x1] =	wrdreg $0xFFFFFFFF  }
0xc0: {  	_ =	task.clear_ibuf [dreg:s6], $0x2FFFF;
	_ =	strace $0x9FFFFFFF  }
0xc1: {  	(tm) =	ssettm $0x7FFFFFFF  }
tec
execute0_lowered:
.L_overlay_start_1:
0x0: {  	(tag) =	ssettag $0x1  }
0x1: {  	s4 =	rddreg [dreg:$0x0]  }
0x2: {  	s0 =	rddreg [dreg:$0x1];
	s2 =	simm.s32 $0x0;
	s3 =	srdreg.scid  }
0x3: {  	s1 =	stileid.u32;
	s10 =	simm.s32 $0x0;
	[smem:$0x7FF] =	sst s2  }
0x4: {  	s5 =	sand.u32 $0x1, s3;
	s6 =	sshll.u32 s1, $0xB;
	s3 =	sadd.s32 $0x7200, s4  }
0x5: {  	s8 =	sshll.u32 s1, $0xF;
	_ =	strace $0x8000004D;
	s7 =	sshll.u32 s5, $0xA  }
0x6: {  	s31 =	ssub.s32 $0x2, s5;
	s8 =	sadd.s32 s8, s4;
	s5 =	sshll.u32 s5, $0xE  }
0x7: {  	s6 =	sor.u32 s7, s6;
	s9 =	sshrl.u32 s31, $0x1;
	s5 =	sadd.s32 s5, s8  }
0x8: {  	s8 =	simm.s32 $0x80;
	s6 =	sshrl.u32 s6, $0x3;
	s7 =	ssub.s32 s31, s9  }
0x9: {  	s5 =	sadd.s32 $0x15200, s5;
	s9 =	simm.s32 $0x1;
	s6 =	sadd.s32 s6, s4  }
0xa: {  	s4 =	smax.u32 s7, $0x1;
	s7 =	simm.s32 $0x2;
	s6 =	sadd.s32 $0x14200, s6  }
.LBB2_1:
0xb: {  	s11 =	sadd.s32 $0x0, s6  }
0xc: {  	[tilespmem:s2], [sflag:$0x2] =	stream.linear.gather [hbm4b:s11+s2], $0x80, $0x38;
	[tilespmem:$0x4080] =	vst v63  }
0xd: {  	_ =	swait.ge [sflag:s7], $0x80  }
0xe: {  	[sflag:s7] =	ssyncset.done $0x0  }
0xf: {  	[sflag:s7] =	ssyncadd.s32 $0xFFFFFF80  }
0x10: {  	[tilespmem:s8], [sflag:$0x1] =	stream.indirect.gather [hbm4b:s3+s8], $0x80, s2, s8, $0xb8;
	[tilespmem:$0x4080] =	vst v63  }
0x11: {  	_ =	swait.ge [sflag:s9], $0x4000  }
0x12: {  	[sflag:s9] =	ssyncset.done $0x0  }
0x13: {  	[sflag:s9] =	ssyncadd.s32 $0xFFFFC000  }
0x14: {  	[hbm4b:s5+s2] =	stream.linear.scatter [tilespmem:s8], [sflag:$0x2], $0x4000, $0x38;
	[tilespmem:$0x4080] =	vst v63  }
0x15: {  	s12 =	simm.s32 $0x10;
	_ =	swait.ge [sflag:s7], $0x4000  }
0x16: {  	s13 =	simm.s32 $0x20;
	s11 =	sadd.s32 $0x800, s5;
	[sflag:s7] =	ssyncset.done $0x0  }
.LBB2_2:
0x17: {  	s14 =	sadd.s32 s12, s6  }
0x18: {  	[sflag:s7] =	ssyncadd.s32 $0xFFFFC000;
	s12 =	smov.u32 s13;
	s15 =	sadd.s32 $0x10, s13  }
0x19: {  	[tilespmem:s2], [sflag:$0x2] =	stream.linear.gather [hbm4b:s14+s2], $0x80, $0x38;
	[tilespmem:$0x4080] =	vst v63  }
0x1a: {  	p0 =	sne.s32 s13, $0x70;
	_ =	swait.ge [sflag:s7], $0x80  }
0x1b: {  	[sflag:s7] =	ssyncset.done $0x0  }
0x1c: {  	[sflag:s7] =	ssyncadd.s32 $0xFFFFFF80  }
0x1d: {  	[tilespmem:s8], [sflag:$0x1] =	stream.indirect.gather [hbm4b:s3+s8], $0x80, s2, s8, $0xb8;
	[tilespmem:$0x4080] =	vst v63  }
0x1e: {  	_ =	swait.ge [sflag:s9], $0x4000  }
.Ltmp0:
0x1f: {  	[sflag:s9] =	ssyncset.done $0x0;
	(pc) =	sbr.rel @p0 .LBB2_2-.Ltmp0, $4  }
0x20: {  	[sflag:s9] =	ssyncadd.s32 $0xFFFFC000  }
0x21: {  	[hbm4b:s11+s2] =	stream.linear.scatter [tilespmem:s8], [sflag:$0x2], $0x4000, $0x38;
	[tilespmem:$0x4080] =	vst v63  }
0x22: {  	_ =	swait.ge [sflag:s7], $0x4000  }
0x23: {  	s13 =	smov.u32 s15;
	s11 =	sadd.s32 $0x800, s11;
	[sflag:s7] =	ssyncset.done $0x0  }
0x24: {  	s12 =	sadd.s32 s12, s6;
	[sflag:s7] =	ssyncadd.s32 $0xFFFFC000  }
0x25: {  	[tilespmem:s2], [sflag:$0x2] =	stream.linear.gather [hbm4b:s12+s2], $0x80, $0x38;
	[tilespmem:$0x4080] =	vst v63  }
0x26: {  	_ =	swait.ge [sflag:s7], $0x80  }
0x27: {  	[sflag:s7] =	ssyncset.done $0x0  }
0x28: {  	[sflag:s7] =	ssyncadd.s32 $0xFFFFFF80  }
0x29: {  	[tilespmem:s8], [sflag:$0x1] =	stream.indirect.gather [hbm4b:s3+s8], $0x80, s2, s8, $0xb8;
	[tilespmem:$0x4080] =	vst v63  }
0x2a: {  	s10 =	sadd.s32 $0x1, s10;
	_ =	swait.ge [sflag:s9], $0x4000  }
0x2b: {  	p0 =	sne.s32 s10, s4;
	[sflag:s9] =	ssyncset.done $0x0  }
.Ltmp1:
0x2c: {  	[sflag:s9] =	ssyncadd.s32 $0xFFFFC000;
	(pc) =	sbr.rel @p0 .LBB2_1-.Ltmp1, $4  }
0x2d: {  	[hbm4b:s11+s2] =	stream.linear.scatter [tilespmem:s8], [sflag:$0x2], $0x4000, $0x38;
	[tilespmem:$0x4080] =	vst v63  }
0x2e: {  	_ =	swait.ge [sflag:s7], $0x4000  }
0x2f: {  	[sflag:s7] =	ssyncset.done $0x0  }
0x30: {  	[sflag:s7] =	ssyncadd.s32 $0xFFFFC000  }
0x31: {  	_ =	sfence.sel $0x180000  }
0x32: {  	[bflag:$0x0] =	sbarrier.arrive $0xFFFF  }
0x33: {  	p0 =	sne.s32 s1, $0x0;
	_ =	strace $0x9000004D  }
0x34: {  	s0 =	sadd.s32 @!p0 $0x100000, s0;
	[bflag:$0x2] =	sbarrier.arrive $0xFFFF  }
0x35: {  	[sflag:s0] =	ssyncadd.tile.s32 @!p0 $0x1;
	_ =	shalt  }
.Lfunc_end2:
_tile_overlayer_lowered:
.L_overlay_start_2:
0x36: {  	(tag) =	ssettag $0x2  }
0x37: {  	s0 =	rddreg [dreg:$0x0];
	s2 =	stileid.u32  }
0x38: {  	s1 =	rddreg [dreg:$0x1];
	p0 =	sne.s32 s2, $0x0  }
0x39: {  	s3 =	rddreg [dreg:$0x2];
	[bflag:$0x3] =	sbarrier.arrive $0xFFFF;
	s2 =	simm.s32 @!p0 $0x1C02  }
0x3a: {  	[timem:s3], [sflag:s2] =	dma.local @!p0 [hbm:s0], s1  }
0x3b: {  	s0 =	simm.s32 @!p0 $0x2  }
0x3c: {  	_ =	swait.ge @!p0 [sflag:s0], s1  }
0x3d: {  	s1 =	ssub.s32 @!p0 $0x0, s1;
	[sflag:s0] =	ssyncset.done @!p0 $0x0  }
0x3e: {  	[sflag:s0] =	ssyncadd.s32 @!p0 s1  }
0x3f: {  	[bflag:$0x3] =	sbarrier.arrive $0xFFFF  }
0x40: {  	_ =	shalt  }

</sc_bundles>
